<compile_context>
chip_gen: v7x
topology: tpu7x:2x2x1
jax: 0.10.2.dev20260603
libtpu: 0.0.44.dev20260713+nightly
codegen_flags: <defaults>
</compile_context>

<pallas_src>
import functools

import jax
import jax.numpy as jnp
from jax import lax
from jax.experimental import pallas as pl
from jax.experimental.pallas import tpu as pltpu
from jax.experimental.pallas import tpu_sc as plsc

_NC, _NS = 2, 16
_NW = _NC * _NS
_GB = 16
_KC = 3
_NBUF = 2


def _sc_scatter_body(ids_hbm, zeros_hbm, out_hbm, ids_v, buf0, buf1, sem0, sem1):
    wid = lax.axis_index("s") * _NC + lax.axis_index("c")
    tpw = ids_v.shape[0] // (_KC * 16)
    n = zeros_hbm.shape[1]
    base = wid * tpw
    ng = tpw // _GB
    pltpu.sync_copy(ids_hbm.at[pl.ds(base * (_KC * 16), tpw * (_KC * 16))], ids_v)
    pltpu.sync_copy(zeros_hbm, buf0)
    pltpu.sync_copy(zeros_hbm, buf1)
    zeros16 = jnp.zeros((16,), jnp.float32)
    ones16 = jnp.ones((16,), jnp.float32)
    bufs = (buf0, buf1)
    sems = (sem0, sem1)

    def _scatter_group(buf, g, val):
        for r in range(_GB):
            lt = g * _GB + r
            row = jnp.full((16,), r, jnp.int32)
            for k in range(_KC):
                idx = ids_v[pl.ds(lt * (_KC * 16) + k * 16, 16)]
                plsc.store_scatter(buf, [row, idx], val)

    def body(i, carry):
        for b in range(_NBUF):
            buf, sem = bufs[b], sems[b]
            g = i * _NBUF + b

            @pl.when(i > 0)
            def _():
                pltpu.make_async_copy(
                    buf, out_hbm.at[pl.ds(0, _GB)], sem).wait()
                _scatter_group(buf, g - _NBUF, zeros16)

            _scatter_group(buf, g, ones16)
            pltpu.async_copy(
                buf, out_hbm.at[pl.ds(base + g * _GB, _GB)], sem)
        return carry

    lax.fori_loop(0, ng // _NBUF, body, 0)
    for b in range(_NBUF):
        pltpu.make_async_copy(
            bufs[b], out_hbm.at[pl.ds(0, _GB)], sems[b]).wait()


def _build_onehot_sc(ids_pad, t, n):
    mesh = plsc.VectorSubcoreMesh(
        core_axis_name="c", subcore_axis_name="s",
        num_cores=_NC, num_subcores=_NS)
    tpw = t // _NW
    zeros = jnp.zeros((_GB, n), jnp.float32)
    sc_kernel = functools.partial(
        pl.kernel,
        out_type=jax.ShapeDtypeStruct((t, n), jnp.float32),
        mesh=mesh,
        scratch_types=[
            pltpu.VMEM((tpw * _KC * 16,), jnp.int32),
            pltpu.VMEM((_GB, n), jnp.float32),
            pltpu.VMEM((_GB, n), jnp.float32),
            pltpu.SemaphoreType.DMA,
            pltpu.SemaphoreType.DMA,
        ],
        compiler_params=pltpu.CompilerParams(needs_layout_passes=False),
    )(_sc_scatter_body)
    return sc_kernel(ids_pad, zeros)


def _proj_ln_body(oh_ref, wt_ref, g_ref, b_ref, o_ref):
    oh = oh_ref[...].astype(wt_ref.dtype)
    x = jnp.dot(oh, wt_ref[...], preferred_element_type=jnp.float32)
    mean = jnp.mean(x, axis=1, keepdims=True)
    var = jnp.mean(x * x, axis=1, keepdims=True) - mean * mean
    inv = lax.rsqrt(var + 1e-5)
    o_ref[...] = (x - mean) * inv * g_ref[...] + b_ref[...]


def _proj_ln_body_alias(prev_ref, oh_ref, wt_ref, g_ref, b_ref, o_ref):
    del prev_ref
    _proj_ln_body(oh_ref, wt_ref, g_ref, b_ref, o_ref)


def _proj_ln_chunk(onehot, wt, gamma, beta, t, n, h, tb, blk_off, prev):
    grid = onehot.shape[0] // tb
    in_specs = [
        pl.BlockSpec((tb, n), lambda i: (i, 0)),
        pl.BlockSpec((n, h), lambda i: (0, 0)),
        pl.BlockSpec((1, h), lambda i: (0, 0)),
        pl.BlockSpec((1, h), lambda i: (0, 0)),
    ]
    args = (onehot, wt, gamma, beta)
    body = _proj_ln_body
    aliases = {}
    if prev is not None:
        in_specs = [pl.BlockSpec(memory_space=pl.ANY)] + in_specs
        args = (prev,) + args
        body = _proj_ln_body_alias
        aliases = {0: 0}
    return pl.pallas_call(
        body,
        grid=(grid,),
        in_specs=in_specs,
        out_specs=pl.BlockSpec((tb, h), lambda i, o=blk_off: (i + o, 0)),
        out_shape=jax.ShapeDtypeStruct((t, h), jnp.float32),
        input_output_aliases=aliases,
    )(*args)


def kernel(input_ids, proj_w, ln_gamma, ln_beta):
    b, s, w = input_ids.shape
    h, n = proj_w.shape
    t = b * s
    ids = input_ids.reshape(t, w).astype(jnp.int32)
    pad = (-w) % 16
    wp = w + pad
    ids_pad = jnp.concatenate(
        [ids, jnp.broadcast_to(ids[:, :1], (t, pad))], axis=1
    ).reshape(t * wp)
    wt = proj_w.T.astype(jnp.bfloat16)
    gamma = ln_gamma.reshape(1, h)
    beta = ln_beta.reshape(1, h)
    tb = 512
    while t % tb:
        tb //= 2
    grain = _NW * _GB
    if t % (4 * grain) == 0 and (t // 4) % tb == 0:
        sizes = [t // 4, (3 * t) // 4]
    else:
        sizes = [t]
    onehots = []
    off = 0
    for tc in sizes:
        ids_c = lax.dynamic_slice(ids_pad, (off * wp,), (tc * wp,))
        onehots.append(_build_onehot_sc(ids_c, tc, n))
        off += tc
    out = None
    off = 0
    for tc, oh in zip(sizes, onehots):
        out = _proj_ln_chunk(
            oh, wt, gamma, beta, t, n, h, tb, off // tb, out)
        off += tc
    return out.reshape(b, s, h)

# --- scband reference (transcript-rebuilt; emitter-appended) ---
"""Pipeline reference for scband-sdrprojection-42623255445785 (READ-ONLY COPY).

The authoritative reference and input builder live on the scoring server;
editing this copy changes nothing except your own understanding.
"""

import jax, jax.numpy as jnp
import numpy as np

SDR_N = 2048
HIDDEN = 2048
B, S, W = 4, 4096, 41

def setup_inputs(seed: int = 0) -> dict:
    key = jax.random.key(seed)
    k1, k2, k3, k4 = jax.random.split(key, 4)
    input_ids = jax.random.randint(k1, (B, S, W), 0, SDR_N, dtype=jnp.int64)
    # nn.Linear(sdr_n, hidden_size, bias=False): weight shape [hidden, sdr_n]
    proj_w = jax.random.normal(k2, (HIDDEN, SDR_N), dtype=jnp.float32) * (1.0 / np.sqrt(SDR_N))
    ln_gamma = jnp.ones((HIDDEN,), dtype=jnp.float32)
    ln_beta = jnp.zeros((HIDDEN,), dtype=jnp.float32)
    return {"input_ids": input_ids, "proj_w": proj_w, "ln_gamma": ln_gamma, "ln_beta": ln_beta}

def reference(input_ids, proj_w, ln_gamma, ln_beta):
    # scatter ones into sparse SDR vector: x_sparse[b,s,input_ids[b,s,w]] = 1.0
    b, s, w = input_ids.shape
    x_sparse = jnp.zeros((b, s, SDR_N), dtype=jnp.float32)
    bi = jnp.arange(b)[:, None, None]
    si = jnp.arange(s)[None, :, None]
    x_sparse = x_sparse.at[bi, si, input_ids].set(1.0)
    # linear projection: x_sparse @ proj_w.T
    x = jnp.einsum('bsn,hn->bsh', x_sparse, proj_w)
    # LayerNorm over last dim
    mean = jnp.mean(x, axis=-1, keepdims=True)
    var = jnp.var(x, axis=-1, keepdims=True)
    x = (x - mean) / jnp.sqrt(var + 1e-5)
    x = x * ln_gamma + ln_beta
    return x

if __name__ == "__main__":
    import jax
    _d = setup_inputs()
    print(jax.jit(kernel)(*tuple(_d.values())))

</pallas_src>

<mosaic_0001>
#map = affine_map<(d0, d1) -> (0)>
#map1 = affine_map<(d0, d1) -> (0, 0)>
module attributes {stable_mosaic.version = 14 : i64} {
  func.func @_sc_scatter_body(%arg0: i32, %arg1: i32, %arg2: memref<589824xi32, #tpu.memory_space<hbm>>, %arg3: memref<16x2048xf32, #tpu.memory_space<hbm>>, %arg4: memref<12288x2048xf32, #tpu.memory_space<hbm>>, %arg5: memref<18432xi32, #tpu.memory_space<vmem>>, %arg6: memref<16x2048xf32, #tpu.memory_space<vmem>>, %arg7: memref<16x2048xf32, #tpu.memory_space<vmem>>, %arg8: memref<!tpu.dma_semaphore, #tpu.memory_space<semaphore_mem>>, %arg9: memref<!tpu.dma_semaphore, #tpu.memory_space<semaphore_mem>>) attributes {dimension_semantics = [#tpu.dimension_semantics<core_parallel>, #tpu.dimension_semantics<subcore_parallel>], iteration_bounds = array<i64: 2, 16>, scalar_prefetch = 0 : i64, scratch_operands = 5 : i64, tpu.core_type = #tpu.core_type<sc_vector_subcore>, window_params = [{transform_indices = #map}, {transform_indices = #map1}, {transform_indices = #map1}]} {
    %mul3A = arith.constant 2 : i32
    %mul3A_0 = arith.muli %arg1, %mul3A : i32
    %add3A = arith.addi %mul3A_0, %arg0 : i32
    %mul3A_1 = arith.constant 384 : i32
    %mul3A_2 = arith.muli %add3A, %mul3A_1 : i32
    %mul3A_3 = arith.constant 48 : i32
    %mul3A_4 = arith.muli %mul3A_2, %mul3A_3 : i32
    "tpu.region"() ({
      %run_scoped3A = tpu.sem_alloc : memref<!tpu.dma_semaphore, #tpu.memory_space<semaphore_mem>>
      %dma_start3A = tpu.memref_slice %arg2[%mul3A_4] : memref<589824xi32, #tpu.memory_space<hbm>> -> memref<18432xi32, #tpu.memory_space<hbm>>
      %dma_start3A_24 = tpu.memref_slice %arg2[%mul3A_4] : memref<589824xi32, #tpu.memory_space<hbm>> -> memref<18432xi32, #tpu.memory_space<hbm>>
      tpu.enqueue_dma source(%dma_start3A_24 : memref<18432xi32, #tpu.memory_space<hbm>>) target(%arg5 : memref<18432xi32, #tpu.memory_space<vmem>>) target_semaphore(%run_scoped3A : memref<!tpu.dma_semaphore, #tpu.memory_space<semaphore_mem>>)
      %dma_wait3A_25 = tpu.memref_slice %arg2[%mul3A_4] : memref<589824xi32, #tpu.memory_space<hbm>> -> memref<18432xi32, #tpu.memory_space<hbm>>
      %dma_wait3A_26 = tpu.memref_slice %arg2[%mul3A_4] : memref<589824xi32, #tpu.memory_space<hbm>> -> memref<18432xi32, #tpu.memory_space<hbm>>
      tpu.wait_dma2 semaphore(%run_scoped3A : memref<!tpu.dma_semaphore, #tpu.memory_space<semaphore_mem>>) src(%dma_wait3A_26 : memref<18432xi32, #tpu.memory_space<hbm>>) dst(%arg5 : memref<18432xi32, #tpu.memory_space<vmem>>)
      tpu.yield
    }) : () -> ()
    "tpu.region"() ({
      %run_scoped3A = tpu.sem_alloc : memref<!tpu.dma_semaphore, #tpu.memory_space<semaphore_mem>>
      tpu.enqueue_dma source(%arg3 : memref<16x2048xf32, #tpu.memory_space<hbm>>) target(%arg6 : memref<16x2048xf32, #tpu.memory_space<vmem>>) target_semaphore(%run_scoped3A : memref<!tpu.dma_semaphore, #tpu.memory_space<semaphore_mem>>)
      tpu.wait_dma2 semaphore(%run_scoped3A : memref<!tpu.dma_semaphore, #tpu.memory_space<semaphore_mem>>) src(%arg3 : memref<16x2048xf32, #tpu.memory_space<hbm>>) dst(%arg6 : memref<16x2048xf32, #tpu.memory_space<vmem>>)
      tpu.yield
    }) : () -> ()
    "tpu.region"() ({
      %run_scoped3A = tpu.sem_alloc : memref<!tpu.dma_semaphore, #tpu.memory_space<semaphore_mem>>
      tpu.enqueue_dma source(%arg3 : memref<16x2048xf32, #tpu.memory_space<hbm>>) target(%arg7 : memref<16x2048xf32, #tpu.memory_space<vmem>>) target_semaphore(%run_scoped3A : memref<!tpu.dma_semaphore, #tpu.memory_space<semaphore_mem>>)
      tpu.wait_dma2 semaphore(%run_scoped3A : memref<!tpu.dma_semaphore, #tpu.memory_space<semaphore_mem>>) src(%arg3 : memref<16x2048xf32, #tpu.memory_space<hbm>>) dst(%arg7 : memref<16x2048xf32, #tpu.memory_space<vmem>>)
      tpu.yield
    }) : () -> ()
    %broadcast_in_dim3A = arith.constant 0.000000e+00 : f32
    %broadcast_in_dim3A_5 = vector.broadcast %broadcast_in_dim3A : f32 to vector<16xf32>
    %broadcast_in_dim3A_6 = arith.constant 1.000000e+00 : f32
    %broadcast_in_dim3A_7 = vector.broadcast %broadcast_in_dim3A_6 : f32 to vector<16xf32>
    %scan3A = arith.constant 0 : i32
    %scan3A_8 = arith.constant 0 : i32
    %scan3A_9 = arith.constant 12 : i32
    %scan3A_10 = arith.addi %scan3A_8, %scan3A_9 : i32
    %scan3A_11 = arith.constant 1 : i32
    scf.for %scan3A_24 = %scan3A_8 to %scan3A_10 step %scan3A_11  : i32 {
      %mul3A_25 = arith.constant 2 : i32
      %mul3A_26 = arith.muli %scan3A_24, %mul3A_25 : i32
      %add3A_27 = arith.constant 0 : i32
      %add3A_28 = arith.addi %mul3A_26, %add3A_27 : i32
      %gt3A = arith.constant 0 : i32
      %gt3A_29 = arith.cmpi sgt, %scan3A_24, %gt3A : i32
      %convert_element_type3A = arith.extui %gt3A_29 : i1 to i32
      %cond3A = arith.constant 0 : i32
      %cond3A_30 = arith.cmpi ne, %convert_element_type3A, %cond3A : i32
      scf.if %cond3A_30 {
        %dma_wait3A_820 = arith.constant 0 : i32
        %dma_wait3A_821 = arith.constant 0 : i32
        %dma_wait3A_822 = tpu.memref_slice %arg4[%dma_wait3A_820, %dma_wait3A_821] : memref<12288x2048xf32, #tpu.memory_space<hbm>> -> memref<16x2048xf32, #tpu.memory_space<hbm>>
        %dma_wait3A_823 = arith.constant 0 : i32
        %dma_wait3A_824 = arith.constant 0 : i32
        %dma_wait3A_825 = tpu.memref_slice %arg4[%dma_wait3A_823, %dma_wait3A_824] : memref<12288x2048xf32, #tpu.memory_space<hbm>> -> memref<16x2048xf32, #tpu.memory_space<hbm>>
        tpu.wait_dma2 semaphore(%arg8 : memref<!tpu.dma_semaphore, #tpu.memory_space<semaphore_mem>>) src(%arg6 : memref<16x2048xf32, #tpu.memory_space<vmem>>) dst(%dma_wait3A_825 : memref<16x2048xf32, #tpu.memory_space<hbm>>)
        %sub3A = arith.constant 2 : i32
        %sub3A_826 = arith.subi %add3A_28, %sub3A : i32
        %mul3A_827 = arith.constant 16 : i32
        %mul3A_828 = arith.muli %sub3A_826, %mul3A_827 : i32
        %add3A_829 = arith.constant 0 : i32
        %add3A_830 = arith.addi %mul3A_828, %add3A_829 : i32
        %broadcast_in_dim3A_831 = arith.constant 0 : i32
        %broadcast_in_dim3A_832 = vector.broadcast %broadcast_in_dim3A_831 : i32 to vector<16xi32>
        %mul3A_833 = arith.constant 48 : i32
        %mul3A_834 = arith.muli %add3A_830, %mul3A_833 : i32
        %add3A_835 = arith.constant 0 : i32
        %add3A_836 = arith.addi %mul3A_834, %add3A_835 : i32
        %get3A_837 = arith.index_cast %add3A_836 : i32 to index
        %get3A_838 = tpu.vector_load %arg5[%get3A_837] {strides = array<i32>} : memref<18432xi32, #tpu.memory_space<vmem>>, vector<16xi32>,
        tpu.vector_store_idx %arg6[%broadcast_in_dim3A_832, %get3A_838], %broadcast_in_dim3A_5 : memref<16x2048xf32, #tpu.memory_space<vmem>>[vector<16xi32>, vector<16xi32>], vector<16xf32>,
        %mul3A_839 = arith.constant 48 : i32
        %mul3A_840 = arith.muli %add3A_830, %mul3A_839 : i32
        %add3A_841 = arith.constant 16 : i32
        %add3A_842 = arith.addi %mul3A_840, %add3A_841 : i32
        %get3A_843 = arith.index_cast %add3A_842 : i32 to index
        %get3A_844 = tpu.vector_load %arg5[%get3A_843] {strides = array<i32>} : memref<18432xi32, #tpu.memory_space<vmem>>, vector<16xi32>,
        tpu.vector_store_idx %arg6[%broadcast_in_dim3A_832, %get3A_844], %broadcast_in_dim3A_5 : memref<16x2048xf32, #tpu.memory_space<vmem>>[vector<16xi32>, vector<16xi32>], vector<16xf32>,
        %mul3A_845 = arith.constant 48 : i32
        %mul3A_846 = arith.muli %add3A_830, %mul3A_845 : i32
        %add3A_847 = arith.constant 32 : i32
        %add3A_848 = arith.addi %mul3A_846, %add3A_847 : i32
        %get3A_849 = arith.index_cast %add3A_848 : i32 to index
        %get3A_850 = tpu.vector_load %arg5[%get3A_849] {strides = array<i32>} : memref<18432xi32, #tpu.memory_space<vmem>>, vector<16xi32>,
        tpu.vector_store_idx %arg6[%broadcast_in_dim3A_832, %get3A_850], %broadcast_in_dim3A_5 : memref<16x2048xf32, #tpu.memory_space<vmem>>[vector<16xi32>, vector<16xi32>], vector<16xf32>,
        %mul3A_851 = arith.constant 16 : i32
        %mul3A_852 = arith.muli %sub3A_826, %mul3A_851 : i32
        %add3A_853 = arith.constant 1 : i32
        %add3A_854 = arith.addi %mul3A_852, %add3A_853 : i32
        %broadcast_in_dim3A_855 = arith.constant 1 : i32
        %broadcast_in_dim3A_856 = vector.broadcast %broadcast_in_dim3A_855 : i32 to vector<16xi32>
        %mul3A_857 = arith.constant 48 : i32
        %mul3A_858 = arith.muli %add3A_854, %mul3A_857 : i32
        %add3A_859 = arith.constant 0 : i32
        %add3A_860 = arith.addi %mul3A_858, %add3A_859 : i32
        %get3A_861 = arith.index_cast %add3A_860 : i32 to index
        %get3A_862 = tpu.vector_load %arg5[%get3A_861] {strides = array<i32>} : memref<18432xi32, #tpu.memory_space<vmem>>, vector<16xi32>,
        tpu.vector_store_idx %arg6[%broadcast_in_dim3A_856, %get3A_862], %broadcast_in_dim3A_5 : memref<16x2048xf32, #tpu.memory_space<vmem>>[vector<16xi32>, vector<16xi32>], vector<16xf32>,
        %mul3A_863 = arith.constant 48 : i32
        %mul3A_864 = arith.muli %add3A_854, %mul3A_863 : i32
        %add3A_865 = arith.constant 16 : i32
        %add3A_866 = arith.addi %mul3A_864, %add3A_865 : i32
        %get3A_867 = arith.index_cast %add3A_866 : i32 to index
        %get3A_868 = tpu.vector_load %arg5[%get3A_867] {strides = array<i32>} : memref<18432xi32, #tpu.memory_space<vmem>>, vector<16xi32>,
        tpu.vector_store_idx %arg6[%broadcast_in_dim3A_856, %get3A_868], %broadcast_in_dim3A_5 : memref<16x2048xf32, #tpu.memory_space<vmem>>[vector<16xi32>, vector<16xi32>], vector<16xf32>,
        %mul3A_869 = arith.constant 48 : i32
        %mul3A_870 = arith.muli %add3A_854, %mul3A_869 : i32
        %add3A_871 = arith.constant 32 : i32
        %add3A_872 = arith.addi %mul3A_870, %add3A_871 : i32
        %get3A_873 = arith.index_cast %add3A_872 : i32 to index
        %get3A_874 = tpu.vector_load %arg5[%get3A_873] {strides = array<i32>} : memref<18432xi32, #tpu.memory_space<vmem>>, vector<16xi32>,
        tpu.vector_store_idx %arg6[%broadcast_in_dim3A_856, %get3A_874], %broadcast_in_dim3A_5 : memref<16x2048xf32, #tpu.memory_space<vmem>>[vector<16xi32>, vector<16xi32>], vector<16xf32>,
        %mul3A_875 = arith.constant 16 : i32
        %mul3A_876 = arith.muli %sub3A_826, %mul3A_875 : i32
        %add3A_877 = arith.constant 2 : i32
        %add3A_878 = arith.addi %mul3A_876, %add3A_877 : i32
        %broadcast_in_dim3A_879 = arith.constant 2 : i32
        %broadcast_in_dim3A_880 = vector.broadcast %broadcast_in_dim3A_879 : i32 to vector<16xi32>
        %mul3A_881 = arith.constant 48 : i32
        %mul3A_882 = arith.muli %add3A_878, %mul3A_881 : i32
        %add3A_883 = arith.constant 0 : i32
        %add3A_884 = arith.addi %mul3A_882, %add3A_883 : i32
        %get3A_885 = arith.index_cast %add3A_884 : i32 to index
        %get3A_886 = tpu.vector_load %arg5[%get3A_885] {strides = array<i32>} : memref<18432xi32, #tpu.memory_space<vmem>>, vector<16xi32>,
        tpu.vector_store_idx %arg6[%broadcast_in_dim3A_880, %get3A_886], %broadcast_in_dim3A_5 : memref<16x2048xf32, #tpu.memory_space<vmem>>[vector<16xi32>, vector<16xi32>], vector<16xf32>,
        %mul3A_887 = arith.constant 48 : i32
        %mul3A_888 = arith.muli %add3A_878, %mul3A_887 : i32
        %add3A_889 = arith.constant 16 : i32
        %add3A_890 = arith.addi %mul3A_888, %add3A_889 : i32
        %get3A_891 = arith.index_cast %add3A_890 : i32 to index
        %get3A_892 = tpu.vector_load %arg5[%get3A_891] {strides = array<i32>} : memref<18432xi32, #tpu.memory_space<vmem>>, vector<16xi32>,
        tpu.vector_store_idx %arg6[%broadcast_in_dim3A_880, %get3A_892], %broadcast_in_dim3A_5 : memref<16x2048xf32, #tpu.memory_space<vmem>>[vector<16xi32>, vector<16xi32>], vector<16xf32>,
        %mul3A_893 = arith.constant 48 : i32
        %mul3A_894 = arith.muli %add3A_878, %mul3A_893 : i32
        %add3A_895 = arith.constant 32 : i32
        %add3A_896 = arith.addi %mul3A_894, %add3A_895 : i32
        %get3A_897 = arith.index_cast %add3A_896 : i32 to index
        %get3A_898 = tpu.vector_load %arg5[%get3A_897] {strides = array<i32>} : memref<18432xi32, #tpu.memory_space<vmem>>, vector<16xi32>,
        tpu.vector_store_idx %arg6[%broadcast_in_dim3A_880, %get3A_898], %broadcast_in_dim3A_5 : memref<16x2048xf32, #tpu.memory_space<vmem>>[vector<16xi32>, vector<16xi32>], vector<16xf32>,
        %mul3A_899 = arith.constant 16 : i32
        %mul3A_900 = arith.muli %sub3A_826, %mul3A_899 : i32
        %add3A_901 = arith.constant 3 : i32
        %add3A_902 = arith.addi %mul3A_900, %add3A_901 : i32
        %broadcast_in_dim3A_903 = arith.constant 3 : i32
        %broadcast_in_dim3A_904 = vector.broadcast %broadcast_in_dim3A_903 : i32 to vector<16xi32>
        %mul3A_905 = arith.constant 48 : i32
        %mul3A_906 = arith.muli %add3A_902, %mul3A_905 : i32
        %add3A_907 = arith.constant 0 : i32
        %add3A_908 = arith.addi %mul3A_906, %add3A_907 : i32
        %get3A_909 = arith.index_cast %add3A_908 : i32 to index
        %get3A_910 = tpu.vector_load %arg5[%get3A_909] {strides = array<i32>} : memref<18432xi32, #tpu.memory_space<vmem>>, vector<16xi32>,
        tpu.vector_store_idx %arg6[%broadcast_in_dim3A_904, %get3A_910], %broadcast_in_dim3A_5 : memref<16x2048xf32, #tpu.memory_space<vmem>>[vector<16xi32>, vector<16xi32>], vector<16xf32>,
        %mul3A_911 = arith.constant 48 : i32
        %mul3A_912 = arith.muli %add3A_902, %mul3A_911 : i32
        %add3A_913 = arith.constant 16 : i32
        %add3A_914 = arith.addi %mul3A_912, %add3A_913 : i32
        %get3A_915 = arith.index_cast %add3A_914 : i32 to index
        %get3A_916 = tpu.vector_load %arg5[%get3A_915] {strides = array<i32>} : memref<18432xi32, #tpu.memory_space<vmem>>, vector<16xi32>,
        tpu.vector_store_idx %arg6[%broadcast_in_dim3A_904, %get3A_916], %broadcast_in_dim3A_5 : memref<16x2048xf32, #tpu.memory_space<vmem>>[vector<16xi32>, vector<16xi32>], vector<16xf32>,
        %mul3A_917 = arith.constant 48 : i32
        %mul3A_918 = arith.muli %add3A_902, %mul3A_917 : i32
        %add3A_919 = arith.constant 32 : i32
        %add3A_920 = arith.addi %mul3A_918, %add3A_919 : i32
        %get3A_921 = arith.index_cast %add3A_920 : i32 to index
        %get3A_922 = tpu.vector_load %arg5[%get3A_921] {strides = array<i32>} : memref<18432xi32, #tpu.memory_space<vmem>>, vector<16xi32>,
        tpu.vector_store_idx %arg6[%broadcast_in_dim3A_904, %get3A_922], %broadcast_in_dim3A_5 : memref<16x2048xf32, #tpu.memory_space<vmem>>[vector<16xi32>, vector<16xi32>], vector<16xf32>,
        %mul3A_923 = arith.constant 16 : i32
        %mul3A_924 = arith.muli %sub3A_826, %mul3A_923 : i32
        %add3A_925 = arith.constant 4 : i32
        %add3A_926 = arith.addi %mul3A_924, %add3A_925 : i32
        %broadcast_in_dim3A_927 = arith.constant 4 : i32
        %broadcast_in_dim3A_928 = vector.broadcast %broadcast_in_dim3A_927 : i32 to vector<16xi32>
        %mul3A_929 = arith.constant 48 : i32
        %mul3A_930 = arith.muli %add3A_926, %mul3A_929 : i32
        %add3A_931 = arith.constant 0 : i32
        %add3A_932 = arith.addi %mul3A_930, %add3A_931 : i32
        %get3A_933 = arith.index_cast %add3A_932 : i32 to index
        %get3A_934 = tpu.vector_load %arg5[%get3A_933] {strides = array<i32>} : memref<18432xi32, #tpu.memory_space<vmem>>, vector<16xi32>,
        tpu.vector_store_idx %arg6[%broadcast_in_dim3A_928, %get3A_934], %broadcast_in_dim3A_5 : memref<16x2048xf32, #tpu.memory_space<vmem>>[vector<16xi32>, vector<16xi32>], vector<16xf32>,
        %mul3A_935 = arith.constant 48 : i32
        %mul3A_936 = arith.muli %add3A_926, %mul3A_935 : i32
        %add3A_937 = arith.constant 16 : i32
        %add3A_938 = arith.addi %mul3A_936, %add3A_937 : i32
        %get3A_939 = arith.index_cast %add3A_938 : i32 to index
        %get3A_940 = tpu.vector_load %arg5[%get3A_939] {strides = array<i32>} : memref<18432xi32, #tpu.memory_space<vmem>>, vector<16xi32>,
        tpu.vector_store_idx %arg6[%broadcast_in_dim3A_928, %get3A_940], %broadcast_in_dim3A_5 : memref<16x2048xf32, #tpu.memory_space<vmem>>[vector<16xi32>, vector<16xi32>], vector<16xf32>,
        %mul3A_941 = arith.constant 48 : i32
        %mul3A_942 = arith.muli %add3A_926, %mul3A_941 : i32
        %add3A_943 = arith.constant 32 : i32
        %add3A_944 = arith.addi %mul3A_942, %add3A_943 : i32
        %get3A_945 = arith.index_cast %add3A_944 : i32 to index
        %get3A_946 = tpu.vector_load %arg5[%get3A_945] {strides = array<i32>} : memref<18432xi32, #tpu.memory_space<vmem>>, vector<16xi32>,
        tpu.vector_store_idx %arg6[%broadcast_in_dim3A_928, %get3A_946], %broadcast_in_dim3A_5 : memref<16x2048xf32, #tpu.memory_space<vmem>>[vector<16xi32>, vector<16xi32>], vector<16xf32>,
        %mul3A_947 = arith.constant 16 : i32
        %mul3A_948 = arith.muli %sub3A_826, %mul3A_947 : i32
        %add3A_949 = arith.constant 5 : i32
        %add3A_950 = arith.addi %mul3A_948, %add3A_949 : i32
        %broadcast_in_dim3A_951 = arith.constant 5 : i32
        %broadcast_in_dim3A_952 = vector.broadcast %broadcast_in_dim3A_951 : i32 to vector<16xi32>
        %mul3A_953 = arith.constant 48 : i32
        %mul3A_954 = arith.muli %add3A_950, %mul3A_953 : i32
        %add3A_955 = arith.constant 0 : i32
        %add3A_956 = arith.addi %mul3A_954, %add3A_955 : i32
        %get3A_957 = arith.index_cast %add3A_956 : i32 to index
        %get3A_958 = tpu.vector_load %arg5[%get3A_957] {strides = array<i32>} : memref<18432xi32, #tpu.memory_space<vmem>>, vector<16xi32>,
        tpu.vector_store_idx %arg6[%broadcast_in_dim3A_952, %get3A_958], %broadcast_in_dim3A_5 : memref<16x2048xf32, #tpu.memory_space<vmem>>[vector<16xi32>, vector<16xi32>], vector<16xf32>,
        %mul3A_959 = arith.constant 48 : i32
        %mul3A_960 = arith.muli %add3A_950, %mul3A_959 : i32
        %add3A_961 = arith.constant 16 : i32
        %add3A_962 = arith.addi %mul3A_960, %add3A_961 : i32
        %get3A_963 = arith.index_cast %add3A_962 : i32 to index
        %get3A_964 = tpu.vector_load %arg5[%get3A_963] {strides = array<i32>} : memref<18432xi32, #tpu.memory_space<vmem>>, vector<16xi32>,
        tpu.vector_store_idx %arg6[%broadcast_in_dim3A_952, %get3A_964], %broadcast_in_dim3A_5 : memref<16x2048xf32, #tpu.memory_space<vmem>>[vector<16xi32>, vector<16xi32>], vector<16xf32>,
        %mul3A_965 = arith.constant 48 : i32
        %mul3A_966 = arith.muli %add3A_950, %mul3A_965 : i32
        %add3A_967 = arith.constant 32 : i32
        %add3A_968 = arith.addi %mul3A_966, %add3A_967 : i32
        %get3A_969 = arith.index_cast %add3A_968 : i32 to index
        %get3A_970 = tpu.vector_load %arg5[%get3A_969] {strides = array<i32>} : memref<18432xi32, #tpu.memory_space<vmem>>, vector<16xi32>,
        tpu.vector_store_idx %arg6[%broadcast_in_dim3A_952, %get3A_970], %broadcast_in_dim3A_5 : memref<16x2048xf32, #tpu.memory_space<vmem>>[vector<16xi32>, vector<16xi32>], vector<16xf32>,
        %mul3A_971 = arith.constant 16 : i32
        %mul3A_972 = arith.muli %sub3A_826, %mul3A_971 : i32
        %add3A_973 = arith.constant 6 : i32
        %add3A_974 = arith.addi %mul3A_972, %add3A_973 : i32
        %broadcast_in_dim3A_975 = arith.constant 6 : i32
        %broadcast_in_dim3A_976 = vector.broadcast %broadcast_in_dim3A_975 : i32 to vector<16xi32>
        %mul3A_977 = arith.constant 48 : i32
        %mul3A_978 = arith.muli %add3A_974, %mul3A_977 : i32
        %add3A_979 = arith.constant 0 : i32
        %add3A_980 = arith.addi %mul3A_978, %add3A_979 : i32
        %get3A_981 = arith.index_cast %add3A_980 : i32 to index
        %get3A_982 = tpu.vector_load %arg5[%get3A_981] {strides = array<i32>} : memref<18432xi32, #tpu.memory_space<vmem>>, vector<16xi32>,
        tpu.vector_store_idx %arg6[%broadcast_in_dim3A_976, %get3A_982], %broadcast_in_dim3A_5 : memref<16x2048xf32, #tpu.memory_space<vmem>>[vector<16xi32>, vector<16xi32>], vector<16xf32>,
        %mul3A_983 = arith.constant 48 : i32
        %mul3A_984 = arith.muli %add3A_974, %mul3A_983 : i32
        %add3A_985 = arith.constant 16 : i32
        %add3A_986 = arith.addi %mul3A_984, %add3A_985 : i32
        %get3A_987 = arith.index_cast %add3A_986 : i32 to index
        %get3A_988 = tpu.vector_load %arg5[%get3A_987] {strides = array<i32>} : memref<18432xi32, #tpu.memory_space<vmem>>, vector<16xi32>,
        tpu.vector_store_idx %arg6[%broadcast_in_dim3A_976, %get3A_988], %broadcast_in_dim3A_5 : memref<16x2048xf32, #tpu.memory_space<vmem>>[vector<16xi32>, vector<16xi32>], vector<16xf32>,
        %mul3A_989 = arith.constant 48 : i32
        %mul3A_990 = arith.muli %add3A_974, %mul3A_989 : i32
        %add3A_991 = arith.constant 32 : i32
        %add3A_992 = arith.addi %mul3A_990, %add3A_991 : i32
        %get3A_993 = arith.index_cast %add3A_992 : i32 to index
        %get3A_994 = tpu.vector_load %arg5[%get3A_993] {strides = array<i32>} : memref<18432xi32, #tpu.memory_space<vmem>>, vector<16xi32>,
        tpu.vector_store_idx %arg6[%broadcast_in_dim3A_976, %get3A_994], %broadcast_in_dim3A_5 : memref<16x2048xf32, #tpu.memory_space<vmem>>[vector<16xi32>, vector<16xi32>], vector<16xf32>,
        %mul3A_995 = arith.constant 16 : i32
        %mul3A_996 = arith.muli %sub3A_826, %mul3A_995 : i32
        %add3A_997 = arith.constant 7 : i32
        %add3A_998 = arith.addi %mul3A_996, %add3A_997 : i32
        %broadcast_in_dim3A_999 = arith.constant 7 : i32
        %broadcast_in_dim3A_1000 = vector.broadcast %broadcast_in_dim3A_999 : i32 to vector<16xi32>
        %mul3A_1001 = arith.constant 48 : i32
        %mul3A_1002 = arith.muli %add3A_998, %mul3A_1001 : i32
        %add3A_1003 = arith.constant 0 : i32
        %add3A_1004 = arith.addi %mul3A_1002, %add3A_1003 : i32
        %get3A_1005 = arith.index_cast %add3A_1004 : i32 to index
        %get3A_1006 = tpu.vector_load %arg5[%get3A_1005] {strides = array<i32>} : memref<18432xi32, #tpu.memory_space<vmem>>, vector<16xi32>,
        tpu.vector_store_idx %arg6[%broadcast_in_dim3A_1000, %get3A_1006], %broadcast_in_dim3A_5 : memref<16x2048xf32, #tpu.memory_space<vmem>>[vector<16xi32>, vector<16xi32>], vector<16xf32>,
        %mul3A_1007 = arith.constant 48 : i32
        %mul3A_1008 = arith.muli %add3A_998, %mul3A_1007 : i32
        %add3A_1009 = arith.constant 16 : i32
        %add3A_1010 = arith.addi %mul3A_1008, %add3A_1009 : i32
        %get3A_1011 = arith.index_cast %add3A_1010 : i32 to index
        %get3A_1012 = tpu.vector_load %arg5[%get3A_1011] {strides = array<i32>} : memref<18432xi32, #tpu.memory_space<vmem>>, vector<16xi32>,
        tpu.vector_store_idx %arg6[%broadcast_in_dim3A_1000, %get3A_1012], %broadcast_in_dim3A_5 : memref<16x2048xf32, #tpu.memory_space<vmem>>[vector<16xi32>, vector<16xi32>], vector<16xf32>,
        %mul3A_1013 = arith.constant 48 : i32
        %mul3A_1014 = arith.muli %add3A_998, %mul3A_1013 : i32
        %add3A_1015 = arith.constant 32 : i32
        %add3A_1016 = arith.addi %mul3A_1014, %add3A_1015 : i32
        %get3A_1017 = arith.index_cast %add3A_1016 : i32 to index
        %get3A_1018 = tpu.vector_load %arg5[%get3A_1017] {strides = array<i32>} : memref<18432xi32, #tpu.memory_space<vmem>>, vector<16xi32>,
        tpu.vector_store_idx %arg6[%broadcast_in_dim3A_1000, %get3A_1018], %broadcast_in_dim3A_5 : memref<16x2048xf32, #tpu.memory_space<vmem>>[vector<16xi32>, vector<16xi32>], vector<16xf32>,
        %mul3A_1019 = arith.constant 16 : i32
        %mul3A_1020 = arith.muli %sub3A_826, %mul3A_1019 : i32
        %add3A_1021 = arith.constant 8 : i32
        %add3A_1022 = arith.addi %mul3A_1020, %add3A_1021 : i32
        %broadcast_in_dim3A_1023 = arith.constant 8 : i32
        %broadcast_in_dim3A_1024 = vector.broadcast %broadcast_in_dim3A_1023 : i32 to vector<16xi32>
        %mul3A_1025 = arith.constant 48 : i32
        %mul3A_1026 = arith.muli %add3A_1022, %mul3A_1025 : i32
        %add3A_1027 = arith.constant 0 : i32
        %add3A_1028 = arith.addi %mul3A_1026, %add3A_1027 : i32
        %get3A_1029 = arith.index_cast %add3A_1028 : i32 to index
        %get3A_1030 = tpu.vector_load %arg5[%get3A_1029] {strides = array<i32>} : memref<18432xi32, #tpu.memory_space<vmem>>, vector<16xi32>,
        tpu.vector_store_idx %arg6[%broadcast_in_dim3A_1024, %get3A_1030], %broadcast_in_dim3A_5 : memref<16x2048xf32, #tpu.memory_space<vmem>>[vector<16xi32>, vector<16xi32>], vector<16xf32>,
        %mul3A_1031 = arith.constant 48 : i32
        %mul3A_1032 = arith.muli %add3A_1022, %mul3A_1031 : i32
        %add3A_1033 = arith.constant 16 : i32
        %add3A_1034 = arith.addi %mul3A_1032, %add3A_1033 : i32
        %get3A_1035 = arith.index_cast %add3A_1034 : i32 to index
        %get3A_1036 = tpu.vector_load %arg5[%get3A_1035] {strides = array<i32>} : memref<18432xi32, #tpu.memory_space<vmem>>, vector<16xi32>,
        tpu.vector_store_idx %arg6[%broadcast_in_dim3A_1024, %get3A_1036], %broadcast_in_dim3A_5 : memref<16x2048xf32, #tpu.memory_space<vmem>>[vector<16xi32>, vector<16xi32>], vector<16xf32>,
        %mul3A_1037 = arith.constant 48 : i32
        %mul3A_1038 = arith.muli %add3A_1022, %mul3A_1037 : i32
        %add3A_1039 = arith.constant 32 : i32
        %add3A_1040 = arith.addi %mul3A_1038, %add3A_1039 : i32
        %get3A_1041 = arith.index_cast %add3A_1040 : i32 to index
        %get3A_1042 = tpu.vector_load %arg5[%get3A_1041] {strides = array<i32>} : memref<18432xi32, #tpu.memory_space<vmem>>, vector<16xi32>,
        tpu.vector_store_idx %arg6[%broadcast_in_dim3A_1024, %get3A_1042], %broadcast_in_dim3A_5 : memref<16x2048xf32, #tpu.memory_space<vmem>>[vector<16xi32>, vector<16xi32>], vector<16xf32>,
        %mul3A_1043 = arith.constant 16 : i32
        %mul3A_1044 = arith.muli %sub3A_826, %mul3A_1043 : i32
        %add3A_1045 = arith.constant 9 : i32
        %add3A_1046 = arith.addi %mul3A_1044, %add3A_1045 : i32
        %broadcast_in_dim3A_1047 = arith.constant 9 : i32
        %broadcast_in_dim3A_1048 = vector.broadcast %broadcast_in_dim3A_1047 : i32 to vector<16xi32>
        %mul3A_1049 = arith.constant 48 : i32
        %mul3A_1050 = arith.muli %add3A_1046, %mul3A_1049 : i32
        %add3A_1051 = arith.constant 0 : i32
        %add3A_1052 = arith.addi %mul3A_1050, %add3A_1051 : i32
        %get3A_1053 = arith.index_cast %add3A_1052 : i32 to index
        %get3A_1054 = tpu.vector_load %arg5[%get3A_1053] {strides = array<i32>} : memref<18432xi32, #tpu.memory_space<vmem>>, vector<16xi32>,
        tpu.vector_store_idx %arg6[%broadcast_in_dim3A_1048, %get3A_1054], %broadcast_in_dim3A_5 : memref<16x2048xf32, #tpu.memory_space<vmem>>[vector<16xi32>, vector<16xi32>], vector<16xf32>,
        %mul3A_1055 = arith.constant 48 : i32
        %mul3A_1056 = arith.muli %add3A_1046, %mul3A_1055 : i32
        %add3A_1057 = arith.constant 16 : i32
        %add3A_1058 = arith.addi %mul3A_1056, %add3A_1057 : i32
        %get3A_1059 = arith.index_cast %add3A_1058 : i32 to index
        %get3A_1060 = tpu.vector_load %arg5[%get3A_1059] {strides = array<i32>} : memref<18432xi32, #tpu.memory_space<vmem>>, vector<16xi32>,
        tpu.vector_store_idx %arg6[%broadcast_in_dim3A_1048, %get3A_1060], %broadcast_in_dim3A_5 : memref<16x2048xf32, #tpu.memory_space<vmem>>[vector<16xi32>, vector<16xi32>], vector<16xf32>,
        %mul3A_1061 = arith.constant 48 : i32
        %mul3A_1062 = arith.muli %add3A_1046, %mul3A_1061 : i32
        %add3A_1063 = arith.constant 32 : i32
        %add3A_1064 = arith.addi %mul3A_1062, %add3A_1063 : i32
        %get3A_1065 = arith.index_cast %add3A_1064 : i32 to index
        %get3A_1066 = tpu.vector_load %arg5[%get3A_1065] {strides = array<i32>} : memref<18432xi32, #tpu.memory_space<vmem>>, vector<16xi32>,
        tpu.vector_store_idx %arg6[%broadcast_in_dim3A_1048, %get3A_1066], %broadcast_in_dim3A_5 : memref<16x2048xf32, #tpu.memory_space<vmem>>[vector<16xi32>, vector<16xi32>], vector<16xf32>,
        %mul3A_1067 = arith.constant 16 : i32
        %mul3A_1068 = arith.muli %sub3A_826, %mul3A_1067 : i32
        %add3A_1069 = arith.constant 10 : i32
        %add3A_1070 = arith.addi %mul3A_1068, %add3A_1069 : i32
        %broadcast_in_dim3A_1071 = arith.constant 10 : i32
        %broadcast_in_dim3A_1072 = vector.broadcast %broadcast_in_dim3A_1071 : i32 to vector<16xi32>
        %mul3A_1073 = arith.constant 48 : i32
        %mul3A_1074 = arith.muli %add3A_1070, %mul3A_1073 : i32
        %add3A_1075 = arith.constant 0 : i32
        %add3A_1076 = arith.addi %mul3A_1074, %add3A_1075 : i32
        %get3A_1077 = arith.index_cast %add3A_1076 : i32 to index
        %get3A_1078 = tpu.vector_load %arg5[%get3A_1077] {strides = array<i32>} : memref<18432xi32, #tpu.memory_space<vmem>>, vector<16xi32>,
        tpu.vector_store_idx %arg6[%broadcast_in_dim3A_1072, %get3A_1078], %broadcast_in_dim3A_5 : memref<16x2048xf32, #tpu.memory_space<vmem>>[vector<16xi32>, vector<16xi32>], vector<16xf32>,
        %mul3A_1079 = arith.constant 48 : i32
        %mul3A_1080 = arith.muli %add3A_1070, %mul3A_1079 : i32
        %add3A_1081 = arith.constant 16 : i32
        %add3A_1082 = arith.addi %mul3A_1080, %add3A_1081 : i32
        %get3A_1083 = arith.index_cast %add3A_1082 : i32 to index
        %get3A_1084 = tpu.vector_load %arg5[%get3A_1083] {strides = array<i32>} : memref<18432xi32, #tpu.memory_space<vmem>>, vector<16xi32>,
        tpu.vector_store_idx %arg6[%broadcast_in_dim3A_1072, %get3A_1084], %broadcast_in_dim3A_5 : memref<16x2048xf32, #tpu.memory_space<vmem>>[vector<16xi32>, vector<16xi32>], vector<16xf32>,
        %mul3A_1085 = arith.constant 48 : i32
        %mul3A_1086 = arith.muli %add3A_1070, %mul3A_1085 : i32
        %add3A_1087 = arith.constant 32 : i32
        %add3A_1088 = arith.addi %mul3A_1086, %add3A_1087 : i32
        %get3A_1089 = arith.index_cast %add3A_1088 : i32 to index
        %get3A_1090 = tpu.vector_load %arg5[%get3A_1089] {strides = array<i32>} : memref<18432xi32, #tpu.memory_space<vmem>>, vector<16xi32>,
        tpu.vector_store_idx %arg6[%broadcast_in_dim3A_1072, %get3A_1090], %broadcast_in_dim3A_5 : memref<16x2048xf32, #tpu.memory_space<vmem>>[vector<16xi32>, vector<16xi32>], vector<16xf32>,
        %mul3A_1091 = arith.constant 16 : i32
        %mul3A_1092 = arith.muli %sub3A_826, %mul3A_1091 : i32
        %add3A_1093 = arith.constant 11 : i32
        %add3A_1094 = arith.addi %mul3A_1092, %add3A_1093 : i32
        %broadcast_in_dim3A_1095 = arith.constant 11 : i32
        %broadcast_in_dim3A_1096 = vector.broadcast %broadcast_in_dim3A_1095 : i32 to vector<16xi32>
        %mul3A_1097 = arith.constant 48 : i32
        %mul3A_1098 = arith.muli %add3A_1094, %mul3A_1097 : i32
        %add3A_1099 = arith.constant 0 : i32
        %add3A_1100 = arith.addi %mul3A_1098, %add3A_1099 : i32
        %get3A_1101 = arith.index_cast %add3A_1100 : i32 to index
        %get3A_1102 = tpu.vector_load %arg5[%get3A_1101] {strides = array<i32>} : memref<18432xi32, #tpu.memory_space<vmem>>, vector<16xi32>,
        tpu.vector_store_idx %arg6[%broadcast_in_dim3A_1096, %get3A_1102], %broadcast_in_dim3A_5 : memref<16x2048xf32, #tpu.memory_space<vmem>>[vector<16xi32>, vector<16xi32>], vector<16xf32>,
        %mul3A_1103 = arith.constant 48 : i32
        %mul3A_1104 = arith.muli %add3A_1094, %mul3A_1103 : i32
        %add3A_1105 = arith.constant 16 : i32
        %add3A_1106 = arith.addi %mul3A_1104, %add3A_1105 : i32
        %get3A_1107 = arith.index_cast %add3A_1106 : i32 to index
        %get3A_1108 = tpu.vector_load %arg5[%get3A_1107] {strides = array<i32>} : memref<18432xi32, #tpu.memory_space<vmem>>, vector<16xi32>,
        tpu.vector_store_idx %arg6[%broadcast_in_dim3A_1096, %get3A_1108], %broadcast_in_dim3A_5 : memref<16x2048xf32, #tpu.memory_space<vmem>>[vector<16xi32>, vector<16xi32>], vector<16xf32>,
        %mul3A_1109 = arith.constant 48 : i32
        %mul3A_1110 = arith.muli %add3A_1094, %mul3A_1109 : i32
        %add3A_1111 = arith.constant 32 : i32
        %add3A_1112 = arith.addi %mul3A_1110, %add3A_1111 : i32
        %get3A_1113 = arith.index_cast %add3A_1112 : i32 to index
        %get3A_1114 = tpu.vector_load %arg5[%get3A_1113] {strides = array<i32>} : memref<18432xi32, #tpu.memory_space<vmem>>, vector<16xi32>,
        tpu.vector_store_idx %arg6[%broadcast_in_dim3A_1096, %get3A_1114], %broadcast_in_dim3A_5 : memref<16x2048xf32, #tpu.memory_space<vmem>>[vector<16xi32>, vector<16xi32>], vector<16xf32>,
        %mul3A_1115 = arith.constant 16 : i32
        %mul3A_1116 = arith.muli %sub3A_826, %mul3A_1115 : i32
        %add3A_1117 = arith.constant 12 : i32
        %add3A_1118 = arith.addi %mul3A_1116, %add3A_1117 : i32
        %broadcast_in_dim3A_1119 = arith.constant 12 : i32
        %broadcast_in_dim3A_1120 = vector.broadcast %broadcast_in_dim3A_1119 : i32 to vector<16xi32>
        %mul3A_1121 = arith.constant 48 : i32
        %mul3A_1122 = arith.muli %add3A_1118, %mul3A_1121 : i32
        %add3A_1123 = arith.constant 0 : i32
        %add3A_1124 = arith.addi %mul3A_1122, %add3A_1123 : i32
        %get3A_1125 = arith.index_cast %add3A_1124 : i32 to index
        %get3A_1126 = tpu.vector_load %arg5[%get3A_1125] {strides = array<i32>} : memref<18432xi32, #tpu.memory_space<vmem>>, vector<16xi32>,
        tpu.vector_store_idx %arg6[%broadcast_in_dim3A_1120, %get3A_1126], %broadcast_in_dim3A_5 : memref<16x2048xf32, #tpu.memory_space<vmem>>[vector<16xi32>, vector<16xi32>], vector<16xf32>,
        %mul3A_1127 = arith.constant 48 : i32
        %mul3A_1128 = arith.muli %add3A_1118, %mul3A_1127 : i32
        %add3A_1129 = arith.constant 16 : i32
        %add3A_1130 = arith.addi %mul3A_1128, %add3A_1129 : i32
        %get3A_1131 = arith.index_cast %add3A_1130 : i32 to index
        %get3A_1132 = tpu.vector_load %arg5[%get3A_1131] {strides = array<i32>} : memref<18432xi32, #tpu.memory_space<vmem>>, vector<16xi32>,
        tpu.vector_store_idx %arg6[%broadcast_in_dim3A_1120, %get3A_1132], %broadcast_in_dim3A_5 : memref<16x2048xf32, #tpu.memory_space<vmem>>[vector<16xi32>, vector<16xi32>], vector<16xf32>,
        %mul3A_1133 = arith.constant 48 : i32
        %mul3A_1134 = arith.muli %add3A_1118, %mul3A_1133 : i32
        %add3A_1135 = arith.constant 32 : i32
        %add3A_1136 = arith.addi %mul3A_1134, %add3A_1135 : i32
        %get3A_1137 = arith.index_cast %add3A_1136 : i32 to index
        %get3A_1138 = tpu.vector_load %arg5[%get3A_1137] {strides = array<i32>} : memref<18432xi32, #tpu.memory_space<vmem>>, vector<16xi32>,
        tpu.vector_store_idx %arg6[%broadcast_in_dim3A_1120, %get3A_1138], %broadcast_in_dim3A_5 : memref<16x2048xf32, #tpu.memory_space<vmem>>[vector<16xi32>, vector<16xi32>], vector<16xf32>,
        %mul3A_1139 = arith.constant 16 : i32
        %mul3A_1140 = arith.muli %sub3A_826, %mul3A_1139 : i32
        %add3A_1141 = arith.constant 13 : i32
        %add3A_1142 = arith.addi %mul3A_1140, %add3A_1141 : i32
        %broadcast_in_dim3A_1143 = arith.constant 13 : i32
        %broadcast_in_dim3A_1144 = vector.broadcast %broadcast_in_dim3A_1143 : i32 to vector<16xi32>
        %mul3A_1145 = arith.constant 48 : i32
        %mul3A_1146 = arith.muli %add3A_1142, %mul3A_1145 : i32
        %add3A_1147 = arith.constant 0 : i32
        %add3A_1148 = arith.addi %mul3A_1146, %add3A_1147 : i32
        %get3A_1149 = arith.index_cast %add3A_1148 : i32 to index
        %get3A_1150 = tpu.vector_load %arg5[%get3A_1149] {strides = array<i32>} : memref<18432xi32, #tpu.memory_space<vmem>>, vector<16xi32>,
        tpu.vector_store_idx %arg6[%broadcast_in_dim3A_1144, %get3A_1150], %broadcast_in_dim3A_5 : memref<16x2048xf32, #tpu.memory_space<vmem>>[vector<16xi32>, vector<16xi32>], vector<16xf32>,
        %mul3A_1151 = arith.constant 48 : i32
        %mul3A_1152 = arith.muli %add3A_1142, %mul3A_1151 : i32
        %add3A_1153 = arith.constant 16 : i32
        %add3A_1154 = arith.addi %mul3A_1152, %add3A_1153 : i32
        %get3A_1155 = arith.index_cast %add3A_1154 : i32 to index
        %get3A_1156 = tpu.vector_load %arg5[%get3A_1155] {strides = array<i32>} : memref<18432xi32, #tpu.memory_space<vmem>>, vector<16xi32>,
        tpu.vector_store_idx %arg6[%broadcast_in_dim3A_1144, %get3A_1156], %broadcast_in_dim3A_5 : memref<16x2048xf32, #tpu.memory_space<vmem>>[vector<16xi32>, vector<16xi32>], vector<16xf32>,
        %mul3A_1157 = arith.constant 48 : i32
        %mul3A_1158 = arith.muli %add3A_1142, %mul3A_1157 : i32
        %add3A_1159 = arith.constant 32 : i32
        %add3A_1160 = arith.addi %mul3A_1158, %add3A_1159 : i32
        %get3A_1161 = arith.index_cast %add3A_1160 : i32 to index
        %get3A_1162 = tpu.vector_load %arg5[%get3A_1161] {strides = array<i32>} : memref<18432xi32, #tpu.memory_space<vmem>>, vector<16xi32>,
        tpu.vector_store_idx %arg6[%broadcast_in_dim3A_1144, %get3A_1162], %broadcast_in_dim3A_5 : memref<16x2048xf32, #tpu.memory_space<vmem>>[vector<16xi32>, vector<16xi32>], vector<16xf32>,
        %mul3A_1163 = arith.constant 16 : i32
        %mul3A_1164 = arith.muli %sub3A_826, %mul3A_1163 : i32
        %add3A_1165 = arith.constant 14 : i32
        %add3A_1166 = arith.addi %mul3A_1164, %add3A_1165 : i32
        %broadcast_in_dim3A_1167 = arith.constant 14 : i32
        %broadcast_in_dim3A_1168 = vector.broadcast %broadcast_in_dim3A_1167 : i32 to vector<16xi32>
        %mul3A_1169 = arith.constant 48 : i32
        %mul3A_1170 = arith.muli %add3A_1166, %mul3A_1169 : i32
        %add3A_1171 = arith.constant 0 : i32
        %add3A_1172 = arith.addi %mul3A_1170, %add3A_1171 : i32
        %get3A_1173 = arith.index_cast %add3A_1172 : i32 to index
        %get3A_1174 = tpu.vector_load %arg5[%get3A_1173] {strides = array<i32>} : memref<18432xi32, #tpu.memory_space<vmem>>, vector<16xi32>,
        tpu.vector_store_idx %arg6[%broadcast_in_dim3A_1168, %get3A_1174], %broadcast_in_dim3A_5 : memref<16x2048xf32, #tpu.memory_space<vmem>>[vector<16xi32>, vector<16xi32>], vector<16xf32>,
        %mul3A_1175 = arith.constant 48 : i32
        %mul3A_1176 = arith.muli %add3A_1166, %mul3A_1175 : i32
        %add3A_1177 = arith.constant 16 : i32
        %add3A_1178 = arith.addi %mul3A_1176, %add3A_1177 : i32
        %get3A_1179 = arith.index_cast %add3A_1178 : i32 to index
        %get3A_1180 = tpu.vector_load %arg5[%get3A_1179] {strides = array<i32>} : memref<18432xi32, #tpu.memory_space<vmem>>, vector<16xi32>,
        tpu.vector_store_idx %arg6[%broadcast_in_dim3A_1168, %get3A_1180], %broadcast_in_dim3A_5 : memref<16x2048xf32, #tpu.memory_space<vmem>>[vector<16xi32>, vector<16xi32>], vector<16xf32>,
        %mul3A_1181 = arith.constant 48 : i32
        %mul3A_1182 = arith.muli %add3A_1166, %mul3A_1181 : i32
        %add3A_1183 = arith.constant 32 : i32
        %add3A_1184 = arith.addi %mul3A_1182, %add3A_1183 : i32
        %get3A_1185 = arith.index_cast %add3A_1184 : i32 to index
        %get3A_1186 = tpu.vector_load %arg5[%get3A_1185] {strides = array<i32>} : memref<18432xi32, #tpu.memory_space<vmem>>, vector<16xi32>,
        tpu.vector_store_idx %arg6[%broadcast_in_dim3A_1168, %get3A_1186], %broadcast_in_dim3A_5 : memref<16x2048xf32, #tpu.memory_space<vmem>>[vector<16xi32>, vector<16xi32>], vector<16xf32>,
        %mul3A_1187 = arith.constant 16 : i32
        %mul3A_1188 = arith.muli %sub3A_826, %mul3A_1187 : i32
        %add3A_1189 = arith.constant 15 : i32
        %add3A_1190 = arith.addi %mul3A_1188, %add3A_1189 : i32
        %broadcast_in_dim3A_1191 = arith.constant 15 : i32
        %broadcast_in_dim3A_1192 = vector.broadcast %broadcast_in_dim3A_1191 : i32 to vector<16xi32>
        %mul3A_1193 = arith.constant 48 : i32
        %mul3A_1194 = arith.muli %add3A_1190, %mul3A_1193 : i32
        %add3A_1195 = arith.constant 0 : i32
        %add3A_1196 = arith.addi %mul3A_1194, %add3A_1195 : i32
        %get3A_1197 = arith.index_cast %add3A_1196 : i32 to index
        %get3A_1198 = tpu.vector_load %arg5[%get3A_1197] {strides = array<i32>} : memref<18432xi32, #tpu.memory_space<vmem>>, vector<16xi32>,
        tpu.vector_store_idx %arg6[%broadcast_in_dim3A_1192, %get3A_1198], %broadcast_in_dim3A_5 : memref<16x2048xf32, #tpu.memory_space<vmem>>[vector<16xi32>, vector<16xi32>], vector<16xf32>,
        %mul3A_1199 = arith.constant 48 : i32
        %mul3A_1200 = arith.muli %add3A_1190, %mul3A_1199 : i32
        %add3A_1201 = arith.constant 16 : i32
        %add3A_1202 = arith.addi %mul3A_1200, %add3A_1201 : i32
        %get3A_1203 = arith.index_cast %add3A_1202 : i32 to index
        %get3A_1204 = tpu.vector_load %arg5[%get3A_1203] {strides = array<i32>} : memref<18432xi32, #tpu.memory_space<vmem>>, vector<16xi32>,
        tpu.vector_store_idx %arg6[%broadcast_in_dim3A_1192, %get3A_1204], %broadcast_in_dim3A_5 : memref<16x2048xf32, #tpu.memory_space<vmem>>[vector<16xi32>, vector<16xi32>], vector<16xf32>,
        %mul3A_1205 = arith.constant 48 : i32
        %mul3A_1206 = arith.muli %add3A_1190, %mul3A_1205 : i32
        %add3A_1207 = arith.constant 32 : i32
        %add3A_1208 = arith.addi %mul3A_1206, %add3A_1207 : i32
        %get3A_1209 = arith.index_cast %add3A_1208 : i32 to index
        %get3A_1210 = tpu.vector_load %arg5[%get3A_1209] {strides = array<i32>} : memref<18432xi32, #tpu.memory_space<vmem>>, vector<16xi32>,
        tpu.vector_store_idx %arg6[%broadcast_in_dim3A_1192, %get3A_1210], %broadcast_in_dim3A_5 : memref<16x2048xf32, #tpu.memory_space<vmem>>[vector<16xi32>, vector<16xi32>], vector<16xf32>,
      } else {
      }
      %mul3A_31 = arith.constant 16 : i32
      %mul3A_32 = arith.muli %add3A_28, %mul3A_31 : i32
      %add3A_33 = arith.constant 0 : i32
      %add3A_34 = arith.addi %mul3A_32, %add3A_33 : i32
      %broadcast_in_dim3A_35 = arith.constant 0 : i32
      %broadcast_in_dim3A_36 = vector.broadcast %broadcast_in_dim3A_35 : i32 to vector<16xi32>
      %mul3A_37 = arith.constant 48 : i32
      %mul3A_38 = arith.muli %add3A_34, %mul3A_37 : i32
      %add3A_39 = arith.constant 0 : i32
      %add3A_40 = arith.addi %mul3A_38, %add3A_39 : i32
      %get3A = arith.index_cast %add3A_40 : i32 to index
      %get3A_41 = tpu.vector_load %arg5[%get3A] {strides = array<i32>} : memref<18432xi32, #tpu.memory_space<vmem>>, vector<16xi32>,
      tpu.vector_store_idx %arg6[%broadcast_in_dim3A_36, %get3A_41], %broadcast_in_dim3A_7 : memref<16x2048xf32, #tpu.memory_space<vmem>>[vector<16xi32>, vector<16xi32>], vector<16xf32>,
      %mul3A_42 = arith.constant 48 : i32
      %mul3A_43 = arith.muli %add3A_34, %mul3A_42 : i32
      %add3A_44 = arith.constant 16 : i32
      %add3A_45 = arith.addi %mul3A_43, %add3A_44 : i32
      %get3A_46 = arith.index_cast %add3A_45 : i32 to index
      %get3A_47 = tpu.vector_load %arg5[%get3A_46] {strides = array<i32>} : memref<18432xi32, #tpu.memory_space<vmem>>, vector<16xi32>,
      tpu.vector_store_idx %arg6[%broadcast_in_dim3A_36, %get3A_47], %broadcast_in_dim3A_7 : memref<16x2048xf32, #tpu.memory_space<vmem>>[vector<16xi32>, vector<16xi32>], vector<16xf32>,
      %mul3A_48 = arith.constant 48 : i32
      %mul3A_49 = arith.muli %add3A_34, %mul3A_48 : i32
      %add3A_50 = arith.constant 32 : i32
      %add3A_51 = arith.addi %mul3A_49, %add3A_50 : i32
      %get3A_52 = arith.index_cast %add3A_51 : i32 to index
      %get3A_53 = tpu.vector_load %arg5[%get3A_52] {strides = array<i32>} : memref<18432xi32, #tpu.memory_space<vmem>>, vector<16xi32>,
      tpu.vector_store_idx %arg6[%broadcast_in_dim3A_36, %get3A_53], %broadcast_in_dim3A_7 : memref<16x2048xf32, #tpu.memory_space<vmem>>[vector<16xi32>, vector<16xi32>], vector<16xf32>,
      %mul3A_54 = arith.constant 16 : i32
      %mul3A_55 = arith.muli %add3A_28, %mul3A_54 : i32
      %add3A_56 = arith.constant 1 : i32
      %add3A_57 = arith.addi %mul3A_55, %add3A_56 : i32
      %broadcast_in_dim3A_58 = arith.constant 1 : i32
      %broadcast_in_dim3A_59 = vector.broadcast %broadcast_in_dim3A_58 : i32 to vector<16xi32>
      %mul3A_60 = arith.constant 48 : i32
      %mul3A_61 = arith.muli %add3A_57, %mul3A_60 : i32
      %add3A_62 = arith.constant 0 : i32
      %add3A_63 = arith.addi %mul3A_61, %add3A_62 : i32
      %get3A_64 = arith.index_cast %add3A_63 : i32 to index
      %get3A_65 = tpu.vector_load %arg5[%get3A_64] {strides = array<i32>} : memref<18432xi32, #tpu.memory_space<vmem>>, vector<16xi32>,
      tpu.vector_store_idx %arg6[%broadcast_in_dim3A_59, %get3A_65], %broadcast_in_dim3A_7 : memref<16x2048xf32, #tpu.memory_space<vmem>>[vector<16xi32>, vector<16xi32>], vector<16xf32>,
      %mul3A_66 = arith.constant 48 : i32
      %mul3A_67 = arith.muli %add3A_57, %mul3A_66 : i32
      %add3A_68 = arith.constant 16 : i32
      %add3A_69 = arith.addi %mul3A_67, %add3A_68 : i32
      %get3A_70 = arith.index_cast %add3A_69 : i32 to index
      %get3A_71 = tpu.vector_load %arg5[%get3A_70] {strides = array<i32>} : memref<18432xi32, #tpu.memory_space<vmem>>, vector<16xi32>,
      tpu.vector_store_idx %arg6[%broadcast_in_dim3A_59, %get3A_71], %broadcast_in_dim3A_7 : memref<16x2048xf32, #tpu.memory_space<vmem>>[vector<16xi32>, vector<16xi32>], vector<16xf32>,
      %mul3A_72 = arith.constant 48 : i32
      %mul3A_73 = arith.muli %add3A_57, %mul3A_72 : i32
      %add3A_74 = arith.constant 32 : i32
      %add3A_75 = arith.addi %mul3A_73, %add3A_74 : i32
      %get3A_76 = arith.index_cast %add3A_75 : i32 to index
      %get3A_77 = tpu.vector_load %arg5[%get3A_76] {strides = array<i32>} : memref<18432xi32, #tpu.memory_space<vmem>>, vector<16xi32>,
      tpu.vector_store_idx %arg6[%broadcast_in_dim3A_59, %get3A_77], %broadcast_in_dim3A_7 : memref<16x2048xf32, #tpu.memory_space<vmem>>[vector<16xi32>, vector<16xi32>], vector<16xf32>,
      %mul3A_78 = arith.constant 16 : i32
      %mul3A_79 = arith.muli %add3A_28, %mul3A_78 : i32
      %add3A_80 = arith.constant 2 : i32
      %add3A_81 = arith.addi %mul3A_79, %add3A_80 : i32
      %broadcast_in_dim3A_82 = arith.constant 2 : i32
      %broadcast_in_dim3A_83 = vector.broadcast %broadcast_in_dim3A_82 : i32 to vector<16xi32>
      %mul3A_84 = arith.constant 48 : i32
      %mul3A_85 = arith.muli %add3A_81, %mul3A_84 : i32
      %add3A_86 = arith.constant 0 : i32
      %add3A_87 = arith.addi %mul3A_85, %add3A_86 : i32
      %get3A_88 = arith.index_cast %add3A_87 : i32 to index
      %get3A_89 = tpu.vector_load %arg5[%get3A_88] {strides = array<i32>} : memref<18432xi32, #tpu.memory_space<vmem>>, vector<16xi32>,
      tpu.vector_store_idx %arg6[%broadcast_in_dim3A_83, %get3A_89], %broadcast_in_dim3A_7 : memref<16x2048xf32, #tpu.memory_space<vmem>>[vector<16xi32>, vector<16xi32>], vector<16xf32>,
      %mul3A_90 = arith.constant 48 : i32
      %mul3A_91 = arith.muli %add3A_81, %mul3A_90 : i32
      %add3A_92 = arith.constant 16 : i32
      %add3A_93 = arith.addi %mul3A_91, %add3A_92 : i32
      %get3A_94 = arith.index_cast %add3A_93 : i32 to index
      %get3A_95 = tpu.vector_load %arg5[%get3A_94] {strides = array<i32>} : memref<18432xi32, #tpu.memory_space<vmem>>, vector<16xi32>,
      tpu.vector_store_idx %arg6[%broadcast_in_dim3A_83, %get3A_95], %broadcast_in_dim3A_7 : memref<16x2048xf32, #tpu.memory_space<vmem>>[vector<16xi32>, vector<16xi32>], vector<16xf32>,
      %mul3A_96 = arith.constant 48 : i32
      %mul3A_97 = arith.muli %add3A_81, %mul3A_96 : i32
      %add3A_98 = arith.constant 32 : i32
      %add3A_99 = arith.addi %mul3A_97, %add3A_98 : i32
      %get3A_100 = arith.index_cast %add3A_99 : i32 to index
      %get3A_101 = tpu.vector_load %arg5[%get3A_100] {strides = array<i32>} : memref<18432xi32, #tpu.memory_space<vmem>>, vector<16xi32>,
      tpu.vector_store_idx %arg6[%broadcast_in_dim3A_83, %get3A_101], %broadcast_in_dim3A_7 : memref<16x2048xf32, #tpu.memory_space<vmem>>[vector<16xi32>, vector<16xi32>], vector<16xf32>,
      %mul3A_102 = arith.constant 16 : i32
      %mul3A_103 = arith.muli %add3A_28, %mul3A_102 : i32
      %add3A_104 = arith.constant 3 : i32
      %add3A_105 = arith.addi %mul3A_103, %add3A_104 : i32
      %broadcast_in_dim3A_106 = arith.constant 3 : i32
      %broadcast_in_dim3A_107 = vector.broadcast %broadcast_in_dim3A_106 : i32 to vector<16xi32>
      %mul3A_108 = arith.constant 48 : i32
      %mul3A_109 = arith.muli %add3A_105, %mul3A_108 : i32
      %add3A_110 = arith.constant 0 : i32
      %add3A_111 = arith.addi %mul3A_109, %add3A_110 : i32
      %get3A_112 = arith.index_cast %add3A_111 : i32 to index
      %get3A_113 = tpu.vector_load %arg5[%get3A_112] {strides = array<i32>} : memref<18432xi32, #tpu.memory_space<vmem>>, vector<16xi32>,
      tpu.vector_store_idx %arg6[%broadcast_in_dim3A_107, %get3A_113], %broadcast_in_dim3A_7 : memref<16x2048xf32, #tpu.memory_space<vmem>>[vector<16xi32>, vector<16xi32>], vector<16xf32>,
      %mul3A_114 = arith.constant 48 : i32
      %mul3A_115 = arith.muli %add3A_105, %mul3A_114 : i32
      %add3A_116 = arith.constant 16 : i32
      %add3A_117 = arith.addi %mul3A_115, %add3A_116 : i32
      %get3A_118 = arith.index_cast %add3A_117 : i32 to index
      %get3A_119 = tpu.vector_load %arg5[%get3A_118] {strides = array<i32>} : memref<18432xi32, #tpu.memory_space<vmem>>, vector<16xi32>,
      tpu.vector_store_idx %arg6[%broadcast_in_dim3A_107, %get3A_119], %broadcast_in_dim3A_7 : memref<16x2048xf32, #tpu.memory_space<vmem>>[vector<16xi32>, vector<16xi32>], vector<16xf32>,
      %mul3A_120 = arith.constant 48 : i32
      %mul3A_121 = arith.muli %add3A_105, %mul3A_120 : i32
      %add3A_122 = arith.constant 32 : i32
      %add3A_123 = arith.addi %mul3A_121, %add3A_122 : i32
      %get3A_124 = arith.index_cast %add3A_123 : i32 to index
      %get3A_125 = tpu.vector_load %arg5[%get3A_124] {strides = array<i32>} : memref<18432xi32, #tpu.memory_space<vmem>>, vector<16xi32>,
      tpu.vector_store_idx %arg6[%broadcast_in_dim3A_107, %get3A_125], %broadcast_in_dim3A_7 : memref<16x2048xf32, #tpu.memory_space<vmem>>[vector<16xi32>, vector<16xi32>], vector<16xf32>,
      %mul3A_126 = arith.constant 16 : i32
      %mul3A_127 = arith.muli %add3A_28, %mul3A_126 : i32
      %add3A_128 = arith.constant 4 : i32
      %add3A_129 = arith.addi %mul3A_127, %add3A_128 : i32
      %broadcast_in_dim3A_130 = arith.constant 4 : i32
      %broadcast_in_dim3A_131 = vector.broadcast %broadcast_in_dim3A_130 : i32 to vector<16xi32>
      %mul3A_132 = arith.constant 48 : i32
      %mul3A_133 = arith.muli %add3A_129, %mul3A_132 : i32
      %add3A_134 = arith.constant 0 : i32
      %add3A_135 = arith.addi %mul3A_133, %add3A_134 : i32
      %get3A_136 = arith.index_cast %add3A_135 : i32 to index
      %get3A_137 = tpu.vector_load %arg5[%get3A_136] {strides = array<i32>} : memref<18432xi32, #tpu.memory_space<vmem>>, vector<16xi32>,
      tpu.vector_store_idx %arg6[%broadcast_in_dim3A_131, %get3A_137], %broadcast_in_dim3A_7 : memref<16x2048xf32, #tpu.memory_space<vmem>>[vector<16xi32>, vector<16xi32>], vector<16xf32>,
      %mul3A_138 = arith.constant 48 : i32
      %mul3A_139 = arith.muli %add3A_129, %mul3A_138 : i32
      %add3A_140 = arith.constant 16 : i32
      %add3A_141 = arith.addi %mul3A_139, %add3A_140 : i32
      %get3A_142 = arith.index_cast %add3A_141 : i32 to index
      %get3A_143 = tpu.vector_load %arg5[%get3A_142] {strides = array<i32>} : memref<18432xi32, #tpu.memory_space<vmem>>, vector<16xi32>,
      tpu.vector_store_idx %arg6[%broadcast_in_dim3A_131, %get3A_143], %broadcast_in_dim3A_7 : memref<16x2048xf32, #tpu.memory_space<vmem>>[vector<16xi32>, vector<16xi32>], vector<16xf32>,
      %mul3A_144 = arith.constant 48 : i32
      %mul3A_145 = arith.muli %add3A_129, %mul3A_144 : i32
      %add3A_146 = arith.constant 32 : i32
      %add3A_147 = arith.addi %mul3A_145, %add3A_146 : i32
      %get3A_148 = arith.index_cast %add3A_147 : i32 to index
      %get3A_149 = tpu.vector_load %arg5[%get3A_148] {strides = array<i32>} : memref<18432xi32, #tpu.memory_space<vmem>>, vector<16xi32>,
      tpu.vector_store_idx %arg6[%broadcast_in_dim3A_131, %get3A_149], %broadcast_in_dim3A_7 : memref<16x2048xf32, #tpu.memory_space<vmem>>[vector<16xi32>, vector<16xi32>], vector<16xf32>,
      %mul3A_150 = arith.constant 16 : i32
      %mul3A_151 = arith.muli %add3A_28, %mul3A_150 : i32
      %add3A_152 = arith.constant 5 : i32
      %add3A_153 = arith.addi %mul3A_151, %add3A_152 : i32
      %broadcast_in_dim3A_154 = arith.constant 5 : i32
      %broadcast_in_dim3A_155 = vector.broadcast %broadcast_in_dim3A_154 : i32 to vector<16xi32>
      %mul3A_156 = arith.constant 48 : i32
      %mul3A_157 = arith.muli %add3A_153, %mul3A_156 : i32
      %add3A_158 = arith.constant 0 : i32
      %add3A_159 = arith.addi %mul3A_157, %add3A_158 : i32
      %get3A_160 = arith.index_cast %add3A_159 : i32 to index
      %get3A_161 = tpu.vector_load %arg5[%get3A_160] {strides = array<i32>} : memref<18432xi32, #tpu.memory_space<vmem>>, vector<16xi32>,
      tpu.vector_store_idx %arg6[%broadcast_in_dim3A_155, %get3A_161], %broadcast_in_dim3A_7 : memref<16x2048xf32, #tpu.memory_space<vmem>>[vector<16xi32>, vector<16xi32>], vector<16xf32>,
      %mul3A_162 = arith.constant 48 : i32
      %mul3A_163 = arith.muli %add3A_153, %mul3A_162 : i32
      %add3A_164 = arith.constant 16 : i32
      %add3A_165 = arith.addi %mul3A_163, %add3A_164 : i32
      %get3A_166 = arith.index_cast %add3A_165 : i32 to index
      %get3A_167 = tpu.vector_load %arg5[%get3A_166] {strides = array<i32>} : memref<18432xi32, #tpu.memory_space<vmem>>, vector<16xi32>,
      tpu.vector_store_idx %arg6[%broadcast_in_dim3A_155, %get3A_167], %broadcast_in_dim3A_7 : memref<16x2048xf32, #tpu.memory_space<vmem>>[vector<16xi32>, vector<16xi32>], vector<16xf32>,
      %mul3A_168 = arith.constant 48 : i32
      %mul3A_169 = arith.muli %add3A_153, %mul3A_168 : i32
      %add3A_170 = arith.constant 32 : i32
      %add3A_171 = arith.addi %mul3A_169, %add3A_170 : i32
      %get3A_172 = arith.index_cast %add3A_171 : i32 to index
      %get3A_173 = tpu.vector_load %arg5[%get3A_172] {strides = array<i32>} : memref<18432xi32, #tpu.memory_space<vmem>>, vector<16xi32>,
      tpu.vector_store_idx %arg6[%broadcast_in_dim3A_155, %get3A_173], %broadcast_in_dim3A_7 : memref<16x2048xf32, #tpu.memory_space<vmem>>[vector<16xi32>, vector<16xi32>], vector<16xf32>,
      %mul3A_174 = arith.constant 16 : i32
      %mul3A_175 = arith.muli %add3A_28, %mul3A_174 : i32
      %add3A_176 = arith.constant 6 : i32
      %add3A_177 = arith.addi %mul3A_175, %add3A_176 : i32
      %broadcast_in_dim3A_178 = arith.constant 6 : i32
      %broadcast_in_dim3A_179 = vector.broadcast %broadcast_in_dim3A_178 : i32 to vector<16xi32>
      %mul3A_180 = arith.constant 48 : i32
      %mul3A_181 = arith.muli %add3A_177, %mul3A_180 : i32
      %add3A_182 = arith.constant 0 : i32
      %add3A_183 = arith.addi %mul3A_181, %add3A_182 : i32
      %get3A_184 = arith.index_cast %add3A_183 : i32 to index
      %get3A_185 = tpu.vector_load %arg5[%get3A_184] {strides = array<i32>} : memref<18432xi32, #tpu.memory_space<vmem>>, vector<16xi32>,
      tpu.vector_store_idx %arg6[%broadcast_in_dim3A_179, %get3A_185], %broadcast_in_dim3A_7 : memref<16x2048xf32, #tpu.memory_space<vmem>>[vector<16xi32>, vector<16xi32>], vector<16xf32>,
      %mul3A_186 = arith.constant 48 : i32
      %mul3A_187 = arith.muli %add3A_177, %mul3A_186 : i32
      %add3A_188 = arith.constant 16 : i32
      %add3A_189 = arith.addi %mul3A_187, %add3A_188 : i32
      %get3A_190 = arith.index_cast %add3A_189 : i32 to index
      %get3A_191 = tpu.vector_load %arg5[%get3A_190] {strides = array<i32>} : memref<18432xi32, #tpu.memory_space<vmem>>, vector<16xi32>,
      tpu.vector_store_idx %arg6[%broadcast_in_dim3A_179, %get3A_191], %broadcast_in_dim3A_7 : memref<16x2048xf32, #tpu.memory_space<vmem>>[vector<16xi32>, vector<16xi32>], vector<16xf32>,
      %mul3A_192 = arith.constant 48 : i32
      %mul3A_193 = arith.muli %add3A_177, %mul3A_192 : i32
      %add3A_194 = arith.constant 32 : i32
      %add3A_195 = arith.addi %mul3A_193, %add3A_194 : i32
      %get3A_196 = arith.index_cast %add3A_195 : i32 to index
      %get3A_197 = tpu.vector_load %arg5[%get3A_196] {strides = array<i32>} : memref<18432xi32, #tpu.memory_space<vmem>>, vector<16xi32>,
      tpu.vector_store_idx %arg6[%broadcast_in_dim3A_179, %get3A_197], %broadcast_in_dim3A_7 : memref<16x2048xf32, #tpu.memory_space<vmem>>[vector<16xi32>, vector<16xi32>], vector<16xf32>,
      %mul3A_198 = arith.constant 16 : i32
      %mul3A_199 = arith.muli %add3A_28, %mul3A_198 : i32
      %add3A_200 = arith.constant 7 : i32
      %add3A_201 = arith.addi %mul3A_199, %add3A_200 : i32
      %broadcast_in_dim3A_202 = arith.constant 7 : i32
      %broadcast_in_dim3A_203 = vector.broadcast %broadcast_in_dim3A_202 : i32 to vector<16xi32>
      %mul3A_204 = arith.constant 48 : i32
      %mul3A_205 = arith.muli %add3A_201, %mul3A_204 : i32
      %add3A_206 = arith.constant 0 : i32
      %add3A_207 = arith.addi %mul3A_205, %add3A_206 : i32
      %get3A_208 = arith.index_cast %add3A_207 : i32 to index
      %get3A_209 = tpu.vector_load %arg5[%get3A_208] {strides = array<i32>} : memref<18432xi32, #tpu.memory_space<vmem>>, vector<16xi32>,
      tpu.vector_store_idx %arg6[%broadcast_in_dim3A_203, %get3A_209], %broadcast_in_dim3A_7 : memref<16x2048xf32, #tpu.memory_space<vmem>>[vector<16xi32>, vector<16xi32>], vector<16xf32>,
      %mul3A_210 = arith.constant 48 : i32
      %mul3A_211 = arith.muli %add3A_201, %mul3A_210 : i32
      %add3A_212 = arith.constant 16 : i32
      %add3A_213 = arith.addi %mul3A_211, %add3A_212 : i32
      %get3A_214 = arith.index_cast %add3A_213 : i32 to index
      %get3A_215 = tpu.vector_load %arg5[%get3A_214] {strides = array<i32>} : memref<18432xi32, #tpu.memory_space<vmem>>, vector<16xi32>,
      tpu.vector_store_idx %arg6[%broadcast_in_dim3A_203, %get3A_215], %broadcast_in_dim3A_7 : memref<16x2048xf32, #tpu.memory_space<vmem>>[vector<16xi32>, vector<16xi32>], vector<16xf32>,
      %mul3A_216 = arith.constant 48 : i32
      %mul3A_217 = arith.muli %add3A_201, %mul3A_216 : i32
      %add3A_218 = arith.constant 32 : i32
      %add3A_219 = arith.addi %mul3A_217, %add3A_218 : i32
      %get3A_220 = arith.index_cast %add3A_219 : i32 to index
      %get3A_221 = tpu.vector_load %arg5[%get3A_220] {strides = array<i32>} : memref<18432xi32, #tpu.memory_space<vmem>>, vector<16xi32>,
      tpu.vector_store_idx %arg6[%broadcast_in_dim3A_203, %get3A_221], %broadcast_in_dim3A_7 : memref<16x2048xf32, #tpu.memory_space<vmem>>[vector<16xi32>, vector<16xi32>], vector<16xf32>,
      %mul3A_222 = arith.constant 16 : i32
      %mul3A_223 = arith.muli %add3A_28, %mul3A_222 : i32
      %add3A_224 = arith.constant 8 : i32
      %add3A_225 = arith.addi %mul3A_223, %add3A_224 : i32
      %broadcast_in_dim3A_226 = arith.constant 8 : i32
      %broadcast_in_dim3A_227 = vector.broadcast %broadcast_in_dim3A_226 : i32 to vector<16xi32>
      %mul3A_228 = arith.constant 48 : i32
      %mul3A_229 = arith.muli %add3A_225, %mul3A_228 : i32
      %add3A_230 = arith.constant 0 : i32
      %add3A_231 = arith.addi %mul3A_229, %add3A_230 : i32
      %get3A_232 = arith.index_cast %add3A_231 : i32 to index
      %get3A_233 = tpu.vector_load %arg5[%get3A_232] {strides = array<i32>} : memref<18432xi32, #tpu.memory_space<vmem>>, vector<16xi32>,
      tpu.vector_store_idx %arg6[%broadcast_in_dim3A_227, %get3A_233], %broadcast_in_dim3A_7 : memref<16x2048xf32, #tpu.memory_space<vmem>>[vector<16xi32>, vector<16xi32>], vector<16xf32>,
      %mul3A_234 = arith.constant 48 : i32
      %mul3A_235 = arith.muli %add3A_225, %mul3A_234 : i32
      %add3A_236 = arith.constant 16 : i32
      %add3A_237 = arith.addi %mul3A_235, %add3A_236 : i32
      %get3A_238 = arith.index_cast %add3A_237 : i32 to index
      %get3A_239 = tpu.vector_load %arg5[%get3A_238] {strides = array<i32>} : memref<18432xi32, #tpu.memory_space<vmem>>, vector<16xi32>,
      tpu.vector_store_idx %arg6[%broadcast_in_dim3A_227, %get3A_239], %broadcast_in_dim3A_7 : memref<16x2048xf32, #tpu.memory_space<vmem>>[vector<16xi32>, vector<16xi32>], vector<16xf32>,
      %mul3A_240 = arith.constant 48 : i32
      %mul3A_241 = arith.muli %add3A_225, %mul3A_240 : i32
      %add3A_242 = arith.constant 32 : i32
      %add3A_243 = arith.addi %mul3A_241, %add3A_242 : i32
      %get3A_244 = arith.index_cast %add3A_243 : i32 to index
      %get3A_245 = tpu.vector_load %arg5[%get3A_244] {strides = array<i32>} : memref<18432xi32, #tpu.memory_space<vmem>>, vector<16xi32>,
      tpu.vector_store_idx %arg6[%broadcast_in_dim3A_227, %get3A_245], %broadcast_in_dim3A_7 : memref<16x2048xf32, #tpu.memory_space<vmem>>[vector<16xi32>, vector<16xi32>], vector<16xf32>,
      %mul3A_246 = arith.constant 16 : i32
      %mul3A_247 = arith.muli %add3A_28, %mul3A_246 : i32
      %add3A_248 = arith.constant 9 : i32
      %add3A_249 = arith.addi %mul3A_247, %add3A_248 : i32
      %broadcast_in_dim3A_250 = arith.constant 9 : i32
      %broadcast_in_dim3A_251 = vector.broadcast %broadcast_in_dim3A_250 : i32 to vector<16xi32>
      %mul3A_252 = arith.constant 48 : i32
      %mul3A_253 = arith.muli %add3A_249, %mul3A_252 : i32
      %add3A_254 = arith.constant 0 : i32
      %add3A_255 = arith.addi %mul3A_253, %add3A_254 : i32
      %get3A_256 = arith.index_cast %add3A_255 : i32 to index
      %get3A_257 = tpu.vector_load %arg5[%get3A_256] {strides = array<i32>} : memref<18432xi32, #tpu.memory_space<vmem>>, vector<16xi32>,
      tpu.vector_store_idx %arg6[%broadcast_in_dim3A_251, %get3A_257], %broadcast_in_dim3A_7 : memref<16x2048xf32, #tpu.memory_space<vmem>>[vector<16xi32>, vector<16xi32>], vector<16xf32>,
      %mul3A_258 = arith.constant 48 : i32
      %mul3A_259 = arith.muli %add3A_249, %mul3A_258 : i32
      %add3A_260 = arith.constant 16 : i32
      %add3A_261 = arith.addi %mul3A_259, %add3A_260 : i32
      %get3A_262 = arith.index_cast %add3A_261 : i32 to index
      %get3A_263 = tpu.vector_load %arg5[%get3A_262] {strides = array<i32>} : memref<18432xi32, #tpu.memory_space<vmem>>, vector<16xi32>,
      tpu.vector_store_idx %arg6[%broadcast_in_dim3A_251, %get3A_263], %broadcast_in_dim3A_7 : memref<16x2048xf32, #tpu.memory_space<vmem>>[vector<16xi32>, vector<16xi32>], vector<16xf32>,
      %mul3A_264 = arith.constant 48 : i32
      %mul3A_265 = arith.muli %add3A_249, %mul3A_264 : i32
      %add3A_266 = arith.constant 32 : i32
      %add3A_267 = arith.addi %mul3A_265, %add3A_266 : i32
      %get3A_268 = arith.index_cast %add3A_267 : i32 to index
      %get3A_269 = tpu.vector_load %arg5[%get3A_268] {strides = array<i32>} : memref<18432xi32, #tpu.memory_space<vmem>>, vector<16xi32>,
      tpu.vector_store_idx %arg6[%broadcast_in_dim3A_251, %get3A_269], %broadcast_in_dim3A_7 : memref<16x2048xf32, #tpu.memory_space<vmem>>[vector<16xi32>, vector<16xi32>], vector<16xf32>,
      %mul3A_270 = arith.constant 16 : i32
      %mul3A_271 = arith.muli %add3A_28, %mul3A_270 : i32
      %add3A_272 = arith.constant 10 : i32
      %add3A_273 = arith.addi %mul3A_271, %add3A_272 : i32
      %broadcast_in_dim3A_274 = arith.constant 10 : i32
      %broadcast_in_dim3A_275 = vector.broadcast %broadcast_in_dim3A_274 : i32 to vector<16xi32>
      %mul3A_276 = arith.constant 48 : i32
      %mul3A_277 = arith.muli %add3A_273, %mul3A_276 : i32
      %add3A_278 = arith.constant 0 : i32
      %add3A_279 = arith.addi %mul3A_277, %add3A_278 : i32
      %get3A_280 = arith.index_cast %add3A_279 : i32 to index
      %get3A_281 = tpu.vector_load %arg5[%get3A_280] {strides = array<i32>} : memref<18432xi32, #tpu.memory_space<vmem>>, vector<16xi32>,
      tpu.vector_store_idx %arg6[%broadcast_in_dim3A_275, %get3A_281], %broadcast_in_dim3A_7 : memref<16x2048xf32, #tpu.memory_space<vmem>>[vector<16xi32>, vector<16xi32>], vector<16xf32>,
      %mul3A_282 = arith.constant 48 : i32
      %mul3A_283 = arith.muli %add3A_273, %mul3A_282 : i32
      %add3A_284 = arith.constant 16 : i32
      %add3A_285 = arith.addi %mul3A_283, %add3A_284 : i32
      %get3A_286 = arith.index_cast %add3A_285 : i32 to index
      %get3A_287 = tpu.vector_load %arg5[%get3A_286] {strides = array<i32>} : memref<18432xi32, #tpu.memory_space<vmem>>, vector<16xi32>,
      tpu.vector_store_idx %arg6[%broadcast_in_dim3A_275, %get3A_287], %broadcast_in_dim3A_7 : memref<16x2048xf32, #tpu.memory_space<vmem>>[vector<16xi32>, vector<16xi32>], vector<16xf32>,
      %mul3A_288 = arith.constant 48 : i32
      %mul3A_289 = arith.muli %add3A_273, %mul3A_288 : i32
      %add3A_290 = arith.constant 32 : i32
      %add3A_291 = arith.addi %mul3A_289, %add3A_290 : i32
      %get3A_292 = arith.index_cast %add3A_291 : i32 to index
      %get3A_293 = tpu.vector_load %arg5[%get3A_292] {strides = array<i32>} : memref<18432xi32, #tpu.memory_space<vmem>>, vector<16xi32>,
      tpu.vector_store_idx %arg6[%broadcast_in_dim3A_275, %get3A_293], %broadcast_in_dim3A_7 : memref<16x2048xf32, #tpu.memory_space<vmem>>[vector<16xi32>, vector<16xi32>], vector<16xf32>,
      %mul3A_294 = arith.constant 16 : i32
      %mul3A_295 = arith.muli %add3A_28, %mul3A_294 : i32
      %add3A_296 = arith.constant 11 : i32
      %add3A_297 = arith.addi %mul3A_295, %add3A_296 : i32
      %broadcast_in_dim3A_298 = arith.constant 11 : i32
      %broadcast_in_dim3A_299 = vector.broadcast %broadcast_in_dim3A_298 : i32 to vector<16xi32>
      %mul3A_300 = arith.constant 48 : i32
      %mul3A_301 = arith.muli %add3A_297, %mul3A_300 : i32
      %add3A_302 = arith.constant 0 : i32
      %add3A_303 = arith.addi %mul3A_301, %add3A_302 : i32
      %get3A_304 = arith.index_cast %add3A_303 : i32 to index
      %get3A_305 = tpu.vector_load %arg5[%get3A_304] {strides = array<i32>} : memref<18432xi32, #tpu.memory_space<vmem>>, vector<16xi32>,
      tpu.vector_store_idx %arg6[%broadcast_in_dim3A_299, %get3A_305], %broadcast_in_dim3A_7 : memref<16x2048xf32, #tpu.memory_space<vmem>>[vector<16xi32>, vector<16xi32>], vector<16xf32>,
      %mul3A_306 = arith.constant 48 : i32
      %mul3A_307 = arith.muli %add3A_297, %mul3A_306 : i32
      %add3A_308 = arith.constant 16 : i32
      %add3A_309 = arith.addi %mul3A_307, %add3A_308 : i32
      %get3A_310 = arith.index_cast %add3A_309 : i32 to index
      %get3A_311 = tpu.vector_load %arg5[%get3A_310] {strides = array<i32>} : memref<18432xi32, #tpu.memory_space<vmem>>, vector<16xi32>,
      tpu.vector_store_idx %arg6[%broadcast_in_dim3A_299, %get3A_311], %broadcast_in_dim3A_7 : memref<16x2048xf32, #tpu.memory_space<vmem>>[vector<16xi32>, vector<16xi32>], vector<16xf32>,
      %mul3A_312 = arith.constant 48 : i32
      %mul3A_313 = arith.muli %add3A_297, %mul3A_312 : i32
      %add3A_314 = arith.constant 32 : i32
      %add3A_315 = arith.addi %mul3A_313, %add3A_314 : i32
      %get3A_316 = arith.index_cast %add3A_315 : i32 to index
      %get3A_317 = tpu.vector_load %arg5[%get3A_316] {strides = array<i32>} : memref<18432xi32, #tpu.memory_space<vmem>>, vector<16xi32>,
      tpu.vector_store_idx %arg6[%broadcast_in_dim3A_299, %get3A_317], %broadcast_in_dim3A_7 : memref<16x2048xf32, #tpu.memory_space<vmem>>[vector<16xi32>, vector<16xi32>], vector<16xf32>,
      %mul3A_318 = arith.constant 16 : i32
      %mul3A_319 = arith.muli %add3A_28, %mul3A_318 : i32
      %add3A_320 = arith.constant 12 : i32
      %add3A_321 = arith.addi %mul3A_319, %add3A_320 : i32
      %broadcast_in_dim3A_322 = arith.constant 12 : i32
      %broadcast_in_dim3A_323 = vector.broadcast %broadcast_in_dim3A_322 : i32 to vector<16xi32>
      %mul3A_324 = arith.constant 48 : i32
      %mul3A_325 = arith.muli %add3A_321, %mul3A_324 : i32
      %add3A_326 = arith.constant 0 : i32
      %add3A_327 = arith.addi %mul3A_325, %add3A_326 : i32
      %get3A_328 = arith.index_cast %add3A_327 : i32 to index
      %get3A_329 = tpu.vector_load %arg5[%get3A_328] {strides = array<i32>} : memref<18432xi32, #tpu.memory_space<vmem>>, vector<16xi32>,
      tpu.vector_store_idx %arg6[%broadcast_in_dim3A_323, %get3A_329], %broadcast_in_dim3A_7 : memref<16x2048xf32, #tpu.memory_space<vmem>>[vector<16xi32>, vector<16xi32>], vector<16xf32>,
      %mul3A_330 = arith.constant 48 : i32
      %mul3A_331 = arith.muli %add3A_321, %mul3A_330 : i32
      %add3A_332 = arith.constant 16 : i32
      %add3A_333 = arith.addi %mul3A_331, %add3A_332 : i32
      %get3A_334 = arith.index_cast %add3A_333 : i32 to index
      %get3A_335 = tpu.vector_load %arg5[%get3A_334] {strides = array<i32>} : memref<18432xi32, #tpu.memory_space<vmem>>, vector<16xi32>,
      tpu.vector_store_idx %arg6[%broadcast_in_dim3A_323, %get3A_335], %broadcast_in_dim3A_7 : memref<16x2048xf32, #tpu.memory_space<vmem>>[vector<16xi32>, vector<16xi32>], vector<16xf32>,
      %mul3A_336 = arith.constant 48 : i32
      %mul3A_337 = arith.muli %add3A_321, %mul3A_336 : i32
      %add3A_338 = arith.constant 32 : i32
      %add3A_339 = arith.addi %mul3A_337, %add3A_338 : i32
      %get3A_340 = arith.index_cast %add3A_339 : i32 to index
      %get3A_341 = tpu.vector_load %arg5[%get3A_340] {strides = array<i32>} : memref<18432xi32, #tpu.memory_space<vmem>>, vector<16xi32>,
      tpu.vector_store_idx %arg6[%broadcast_in_dim3A_323, %get3A_341], %broadcast_in_dim3A_7 : memref<16x2048xf32, #tpu.memory_space<vmem>>[vector<16xi32>, vector<16xi32>], vector<16xf32>,
      %mul3A_342 = arith.constant 16 : i32
      %mul3A_343 = arith.muli %add3A_28, %mul3A_342 : i32
      %add3A_344 = arith.constant 13 : i32
      %add3A_345 = arith.addi %mul3A_343, %add3A_344 : i32
      %broadcast_in_dim3A_346 = arith.constant 13 : i32
      %broadcast_in_dim3A_347 = vector.broadcast %broadcast_in_dim3A_346 : i32 to vector<16xi32>
      %mul3A_348 = arith.constant 48 : i32
      %mul3A_349 = arith.muli %add3A_345, %mul3A_348 : i32
      %add3A_350 = arith.constant 0 : i32
      %add3A_351 = arith.addi %mul3A_349, %add3A_350 : i32
      %get3A_352 = arith.index_cast %add3A_351 : i32 to index
      %get3A_353 = tpu.vector_load %arg5[%get3A_352] {strides = array<i32>} : memref<18432xi32, #tpu.memory_space<vmem>>, vector<16xi32>,
      tpu.vector_store_idx %arg6[%broadcast_in_dim3A_347, %get3A_353], %broadcast_in_dim3A_7 : memref<16x2048xf32, #tpu.memory_space<vmem>>[vector<16xi32>, vector<16xi32>], vector<16xf32>,
      %mul3A_354 = arith.constant 48 : i32
      %mul3A_355 = arith.muli %add3A_345, %mul3A_354 : i32
      %add3A_356 = arith.constant 16 : i32
      %add3A_357 = arith.addi %mul3A_355, %add3A_356 : i32
      %get3A_358 = arith.index_cast %add3A_357 : i32 to index
      %get3A_359 = tpu.vector_load %arg5[%get3A_358] {strides = array<i32>} : memref<18432xi32, #tpu.memory_space<vmem>>, vector<16xi32>,
      tpu.vector_store_idx %arg6[%broadcast_in_dim3A_347, %get3A_359], %broadcast_in_dim3A_7 : memref<16x2048xf32, #tpu.memory_space<vmem>>[vector<16xi32>, vector<16xi32>], vector<16xf32>,
      %mul3A_360 = arith.constant 48 : i32
      %mul3A_361 = arith.muli %add3A_345, %mul3A_360 : i32
      %add3A_362 = arith.constant 32 : i32
      %add3A_363 = arith.addi %mul3A_361, %add3A_362 : i32
      %get3A_364 = arith.index_cast %add3A_363 : i32 to index
      %get3A_365 = tpu.vector_load %arg5[%get3A_364] {strides = array<i32>} : memref<18432xi32, #tpu.memory_space<vmem>>, vector<16xi32>,
      tpu.vector_store_idx %arg6[%broadcast_in_dim3A_347, %get3A_365], %broadcast_in_dim3A_7 : memref<16x2048xf32, #tpu.memory_space<vmem>>[vector<16xi32>, vector<16xi32>], vector<16xf32>,
      %mul3A_366 = arith.constant 16 : i32
      %mul3A_367 = arith.muli %add3A_28, %mul3A_366 : i32
      %add3A_368 = arith.constant 14 : i32
      %add3A_369 = arith.addi %mul3A_367, %add3A_368 : i32
      %broadcast_in_dim3A_370 = arith.constant 14 : i32
      %broadcast_in_dim3A_371 = vector.broadcast %broadcast_in_dim3A_370 : i32 to vector<16xi32>
      %mul3A_372 = arith.constant 48 : i32
      %mul3A_373 = arith.muli %add3A_369, %mul3A_372 : i32
      %add3A_374 = arith.constant 0 : i32
      %add3A_375 = arith.addi %mul3A_373, %add3A_374 : i32
      %get3A_376 = arith.index_cast %add3A_375 : i32 to index
      %get3A_377 = tpu.vector_load %arg5[%get3A_376] {strides = array<i32>} : memref<18432xi32, #tpu.memory_space<vmem>>, vector<16xi32>,
      tpu.vector_store_idx %arg6[%broadcast_in_dim3A_371, %get3A_377], %broadcast_in_dim3A_7 : memref<16x2048xf32, #tpu.memory_space<vmem>>[vector<16xi32>, vector<16xi32>], vector<16xf32>,
      %mul3A_378 = arith.constant 48 : i32
      %mul3A_379 = arith.muli %add3A_369, %mul3A_378 : i32
      %add3A_380 = arith.constant 16 : i32
      %add3A_381 = arith.addi %mul3A_379, %add3A_380 : i32
      %get3A_382 = arith.index_cast %add3A_381 : i32 to index
      %get3A_383 = tpu.vector_load %arg5[%get3A_382] {strides = array<i32>} : memref<18432xi32, #tpu.memory_space<vmem>>, vector<16xi32>,
      tpu.vector_store_idx %arg6[%broadcast_in_dim3A_371, %get3A_383], %broadcast_in_dim3A_7 : memref<16x2048xf32, #tpu.memory_space<vmem>>[vector<16xi32>, vector<16xi32>], vector<16xf32>,
      %mul3A_384 = arith.constant 48 : i32
      %mul3A_385 = arith.muli %add3A_369, %mul3A_384 : i32
      %add3A_386 = arith.constant 32 : i32
      %add3A_387 = arith.addi %mul3A_385, %add3A_386 : i32
      %get3A_388 = arith.index_cast %add3A_387 : i32 to index
      %get3A_389 = tpu.vector_load %arg5[%get3A_388] {strides = array<i32>} : memref<18432xi32, #tpu.memory_space<vmem>>, vector<16xi32>,
      tpu.vector_store_idx %arg6[%broadcast_in_dim3A_371, %get3A_389], %broadcast_in_dim3A_7 : memref<16x2048xf32, #tpu.memory_space<vmem>>[vector<16xi32>, vector<16xi32>], vector<16xf32>,
      %mul3A_390 = arith.constant 16 : i32
      %mul3A_391 = arith.muli %add3A_28, %mul3A_390 : i32
      %add3A_392 = arith.constant 15 : i32
      %add3A_393 = arith.addi %mul3A_391, %add3A_392 : i32
      %broadcast_in_dim3A_394 = arith.constant 15 : i32
      %broadcast_in_dim3A_395 = vector.broadcast %broadcast_in_dim3A_394 : i32 to vector<16xi32>
      %mul3A_396 = arith.constant 48 : i32
      %mul3A_397 = arith.muli %add3A_393, %mul3A_396 : i32
      %add3A_398 = arith.constant 0 : i32
      %add3A_399 = arith.addi %mul3A_397, %add3A_398 : i32
      %get3A_400 = arith.index_cast %add3A_399 : i32 to index
      %get3A_401 = tpu.vector_load %arg5[%get3A_400] {strides = array<i32>} : memref<18432xi32, #tpu.memory_space<vmem>>, vector<16xi32>,
      tpu.vector_store_idx %arg6[%broadcast_in_dim3A_395, %get3A_401], %broadcast_in_dim3A_7 : memref<16x2048xf32, #tpu.memory_space<vmem>>[vector<16xi32>, vector<16xi32>], vector<16xf32>,
      %mul3A_402 = arith.constant 48 : i32
      %mul3A_403 = arith.muli %add3A_393, %mul3A_402 : i32
      %add3A_404 = arith.constant 16 : i32
      %add3A_405 = arith.addi %mul3A_403, %add3A_404 : i32
      %get3A_406 = arith.index_cast %add3A_405 : i32 to index
      %get3A_407 = tpu.vector_load %arg5[%get3A_406] {strides = array<i32>} : memref<18432xi32, #tpu.memory_space<vmem>>, vector<16xi32>,
      tpu.vector_store_idx %arg6[%broadcast_in_dim3A_395, %get3A_407], %broadcast_in_dim3A_7 : memref<16x2048xf32, #tpu.memory_space<vmem>>[vector<16xi32>, vector<16xi32>], vector<16xf32>,
      %mul3A_408 = arith.constant 48 : i32
      %mul3A_409 = arith.muli %add3A_393, %mul3A_408 : i32
      %add3A_410 = arith.constant 32 : i32
      %add3A_411 = arith.addi %mul3A_409, %add3A_410 : i32
      %get3A_412 = arith.index_cast %add3A_411 : i32 to index
      %get3A_413 = tpu.vector_load %arg5[%get3A_412] {strides = array<i32>} : memref<18432xi32, #tpu.memory_space<vmem>>, vector<16xi32>,
      tpu.vector_store_idx %arg6[%broadcast_in_dim3A_395, %get3A_413], %broadcast_in_dim3A_7 : memref<16x2048xf32, #tpu.memory_space<vmem>>[vector<16xi32>, vector<16xi32>], vector<16xf32>,
      %mul3A_414 = arith.constant 16 : i32
      %mul3A_415 = arith.muli %add3A_28, %mul3A_414 : i32
      %add3A_416 = arith.addi %mul3A_2, %mul3A_415 : i32
      %dma_start3A = arith.constant 0 : i32
      %dma_start3A_417 = tpu.memref_slice %arg4[%add3A_416, %dma_start3A] : memref<12288x2048xf32, #tpu.memory_space<hbm>> -> memref<16x2048xf32, #tpu.memory_space<hbm>>
      %dma_start3A_418 = arith.constant 0 : i32
      %dma_start3A_419 = tpu.memref_slice %arg4[%add3A_416, %dma_start3A_418] : memref<12288x2048xf32, #tpu.memory_space<hbm>> -> memref<16x2048xf32, #tpu.memory_space<hbm>>
      tpu.enqueue_dma source(%arg6 : memref<16x2048xf32, #tpu.memory_space<vmem>>) target(%dma_start3A_419 : memref<16x2048xf32, #tpu.memory_space<hbm>>) target_semaphore(%arg8 : memref<!tpu.dma_semaphore, #tpu.memory_space<semaphore_mem>>)
      %mul3A_420 = arith.constant 2 : i32
      %mul3A_421 = arith.muli %scan3A_24, %mul3A_420 : i32
      %add3A_422 = arith.constant 1 : i32
      %add3A_423 = arith.addi %mul3A_421, %add3A_422 : i32
      %gt3A_424 = arith.constant 0 : i32
      %gt3A_425 = arith.cmpi sgt, %scan3A_24, %gt3A_424 : i32
      %convert_element_type3A_426 = arith.extui %gt3A_425 : i1 to i32
      %cond3A_427 = arith.constant 0 : i32
      %cond3A_428 = arith.cmpi ne, %convert_element_type3A_426, %cond3A_427 : i32
      scf.if %cond3A_428 {
        %dma_wait3A_820 = arith.constant 0 : i32
        %dma_wait3A_821 = arith.constant 0 : i32
        %dma_wait3A_822 = tpu.memref_slice %arg4[%dma_wait3A_820, %dma_wait3A_821] : memref<12288x2048xf32, #tpu.memory_space<hbm>> -> memref<16x2048xf32, #tpu.memory_space<hbm>>
        %dma_wait3A_823 = arith.constant 0 : i32
        %dma_wait3A_824 = arith.constant 0 : i32
        %dma_wait3A_825 = tpu.memref_slice %arg4[%dma_wait3A_823, %dma_wait3A_824] : memref<12288x2048xf32, #tpu.memory_space<hbm>> -> memref<16x2048xf32, #tpu.memory_space<hbm>>
        tpu.wait_dma2 semaphore(%arg9 : memref<!tpu.dma_semaphore, #tpu.memory_space<semaphore_mem>>) src(%arg7 : memref<16x2048xf32, #tpu.memory_space<vmem>>) dst(%dma_wait3A_825 : memref<16x2048xf32, #tpu.memory_space<hbm>>)
        %sub3A = arith.constant 2 : i32
        %sub3A_826 = arith.subi %add3A_423, %sub3A : i32
        %mul3A_827 = arith.constant 16 : i32
        %mul3A_828 = arith.muli %sub3A_826, %mul3A_827 : i32
        %add3A_829 = arith.constant 0 : i32
        %add3A_830 = arith.addi %mul3A_828, %add3A_829 : i32
        %broadcast_in_dim3A_831 = arith.constant 0 : i32
        %broadcast_in_dim3A_832 = vector.broadcast %broadcast_in_dim3A_831 : i32 to vector<16xi32>
        %mul3A_833 = arith.constant 48 : i32
        %mul3A_834 = arith.muli %add3A_830, %mul3A_833 : i32
        %add3A_835 = arith.constant 0 : i32
        %add3A_836 = arith.addi %mul3A_834, %add3A_835 : i32
        %get3A_837 = arith.index_cast %add3A_836 : i32 to index
        %get3A_838 = tpu.vector_load %arg5[%get3A_837] {strides = array<i32>} : memref<18432xi32, #tpu.memory_space<vmem>>, vector<16xi32>,
        tpu.vector_store_idx %arg7[%broadcast_in_dim3A_832, %get3A_838], %broadcast_in_dim3A_5 : memref<16x2048xf32, #tpu.memory_space<vmem>>[vector<16xi32>, vector<16xi32>], vector<16xf32>,
        %mul3A_839 = arith.constant 48 : i32
        %mul3A_840 = arith.muli %add3A_830, %mul3A_839 : i32
        %add3A_841 = arith.constant 16 : i32
        %add3A_842 = arith.addi %mul3A_840, %add3A_841 : i32
        %get3A_843 = arith.index_cast %add3A_842 : i32 to index
        %get3A_844 = tpu.vector_load %arg5[%get3A_843] {strides = array<i32>} : memref<18432xi32, #tpu.memory_space<vmem>>, vector<16xi32>,
        tpu.vector_store_idx %arg7[%broadcast_in_dim3A_832, %get3A_844], %broadcast_in_dim3A_5 : memref<16x2048xf32, #tpu.memory_space<vmem>>[vector<16xi32>, vector<16xi32>], vector<16xf32>,
        %mul3A_845 = arith.constant 48 : i32
        %mul3A_846 = arith.muli %add3A_830, %mul3A_845 : i32
        %add3A_847 = arith.constant 32 : i32
        %add3A_848 = arith.addi %mul3A_846, %add3A_847 : i32
        %get3A_849 = arith.index_cast %add3A_848 : i32 to index
        %get3A_850 = tpu.vector_load %arg5[%get3A_849] {strides = array<i32>} : memref<18432xi32, #tpu.memory_space<vmem>>, vector<16xi32>,
        tpu.vector_store_idx %arg7[%broadcast_in_dim3A_832, %get3A_850], %broadcast_in_dim3A_5 : memref<16x2048xf32, #tpu.memory_space<vmem>>[vector<16xi32>, vector<16xi32>], vector<16xf32>,
        %mul3A_851 = arith.constant 16 : i32
        %mul3A_852 = arith.muli %sub3A_826, %mul3A_851 : i32
        %add3A_853 = arith.constant 1 : i32
        %add3A_854 = arith.addi %mul3A_852, %add3A_853 : i32
        %broadcast_in_dim3A_855 = arith.constant 1 : i32
        %broadcast_in_dim3A_856 = vector.broadcast %broadcast_in_dim3A_855 : i32 to vector<16xi32>
        %mul3A_857 = arith.constant 48 : i32
        %mul3A_858 = arith.muli %add3A_854, %mul3A_857 : i32
        %add3A_859 = arith.constant 0 : i32
        %add3A_860 = arith.addi %mul3A_858, %add3A_859 : i32
        %get3A_861 = arith.index_cast %add3A_860 : i32 to index
        %get3A_862 = tpu.vector_load %arg5[%get3A_861] {strides = array<i32>} : memref<18432xi32, #tpu.memory_space<vmem>>, vector<16xi32>,
        tpu.vector_store_idx %arg7[%broadcast_in_dim3A_856, %get3A_862], %broadcast_in_dim3A_5 : memref<16x2048xf32, #tpu.memory_space<vmem>>[vector<16xi32>, vector<16xi32>], vector<16xf32>,
        %mul3A_863 = arith.constant 48 : i32
        %mul3A_864 = arith.muli %add3A_854, %mul3A_863 : i32
        %add3A_865 = arith.constant 16 : i32
        %add3A_866 = arith.addi %mul3A_864, %add3A_865 : i32
        %get3A_867 = arith.index_cast %add3A_866 : i32 to index
        %get3A_868 = tpu.vector_load %arg5[%get3A_867] {strides = array<i32>} : memref<18432xi32, #tpu.memory_space<vmem>>, vector<16xi32>,
        tpu.vector_store_idx %arg7[%broadcast_in_dim3A_856, %get3A_868], %broadcast_in_dim3A_5 : memref<16x2048xf32, #tpu.memory_space<vmem>>[vector<16xi32>, vector<16xi32>], vector<16xf32>,
        %mul3A_869 = arith.constant 48 : i32
        %mul3A_870 = arith.muli %add3A_854, %mul3A_869 : i32
        %add3A_871 = arith.constant 32 : i32
        %add3A_872 = arith.addi %mul3A_870, %add3A_871 : i32
        %get3A_873 = arith.index_cast %add3A_872 : i32 to index
        %get3A_874 = tpu.vector_load %arg5[%get3A_873] {strides = array<i32>} : memref<18432xi32, #tpu.memory_space<vmem>>, vector<16xi32>,
        tpu.vector_store_idx %arg7[%broadcast_in_dim3A_856, %get3A_874], %broadcast_in_dim3A_5 : memref<16x2048xf32, #tpu.memory_space<vmem>>[vector<16xi32>, vector<16xi32>], vector<16xf32>,
        %mul3A_875 = arith.constant 16 : i32
        %mul3A_876 = arith.muli %sub3A_826, %mul3A_875 : i32
        %add3A_877 = arith.constant 2 : i32
        %add3A_878 = arith.addi %mul3A_876, %add3A_877 : i32
        %broadcast_in_dim3A_879 = arith.constant 2 : i32
        %broadcast_in_dim3A_880 = vector.broadcast %broadcast_in_dim3A_879 : i32 to vector<16xi32>
        %mul3A_881 = arith.constant 48 : i32
        %mul3A_882 = arith.muli %add3A_878, %mul3A_881 : i32
        %add3A_883 = arith.constant 0 : i32
        %add3A_884 = arith.addi %mul3A_882, %add3A_883 : i32
        %get3A_885 = arith.index_cast %add3A_884 : i32 to index
        %get3A_886 = tpu.vector_load %arg5[%get3A_885] {strides = array<i32>} : memref<18432xi32, #tpu.memory_space<vmem>>, vector<16xi32>,
        tpu.vector_store_idx %arg7[%broadcast_in_dim3A_880, %get3A_886], %broadcast_in_dim3A_5 : memref<16x2048xf32, #tpu.memory_space<vmem>>[vector<16xi32>, vector<16xi32>], vector<16xf32>,
        %mul3A_887 = arith.constant 48 : i32
        %mul3A_888 = arith.muli %add3A_878, %mul3A_887 : i32
        %add3A_889 = arith.constant 16 : i32
        %add3A_890 = arith.addi %mul3A_888, %add3A_889 : i32
        %get3A_891 = arith.index_cast %add3A_890 : i32 to index
        %get3A_892 = tpu.vector_load %arg5[%get3A_891] {strides = array<i32>} : memref<18432xi32, #tpu.memory_space<vmem>>, vector<16xi32>,
        tpu.vector_store_idx %arg7[%broadcast_in_dim3A_880, %get3A_892], %broadcast_in_dim3A_5 : memref<16x2048xf32, #tpu.memory_space<vmem>>[vector<16xi32>, vector<16xi32>], vector<16xf32>,
        %mul3A_893 = arith.constant 48 : i32
        %mul3A_894 = arith.muli %add3A_878, %mul3A_893 : i32
        %add3A_895 = arith.constant 32 : i32
        %add3A_896 = arith.addi %mul3A_894, %add3A_895 : i32
        %get3A_897 = arith.index_cast %add3A_896 : i32 to index
        %get3A_898 = tpu.vector_load %arg5[%get3A_897] {strides = array<i32>} : memref<18432xi32, #tpu.memory_space<vmem>>, vector<16xi32>,
        tpu.vector_store_idx %arg7[%broadcast_in_dim3A_880, %get3A_898], %broadcast_in_dim3A_5 : memref<16x2048xf32, #tpu.memory_space<vmem>>[vector<16xi32>, vector<16xi32>], vector<16xf32>,
        %mul3A_899 = arith.constant 16 : i32
        %mul3A_900 = arith.muli %sub3A_826, %mul3A_899 : i32
        %add3A_901 = arith.constant 3 : i32
        %add3A_902 = arith.addi %mul3A_900, %add3A_901 : i32
        %broadcast_in_dim3A_903 = arith.constant 3 : i32
        %broadcast_in_dim3A_904 = vector.broadcast %broadcast_in_dim3A_903 : i32 to vector<16xi32>
        %mul3A_905 = arith.constant 48 : i32
        %mul3A_906 = arith.muli %add3A_902, %mul3A_905 : i32
        %add3A_907 = arith.constant 0 : i32
        %add3A_908 = arith.addi %mul3A_906, %add3A_907 : i32
        %get3A_909 = arith.index_cast %add3A_908 : i32 to index
        %get3A_910 = tpu.vector_load %arg5[%get3A_909] {strides = array<i32>} : memref<18432xi32, #tpu.memory_space<vmem>>, vector<16xi32>,
        tpu.vector_store_idx %arg7[%broadcast_in_dim3A_904, %get3A_910], %broadcast_in_dim3A_5 : memref<16x2048xf32, #tpu.memory_space<vmem>>[vector<16xi32>, vector<16xi32>], vector<16xf32>,
        %mul3A_911 = arith.constant 48 : i32
        %mul3A_912 = arith.muli %add3A_902, %mul3A_911 : i32
        %add3A_913 = arith.constant 16 : i32
        %add3A_914 = arith.addi %mul3A_912, %add3A_913 : i32
        %get3A_915 = arith.index_cast %add3A_914 : i32 to index
        %get3A_916 = tpu.vector_load %arg5[%get3A_915] {strides = array<i32>} : memref<18432xi32, #tpu.memory_space<vmem>>, vector<16xi32>,
        tpu.vector_store_idx %arg7[%broadcast_in_dim3A_904, %get3A_916], %broadcast_in_dim3A_5 : memref<16x2048xf32, #tpu.memory_space<vmem>>[vector<16xi32>, vector<16xi32>], vector<16xf32>,
        %mul3A_917 = arith.constant 48 : i32
        %mul3A_918 = arith.muli %add3A_902, %mul3A_917 : i32
        %add3A_919 = arith.constant 32 : i32
        %add3A_920 = arith.addi %mul3A_918, %add3A_919 : i32
        %get3A_921 = arith.index_cast %add3A_920 : i32 to index
        %get3A_922 = tpu.vector_load %arg5[%get3A_921] {strides = array<i32>} : memref<18432xi32, #tpu.memory_space<vmem>>, vector<16xi32>,
        tpu.vector_store_idx %arg7[%broadcast_in_dim3A_904, %get3A_922], %broadcast_in_dim3A_5 : memref<16x2048xf32, #tpu.memory_space<vmem>>[vector<16xi32>, vector<16xi32>], vector<16xf32>,
        %mul3A_923 = arith.constant 16 : i32
        %mul3A_924 = arith.muli %sub3A_826, %mul3A_923 : i32
        %add3A_925 = arith.constant 4 : i32
        %add3A_926 = arith.addi %mul3A_924, %add3A_925 : i32
        %broadcast_in_dim3A_927 = arith.constant 4 : i32
        %broadcast_in_dim3A_928 = vector.broadcast %broadcast_in_dim3A_927 : i32 to vector<16xi32>
        %mul3A_929 = arith.constant 48 : i32
        %mul3A_930 = arith.muli %add3A_926, %mul3A_929 : i32
        %add3A_931 = arith.constant 0 : i32
        %add3A_932 = arith.addi %mul3A_930, %add3A_931 : i32
        %get3A_933 = arith.index_cast %add3A_932 : i32 to index
        %get3A_934 = tpu.vector_load %arg5[%get3A_933] {strides = array<i32>} : memref<18432xi32, #tpu.memory_space<vmem>>, vector<16xi32>,
        tpu.vector_store_idx %arg7[%broadcast_in_dim3A_928, %get3A_934], %broadcast_in_dim3A_5 : memref<16x2048xf32, #tpu.memory_space<vmem>>[vector<16xi32>, vector<16xi32>], vector<16xf32>,
        %mul3A_935 = arith.constant 48 : i32
        %mul3A_936 = arith.muli %add3A_926, %mul3A_935 : i32
        %add3A_937 = arith.constant 16 : i32
        %add3A_938 = arith.addi %mul3A_936, %add3A_937 : i32
        %get3A_939 = arith.index_cast %add3A_938 : i32 to index
        %get3A_940 = tpu.vector_load %arg5[%get3A_939] {strides = array<i32>} : memref<18432xi32, #tpu.memory_space<vmem>>, vector<16xi32>,
        tpu.vector_store_idx %arg7[%broadcast_in_dim3A_928, %get3A_940], %broadcast_in_dim3A_5 : memref<16x2048xf32, #tpu.memory_space<vmem>>[vector<16xi32>, vector<16xi32>], vector<16xf32>,
        %mul3A_941 = arith.constant 48 : i32
        %mul3A_942 = arith.muli %add3A_926, %mul3A_941 : i32
        %add3A_943 = arith.constant 32 : i32
        %add3A_944 = arith.addi %mul3A_942, %add3A_943 : i32
        %get3A_945 = arith.index_cast %add3A_944 : i32 to index
        %get3A_946 = tpu.vector_load %arg5[%get3A_945] {strides = array<i32>} : memref<18432xi32, #tpu.memory_space<vmem>>, vector<16xi32>,
        tpu.vector_store_idx %arg7[%broadcast_in_dim3A_928, %get3A_946], %broadcast_in_dim3A_5 : memref<16x2048xf32, #tpu.memory_space<vmem>>[vector<16xi32>, vector<16xi32>], vector<16xf32>,
        %mul3A_947 = arith.constant 16 : i32
        %mul3A_948 = arith.muli %sub3A_826, %mul3A_947 : i32
        %add3A_949 = arith.constant 5 : i32
        %add3A_950 = arith.addi %mul3A_948, %add3A_949 : i32
        %broadcast_in_dim3A_951 = arith.constant 5 : i32
        %broadcast_in_dim3A_952 = vector.broadcast %broadcast_in_dim3A_951 : i32 to vector<16xi32>
        %mul3A_953 = arith.constant 48 : i32
        %mul3A_954 = arith.muli %add3A_950, %mul3A_953 : i32
        %add3A_955 = arith.constant 0 : i32
        %add3A_956 = arith.addi %mul3A_954, %add3A_955 : i32
        %get3A_957 = arith.index_cast %add3A_956 : i32 to index
        %get3A_958 = tpu.vector_load %arg5[%get3A_957] {strides = array<i32>} : memref<18432xi32, #tpu.memory_space<vmem>>, vector<16xi32>,
        tpu.vector_store_idx %arg7[%broadcast_in_dim3A_952, %get3A_958], %broadcast_in_dim3A_5 : memref<16x2048xf32, #tpu.memory_space<vmem>>[vector<16xi32>, vector<16xi32>], vector<16xf32>,
        %mul3A_959 = arith.constant 48 : i32
        %mul3A_960 = arith.muli %add3A_950, %mul3A_959 : i32
        %add3A_961 = arith.constant 16 : i32
        %add3A_962 = arith.addi %mul3A_960, %add3A_961 : i32
        %get3A_963 = arith.index_cast %add3A_962 : i32 to index
        %get3A_964 = tpu.vector_load %arg5[%get3A_963] {strides = array<i32>} : memref<18432xi32, #tpu.memory_space<vmem>>, vector<16xi32>,
        tpu.vector_store_idx %arg7[%broadcast_in_dim3A_952, %get3A_964], %broadcast_in_dim3A_5 : memref<16x2048xf32, #tpu.memory_space<vmem>>[vector<16xi32>, vector<16xi32>], vector<16xf32>,
        %mul3A_965 = arith.constant 48 : i32
        %mul3A_966 = arith.muli %add3A_950, %mul3A_965 : i32
        %add3A_967 = arith.constant 32 : i32
        %add3A_968 = arith.addi %mul3A_966, %add3A_967 : i32
        %get3A_969 = arith.index_cast %add3A_968 : i32 to index
        %get3A_970 = tpu.vector_load %arg5[%get3A_969] {strides = array<i32>} : memref<18432xi32, #tpu.memory_space<vmem>>, vector<16xi32>,
        tpu.vector_store_idx %arg7[%broadcast_in_dim3A_952, %get3A_970], %broadcast_in_dim3A_5 : memref<16x2048xf32, #tpu.memory_space<vmem>>[vector<16xi32>, vector<16xi32>], vector<16xf32>,
        %mul3A_971 = arith.constant 16 : i32
        %mul3A_972 = arith.muli %sub3A_826, %mul3A_971 : i32
        %add3A_973 = arith.constant 6 : i32
        %add3A_974 = arith.addi %mul3A_972, %add3A_973 : i32
        %broadcast_in_dim3A_975 = arith.constant 6 : i32
        %broadcast_in_dim3A_976 = vector.broadcast %broadcast_in_dim3A_975 : i32 to vector<16xi32>
        %mul3A_977 = arith.constant 48 : i32
        %mul3A_978 = arith.muli %add3A_974, %mul3A_977 : i32
        %add3A_979 = arith.constant 0 : i32
        %add3A_980 = arith.addi %mul3A_978, %add3A_979 : i32
        %get3A_981 = arith.index_cast %add3A_980 : i32 to index
        %get3A_982 = tpu.vector_load %arg5[%get3A_981] {strides = array<i32>} : memref<18432xi32, #tpu.memory_space<vmem>>, vector<16xi32>,
        tpu.vector_store_idx %arg7[%broadcast_in_dim3A_976, %get3A_982], %broadcast_in_dim3A_5 : memref<16x2048xf32, #tpu.memory_space<vmem>>[vector<16xi32>, vector<16xi32>], vector<16xf32>,
        %mul3A_983 = arith.constant 48 : i32
        %mul3A_984 = arith.muli %add3A_974, %mul3A_983 : i32
        %add3A_985 = arith.constant 16 : i32
        %add3A_986 = arith.addi %mul3A_984, %add3A_985 : i32
        %get3A_987 = arith.index_cast %add3A_986 : i32 to index
        %get3A_988 = tpu.vector_load %arg5[%get3A_987] {strides = array<i32>} : memref<18432xi32, #tpu.memory_space<vmem>>, vector<16xi32>,
        tpu.vector_store_idx %arg7[%broadcast_in_dim3A_976, %get3A_988], %broadcast_in_dim3A_5 : memref<16x2048xf32, #tpu.memory_space<vmem>>[vector<16xi32>, vector<16xi32>], vector<16xf32>,
        %mul3A_989 = arith.constant 48 : i32
        %mul3A_990 = arith.muli %add3A_974, %mul3A_989 : i32
        %add3A_991 = arith.constant 32 : i32
        %add3A_992 = arith.addi %mul3A_990, %add3A_991 : i32
        %get3A_993 = arith.index_cast %add3A_992 : i32 to index
        %get3A_994 = tpu.vector_load %arg5[%get3A_993] {strides = array<i32>} : memref<18432xi32, #tpu.memory_space<vmem>>, vector<16xi32>,
        tpu.vector_store_idx %arg7[%broadcast_in_dim3A_976, %get3A_994], %broadcast_in_dim3A_5 : memref<16x2048xf32, #tpu.memory_space<vmem>>[vector<16xi32>, vector<16xi32>], vector<16xf32>,
        %mul3A_995 = arith.constant 16 : i32
        %mul3A_996 = arith.muli %sub3A_826, %mul3A_995 : i32
        %add3A_997 = arith.constant 7 : i32
        %add3A_998 = arith.addi %mul3A_996, %add3A_997 : i32
        %broadcast_in_dim3A_999 = arith.constant 7 : i32
        %broadcast_in_dim3A_1000 = vector.broadcast %broadcast_in_dim3A_999 : i32 to vector<16xi32>
        %mul3A_1001 = arith.constant 48 : i32
        %mul3A_1002 = arith.muli %add3A_998, %mul3A_1001 : i32
        %add3A_1003 = arith.constant 0 : i32
        %add3A_1004 = arith.addi %mul3A_1002, %add3A_1003 : i32
        %get3A_1005 = arith.index_cast %add3A_1004 : i32 to index
        %get3A_1006 = tpu.vector_load %arg5[%get3A_1005] {strides = array<i32>} : memref<18432xi32, #tpu.memory_space<vmem>>, vector<16xi32>,
        tpu.vector_store_idx %arg7[%broadcast_in_dim3A_1000, %get3A_1006], %broadcast_in_dim3A_5 : memref<16x2048xf32, #tpu.memory_space<vmem>>[vector<16xi32>, vector<16xi32>], vector<16xf32>,
        %mul3A_1007 = arith.constant 48 : i32
        %mul3A_1008 = arith.muli %add3A_998, %mul3A_1007 : i32
        %add3A_1009 = arith.constant 16 : i32
        %add3A_1010 = arith.addi %mul3A_1008, %add3A_1009 : i32
        %get3A_1011 = arith.index_cast %add3A_1010 : i32 to index
        %get3A_1012 = tpu.vector_load %arg5[%get3A_1011] {strides = array<i32>} : memref<18432xi32, #tpu.memory_space<vmem>>, vector<16xi32>,
        tpu.vector_store_idx %arg7[%broadcast_in_dim3A_1000, %get3A_1012], %broadcast_in_dim3A_5 : memref<16x2048xf32, #tpu.memory_space<vmem>>[vector<16xi32>, vector<16xi32>], vector<16xf32>,
        %mul3A_1013 = arith.constant 48 : i32
        %mul3A_1014 = arith.muli %add3A_998, %mul3A_1013 : i32
        %add3A_1015 = arith.constant 32 : i32
        %add3A_1016 = arith.addi %mul3A_1014, %add3A_1015 : i32
        %get3A_1017 = arith.index_cast %add3A_1016 : i32 to index
        %get3A_1018 = tpu.vector_load %arg5[%get3A_1017] {strides = array<i32>} : memref<18432xi32, #tpu.memory_space<vmem>>, vector<16xi32>,
        tpu.vector_store_idx %arg7[%broadcast_in_dim3A_1000, %get3A_1018], %broadcast_in_dim3A_5 : memref<16x2048xf32, #tpu.memory_space<vmem>>[vector<16xi32>, vector<16xi32>], vector<16xf32>,
        %mul3A_1019 = arith.constant 16 : i32
        %mul3A_1020 = arith.muli %sub3A_826, %mul3A_1019 : i32
        %add3A_1021 = arith.constant 8 : i32
        %add3A_1022 = arith.addi %mul3A_1020, %add3A_1021 : i32
        %broadcast_in_dim3A_1023 = arith.constant 8 : i32
        %broadcast_in_dim3A_1024 = vector.broadcast %broadcast_in_dim3A_1023 : i32 to vector<16xi32>
        %mul3A_1025 = arith.constant 48 : i32
        %mul3A_1026 = arith.muli %add3A_1022, %mul3A_1025 : i32
        %add3A_1027 = arith.constant 0 : i32
        %add3A_1028 = arith.addi %mul3A_1026, %add3A_1027 : i32
        %get3A_1029 = arith.index_cast %add3A_1028 : i32 to index
        %get3A_1030 = tpu.vector_load %arg5[%get3A_1029] {strides = array<i32>} : memref<18432xi32, #tpu.memory_space<vmem>>, vector<16xi32>,
        tpu.vector_store_idx %arg7[%broadcast_in_dim3A_1024, %get3A_1030], %broadcast_in_dim3A_5 : memref<16x2048xf32, #tpu.memory_space<vmem>>[vector<16xi32>, vector<16xi32>], vector<16xf32>,
        %mul3A_1031 = arith.constant 48 : i32
        %mul3A_1032 = arith.muli %add3A_1022, %mul3A_1031 : i32
        %add3A_1033 = arith.constant 16 : i32
        %add3A_1034 = arith.addi %mul3A_1032, %add3A_1033 : i32
        %get3A_1035 = arith.index_cast %add3A_1034 : i32 to index
        %get3A_1036 = tpu.vector_load %arg5[%get3A_1035] {strides = array<i32>} : memref<18432xi32, #tpu.memory_space<vmem>>, vector<16xi32>,
        tpu.vector_store_idx %arg7[%broadcast_in_dim3A_1024, %get3A_1036], %broadcast_in_dim3A_5 : memref<16x2048xf32, #tpu.memory_space<vmem>>[vector<16xi32>, vector<16xi32>], vector<16xf32>,
        %mul3A_1037 = arith.constant 48 : i32
        %mul3A_1038 = arith.muli %add3A_1022, %mul3A_1037 : i32
        %add3A_1039 = arith.constant 32 : i32
        %add3A_1040 = arith.addi %mul3A_1038, %add3A_1039 : i32
        %get3A_1041 = arith.index_cast %add3A_1040 : i32 to index
        %get3A_1042 = tpu.vector_load %arg5[%get3A_1041] {strides = array<i32>} : memref<18432xi32, #tpu.memory_space<vmem>>, vector<16xi32>,
        tpu.vector_store_idx %arg7[%broadcast_in_dim3A_1024, %get3A_1042], %broadcast_in_dim3A_5 : memref<16x2048xf32, #tpu.memory_space<vmem>>[vector<16xi32>, vector<16xi32>], vector<16xf32>,
        %mul3A_1043 = arith.constant 16 : i32
        %mul3A_1044 = arith.muli %sub3A_826, %mul3A_1043 : i32
        %add3A_1045 = arith.constant 9 : i32
        %add3A_1046 = arith.addi %mul3A_1044, %add3A_1045 : i32
        %broadcast_in_dim3A_1047 = arith.constant 9 : i32
        %broadcast_in_dim3A_1048 = vector.broadcast %broadcast_in_dim3A_1047 : i32 to vector<16xi32>
        %mul3A_1049 = arith.constant 48 : i32
        %mul3A_1050 = arith.muli %add3A_1046, %mul3A_1049 : i32
        %add3A_1051 = arith.constant 0 : i32
        %add3A_1052 = arith.addi %mul3A_1050, %add3A_1051 : i32
        %get3A_1053 = arith.index_cast %add3A_1052 : i32 to index
        %get3A_1054 = tpu.vector_load %arg5[%get3A_1053] {strides = array<i32>} : memref<18432xi32, #tpu.memory_space<vmem>>, vector<16xi32>,
        tpu.vector_store_idx %arg7[%broadcast_in_dim3A_1048, %get3A_1054], %broadcast_in_dim3A_5 : memref<16x2048xf32, #tpu.memory_space<vmem>>[vector<16xi32>, vector<16xi32>], vector<16xf32>,
        %mul3A_1055 = arith.constant 48 : i32
        %mul3A_1056 = arith.muli %add3A_1046, %mul3A_1055 : i32
        %add3A_1057 = arith.constant 16 : i32
        %add3A_1058 = arith.addi %mul3A_1056, %add3A_1057 : i32
        %get3A_1059 = arith.index_cast %add3A_1058 : i32 to index
        %get3A_1060 = tpu.vector_load %arg5[%get3A_1059] {strides = array<i32>} : memref<18432xi32, #tpu.memory_space<vmem>>, vector<16xi32>,
        tpu.vector_store_idx %arg7[%broadcast_in_dim3A_1048, %get3A_1060], %broadcast_in_dim3A_5 : memref<16x2048xf32, #tpu.memory_space<vmem>>[vector<16xi32>, vector<16xi32>], vector<16xf32>,
        %mul3A_1061 = arith.constant 48 : i32
        %mul3A_1062 = arith.muli %add3A_1046, %mul3A_1061 : i32
        %add3A_1063 = arith.constant 32 : i32
        %add3A_1064 = arith.addi %mul3A_1062, %add3A_1063 : i32
        %get3A_1065 = arith.index_cast %add3A_1064 : i32 to index
        %get3A_1066 = tpu.vector_load %arg5[%get3A_1065] {strides = array<i32>} : memref<18432xi32, #tpu.memory_space<vmem>>, vector<16xi32>,
        tpu.vector_store_idx %arg7[%broadcast_in_dim3A_1048, %get3A_1066], %broadcast_in_dim3A_5 : memref<16x2048xf32, #tpu.memory_space<vmem>>[vector<16xi32>, vector<16xi32>], vector<16xf32>,
        %mul3A_1067 = arith.constant 16 : i32
        %mul3A_1068 = arith.muli %sub3A_826, %mul3A_1067 : i32
        %add3A_1069 = arith.constant 10 : i32
        %add3A_1070 = arith.addi %mul3A_1068, %add3A_1069 : i32
        %broadcast_in_dim3A_1071 = arith.constant 10 : i32
        %broadcast_in_dim3A_1072 = vector.broadcast %broadcast_in_dim3A_1071 : i32 to vector<16xi32>
        %mul3A_1073 = arith.constant 48 : i32
        %mul3A_1074 = arith.muli %add3A_1070, %mul3A_1073 : i32
        %add3A_1075 = arith.constant 0 : i32
        %add3A_1076 = arith.addi %mul3A_1074, %add3A_1075 : i32
        %get3A_1077 = arith.index_cast %add3A_1076 : i32 to index
        %get3A_1078 = tpu.vector_load %arg5[%get3A_1077] {strides = array<i32>} : memref<18432xi32, #tpu.memory_space<vmem>>, vector<16xi32>,
        tpu.vector_store_idx %arg7[%broadcast_in_dim3A_1072, %get3A_1078], %broadcast_in_dim3A_5 : memref<16x2048xf32, #tpu.memory_space<vmem>>[vector<16xi32>, vector<16xi32>], vector<16xf32>,
        %mul3A_1079 = arith.constant 48 : i32
        %mul3A_1080 = arith.muli %add3A_1070, %mul3A_1079 : i32
        %add3A_1081 = arith.constant 16 : i32
        %add3A_1082 = arith.addi %mul3A_1080, %add3A_1081 : i32
        %get3A_1083 = arith.index_cast %add3A_1082 : i32 to index
        %get3A_1084 = tpu.vector_load %arg5[%get3A_1083] {strides = array<i32>} : memref<18432xi32, #tpu.memory_space<vmem>>, vector<16xi32>,
        tpu.vector_store_idx %arg7[%broadcast_in_dim3A_1072, %get3A_1084], %broadcast_in_dim3A_5 : memref<16x2048xf32, #tpu.memory_space<vmem>>[vector<16xi32>, vector<16xi32>], vector<16xf32>,
        %mul3A_1085 = arith.constant 48 : i32
        %mul3A_1086 = arith.muli %add3A_1070, %mul3A_1085 : i32
        %add3A_1087 = arith.constant 32 : i32
        %add3A_1088 = arith.addi %mul3A_1086, %add3A_1087 : i32
        %get3A_1089 = arith.index_cast %add3A_1088 : i32 to index
        %get3A_1090 = tpu.vector_load %arg5[%get3A_1089] {strides = array<i32>} : memref<18432xi32, #tpu.memory_space<vmem>>, vector<16xi32>,
        tpu.vector_store_idx %arg7[%broadcast_in_dim3A_1072, %get3A_1090], %broadcast_in_dim3A_5 : memref<16x2048xf32, #tpu.memory_space<vmem>>[vector<16xi32>, vector<16xi32>], vector<16xf32>,
        %mul3A_1091 = arith.constant 16 : i32
        %mul3A_1092 = arith.muli %sub3A_826, %mul3A_1091 : i32
        %add3A_1093 = arith.constant 11 : i32
        %add3A_1094 = arith.addi %mul3A_1092, %add3A_1093 : i32
        %broadcast_in_dim3A_1095 = arith.constant 11 : i32
        %broadcast_in_dim3A_1096 = vector.broadcast %broadcast_in_dim3A_1095 : i32 to vector<16xi32>
        %mul3A_1097 = arith.constant 48 : i32
        %mul3A_1098 = arith.muli %add3A_1094, %mul3A_1097 : i32
        %add3A_1099 = arith.constant 0 : i32
        %add3A_1100 = arith.addi %mul3A_1098, %add3A_1099 : i32
        %get3A_1101 = arith.index_cast %add3A_1100 : i32 to index
        %get3A_1102 = tpu.vector_load %arg5[%get3A_1101] {strides = array<i32>} : memref<18432xi32, #tpu.memory_space<vmem>>, vector<16xi32>,
        tpu.vector_store_idx %arg7[%broadcast_in_dim3A_1096, %get3A_1102], %broadcast_in_dim3A_5 : memref<16x2048xf32, #tpu.memory_space<vmem>>[vector<16xi32>, vector<16xi32>], vector<16xf32>,
        %mul3A_1103 = arith.constant 48 : i32
        %mul3A_1104 = arith.muli %add3A_1094, %mul3A_1103 : i32
        %add3A_1105 = arith.constant 16 : i32
        %add3A_1106 = arith.addi %mul3A_1104, %add3A_1105 : i32
        %get3A_1107 = arith.index_cast %add3A_1106 : i32 to index
        %get3A_1108 = tpu.vector_load %arg5[%get3A_1107] {strides = array<i32>} : memref<18432xi32, #tpu.memory_space<vmem>>, vector<16xi32>,
        tpu.vector_store_idx %arg7[%broadcast_in_dim3A_1096, %get3A_1108], %broadcast_in_dim3A_5 : memref<16x2048xf32, #tpu.memory_space<vmem>>[vector<16xi32>, vector<16xi32>], vector<16xf32>,
        %mul3A_1109 = arith.constant 48 : i32
        %mul3A_1110 = arith.muli %add3A_1094, %mul3A_1109 : i32
        %add3A_1111 = arith.constant 32 : i32
        %add3A_1112 = arith.addi %mul3A_1110, %add3A_1111 : i32
        %get3A_1113 = arith.index_cast %add3A_1112 : i32 to index
        %get3A_1114 = tpu.vector_load %arg5[%get3A_1113] {strides = array<i32>} : memref<18432xi32, #tpu.memory_space<vmem>>, vector<16xi32>,
        tpu.vector_store_idx %arg7[%broadcast_in_dim3A_1096, %get3A_1114], %broadcast_in_dim3A_5 : memref<16x2048xf32, #tpu.memory_space<vmem>>[vector<16xi32>, vector<16xi32>], vector<16xf32>,
        %mul3A_1115 = arith.constant 16 : i32
        %mul3A_1116 = arith.muli %sub3A_826, %mul3A_1115 : i32
        %add3A_1117 = arith.constant 12 : i32
        %add3A_1118 = arith.addi %mul3A_1116, %add3A_1117 : i32
        %broadcast_in_dim3A_1119 = arith.constant 12 : i32
        %broadcast_in_dim3A_1120 = vector.broadcast %broadcast_in_dim3A_1119 : i32 to vector<16xi32>
        %mul3A_1121 = arith.constant 48 : i32
        %mul3A_1122 = arith.muli %add3A_1118, %mul3A_1121 : i32
        %add3A_1123 = arith.constant 0 : i32
        %add3A_1124 = arith.addi %mul3A_1122, %add3A_1123 : i32
        %get3A_1125 = arith.index_cast %add3A_1124 : i32 to index
        %get3A_1126 = tpu.vector_load %arg5[%get3A_1125] {strides = array<i32>} : memref<18432xi32, #tpu.memory_space<vmem>>, vector<16xi32>,
        tpu.vector_store_idx %arg7[%broadcast_in_dim3A_1120, %get3A_1126], %broadcast_in_dim3A_5 : memref<16x2048xf32, #tpu.memory_space<vmem>>[vector<16xi32>, vector<16xi32>], vector<16xf32>,
        %mul3A_1127 = arith.constant 48 : i32
        %mul3A_1128 = arith.muli %add3A_1118, %mul3A_1127 : i32
        %add3A_1129 = arith.constant 16 : i32
        %add3A_1130 = arith.addi %mul3A_1128, %add3A_1129 : i32
        %get3A_1131 = arith.index_cast %add3A_1130 : i32 to index
        %get3A_1132 = tpu.vector_load %arg5[%get3A_1131] {strides = array<i32>} : memref<18432xi32, #tpu.memory_space<vmem>>, vector<16xi32>,
        tpu.vector_store_idx %arg7[%broadcast_in_dim3A_1120, %get3A_1132], %broadcast_in_dim3A_5 : memref<16x2048xf32, #tpu.memory_space<vmem>>[vector<16xi32>, vector<16xi32>], vector<16xf32>,
        %mul3A_1133 = arith.constant 48 : i32
        %mul3A_1134 = arith.muli %add3A_1118, %mul3A_1133 : i32
        %add3A_1135 = arith.constant 32 : i32
        %add3A_1136 = arith.addi %mul3A_1134, %add3A_1135 : i32
        %get3A_1137 = arith.index_cast %add3A_1136 : i32 to index
        %get3A_1138 = tpu.vector_load %arg5[%get3A_1137] {strides = array<i32>} : memref<18432xi32, #tpu.memory_space<vmem>>, vector<16xi32>,
        tpu.vector_store_idx %arg7[%broadcast_in_dim3A_1120, %get3A_1138], %broadcast_in_dim3A_5 : memref<16x2048xf32, #tpu.memory_space<vmem>>[vector<16xi32>, vector<16xi32>], vector<16xf32>,
        %mul3A_1139 = arith.constant 16 : i32
        %mul3A_1140 = arith.muli %sub3A_826, %mul3A_1139 : i32
        %add3A_1141 = arith.constant 13 : i32
        %add3A_1142 = arith.addi %mul3A_1140, %add3A_1141 : i32
        %broadcast_in_dim3A_1143 = arith.constant 13 : i32
        %broadcast_in_dim3A_1144 = vector.broadcast %broadcast_in_dim3A_1143 : i32 to vector<16xi32>
        %mul3A_1145 = arith.constant 48 : i32
        %mul3A_1146 = arith.muli %add3A_1142, %mul3A_1145 : i32
        %add3A_1147 = arith.constant 0 : i32
        %add3A_1148 = arith.addi %mul3A_1146, %add3A_1147 : i32
        %get3A_1149 = arith.index_cast %add3A_1148 : i32 to index
        %get3A_1150 = tpu.vector_load %arg5[%get3A_1149] {strides = array<i32>} : memref<18432xi32, #tpu.memory_space<vmem>>, vector<16xi32>,
        tpu.vector_store_idx %arg7[%broadcast_in_dim3A_1144, %get3A_1150], %broadcast_in_dim3A_5 : memref<16x2048xf32, #tpu.memory_space<vmem>>[vector<16xi32>, vector<16xi32>], vector<16xf32>,
        %mul3A_1151 = arith.constant 48 : i32
        %mul3A_1152 = arith.muli %add3A_1142, %mul3A_1151 : i32
        %add3A_1153 = arith.constant 16 : i32
        %add3A_1154 = arith.addi %mul3A_1152, %add3A_1153 : i32
        %get3A_1155 = arith.index_cast %add3A_1154 : i32 to index
        %get3A_1156 = tpu.vector_load %arg5[%get3A_1155] {strides = array<i32>} : memref<18432xi32, #tpu.memory_space<vmem>>, vector<16xi32>,
        tpu.vector_store_idx %arg7[%broadcast_in_dim3A_1144, %get3A_1156], %broadcast_in_dim3A_5 : memref<16x2048xf32, #tpu.memory_space<vmem>>[vector<16xi32>, vector<16xi32>], vector<16xf32>,
        %mul3A_1157 = arith.constant 48 : i32
        %mul3A_1158 = arith.muli %add3A_1142, %mul3A_1157 : i32
        %add3A_1159 = arith.constant 32 : i32
        %add3A_1160 = arith.addi %mul3A_1158, %add3A_1159 : i32
        %get3A_1161 = arith.index_cast %add3A_1160 : i32 to index
        %get3A_1162 = tpu.vector_load %arg5[%get3A_1161] {strides = array<i32>} : memref<18432xi32, #tpu.memory_space<vmem>>, vector<16xi32>,
        tpu.vector_store_idx %arg7[%broadcast_in_dim3A_1144, %get3A_1162], %broadcast_in_dim3A_5 : memref<16x2048xf32, #tpu.memory_space<vmem>>[vector<16xi32>, vector<16xi32>], vector<16xf32>,
        %mul3A_1163 = arith.constant 16 : i32
        %mul3A_1164 = arith.muli %sub3A_826, %mul3A_1163 : i32
        %add3A_1165 = arith.constant 14 : i32
        %add3A_1166 = arith.addi %mul3A_1164, %add3A_1165 : i32
        %broadcast_in_dim3A_1167 = arith.constant 14 : i32
        %broadcast_in_dim3A_1168 = vector.broadcast %broadcast_in_dim3A_1167 : i32 to vector<16xi32>
        %mul3A_1169 = arith.constant 48 : i32
        %mul3A_1170 = arith.muli %add3A_1166, %mul3A_1169 : i32
        %add3A_1171 = arith.constant 0 : i32
        %add3A_1172 = arith.addi %mul3A_1170, %add3A_1171 : i32
        %get3A_1173 = arith.index_cast %add3A_1172 : i32 to index
        %get3A_1174 = tpu.vector_load %arg5[%get3A_1173] {strides = array<i32>} : memref<18432xi32, #tpu.memory_space<vmem>>, vector<16xi32>,
        tpu.vector_store_idx %arg7[%broadcast_in_dim3A_1168, %get3A_1174], %broadcast_in_dim3A_5 : memref<16x2048xf32, #tpu.memory_space<vmem>>[vector<16xi32>, vector<16xi32>], vector<16xf32>,
        %mul3A_1175 = arith.constant 48 : i32
        %mul3A_1176 = arith.muli %add3A_1166, %mul3A_1175 : i32
        %add3A_1177 = arith.constant 16 : i32
        %add3A_1178 = arith.addi %mul3A_1176, %add3A_1177 : i32
        %get3A_1179 = arith.index_cast %add3A_1178 : i32 to index
        %get3A_1180 = tpu.vector_load %arg5[%get3A_1179] {strides = array<i32>} : memref<18432xi32, #tpu.memory_space<vmem>>, vector<16xi32>,
        tpu.vector_store_idx %arg7[%broadcast_in_dim3A_1168, %get3A_1180], %broadcast_in_dim3A_5 : memref<16x2048xf32, #tpu.memory_space<vmem>>[vector<16xi32>, vector<16xi32>], vector<16xf32>,
        %mul3A_1181 = arith.constant 48 : i32
        %mul3A_1182 = arith.muli %add3A_1166, %mul3A_1181 : i32
        %add3A_1183 = arith.constant 32 : i32
        %add3A_1184 = arith.addi %mul3A_1182, %add3A_1183 : i32
        %get3A_1185 = arith.index_cast %add3A_1184 : i32 to index
        %get3A_1186 = tpu.vector_load %arg5[%get3A_1185] {strides = array<i32>} : memref<18432xi32, #tpu.memory_space<vmem>>, vector<16xi32>,
        tpu.vector_store_idx %arg7[%broadcast_in_dim3A_1168, %get3A_1186], %broadcast_in_dim3A_5 : memref<16x2048xf32, #tpu.memory_space<vmem>>[vector<16xi32>, vector<16xi32>], vector<16xf32>,
        %mul3A_1187 = arith.constant 16 : i32
        %mul3A_1188 = arith.muli %sub3A_826, %mul3A_1187 : i32
        %add3A_1189 = arith.constant 15 : i32
        %add3A_1190 = arith.addi %mul3A_1188, %add3A_1189 : i32
        %broadcast_in_dim3A_1191 = arith.constant 15 : i32
        %broadcast_in_dim3A_1192 = vector.broadcast %broadcast_in_dim3A_1191 : i32 to vector<16xi32>
        %mul3A_1193 = arith.constant 48 : i32
        %mul3A_1194 = arith.muli %add3A_1190, %mul3A_1193 : i32
        %add3A_1195 = arith.constant 0 : i32
        %add3A_1196 = arith.addi %mul3A_1194, %add3A_1195 : i32
        %get3A_1197 = arith.index_cast %add3A_1196 : i32 to index
        %get3A_1198 = tpu.vector_load %arg5[%get3A_1197] {strides = array<i32>} : memref<18432xi32, #tpu.memory_space<vmem>>, vector<16xi32>,
        tpu.vector_store_idx %arg7[%broadcast_in_dim3A_1192, %get3A_1198], %broadcast_in_dim3A_5 : memref<16x2048xf32, #tpu.memory_space<vmem>>[vector<16xi32>, vector<16xi32>], vector<16xf32>,
        %mul3A_1199 = arith.constant 48 : i32
        %mul3A_1200 = arith.muli %add3A_1190, %mul3A_1199 : i32
        %add3A_1201 = arith.constant 16 : i32
        %add3A_1202 = arith.addi %mul3A_1200, %add3A_1201 : i32
        %get3A_1203 = arith.index_cast %add3A_1202 : i32 to index
        %get3A_1204 = tpu.vector_load %arg5[%get3A_1203] {strides = array<i32>} : memref<18432xi32, #tpu.memory_space<vmem>>, vector<16xi32>,
        tpu.vector_store_idx %arg7[%broadcast_in_dim3A_1192, %get3A_1204], %broadcast_in_dim3A_5 : memref<16x2048xf32, #tpu.memory_space<vmem>>[vector<16xi32>, vector<16xi32>], vector<16xf32>,
        %mul3A_1205 = arith.constant 48 : i32
        %mul3A_1206 = arith.muli %add3A_1190, %mul3A_1205 : i32
        %add3A_1207 = arith.constant 32 : i32
        %add3A_1208 = arith.addi %mul3A_1206, %add3A_1207 : i32
        %get3A_1209 = arith.index_cast %add3A_1208 : i32 to index
        %get3A_1210 = tpu.vector_load %arg5[%get3A_1209] {strides = array<i32>} : memref<18432xi32, #tpu.memory_space<vmem>>, vector<16xi32>,
        tpu.vector_store_idx %arg7[%broadcast_in_dim3A_1192, %get3A_1210], %broadcast_in_dim3A_5 : memref<16x2048xf32, #tpu.memory_space<vmem>>[vector<16xi32>, vector<16xi32>], vector<16xf32>,
      } else {
      }
      %mul3A_429 = arith.constant 16 : i32
      %mul3A_430 = arith.muli %add3A_423, %mul3A_429 : i32
      %add3A_431 = arith.constant 0 : i32
      %add3A_432 = arith.addi %mul3A_430, %add3A_431 : i32
      %broadcast_in_dim3A_433 = arith.constant 0 : i32
      %broadcast_in_dim3A_434 = vector.broadcast %broadcast_in_dim3A_433 : i32 to vector<16xi32>
      %mul3A_435 = arith.constant 48 : i32
      %mul3A_436 = arith.muli %add3A_432, %mul3A_435 : i32
      %add3A_437 = arith.constant 0 : i32
      %add3A_438 = arith.addi %mul3A_436, %add3A_437 : i32
      %get3A_439 = arith.index_cast %add3A_438 : i32 to index
      %get3A_440 = tpu.vector_load %arg5[%get3A_439] {strides = array<i32>} : memref<18432xi32, #tpu.memory_space<vmem>>, vector<16xi32>,
      tpu.vector_store_idx %arg7[%broadcast_in_dim3A_434, %get3A_440], %broadcast_in_dim3A_7 : memref<16x2048xf32, #tpu.memory_space<vmem>>[vector<16xi32>, vector<16xi32>], vector<16xf32>,
      %mul3A_441 = arith.constant 48 : i32
      %mul3A_442 = arith.muli %add3A_432, %mul3A_441 : i32
      %add3A_443 = arith.constant 16 : i32
      %add3A_444 = arith.addi %mul3A_442, %add3A_443 : i32
      %get3A_445 = arith.index_cast %add3A_444 : i32 to index
      %get3A_446 = tpu.vector_load %arg5[%get3A_445] {strides = array<i32>} : memref<18432xi32, #tpu.memory_space<vmem>>, vector<16xi32>,
      tpu.vector_store_idx %arg7[%broadcast_in_dim3A_434, %get3A_446], %broadcast_in_dim3A_7 : memref<16x2048xf32, #tpu.memory_space<vmem>>[vector<16xi32>, vector<16xi32>], vector<16xf32>,
      %mul3A_447 = arith.constant 48 : i32
      %mul3A_448 = arith.muli %add3A_432, %mul3A_447 : i32
      %add3A_449 = arith.constant 32 : i32
      %add3A_450 = arith.addi %mul3A_448, %add3A_449 : i32
      %get3A_451 = arith.index_cast %add3A_450 : i32 to index
      %get3A_452 = tpu.vector_load %arg5[%get3A_451] {strides = array<i32>} : memref<18432xi32, #tpu.memory_space<vmem>>, vector<16xi32>,
      tpu.vector_store_idx %arg7[%broadcast_in_dim3A_434, %get3A_452], %broadcast_in_dim3A_7 : memref<16x2048xf32, #tpu.memory_space<vmem>>[vector<16xi32>, vector<16xi32>], vector<16xf32>,
      %mul3A_453 = arith.constant 16 : i32
      %mul3A_454 = arith.muli %add3A_423, %mul3A_453 : i32
      %add3A_455 = arith.constant 1 : i32
      %add3A_456 = arith.addi %mul3A_454, %add3A_455 : i32
      %broadcast_in_dim3A_457 = arith.constant 1 : i32
      %broadcast_in_dim3A_458 = vector.broadcast %broadcast_in_dim3A_457 : i32 to vector<16xi32>
      %mul3A_459 = arith.constant 48 : i32
      %mul3A_460 = arith.muli %add3A_456, %mul3A_459 : i32
      %add3A_461 = arith.constant 0 : i32
      %add3A_462 = arith.addi %mul3A_460, %add3A_461 : i32
      %get3A_463 = arith.index_cast %add3A_462 : i32 to index
      %get3A_464 = tpu.vector_load %arg5[%get3A_463] {strides = array<i32>} : memref<18432xi32, #tpu.memory_space<vmem>>, vector<16xi32>,
      tpu.vector_store_idx %arg7[%broadcast_in_dim3A_458, %get3A_464], %broadcast_in_dim3A_7 : memref<16x2048xf32, #tpu.memory_space<vmem>>[vector<16xi32>, vector<16xi32>], vector<16xf32>,
      %mul3A_465 = arith.constant 48 : i32
      %mul3A_466 = arith.muli %add3A_456, %mul3A_465 : i32
      %add3A_467 = arith.constant 16 : i32
      %add3A_468 = arith.addi %mul3A_466, %add3A_467 : i32
      %get3A_469 = arith.index_cast %add3A_468 : i32 to index
      %get3A_470 = tpu.vector_load %arg5[%get3A_469] {strides = array<i32>} : memref<18432xi32, #tpu.memory_space<vmem>>, vector<16xi32>,
      tpu.vector_store_idx %arg7[%broadcast_in_dim3A_458, %get3A_470], %broadcast_in_dim3A_7 : memref<16x2048xf32, #tpu.memory_space<vmem>>[vector<16xi32>, vector<16xi32>], vector<16xf32>,
      %mul3A_471 = arith.constant 48 : i32
      %mul3A_472 = arith.muli %add3A_456, %mul3A_471 : i32
      %add3A_473 = arith.constant 32 : i32
      %add3A_474 = arith.addi %mul3A_472, %add3A_473 : i32
      %get3A_475 = arith.index_cast %add3A_474 : i32 to index
      %get3A_476 = tpu.vector_load %arg5[%get3A_475] {strides = array<i32>} : memref<18432xi32, #tpu.memory_space<vmem>>, vector<16xi32>,
      tpu.vector_store_idx %arg7[%broadcast_in_dim3A_458, %get3A_476], %broadcast_in_dim3A_7 : memref<16x2048xf32, #tpu.memory_space<vmem>>[vector<16xi32>, vector<16xi32>], vector<16xf32>,
      %mul3A_477 = arith.constant 16 : i32
      %mul3A_478 = arith.muli %add3A_423, %mul3A_477 : i32
      %add3A_479 = arith.constant 2 : i32
      %add3A_480 = arith.addi %mul3A_478, %add3A_479 : i32
      %broadcast_in_dim3A_481 = arith.constant 2 : i32
      %broadcast_in_dim3A_482 = vector.broadcast %broadcast_in_dim3A_481 : i32 to vector<16xi32>
      %mul3A_483 = arith.constant 48 : i32
      %mul3A_484 = arith.muli %add3A_480, %mul3A_483 : i32
      %add3A_485 = arith.constant 0 : i32
      %add3A_486 = arith.addi %mul3A_484, %add3A_485 : i32
      %get3A_487 = arith.index_cast %add3A_486 : i32 to index
      %get3A_488 = tpu.vector_load %arg5[%get3A_487] {strides = array<i32>} : memref<18432xi32, #tpu.memory_space<vmem>>, vector<16xi32>,
      tpu.vector_store_idx %arg7[%broadcast_in_dim3A_482, %get3A_488], %broadcast_in_dim3A_7 : memref<16x2048xf32, #tpu.memory_space<vmem>>[vector<16xi32>, vector<16xi32>], vector<16xf32>,
      %mul3A_489 = arith.constant 48 : i32
      %mul3A_490 = arith.muli %add3A_480, %mul3A_489 : i32
      %add3A_491 = arith.constant 16 : i32
      %add3A_492 = arith.addi %mul3A_490, %add3A_491 : i32
      %get3A_493 = arith.index_cast %add3A_492 : i32 to index
      %get3A_494 = tpu.vector_load %arg5[%get3A_493] {strides = array<i32>} : memref<18432xi32, #tpu.memory_space<vmem>>, vector<16xi32>,
      tpu.vector_store_idx %arg7[%broadcast_in_dim3A_482, %get3A_494], %broadcast_in_dim3A_7 : memref<16x2048xf32, #tpu.memory_space<vmem>>[vector<16xi32>, vector<16xi32>], vector<16xf32>,
      %mul3A_495 = arith.constant 48 : i32
      %mul3A_496 = arith.muli %add3A_480, %mul3A_495 : i32
      %add3A_497 = arith.constant 32 : i32
      %add3A_498 = arith.addi %mul3A_496, %add3A_497 : i32
      %get3A_499 = arith.index_cast %add3A_498 : i32 to index
      %get3A_500 = tpu.vector_load %arg5[%get3A_499] {strides = array<i32>} : memref<18432xi32, #tpu.memory_space<vmem>>, vector<16xi32>,
      tpu.vector_store_idx %arg7[%broadcast_in_dim3A_482, %get3A_500], %broadcast_in_dim3A_7 : memref<16x2048xf32, #tpu.memory_space<vmem>>[vector<16xi32>, vector<16xi32>], vector<16xf32>,
      %mul3A_501 = arith.constant 16 : i32
      %mul3A_502 = arith.muli %add3A_423, %mul3A_501 : i32
      %add3A_503 = arith.constant 3 : i32
      %add3A_504 = arith.addi %mul3A_502, %add3A_503 : i32
      %broadcast_in_dim3A_505 = arith.constant 3 : i32
      %broadcast_in_dim3A_506 = vector.broadcast %broadcast_in_dim3A_505 : i32 to vector<16xi32>
      %mul3A_507 = arith.constant 48 : i32
      %mul3A_508 = arith.muli %add3A_504, %mul3A_507 : i32
      %add3A_509 = arith.constant 0 : i32
      %add3A_510 = arith.addi %mul3A_508, %add3A_509 : i32
      %get3A_511 = arith.index_cast %add3A_510 : i32 to index
      %get3A_512 = tpu.vector_load %arg5[%get3A_511] {strides = array<i32>} : memref<18432xi32, #tpu.memory_space<vmem>>, vector<16xi32>,
      tpu.vector_store_idx %arg7[%broadcast_in_dim3A_506, %get3A_512], %broadcast_in_dim3A_7 : memref<16x2048xf32, #tpu.memory_space<vmem>>[vector<16xi32>, vector<16xi32>], vector<16xf32>,
      %mul3A_513 = arith.constant 48 : i32
      %mul3A_514 = arith.muli %add3A_504, %mul3A_513 : i32
      %add3A_515 = arith.constant 16 : i32
      %add3A_516 = arith.addi %mul3A_514, %add3A_515 : i32
      %get3A_517 = arith.index_cast %add3A_516 : i32 to index
      %get3A_518 = tpu.vector_load %arg5[%get3A_517] {strides = array<i32>} : memref<18432xi32, #tpu.memory_space<vmem>>, vector<16xi32>,
      tpu.vector_store_idx %arg7[%broadcast_in_dim3A_506, %get3A_518], %broadcast_in_dim3A_7 : memref<16x2048xf32, #tpu.memory_space<vmem>>[vector<16xi32>, vector<16xi32>], vector<16xf32>,
      %mul3A_519 = arith.constant 48 : i32
      %mul3A_520 = arith.muli %add3A_504, %mul3A_519 : i32
      %add3A_521 = arith.constant 32 : i32
      %add3A_522 = arith.addi %mul3A_520, %add3A_521 : i32
      %get3A_523 = arith.index_cast %add3A_522 : i32 to index
      %get3A_524 = tpu.vector_load %arg5[%get3A_523] {strides = array<i32>} : memref<18432xi32, #tpu.memory_space<vmem>>, vector<16xi32>,
      tpu.vector_store_idx %arg7[%broadcast_in_dim3A_506, %get3A_524], %broadcast_in_dim3A_7 : memref<16x2048xf32, #tpu.memory_space<vmem>>[vector<16xi32>, vector<16xi32>], vector<16xf32>,
      %mul3A_525 = arith.constant 16 : i32
      %mul3A_526 = arith.muli %add3A_423, %mul3A_525 : i32
      %add3A_527 = arith.constant 4 : i32
      %add3A_528 = arith.addi %mul3A_526, %add3A_527 : i32
      %broadcast_in_dim3A_529 = arith.constant 4 : i32
      %broadcast_in_dim3A_530 = vector.broadcast %broadcast_in_dim3A_529 : i32 to vector<16xi32>
      %mul3A_531 = arith.constant 48 : i32
      %mul3A_532 = arith.muli %add3A_528, %mul3A_531 : i32
      %add3A_533 = arith.constant 0 : i32
      %add3A_534 = arith.addi %mul3A_532, %add3A_533 : i32
      %get3A_535 = arith.index_cast %add3A_534 : i32 to index
      %get3A_536 = tpu.vector_load %arg5[%get3A_535] {strides = array<i32>} : memref<18432xi32, #tpu.memory_space<vmem>>, vector<16xi32>,
      tpu.vector_store_idx %arg7[%broadcast_in_dim3A_530, %get3A_536], %broadcast_in_dim3A_7 : memref<16x2048xf32, #tpu.memory_space<vmem>>[vector<16xi32>, vector<16xi32>], vector<16xf32>,
      %mul3A_537 = arith.constant 48 : i32
      %mul3A_538 = arith.muli %add3A_528, %mul3A_537 : i32
      %add3A_539 = arith.constant 16 : i32
      %add3A_540 = arith.addi %mul3A_538, %add3A_539 : i32
      %get3A_541 = arith.index_cast %add3A_540 : i32 to index
      %get3A_542 = tpu.vector_load %arg5[%get3A_541] {strides = array<i32>} : memref<18432xi32, #tpu.memory_space<vmem>>, vector<16xi32>,
      tpu.vector_store_idx %arg7[%broadcast_in_dim3A_530, %get3A_542], %broadcast_in_dim3A_7 : memref<16x2048xf32, #tpu.memory_space<vmem>>[vector<16xi32>, vector<16xi32>], vector<16xf32>,
      %mul3A_543 = arith.constant 48 : i32
      %mul3A_544 = arith.muli %add3A_528, %mul3A_543 : i32
      %add3A_545 = arith.constant 32 : i32
      %add3A_546 = arith.addi %mul3A_544, %add3A_545 : i32
      %get3A_547 = arith.index_cast %add3A_546 : i32 to index
      %get3A_548 = tpu.vector_load %arg5[%get3A_547] {strides = array<i32>} : memref<18432xi32, #tpu.memory_space<vmem>>, vector<16xi32>,
      tpu.vector_store_idx %arg7[%broadcast_in_dim3A_530, %get3A_548], %broadcast_in_dim3A_7 : memref<16x2048xf32, #tpu.memory_space<vmem>>[vector<16xi32>, vector<16xi32>], vector<16xf32>,
      %mul3A_549 = arith.constant 16 : i32
      %mul3A_550 = arith.muli %add3A_423, %mul3A_549 : i32
      %add3A_551 = arith.constant 5 : i32
      %add3A_552 = arith.addi %mul3A_550, %add3A_551 : i32
      %broadcast_in_dim3A_553 = arith.constant 5 : i32
      %broadcast_in_dim3A_554 = vector.broadcast %broadcast_in_dim3A_553 : i32 to vector<16xi32>
      %mul3A_555 = arith.constant 48 : i32
      %mul3A_556 = arith.muli %add3A_552, %mul3A_555 : i32
      %add3A_557 = arith.constant 0 : i32
      %add3A_558 = arith.addi %mul3A_556, %add3A_557 : i32
      %get3A_559 = arith.index_cast %add3A_558 : i32 to index
      %get3A_560 = tpu.vector_load %arg5[%get3A_559] {strides = array<i32>} : memref<18432xi32, #tpu.memory_space<vmem>>, vector<16xi32>,
      tpu.vector_store_idx %arg7[%broadcast_in_dim3A_554, %get3A_560], %broadcast_in_dim3A_7 : memref<16x2048xf32, #tpu.memory_space<vmem>>[vector<16xi32>, vector<16xi32>], vector<16xf32>,
      %mul3A_561 = arith.constant 48 : i32
      %mul3A_562 = arith.muli %add3A_552, %mul3A_561 : i32
      %add3A_563 = arith.constant 16 : i32
      %add3A_564 = arith.addi %mul3A_562, %add3A_563 : i32
      %get3A_565 = arith.index_cast %add3A_564 : i32 to index
      %get3A_566 = tpu.vector_load %arg5[%get3A_565] {strides = array<i32>} : memref<18432xi32, #tpu.memory_space<vmem>>, vector<16xi32>,
      tpu.vector_store_idx %arg7[%broadcast_in_dim3A_554, %get3A_566], %broadcast_in_dim3A_7 : memref<16x2048xf32, #tpu.memory_space<vmem>>[vector<16xi32>, vector<16xi32>], vector<16xf32>,
      %mul3A_567 = arith.constant 48 : i32
      %mul3A_568 = arith.muli %add3A_552, %mul3A_567 : i32
      %add3A_569 = arith.constant 32 : i32
      %add3A_570 = arith.addi %mul3A_568, %add3A_569 : i32
      %get3A_571 = arith.index_cast %add3A_570 : i32 to index
      %get3A_572 = tpu.vector_load %arg5[%get3A_571] {strides = array<i32>} : memref<18432xi32, #tpu.memory_space<vmem>>, vector<16xi32>,
      tpu.vector_store_idx %arg7[%broadcast_in_dim3A_554, %get3A_572], %broadcast_in_dim3A_7 : memref<16x2048xf32, #tpu.memory_space<vmem>>[vector<16xi32>, vector<16xi32>], vector<16xf32>,
      %mul3A_573 = arith.constant 16 : i32
      %mul3A_574 = arith.muli %add3A_423, %mul3A_573 : i32
      %add3A_575 = arith.constant 6 : i32
      %add3A_576 = arith.addi %mul3A_574, %add3A_575 : i32
      %broadcast_in_dim3A_577 = arith.constant 6 : i32
      %broadcast_in_dim3A_578 = vector.broadcast %broadcast_in_dim3A_577 : i32 to vector<16xi32>
      %mul3A_579 = arith.constant 48 : i32
      %mul3A_580 = arith.muli %add3A_576, %mul3A_579 : i32
      %add3A_581 = arith.constant 0 : i32
      %add3A_582 = arith.addi %mul3A_580, %add3A_581 : i32
      %get3A_583 = arith.index_cast %add3A_582 : i32 to index
      %get3A_584 = tpu.vector_load %arg5[%get3A_583] {strides = array<i32>} : memref<18432xi32, #tpu.memory_space<vmem>>, vector<16xi32>,
      tpu.vector_store_idx %arg7[%broadcast_in_dim3A_578, %get3A_584], %broadcast_in_dim3A_7 : memref<16x2048xf32, #tpu.memory_space<vmem>>[vector<16xi32>, vector<16xi32>], vector<16xf32>,
      %mul3A_585 = arith.constant 48 : i32
      %mul3A_586 = arith.muli %add3A_576, %mul3A_585 : i32
      %add3A_587 = arith.constant 16 : i32
      %add3A_588 = arith.addi %mul3A_586, %add3A_587 : i32
      %get3A_589 = arith.index_cast %add3A_588 : i32 to index
      %get3A_590 = tpu.vector_load %arg5[%get3A_589] {strides = array<i32>} : memref<18432xi32, #tpu.memory_space<vmem>>, vector<16xi32>,
      tpu.vector_store_idx %arg7[%broadcast_in_dim3A_578, %get3A_590], %broadcast_in_dim3A_7 : memref<16x2048xf32, #tpu.memory_space<vmem>>[vector<16xi32>, vector<16xi32>], vector<16xf32>,
      %mul3A_591 = arith.constant 48 : i32
      %mul3A_592 = arith.muli %add3A_576, %mul3A_591 : i32
      %add3A_593 = arith.constant 32 : i32
      %add3A_594 = arith.addi %mul3A_592, %add3A_593 : i32
      %get3A_595 = arith.index_cast %add3A_594 : i32 to index
      %get3A_596 = tpu.vector_load %arg5[%get3A_595] {strides = array<i32>} : memref<18432xi32, #tpu.memory_space<vmem>>, vector<16xi32>,
      tpu.vector_store_idx %arg7[%broadcast_in_dim3A_578, %get3A_596], %broadcast_in_dim3A_7 : memref<16x2048xf32, #tpu.memory_space<vmem>>[vector<16xi32>, vector<16xi32>], vector<16xf32>,
      %mul3A_597 = arith.constant 16 : i32
      %mul3A_598 = arith.muli %add3A_423, %mul3A_597 : i32
      %add3A_599 = arith.constant 7 : i32
      %add3A_600 = arith.addi %mul3A_598, %add3A_599 : i32
      %broadcast_in_dim3A_601 = arith.constant 7 : i32
      %broadcast_in_dim3A_602 = vector.broadcast %broadcast_in_dim3A_601 : i32 to vector<16xi32>
      %mul3A_603 = arith.constant 48 : i32
      %mul3A_604 = arith.muli %add3A_600, %mul3A_603 : i32
      %add3A_605 = arith.constant 0 : i32
      %add3A_606 = arith.addi %mul3A_604, %add3A_605 : i32
      %get3A_607 = arith.index_cast %add3A_606 : i32 to index
      %get3A_608 = tpu.vector_load %arg5[%get3A_607] {strides = array<i32>} : memref<18432xi32, #tpu.memory_space<vmem>>, vector<16xi32>,
      tpu.vector_store_idx %arg7[%broadcast_in_dim3A_602, %get3A_608], %broadcast_in_dim3A_7 : memref<16x2048xf32, #tpu.memory_space<vmem>>[vector<16xi32>, vector<16xi32>], vector<16xf32>,
      %mul3A_609 = arith.constant 48 : i32
      %mul3A_610 = arith.muli %add3A_600, %mul3A_609 : i32
      %add3A_611 = arith.constant 16 : i32
      %add3A_612 = arith.addi %mul3A_610, %add3A_611 : i32
      %get3A_613 = arith.index_cast %add3A_612 : i32 to index
      %get3A_614 = tpu.vector_load %arg5[%get3A_613] {strides = array<i32>} : memref<18432xi32, #tpu.memory_space<vmem>>, vector<16xi32>,
      tpu.vector_store_idx %arg7[%broadcast_in_dim3A_602, %get3A_614], %broadcast_in_dim3A_7 : memref<16x2048xf32, #tpu.memory_space<vmem>>[vector<16xi32>, vector<16xi32>], vector<16xf32>,
      %mul3A_615 = arith.constant 48 : i32
      %mul3A_616 = arith.muli %add3A_600, %mul3A_615 : i32
      %add3A_617 = arith.constant 32 : i32
      %add3A_618 = arith.addi %mul3A_616, %add3A_617 : i32
      %get3A_619 = arith.index_cast %add3A_618 : i32 to index
      %get3A_620 = tpu.vector_load %arg5[%get3A_619] {strides = array<i32>} : memref<18432xi32, #tpu.memory_space<vmem>>, vector<16xi32>,
      tpu.vector_store_idx %arg7[%broadcast_in_dim3A_602, %get3A_620], %broadcast_in_dim3A_7 : memref<16x2048xf32, #tpu.memory_space<vmem>>[vector<16xi32>, vector<16xi32>], vector<16xf32>,
      %mul3A_621 = arith.constant 16 : i32
      %mul3A_622 = arith.muli %add3A_423, %mul3A_621 : i32
      %add3A_623 = arith.constant 8 : i32
      %add3A_624 = arith.addi %mul3A_622, %add3A_623 : i32
      %broadcast_in_dim3A_625 = arith.constant 8 : i32
      %broadcast_in_dim3A_626 = vector.broadcast %broadcast_in_dim3A_625 : i32 to vector<16xi32>
      %mul3A_627 = arith.constant 48 : i32
      %mul3A_628 = arith.muli %add3A_624, %mul3A_627 : i32
      %add3A_629 = arith.constant 0 : i32
      %add3A_630 = arith.addi %mul3A_628, %add3A_629 : i32
      %get3A_631 = arith.index_cast %add3A_630 : i32 to index
      %get3A_632 = tpu.vector_load %arg5[%get3A_631] {strides = array<i32>} : memref<18432xi32, #tpu.memory_space<vmem>>, vector<16xi32>,
      tpu.vector_store_idx %arg7[%broadcast_in_dim3A_626, %get3A_632], %broadcast_in_dim3A_7 : memref<16x2048xf32, #tpu.memory_space<vmem>>[vector<16xi32>, vector<16xi32>], vector<16xf32>,
      %mul3A_633 = arith.constant 48 : i32
      %mul3A_634 = arith.muli %add3A_624, %mul3A_633 : i32
      %add3A_635 = arith.constant 16 : i32
      %add3A_636 = arith.addi %mul3A_634, %add3A_635 : i32
      %get3A_637 = arith.index_cast %add3A_636 : i32 to index
      %get3A_638 = tpu.vector_load %arg5[%get3A_637] {strides = array<i32>} : memref<18432xi32, #tpu.memory_space<vmem>>, vector<16xi32>,
      tpu.vector_store_idx %arg7[%broadcast_in_dim3A_626, %get3A_638], %broadcast_in_dim3A_7 : memref<16x2048xf32, #tpu.memory_space<vmem>>[vector<16xi32>, vector<16xi32>], vector<16xf32>,
      %mul3A_639 = arith.constant 48 : i32
      %mul3A_640 = arith.muli %add3A_624, %mul3A_639 : i32
      %add3A_641 = arith.constant 32 : i32
      %add3A_642 = arith.addi %mul3A_640, %add3A_641 : i32
      %get3A_643 = arith.index_cast %add3A_642 : i32 to index
      %get3A_644 = tpu.vector_load %arg5[%get3A_643] {strides = array<i32>} : memref<18432xi32, #tpu.memory_space<vmem>>, vector<16xi32>,
      tpu.vector_store_idx %arg7[%broadcast_in_dim3A_626, %get3A_644], %broadcast_in_dim3A_7 : memref<16x2048xf32, #tpu.memory_space<vmem>>[vector<16xi32>, vector<16xi32>], vector<16xf32>,
      %mul3A_645 = arith.constant 16 : i32
      %mul3A_646 = arith.muli %add3A_423, %mul3A_645 : i32
      %add3A_647 = arith.constant 9 : i32
      %add3A_648 = arith.addi %mul3A_646, %add3A_647 : i32
      %broadcast_in_dim3A_649 = arith.constant 9 : i32
      %broadcast_in_dim3A_650 = vector.broadcast %broadcast_in_dim3A_649 : i32 to vector<16xi32>
      %mul3A_651 = arith.constant 48 : i32
      %mul3A_652 = arith.muli %add3A_648, %mul3A_651 : i32
      %add3A_653 = arith.constant 0 : i32
      %add3A_654 = arith.addi %mul3A_652, %add3A_653 : i32
      %get3A_655 = arith.index_cast %add3A_654 : i32 to index
      %get3A_656 = tpu.vector_load %arg5[%get3A_655] {strides = array<i32>} : memref<18432xi32, #tpu.memory_space<vmem>>, vector<16xi32>,
      tpu.vector_store_idx %arg7[%broadcast_in_dim3A_650, %get3A_656], %broadcast_in_dim3A_7 : memref<16x2048xf32, #tpu.memory_space<vmem>>[vector<16xi32>, vector<16xi32>], vector<16xf32>,
      %mul3A_657 = arith.constant 48 : i32
      %mul3A_658 = arith.muli %add3A_648, %mul3A_657 : i32
      %add3A_659 = arith.constant 16 : i32
      %add3A_660 = arith.addi %mul3A_658, %add3A_659 : i32
      %get3A_661 = arith.index_cast %add3A_660 : i32 to index
      %get3A_662 = tpu.vector_load %arg5[%get3A_661] {strides = array<i32>} : memref<18432xi32, #tpu.memory_space<vmem>>, vector<16xi32>,
      tpu.vector_store_idx %arg7[%broadcast_in_dim3A_650, %get3A_662], %broadcast_in_dim3A_7 : memref<16x2048xf32, #tpu.memory_space<vmem>>[vector<16xi32>, vector<16xi32>], vector<16xf32>,
      %mul3A_663 = arith.constant 48 : i32
      %mul3A_664 = arith.muli %add3A_648, %mul3A_663 : i32
      %add3A_665 = arith.constant 32 : i32
      %add3A_666 = arith.addi %mul3A_664, %add3A_665 : i32
      %get3A_667 = arith.index_cast %add3A_666 : i32 to index
      %get3A_668 = tpu.vector_load %arg5[%get3A_667] {strides = array<i32>} : memref<18432xi32, #tpu.memory_space<vmem>>, vector<16xi32>,
      tpu.vector_store_idx %arg7[%broadcast_in_dim3A_650, %get3A_668], %broadcast_in_dim3A_7 : memref<16x2048xf32, #tpu.memory_space<vmem>>[vector<16xi32>, vector<16xi32>], vector<16xf32>,
      %mul3A_669 = arith.constant 16 : i32
      %mul3A_670 = arith.muli %add3A_423, %mul3A_669 : i32
      %add3A_671 = arith.constant 10 : i32
      %add3A_672 = arith.addi %mul3A_670, %add3A_671 : i32
      %broadcast_in_dim3A_673 = arith.constant 10 : i32
      %broadcast_in_dim3A_674 = vector.broadcast %broadcast_in_dim3A_673 : i32 to vector<16xi32>
      %mul3A_675 = arith.constant 48 : i32
      %mul3A_676 = arith.muli %add3A_672, %mul3A_675 : i32
      %add3A_677 = arith.constant 0 : i32
      %add3A_678 = arith.addi %mul3A_676, %add3A_677 : i32
      %get3A_679 = arith.index_cast %add3A_678 : i32 to index
      %get3A_680 = tpu.vector_load %arg5[%get3A_679] {strides = array<i32>} : memref<18432xi32, #tpu.memory_space<vmem>>, vector<16xi32>,
      tpu.vector_store_idx %arg7[%broadcast_in_dim3A_674, %get3A_680], %broadcast_in_dim3A_7 : memref<16x2048xf32, #tpu.memory_space<vmem>>[vector<16xi32>, vector<16xi32>], vector<16xf32>,
      %mul3A_681 = arith.constant 48 : i32
      %mul3A_682 = arith.muli %add3A_672, %mul3A_681 : i32
      %add3A_683 = arith.constant 16 : i32
      %add3A_684 = arith.addi %mul3A_682, %add3A_683 : i32
      %get3A_685 = arith.index_cast %add3A_684 : i32 to index
      %get3A_686 = tpu.vector_load %arg5[%get3A_685] {strides = array<i32>} : memref<18432xi32, #tpu.memory_space<vmem>>, vector<16xi32>,
      tpu.vector_store_idx %arg7[%broadcast_in_dim3A_674, %get3A_686], %broadcast_in_dim3A_7 : memref<16x2048xf32, #tpu.memory_space<vmem>>[vector<16xi32>, vector<16xi32>], vector<16xf32>,
      %mul3A_687 = arith.constant 48 : i32
      %mul3A_688 = arith.muli %add3A_672, %mul3A_687 : i32
      %add3A_689 = arith.constant 32 : i32
      %add3A_690 = arith.addi %mul3A_688, %add3A_689 : i32
      %get3A_691 = arith.index_cast %add3A_690 : i32 to index
      %get3A_692 = tpu.vector_load %arg5[%get3A_691] {strides = array<i32>} : memref<18432xi32, #tpu.memory_space<vmem>>, vector<16xi32>,
      tpu.vector_store_idx %arg7[%broadcast_in_dim3A_674, %get3A_692], %broadcast_in_dim3A_7 : memref<16x2048xf32, #tpu.memory_space<vmem>>[vector<16xi32>, vector<16xi32>], vector<16xf32>,
      %mul3A_693 = arith.constant 16 : i32
      %mul3A_694 = arith.muli %add3A_423, %mul3A_693 : i32
      %add3A_695 = arith.constant 11 : i32
      %add3A_696 = arith.addi %mul3A_694, %add3A_695 : i32
      %broadcast_in_dim3A_697 = arith.constant 11 : i32
      %broadcast_in_dim3A_698 = vector.broadcast %broadcast_in_dim3A_697 : i32 to vector<16xi32>
      %mul3A_699 = arith.constant 48 : i32
      %mul3A_700 = arith.muli %add3A_696, %mul3A_699 : i32
      %add3A_701 = arith.constant 0 : i32
      %add3A_702 = arith.addi %mul3A_700, %add3A_701 : i32
      %get3A_703 = arith.index_cast %add3A_702 : i32 to index
      %get3A_704 = tpu.vector_load %arg5[%get3A_703] {strides = array<i32>} : memref<18432xi32, #tpu.memory_space<vmem>>, vector<16xi32>,
      tpu.vector_store_idx %arg7[%broadcast_in_dim3A_698, %get3A_704], %broadcast_in_dim3A_7 : memref<16x2048xf32, #tpu.memory_space<vmem>>[vector<16xi32>, vector<16xi32>], vector<16xf32>,
      %mul3A_705 = arith.constant 48 : i32
      %mul3A_706 = arith.muli %add3A_696, %mul3A_705 : i32
      %add3A_707 = arith.constant 16 : i32
      %add3A_708 = arith.addi %mul3A_706, %add3A_707 : i32
      %get3A_709 = arith.index_cast %add3A_708 : i32 to index
      %get3A_710 = tpu.vector_load %arg5[%get3A_709] {strides = array<i32>} : memref<18432xi32, #tpu.memory_space<vmem>>, vector<16xi32>,
      tpu.vector_store_idx %arg7[%broadcast_in_dim3A_698, %get3A_710], %broadcast_in_dim3A_7 : memref<16x2048xf32, #tpu.memory_space<vmem>>[vector<16xi32>, vector<16xi32>], vector<16xf32>,
      %mul3A_711 = arith.constant 48 : i32
      %mul3A_712 = arith.muli %add3A_696, %mul3A_711 : i32
      %add3A_713 = arith.constant 32 : i32
      %add3A_714 = arith.addi %mul3A_712, %add3A_713 : i32
      %get3A_715 = arith.index_cast %add3A_714 : i32 to index
      %get3A_716 = tpu.vector_load %arg5[%get3A_715] {strides = array<i32>} : memref<18432xi32, #tpu.memory_space<vmem>>, vector<16xi32>,
      tpu.vector_store_idx %arg7[%broadcast_in_dim3A_698, %get3A_716], %broadcast_in_dim3A_7 : memref<16x2048xf32, #tpu.memory_space<vmem>>[vector<16xi32>, vector<16xi32>], vector<16xf32>,
      %mul3A_717 = arith.constant 16 : i32
      %mul3A_718 = arith.muli %add3A_423, %mul3A_717 : i32
      %add3A_719 = arith.constant 12 : i32
      %add3A_720 = arith.addi %mul3A_718, %add3A_719 : i32
      %broadcast_in_dim3A_721 = arith.constant 12 : i32
      %broadcast_in_dim3A_722 = vector.broadcast %broadcast_in_dim3A_721 : i32 to vector<16xi32>
      %mul3A_723 = arith.constant 48 : i32
      %mul3A_724 = arith.muli %add3A_720, %mul3A_723 : i32
      %add3A_725 = arith.constant 0 : i32
      %add3A_726 = arith.addi %mul3A_724, %add3A_725 : i32
      %get3A_727 = arith.index_cast %add3A_726 : i32 to index
      %get3A_728 = tpu.vector_load %arg5[%get3A_727] {strides = array<i32>} : memref<18432xi32, #tpu.memory_space<vmem>>, vector<16xi32>,
      tpu.vector_store_idx %arg7[%broadcast_in_dim3A_722, %get3A_728], %broadcast_in_dim3A_7 : memref<16x2048xf32, #tpu.memory_space<vmem>>[vector<16xi32>, vector<16xi32>], vector<16xf32>,
      %mul3A_729 = arith.constant 48 : i32
      %mul3A_730 = arith.muli %add3A_720, %mul3A_729 : i32
      %add3A_731 = arith.constant 16 : i32
      %add3A_732 = arith.addi %mul3A_730, %add3A_731 : i32
      %get3A_733 = arith.index_cast %add3A_732 : i32 to index
      %get3A_734 = tpu.vector_load %arg5[%get3A_733] {strides = array<i32>} : memref<18432xi32, #tpu.memory_space<vmem>>, vector<16xi32>,
      tpu.vector_store_idx %arg7[%broadcast_in_dim3A_722, %get3A_734], %broadcast_in_dim3A_7 : memref<16x2048xf32, #tpu.memory_space<vmem>>[vector<16xi32>, vector<16xi32>], vector<16xf32>,
      %mul3A_735 = arith.constant 48 : i32
      %mul3A_736 = arith.muli %add3A_720, %mul3A_735 : i32
      %add3A_737 = arith.constant 32 : i32
      %add3A_738 = arith.addi %mul3A_736, %add3A_737 : i32
      %get3A_739 = arith.index_cast %add3A_738 : i32 to index
      %get3A_740 = tpu.vector_load %arg5[%get3A_739] {strides = array<i32>} : memref<18432xi32, #tpu.memory_space<vmem>>, vector<16xi32>,
      tpu.vector_store_idx %arg7[%broadcast_in_dim3A_722, %get3A_740], %broadcast_in_dim3A_7 : memref<16x2048xf32, #tpu.memory_space<vmem>>[vector<16xi32>, vector<16xi32>], vector<16xf32>,
      %mul3A_741 = arith.constant 16 : i32
      %mul3A_742 = arith.muli %add3A_423, %mul3A_741 : i32
      %add3A_743 = arith.constant 13 : i32
      %add3A_744 = arith.addi %mul3A_742, %add3A_743 : i32
      %broadcast_in_dim3A_745 = arith.constant 13 : i32
      %broadcast_in_dim3A_746 = vector.broadcast %broadcast_in_dim3A_745 : i32 to vector<16xi32>
      %mul3A_747 = arith.constant 48 : i32
      %mul3A_748 = arith.muli %add3A_744, %mul3A_747 : i32
      %add3A_749 = arith.constant 0 : i32
      %add3A_750 = arith.addi %mul3A_748, %add3A_749 : i32
      %get3A_751 = arith.index_cast %add3A_750 : i32 to index
      %get3A_752 = tpu.vector_load %arg5[%get3A_751] {strides = array<i32>} : memref<18432xi32, #tpu.memory_space<vmem>>, vector<16xi32>,
      tpu.vector_store_idx %arg7[%broadcast_in_dim3A_746, %get3A_752], %broadcast_in_dim3A_7 : memref<16x2048xf32, #tpu.memory_space<vmem>>[vector<16xi32>, vector<16xi32>], vector<16xf32>,
      %mul3A_753 = arith.constant 48 : i32
      %mul3A_754 = arith.muli %add3A_744, %mul3A_753 : i32
      %add3A_755 = arith.constant 16 : i32
      %add3A_756 = arith.addi %mul3A_754, %add3A_755 : i32
      %get3A_757 = arith.index_cast %add3A_756 : i32 to index
      %get3A_758 = tpu.vector_load %arg5[%get3A_757] {strides = array<i32>} : memref<18432xi32, #tpu.memory_space<vmem>>, vector<16xi32>,
      tpu.vector_store_idx %arg7[%broadcast_in_dim3A_746, %get3A_758], %broadcast_in_dim3A_7 : memref<16x2048xf32, #tpu.memory_space<vmem>>[vector<16xi32>, vector<16xi32>], vector<16xf32>,
      %mul3A_759 = arith.constant 48 : i32
      %mul3A_760 = arith.muli %add3A_744, %mul3A_759 : i32
      %add3A_761 = arith.constant 32 : i32
      %add3A_762 = arith.addi %mul3A_760, %add3A_761 : i32
      %get3A_763 = arith.index_cast %add3A_762 : i32 to index
      %get3A_764 = tpu.vector_load %arg5[%get3A_763] {strides = array<i32>} : memref<18432xi32, #tpu.memory_space<vmem>>, vector<16xi32>,
      tpu.vector_store_idx %arg7[%broadcast_in_dim3A_746, %get3A_764], %broadcast_in_dim3A_7 : memref<16x2048xf32, #tpu.memory_space<vmem>>[vector<16xi32>, vector<16xi32>], vector<16xf32>,
      %mul3A_765 = arith.constant 16 : i32
      %mul3A_766 = arith.muli %add3A_423, %mul3A_765 : i32
      %add3A_767 = arith.constant 14 : i32
      %add3A_768 = arith.addi %mul3A_766, %add3A_767 : i32
      %broadcast_in_dim3A_769 = arith.constant 14 : i32
      %broadcast_in_dim3A_770 = vector.broadcast %broadcast_in_dim3A_769 : i32 to vector<16xi32>
      %mul3A_771 = arith.constant 48 : i32
      %mul3A_772 = arith.muli %add3A_768, %mul3A_771 : i32
      %add3A_773 = arith.constant 0 : i32
      %add3A_774 = arith.addi %mul3A_772, %add3A_773 : i32
      %get3A_775 = arith.index_cast %add3A_774 : i32 to index
      %get3A_776 = tpu.vector_load %arg5[%get3A_775] {strides = array<i32>} : memref<18432xi32, #tpu.memory_space<vmem>>, vector<16xi32>,
      tpu.vector_store_idx %arg7[%broadcast_in_dim3A_770, %get3A_776], %broadcast_in_dim3A_7 : memref<16x2048xf32, #tpu.memory_space<vmem>>[vector<16xi32>, vector<16xi32>], vector<16xf32>,
      %mul3A_777 = arith.constant 48 : i32
      %mul3A_778 = arith.muli %add3A_768, %mul3A_777 : i32
      %add3A_779 = arith.constant 16 : i32
      %add3A_780 = arith.addi %mul3A_778, %add3A_779 : i32
      %get3A_781 = arith.index_cast %add3A_780 : i32 to index
      %get3A_782 = tpu.vector_load %arg5[%get3A_781] {strides = array<i32>} : memref<18432xi32, #tpu.memory_space<vmem>>, vector<16xi32>,
      tpu.vector_store_idx %arg7[%broadcast_in_dim3A_770, %get3A_782], %broadcast_in_dim3A_7 : memref<16x2048xf32, #tpu.memory_space<vmem>>[vector<16xi32>, vector<16xi32>], vector<16xf32>,
      %mul3A_783 = arith.constant 48 : i32
      %mul3A_784 = arith.muli %add3A_768, %mul3A_783 : i32
      %add3A_785 = arith.constant 32 : i32
      %add3A_786 = arith.addi %mul3A_784, %add3A_785 : i32
      %get3A_787 = arith.index_cast %add3A_786 : i32 to index
      %get3A_788 = tpu.vector_load %arg5[%get3A_787] {strides = array<i32>} : memref<18432xi32, #tpu.memory_space<vmem>>, vector<16xi32>,
      tpu.vector_store_idx %arg7[%broadcast_in_dim3A_770, %get3A_788], %broadcast_in_dim3A_7 : memref<16x2048xf32, #tpu.memory_space<vmem>>[vector<16xi32>, vector<16xi32>], vector<16xf32>,
      %mul3A_789 = arith.constant 16 : i32
      %mul3A_790 = arith.muli %add3A_423, %mul3A_789 : i32
      %add3A_791 = arith.constant 15 : i32
      %add3A_792 = arith.addi %mul3A_790, %add3A_791 : i32
      %broadcast_in_dim3A_793 = arith.constant 15 : i32
      %broadcast_in_dim3A_794 = vector.broadcast %broadcast_in_dim3A_793 : i32 to vector<16xi32>
      %mul3A_795 = arith.constant 48 : i32
      %mul3A_796 = arith.muli %add3A_792, %mul3A_795 : i32
      %add3A_797 = arith.constant 0 : i32
      %add3A_798 = arith.addi %mul3A_796, %add3A_797 : i32
      %get3A_799 = arith.index_cast %add3A_798 : i32 to index
      %get3A_800 = tpu.vector_load %arg5[%get3A_799] {strides = array<i32>} : memref<18432xi32, #tpu.memory_space<vmem>>, vector<16xi32>,
      tpu.vector_store_idx %arg7[%broadcast_in_dim3A_794, %get3A_800], %broadcast_in_dim3A_7 : memref<16x2048xf32, #tpu.memory_space<vmem>>[vector<16xi32>, vector<16xi32>], vector<16xf32>,
      %mul3A_801 = arith.constant 48 : i32
      %mul3A_802 = arith.muli %add3A_792, %mul3A_801 : i32
      %add3A_803 = arith.constant 16 : i32
      %add3A_804 = arith.addi %mul3A_802, %add3A_803 : i32
      %get3A_805 = arith.index_cast %add3A_804 : i32 to index
      %get3A_806 = tpu.vector_load %arg5[%get3A_805] {strides = array<i32>} : memref<18432xi32, #tpu.memory_space<vmem>>, vector<16xi32>,
      tpu.vector_store_idx %arg7[%broadcast_in_dim3A_794, %get3A_806], %broadcast_in_dim3A_7 : memref<16x2048xf32, #tpu.memory_space<vmem>>[vector<16xi32>, vector<16xi32>], vector<16xf32>,
      %mul3A_807 = arith.constant 48 : i32
      %mul3A_808 = arith.muli %add3A_792, %mul3A_807 : i32
      %add3A_809 = arith.constant 32 : i32
      %add3A_810 = arith.addi %mul3A_808, %add3A_809 : i32
      %get3A_811 = arith.index_cast %add3A_810 : i32 to index
      %get3A_812 = tpu.vector_load %arg5[%get3A_811] {strides = array<i32>} : memref<18432xi32, #tpu.memory_space<vmem>>, vector<16xi32>,
      tpu.vector_store_idx %arg7[%broadcast_in_dim3A_794, %get3A_812], %broadcast_in_dim3A_7 : memref<16x2048xf32, #tpu.memory_space<vmem>>[vector<16xi32>, vector<16xi32>], vector<16xf32>,
      %mul3A_813 = arith.constant 16 : i32
      %mul3A_814 = arith.muli %add3A_423, %mul3A_813 : i32
      %add3A_815 = arith.addi %mul3A_2, %mul3A_814 : i32
      %dma_start3A_816 = arith.constant 0 : i32
      %dma_start3A_817 = tpu.memref_slice %arg4[%add3A_815, %dma_start3A_816] : memref<12288x2048xf32, #tpu.memory_space<hbm>> -> memref<16x2048xf32, #tpu.memory_space<hbm>>
      %dma_start3A_818 = arith.constant 0 : i32
      %dma_start3A_819 = tpu.memref_slice %arg4[%add3A_815, %dma_start3A_818] : memref<12288x2048xf32, #tpu.memory_space<hbm>> -> memref<16x2048xf32, #tpu.memory_space<hbm>>
      tpu.enqueue_dma source(%arg7 : memref<16x2048xf32, #tpu.memory_space<vmem>>) target(%dma_start3A_819 : memref<16x2048xf32, #tpu.memory_space<hbm>>) target_semaphore(%arg9 : memref<!tpu.dma_semaphore, #tpu.memory_space<semaphore_mem>>)
    }
    %scan3A_12 = arith.constant 12 : i32
    %dma_wait3A = arith.constant 0 : i32
    %dma_wait3A_13 = arith.constant 0 : i32
    %dma_wait3A_14 = tpu.memref_slice %arg4[%dma_wait3A, %dma_wait3A_13] : memref<12288x2048xf32, #tpu.memory_space<hbm>> -> memref<16x2048xf32, #tpu.memory_space<hbm>>
    %dma_wait3A_15 = arith.constant 0 : i32
    %dma_wait3A_16 = arith.constant 0 : i32
    %dma_wait3A_17 = tpu.memref_slice %arg4[%dma_wait3A_15, %dma_wait3A_16] : memref<12288x2048xf32, #tpu.memory_space<hbm>> -> memref<16x2048xf32, #tpu.memory_space<hbm>>
    tpu.wait_dma2 semaphore(%arg8 : memref<!tpu.dma_semaphore, #tpu.memory_space<semaphore_mem>>) src(%arg6 : memref<16x2048xf32, #tpu.memory_space<vmem>>) dst(%dma_wait3A_17 : memref<16x2048xf32, #tpu.memory_space<hbm>>)
    %dma_wait3A_18 = arith.constant 0 : i32
    %dma_wait3A_19 = arith.constant 0 : i32
    %dma_wait3A_20 = tpu.memref_slice %arg4[%dma_wait3A_18, %dma_wait3A_19] : memref<12288x2048xf32, #tpu.memory_space<hbm>> -> memref<16x2048xf32, #tpu.memory_space<hbm>>
    %dma_wait3A_21 = arith.constant 0 : i32
    %dma_wait3A_22 = arith.constant 0 : i32
    %dma_wait3A_23 = tpu.memref_slice %arg4[%dma_wait3A_21, %dma_wait3A_22] : memref<12288x2048xf32, #tpu.memory_space<hbm>> -> memref<16x2048xf32, #tpu.memory_space<hbm>>
    tpu.wait_dma2 semaphore(%arg9 : memref<!tpu.dma_semaphore, #tpu.memory_space<semaphore_mem>>) src(%arg7 : memref<16x2048xf32, #tpu.memory_space<vmem>>) dst(%dma_wait3A_23 : memref<16x2048xf32, #tpu.memory_space<hbm>>)
    return
  }
}

#map = affine_map<(d0, d1) -> (0)>
#map1 = affine_map<(d0, d1) -> (0, 0)>
module attributes {stable_mosaic.version = 14 : i64} {
  func.func @_sc_scatter_body(%arg0: i32, %arg1: i32, %arg2: memref<196608xi32, #tpu.memory_space<hbm>>, %arg3: memref<16x2048xf32, #tpu.memory_space<hbm>>, %arg4: memref<4096x2048xf32, #tpu.memory_space<hbm>>, %arg5: memref<6144xi32, #tpu.memory_space<vmem>>, %arg6: memref<16x2048xf32, #tpu.memory_space<vmem>>, %arg7: memref<16x2048xf32, #tpu.memory_space<vmem>>, %arg8: memref<!tpu.dma_semaphore, #tpu.memory_space<semaphore_mem>>, %arg9: memref<!tpu.dma_semaphore, #tpu.memory_space<semaphore_mem>>) attributes {dimension_semantics = [#tpu.dimension_semantics<core_parallel>, #tpu.dimension_semantics<subcore_parallel>], iteration_bounds = array<i64: 2, 16>, scalar_prefetch = 0 : i64, scratch_operands = 5 : i64, tpu.core_type = #tpu.core_type<sc_vector_subcore>, window_params = [{transform_indices = #map}, {transform_indices = #map1}, {transform_indices = #map1}]} {
    %mul3A = arith.constant 2 : i32
    %mul3A_0 = arith.muli %arg1, %mul3A : i32
    %add3A = arith.addi %mul3A_0, %arg0 : i32
    %mul3A_1 = arith.constant 128 : i32
    %mul3A_2 = arith.muli %add3A, %mul3A_1 : i32
    %mul3A_3 = arith.constant 48 : i32
    %mul3A_4 = arith.muli %mul3A_2, %mul3A_3 : i32
    "tpu.region"() ({
      %run_scoped3A = tpu.sem_alloc : memref<!tpu.dma_semaphore, #tpu.memory_space<semaphore_mem>>
      %dma_start3A = tpu.memref_slice %arg2[%mul3A_4] : memref<196608xi32, #tpu.memory_space<hbm>> -> memref<6144xi32, #tpu.memory_space<hbm>>
      %dma_start3A_24 = tpu.memref_slice %arg2[%mul3A_4] : memref<196608xi32, #tpu.memory_space<hbm>> -> memref<6144xi32, #tpu.memory_space<hbm>>
      tpu.enqueue_dma source(%dma_start3A_24 : memref<6144xi32, #tpu.memory_space<hbm>>) target(%arg5 : memref<6144xi32, #tpu.memory_space<vmem>>) target_semaphore(%run_scoped3A : memref<!tpu.dma_semaphore, #tpu.memory_space<semaphore_mem>>)
      %dma_wait3A_25 = tpu.memref_slice %arg2[%mul3A_4] : memref<196608xi32, #tpu.memory_space<hbm>> -> memref<6144xi32, #tpu.memory_space<hbm>>
      %dma_wait3A_26 = tpu.memref_slice %arg2[%mul3A_4] : memref<196608xi32, #tpu.memory_space<hbm>> -> memref<6144xi32, #tpu.memory_space<hbm>>
      tpu.wait_dma2 semaphore(%run_scoped3A : memref<!tpu.dma_semaphore, #tpu.memory_space<semaphore_mem>>) src(%dma_wait3A_26 : memref<6144xi32, #tpu.memory_space<hbm>>) dst(%arg5 : memref<6144xi32, #tpu.memory_space<vmem>>)
      tpu.yield
    }) : () -> ()
    "tpu.region"() ({
      %run_scoped3A = tpu.sem_alloc : memref<!tpu.dma_semaphore, #tpu.memory_space<semaphore_mem>>
      tpu.enqueue_dma source(%arg3 : memref<16x2048xf32, #tpu.memory_space<hbm>>) target(%arg6 : memref<16x2048xf32, #tpu.memory_space<vmem>>) target_semaphore(%run_scoped3A : memref<!tpu.dma_semaphore, #tpu.memory_space<semaphore_mem>>)
      tpu.wait_dma2 semaphore(%run_scoped3A : memref<!tpu.dma_semaphore, #tpu.memory_space<semaphore_mem>>) src(%arg3 : memref<16x2048xf32, #tpu.memory_space<hbm>>) dst(%arg6 : memref<16x2048xf32, #tpu.memory_space<vmem>>)
      tpu.yield
    }) : () -> ()
    "tpu.region"() ({
      %run_scoped3A = tpu.sem_alloc : memref<!tpu.dma_semaphore, #tpu.memory_space<semaphore_mem>>
      tpu.enqueue_dma source(%arg3 : memref<16x2048xf32, #tpu.memory_space<hbm>>) target(%arg7 : memref<16x2048xf32, #tpu.memory_space<vmem>>) target_semaphore(%run_scoped3A : memref<!tpu.dma_semaphore, #tpu.memory_space<semaphore_mem>>)
      tpu.wait_dma2 semaphore(%run_scoped3A : memref<!tpu.dma_semaphore, #tpu.memory_space<semaphore_mem>>) src(%arg3 : memref<16x2048xf32, #tpu.memory_space<hbm>>) dst(%arg7 : memref<16x2048xf32, #tpu.memory_space<vmem>>)
      tpu.yield
    }) : () -> ()
    %broadcast_in_dim3A = arith.constant 0.000000e+00 : f32
    %broadcast_in_dim3A_5 = vector.broadcast %broadcast_in_dim3A : f32 to vector<16xf32>
    %broadcast_in_dim3A_6 = arith.constant 1.000000e+00 : f32
    %broadcast_in_dim3A_7 = vector.broadcast %broadcast_in_dim3A_6 : f32 to vector<16xf32>
    %scan3A = arith.constant 0 : i32
    %scan3A_8 = arith.constant 0 : i32
    %scan3A_9 = arith.constant 4 : i32
    %scan3A_10 = arith.addi %scan3A_8, %scan3A_9 : i32
    %scan3A_11 = arith.constant 1 : i32
    scf.for %scan3A_24 = %scan3A_8 to %scan3A_10 step %scan3A_11  : i32 {
      %mul3A_25 = arith.constant 2 : i32
      %mul3A_26 = arith.muli %scan3A_24, %mul3A_25 : i32
      %add3A_27 = arith.constant 0 : i32
      %add3A_28 = arith.addi %mul3A_26, %add3A_27 : i32
      %gt3A = arith.constant 0 : i32
      %gt3A_29 = arith.cmpi sgt, %scan3A_24, %gt3A : i32
      %convert_element_type3A = arith.extui %gt3A_29 : i1 to i32
      %cond3A = arith.constant 0 : i32
      %cond3A_30 = arith.cmpi ne, %convert_element_type3A, %cond3A : i32
      scf.if %cond3A_30 {
        %dma_wait3A_820 = arith.constant 0 : i32
        %dma_wait3A_821 = arith.constant 0 : i32
        %dma_wait3A_822 = tpu.memref_slice %arg4[%dma_wait3A_820, %dma_wait3A_821] : memref<4096x2048xf32, #tpu.memory_space<hbm>> -> memref<16x2048xf32, #tpu.memory_space<hbm>>
        %dma_wait3A_823 = arith.constant 0 : i32
        %dma_wait3A_824 = arith.constant 0 : i32
        %dma_wait3A_825 = tpu.memref_slice %arg4[%dma_wait3A_823, %dma_wait3A_824] : memref<4096x2048xf32, #tpu.memory_space<hbm>> -> memref<16x2048xf32, #tpu.memory_space<hbm>>
        tpu.wait_dma2 semaphore(%arg8 : memref<!tpu.dma_semaphore, #tpu.memory_space<semaphore_mem>>) src(%arg6 : memref<16x2048xf32, #tpu.memory_space<vmem>>) dst(%dma_wait3A_825 : memref<16x2048xf32, #tpu.memory_space<hbm>>)
        %sub3A = arith.constant 2 : i32
        %sub3A_826 = arith.subi %add3A_28, %sub3A : i32
        %mul3A_827 = arith.constant 16 : i32
        %mul3A_828 = arith.muli %sub3A_826, %mul3A_827 : i32
        %add3A_829 = arith.constant 0 : i32
        %add3A_830 = arith.addi %mul3A_828, %add3A_829 : i32
        %broadcast_in_dim3A_831 = arith.constant 0 : i32
        %broadcast_in_dim3A_832 = vector.broadcast %broadcast_in_dim3A_831 : i32 to vector<16xi32>
        %mul3A_833 = arith.constant 48 : i32
        %mul3A_834 = arith.muli %add3A_830, %mul3A_833 : i32
        %add3A_835 = arith.constant 0 : i32
        %add3A_836 = arith.addi %mul3A_834, %add3A_835 : i32
        %get3A_837 = arith.index_cast %add3A_836 : i32 to index
        %get3A_838 = tpu.vector_load %arg5[%get3A_837] {strides = array<i32>} : memref<6144xi32, #tpu.memory_space<vmem>>, vector<16xi32>,
        tpu.vector_store_idx %arg6[%broadcast_in_dim3A_832, %get3A_838], %broadcast_in_dim3A_5 : memref<16x2048xf32, #tpu.memory_space<vmem>>[vector<16xi32>, vector<16xi32>], vector<16xf32>,
        %mul3A_839 = arith.constant 48 : i32
        %mul3A_840 = arith.muli %add3A_830, %mul3A_839 : i32
        %add3A_841 = arith.constant 16 : i32
        %add3A_842 = arith.addi %mul3A_840, %add3A_841 : i32
        %get3A_843 = arith.index_cast %add3A_842 : i32 to index
        %get3A_844 = tpu.vector_load %arg5[%get3A_843] {strides = array<i32>} : memref<6144xi32, #tpu.memory_space<vmem>>, vector<16xi32>,
        tpu.vector_store_idx %arg6[%broadcast_in_dim3A_832, %get3A_844], %broadcast_in_dim3A_5 : memref<16x2048xf32, #tpu.memory_space<vmem>>[vector<16xi32>, vector<16xi32>], vector<16xf32>,
        %mul3A_845 = arith.constant 48 : i32
        %mul3A_846 = arith.muli %add3A_830, %mul3A_845 : i32
        %add3A_847 = arith.constant 32 : i32
        %add3A_848 = arith.addi %mul3A_846, %add3A_847 : i32
        %get3A_849 = arith.index_cast %add3A_848 : i32 to index
        %get3A_850 = tpu.vector_load %arg5[%get3A_849] {strides = array<i32>} : memref<6144xi32, #tpu.memory_space<vmem>>, vector<16xi32>,
        tpu.vector_store_idx %arg6[%broadcast_in_dim3A_832, %get3A_850], %broadcast_in_dim3A_5 : memref<16x2048xf32, #tpu.memory_space<vmem>>[vector<16xi32>, vector<16xi32>], vector<16xf32>,
        %mul3A_851 = arith.constant 16 : i32
        %mul3A_852 = arith.muli %sub3A_826, %mul3A_851 : i32
        %add3A_853 = arith.constant 1 : i32
        %add3A_854 = arith.addi %mul3A_852, %add3A_853 : i32
        %broadcast_in_dim3A_855 = arith.constant 1 : i32
        %broadcast_in_dim3A_856 = vector.broadcast %broadcast_in_dim3A_855 : i32 to vector<16xi32>
        %mul3A_857 = arith.constant 48 : i32
        %mul3A_858 = arith.muli %add3A_854, %mul3A_857 : i32
        %add3A_859 = arith.constant 0 : i32
        %add3A_860 = arith.addi %mul3A_858, %add3A_859 : i32
        %get3A_861 = arith.index_cast %add3A_860 : i32 to index
        %get3A_862 = tpu.vector_load %arg5[%get3A_861] {strides = array<i32>} : memref<6144xi32, #tpu.memory_space<vmem>>, vector<16xi32>,
        tpu.vector_store_idx %arg6[%broadcast_in_dim3A_856, %get3A_862], %broadcast_in_dim3A_5 : memref<16x2048xf32, #tpu.memory_space<vmem>>[vector<16xi32>, vector<16xi32>], vector<16xf32>,
        %mul3A_863 = arith.constant 48 : i32
        %mul3A_864 = arith.muli %add3A_854, %mul3A_863 : i32
        %add3A_865 = arith.constant 16 : i32
        %add3A_866 = arith.addi %mul3A_864, %add3A_865 : i32
        %get3A_867 = arith.index_cast %add3A_866 : i32 to index
        %get3A_868 = tpu.vector_load %arg5[%get3A_867] {strides = array<i32>} : memref<6144xi32, #tpu.memory_space<vmem>>, vector<16xi32>,
        tpu.vector_store_idx %arg6[%broadcast_in_dim3A_856, %get3A_868], %broadcast_in_dim3A_5 : memref<16x2048xf32, #tpu.memory_space<vmem>>[vector<16xi32>, vector<16xi32>], vector<16xf32>,
        %mul3A_869 = arith.constant 48 : i32
        %mul3A_870 = arith.muli %add3A_854, %mul3A_869 : i32
        %add3A_871 = arith.constant 32 : i32
        %add3A_872 = arith.addi %mul3A_870, %add3A_871 : i32
        %get3A_873 = arith.index_cast %add3A_872 : i32 to index
        %get3A_874 = tpu.vector_load %arg5[%get3A_873] {strides = array<i32>} : memref<6144xi32, #tpu.memory_space<vmem>>, vector<16xi32>,
        tpu.vector_store_idx %arg6[%broadcast_in_dim3A_856, %get3A_874], %broadcast_in_dim3A_5 : memref<16x2048xf32, #tpu.memory_space<vmem>>[vector<16xi32>, vector<16xi32>], vector<16xf32>,
        %mul3A_875 = arith.constant 16 : i32
        %mul3A_876 = arith.muli %sub3A_826, %mul3A_875 : i32
        %add3A_877 = arith.constant 2 : i32
        %add3A_878 = arith.addi %mul3A_876, %add3A_877 : i32
        %broadcast_in_dim3A_879 = arith.constant 2 : i32
        %broadcast_in_dim3A_880 = vector.broadcast %broadcast_in_dim3A_879 : i32 to vector<16xi32>
        %mul3A_881 = arith.constant 48 : i32
        %mul3A_882 = arith.muli %add3A_878, %mul3A_881 : i32
        %add3A_883 = arith.constant 0 : i32
        %add3A_884 = arith.addi %mul3A_882, %add3A_883 : i32
        %get3A_885 = arith.index_cast %add3A_884 : i32 to index
        %get3A_886 = tpu.vector_load %arg5[%get3A_885] {strides = array<i32>} : memref<6144xi32, #tpu.memory_space<vmem>>, vector<16xi32>,
        tpu.vector_store_idx %arg6[%broadcast_in_dim3A_880, %get3A_886], %broadcast_in_dim3A_5 : memref<16x2048xf32, #tpu.memory_space<vmem>>[vector<16xi32>, vector<16xi32>], vector<16xf32>,
        %mul3A_887 = arith.constant 48 : i32
        %mul3A_888 = arith.muli %add3A_878, %mul3A_887 : i32
        %add3A_889 = arith.constant 16 : i32
        %add3A_890 = arith.addi %mul3A_888, %add3A_889 : i32
        %get3A_891 = arith.index_cast %add3A_890 : i32 to index
        %get3A_892 = tpu.vector_load %arg5[%get3A_891] {strides = array<i32>} : memref<6144xi32, #tpu.memory_space<vmem>>, vector<16xi32>,
        tpu.vector_store_idx %arg6[%broadcast_in_dim3A_880, %get3A_892], %broadcast_in_dim3A_5 : memref<16x2048xf32, #tpu.memory_space<vmem>>[vector<16xi32>, vector<16xi32>], vector<16xf32>,
        %mul3A_893 = arith.constant 48 : i32
        %mul3A_894 = arith.muli %add3A_878, %mul3A_893 : i32
        %add3A_895 = arith.constant 32 : i32
        %add3A_896 = arith.addi %mul3A_894, %add3A_895 : i32
        %get3A_897 = arith.index_cast %add3A_896 : i32 to index
        %get3A_898 = tpu.vector_load %arg5[%get3A_897] {strides = array<i32>} : memref<6144xi32, #tpu.memory_space<vmem>>, vector<16xi32>,
        tpu.vector_store_idx %arg6[%broadcast_in_dim3A_880, %get3A_898], %broadcast_in_dim3A_5 : memref<16x2048xf32, #tpu.memory_space<vmem>>[vector<16xi32>, vector<16xi32>], vector<16xf32>,
        %mul3A_899 = arith.constant 16 : i32
        %mul3A_900 = arith.muli %sub3A_826, %mul3A_899 : i32
        %add3A_901 = arith.constant 3 : i32
        %add3A_902 = arith.addi %mul3A_900, %add3A_901 : i32
        %broadcast_in_dim3A_903 = arith.constant 3 : i32
        %broadcast_in_dim3A_904 = vector.broadcast %broadcast_in_dim3A_903 : i32 to vector<16xi32>
        %mul3A_905 = arith.constant 48 : i32
        %mul3A_906 = arith.muli %add3A_902, %mul3A_905 : i32
        %add3A_907 = arith.constant 0 : i32
        %add3A_908 = arith.addi %mul3A_906, %add3A_907 : i32
        %get3A_909 = arith.index_cast %add3A_908 : i32 to index
        %get3A_910 = tpu.vector_load %arg5[%get3A_909] {strides = array<i32>} : memref<6144xi32, #tpu.memory_space<vmem>>, vector<16xi32>,
        tpu.vector_store_idx %arg6[%broadcast_in_dim3A_904, %get3A_910], %broadcast_in_dim3A_5 : memref<16x2048xf32, #tpu.memory_space<vmem>>[vector<16xi32>, vector<16xi32>], vector<16xf32>,
        %mul3A_911 = arith.constant 48 : i32
        %mul3A_912 = arith.muli %add3A_902, %mul3A_911 : i32
        %add3A_913 = arith.constant 16 : i32
        %add3A_914 = arith.addi %mul3A_912, %add3A_913 : i32
        %get3A_915 = arith.index_cast %add3A_914 : i32 to index
        %get3A_916 = tpu.vector_load %arg5[%get3A_915] {strides = array<i32>} : memref<6144xi32, #tpu.memory_space<vmem>>, vector<16xi32>,
        tpu.vector_store_idx %arg6[%broadcast_in_dim3A_904, %get3A_916], %broadcast_in_dim3A_5 : memref<16x2048xf32, #tpu.memory_space<vmem>>[vector<16xi32>, vector<16xi32>], vector<16xf32>,
        %mul3A_917 = arith.constant 48 : i32
        %mul3A_918 = arith.muli %add3A_902, %mul3A_917 : i32
        %add3A_919 = arith.constant 32 : i32
        %add3A_920 = arith.addi %mul3A_918, %add3A_919 : i32
        %get3A_921 = arith.index_cast %add3A_920 : i32 to index
        %get3A_922 = tpu.vector_load %arg5[%get3A_921] {strides = array<i32>} : memref<6144xi32, #tpu.memory_space<vmem>>, vector<16xi32>,
        tpu.vector_store_idx %arg6[%broadcast_in_dim3A_904, %get3A_922], %broadcast_in_dim3A_5 : memref<16x2048xf32, #tpu.memory_space<vmem>>[vector<16xi32>, vector<16xi32>], vector<16xf32>,
        %mul3A_923 = arith.constant 16 : i32
        %mul3A_924 = arith.muli %sub3A_826, %mul3A_923 : i32
        %add3A_925 = arith.constant 4 : i32
        %add3A_926 = arith.addi %mul3A_924, %add3A_925 : i32
        %broadcast_in_dim3A_927 = arith.constant 4 : i32
        %broadcast_in_dim3A_928 = vector.broadcast %broadcast_in_dim3A_927 : i32 to vector<16xi32>
        %mul3A_929 = arith.constant 48 : i32
        %mul3A_930 = arith.muli %add3A_926, %mul3A_929 : i32
        %add3A_931 = arith.constant 0 : i32
        %add3A_932 = arith.addi %mul3A_930, %add3A_931 : i32
        %get3A_933 = arith.index_cast %add3A_932 : i32 to index
        %get3A_934 = tpu.vector_load %arg5[%get3A_933] {strides = array<i32>} : memref<6144xi32, #tpu.memory_space<vmem>>, vector<16xi32>,
        tpu.vector_store_idx %arg6[%broadcast_in_dim3A_928, %get3A_934], %broadcast_in_dim3A_5 : memref<16x2048xf32, #tpu.memory_space<vmem>>[vector<16xi32>, vector<16xi32>], vector<16xf32>,
        %mul3A_935 = arith.constant 48 : i32
        %mul3A_936 = arith.muli %add3A_926, %mul3A_935 : i32
        %add3A_937 = arith.constant 16 : i32
        %add3A_938 = arith.addi %mul3A_936, %add3A_937 : i32
        %get3A_939 = arith.index_cast %add3A_938 : i32 to index
        %get3A_940 = tpu.vector_load %arg5[%get3A_939] {strides = array<i32>} : memref<6144xi32, #tpu.memory_space<vmem>>, vector<16xi32>,
        tpu.vector_store_idx %arg6[%broadcast_in_dim3A_928, %get3A_940], %broadcast_in_dim3A_5 : memref<16x2048xf32, #tpu.memory_space<vmem>>[vector<16xi32>, vector<16xi32>], vector<16xf32>,
        %mul3A_941 = arith.constant 48 : i32
        %mul3A_942 = arith.muli %add3A_926, %mul3A_941 : i32
        %add3A_943 = arith.constant 32 : i32
        %add3A_944 = arith.addi %mul3A_942, %add3A_943 : i32
        %get3A_945 = arith.index_cast %add3A_944 : i32 to index
        %get3A_946 = tpu.vector_load %arg5[%get3A_945] {strides = array<i32>} : memref<6144xi32, #tpu.memory_space<vmem>>, vector<16xi32>,
        tpu.vector_store_idx %arg6[%broadcast_in_dim3A_928, %get3A_946], %broadcast_in_dim3A_5 : memref<16x2048xf32, #tpu.memory_space<vmem>>[vector<16xi32>, vector<16xi32>], vector<16xf32>,
        %mul3A_947 = arith.constant 16 : i32
        %mul3A_948 = arith.muli %sub3A_826, %mul3A_947 : i32
        %add3A_949 = arith.constant 5 : i32
        %add3A_950 = arith.addi %mul3A_948, %add3A_949 : i32
        %broadcast_in_dim3A_951 = arith.constant 5 : i32
        %broadcast_in_dim3A_952 = vector.broadcast %broadcast_in_dim3A_951 : i32 to vector<16xi32>
        %mul3A_953 = arith.constant 48 : i32
        %mul3A_954 = arith.muli %add3A_950, %mul3A_953 : i32
        %add3A_955 = arith.constant 0 : i32
        %add3A_956 = arith.addi %mul3A_954, %add3A_955 : i32
        %get3A_957 = arith.index_cast %add3A_956 : i32 to index
        %get3A_958 = tpu.vector_load %arg5[%get3A_957] {strides = array<i32>} : memref<6144xi32, #tpu.memory_space<vmem>>, vector<16xi32>,
        tpu.vector_store_idx %arg6[%broadcast_in_dim3A_952, %get3A_958], %broadcast_in_dim3A_5 : memref<16x2048xf32, #tpu.memory_space<vmem>>[vector<16xi32>, vector<16xi32>], vector<16xf32>,
        %mul3A_959 = arith.constant 48 : i32
        %mul3A_960 = arith.muli %add3A_950, %mul3A_959 : i32
        %add3A_961 = arith.constant 16 : i32
        %add3A_962 = arith.addi %mul3A_960, %add3A_961 : i32
        %get3A_963 = arith.index_cast %add3A_962 : i32 to index
        %get3A_964 = tpu.vector_load %arg5[%get3A_963] {strides = array<i32>} : memref<6144xi32, #tpu.memory_space<vmem>>, vector<16xi32>,
        tpu.vector_store_idx %arg6[%broadcast_in_dim3A_952, %get3A_964], %broadcast_in_dim3A_5 : memref<16x2048xf32, #tpu.memory_space<vmem>>[vector<16xi32>, vector<16xi32>], vector<16xf32>,
        %mul3A_965 = arith.constant 48 : i32
        %mul3A_966 = arith.muli %add3A_950, %mul3A_965 : i32
        %add3A_967 = arith.constant 32 : i32
        %add3A_968 = arith.addi %mul3A_966, %add3A_967 : i32
        %get3A_969 = arith.index_cast %add3A_968 : i32 to index
        %get3A_970 = tpu.vector_load %arg5[%get3A_969] {strides = array<i32>} : memref<6144xi32, #tpu.memory_space<vmem>>, vector<16xi32>,
        tpu.vector_store_idx %arg6[%broadcast_in_dim3A_952, %get3A_970], %broadcast_in_dim3A_5 : memref<16x2048xf32, #tpu.memory_space<vmem>>[vector<16xi32>, vector<16xi32>], vector<16xf32>,
        %mul3A_971 = arith.constant 16 : i32
        %mul3A_972 = arith.muli %sub3A_826, %mul3A_971 : i32
        %add3A_973 = arith.constant 6 : i32
        %add3A_974 = arith.addi %mul3A_972, %add3A_973 : i32
        %broadcast_in_dim3A_975 = arith.constant 6 : i32
        %broadcast_in_dim3A_976 = vector.broadcast %broadcast_in_dim3A_975 : i32 to vector<16xi32>
        %mul3A_977 = arith.constant 48 : i32
        %mul3A_978 = arith.muli %add3A_974, %mul3A_977 : i32
        %add3A_979 = arith.constant 0 : i32
        %add3A_980 = arith.addi %mul3A_978, %add3A_979 : i32
        %get3A_981 = arith.index_cast %add3A_980 : i32 to index
        %get3A_982 = tpu.vector_load %arg5[%get3A_981] {strides = array<i32>} : memref<6144xi32, #tpu.memory_space<vmem>>, vector<16xi32>,
        tpu.vector_store_idx %arg6[%broadcast_in_dim3A_976, %get3A_982], %broadcast_in_dim3A_5 : memref<16x2048xf32, #tpu.memory_space<vmem>>[vector<16xi32>, vector<16xi32>], vector<16xf32>,
        %mul3A_983 = arith.constant 48 : i32
        %mul3A_984 = arith.muli %add3A_974, %mul3A_983 : i32
        %add3A_985 = arith.constant 16 : i32
        %add3A_986 = arith.addi %mul3A_984, %add3A_985 : i32
        %get3A_987 = arith.index_cast %add3A_986 : i32 to index
        %get3A_988 = tpu.vector_load %arg5[%get3A_987] {strides = array<i32>} : memref<6144xi32, #tpu.memory_space<vmem>>, vector<16xi32>,
        tpu.vector_store_idx %arg6[%broadcast_in_dim3A_976, %get3A_988], %broadcast_in_dim3A_5 : memref<16x2048xf32, #tpu.memory_space<vmem>>[vector<16xi32>, vector<16xi32>], vector<16xf32>,
        %mul3A_989 = arith.constant 48 : i32
        %mul3A_990 = arith.muli %add3A_974, %mul3A_989 : i32
        %add3A_991 = arith.constant 32 : i32
        %add3A_992 = arith.addi %mul3A_990, %add3A_991 : i32
        %get3A_993 = arith.index_cast %add3A_992 : i32 to index
        %get3A_994 = tpu.vector_load %arg5[%get3A_993] {strides = array<i32>} : memref<6144xi32, #tpu.memory_space<vmem>>, vector<16xi32>,
        tpu.vector_store_idx %arg6[%broadcast_in_dim3A_976, %get3A_994], %broadcast_in_dim3A_5 : memref<16x2048xf32, #tpu.memory_space<vmem>>[vector<16xi32>, vector<16xi32>], vector<16xf32>,
        %mul3A_995 = arith.constant 16 : i32
        %mul3A_996 = arith.muli %sub3A_826, %mul3A_995 : i32
        %add3A_997 = arith.constant 7 : i32
        %add3A_998 = arith.addi %mul3A_996, %add3A_997 : i32
        %broadcast_in_dim3A_999 = arith.constant 7 : i32
        %broadcast_in_dim3A_1000 = vector.broadcast %broadcast_in_dim3A_999 : i32 to vector<16xi32>
        %mul3A_1001 = arith.constant 48 : i32
        %mul3A_1002 = arith.muli %add3A_998, %mul3A_1001 : i32
        %add3A_1003 = arith.constant 0 : i32
        %add3A_1004 = arith.addi %mul3A_1002, %add3A_1003 : i32
        %get3A_1005 = arith.index_cast %add3A_1004 : i32 to index
        %get3A_1006 = tpu.vector_load %arg5[%get3A_1005] {strides = array<i32>} : memref<6144xi32, #tpu.memory_space<vmem>>, vector<16xi32>,
        tpu.vector_store_idx %arg6[%broadcast_in_dim3A_1000, %get3A_1006], %broadcast_in_dim3A_5 : memref<16x2048xf32, #tpu.memory_space<vmem>>[vector<16xi32>, vector<16xi32>], vector<16xf32>,
        %mul3A_1007 = arith.constant 48 : i32
        %mul3A_1008 = arith.muli %add3A_998, %mul3A_1007 : i32
        %add3A_1009 = arith.constant 16 : i32
        %add3A_1010 = arith.addi %mul3A_1008, %add3A_1009 : i32
        %get3A_1011 = arith.index_cast %add3A_1010 : i32 to index
        %get3A_1012 = tpu.vector_load %arg5[%get3A_1011] {strides = array<i32>} : memref<6144xi32, #tpu.memory_space<vmem>>, vector<16xi32>,
        tpu.vector_store_idx %arg6[%broadcast_in_dim3A_1000, %get3A_1012], %broadcast_in_dim3A_5 : memref<16x2048xf32, #tpu.memory_space<vmem>>[vector<16xi32>, vector<16xi32>], vector<16xf32>,
        %mul3A_1013 = arith.constant 48 : i32
        %mul3A_1014 = arith.muli %add3A_998, %mul3A_1013 : i32
        %add3A_1015 = arith.constant 32 : i32
        %add3A_1016 = arith.addi %mul3A_1014, %add3A_1015 : i32
        %get3A_1017 = arith.index_cast %add3A_1016 : i32 to index
        %get3A_1018 = tpu.vector_load %arg5[%get3A_1017] {strides = array<i32>} : memref<6144xi32, #tpu.memory_space<vmem>>, vector<16xi32>,
        tpu.vector_store_idx %arg6[%broadcast_in_dim3A_1000, %get3A_1018], %broadcast_in_dim3A_5 : memref<16x2048xf32, #tpu.memory_space<vmem>>[vector<16xi32>, vector<16xi32>], vector<16xf32>,
        %mul3A_1019 = arith.constant 16 : i32
        %mul3A_1020 = arith.muli %sub3A_826, %mul3A_1019 : i32
        %add3A_1021 = arith.constant 8 : i32
        %add3A_1022 = arith.addi %mul3A_1020, %add3A_1021 : i32
        %broadcast_in_dim3A_1023 = arith.constant 8 : i32
        %broadcast_in_dim3A_1024 = vector.broadcast %broadcast_in_dim3A_1023 : i32 to vector<16xi32>
        %mul3A_1025 = arith.constant 48 : i32
        %mul3A_1026 = arith.muli %add3A_1022, %mul3A_1025 : i32
        %add3A_1027 = arith.constant 0 : i32
        %add3A_1028 = arith.addi %mul3A_1026, %add3A_1027 : i32
        %get3A_1029 = arith.index_cast %add3A_1028 : i32 to index
        %get3A_1030 = tpu.vector_load %arg5[%get3A_1029] {strides = array<i32>} : memref<6144xi32, #tpu.memory_space<vmem>>, vector<16xi32>,
        tpu.vector_store_idx %arg6[%broadcast_in_dim3A_1024, %get3A_1030], %broadcast_in_dim3A_5 : memref<16x2048xf32, #tpu.memory_space<vmem>>[vector<16xi32>, vector<16xi32>], vector<16xf32>,
        %mul3A_1031 = arith.constant 48 : i32
        %mul3A_1032 = arith.muli %add3A_1022, %mul3A_1031 : i32
        %add3A_1033 = arith.constant 16 : i32
        %add3A_1034 = arith.addi %mul3A_1032, %add3A_1033 : i32
        %get3A_1035 = arith.index_cast %add3A_1034 : i32 to index
        %get3A_1036 = tpu.vector_load %arg5[%get3A_1035] {strides = array<i32>} : memref<6144xi32, #tpu.memory_space<vmem>>, vector<16xi32>,
        tpu.vector_store_idx %arg6[%broadcast_in_dim3A_1024, %get3A_1036], %broadcast_in_dim3A_5 : memref<16x2048xf32, #tpu.memory_space<vmem>>[vector<16xi32>, vector<16xi32>], vector<16xf32>,
        %mul3A_1037 = arith.constant 48 : i32
        %mul3A_1038 = arith.muli %add3A_1022, %mul3A_1037 : i32
        %add3A_1039 = arith.constant 32 : i32
        %add3A_1040 = arith.addi %mul3A_1038, %add3A_1039 : i32
        %get3A_1041 = arith.index_cast %add3A_1040 : i32 to index
        %get3A_1042 = tpu.vector_load %arg5[%get3A_1041] {strides = array<i32>} : memref<6144xi32, #tpu.memory_space<vmem>>, vector<16xi32>,
        tpu.vector_store_idx %arg6[%broadcast_in_dim3A_1024, %get3A_1042], %broadcast_in_dim3A_5 : memref<16x2048xf32, #tpu.memory_space<vmem>>[vector<16xi32>, vector<16xi32>], vector<16xf32>,
        %mul3A_1043 = arith.constant 16 : i32
        %mul3A_1044 = arith.muli %sub3A_826, %mul3A_1043 : i32
        %add3A_1045 = arith.constant 9 : i32
        %add3A_1046 = arith.addi %mul3A_1044, %add3A_1045 : i32
        %broadcast_in_dim3A_1047 = arith.constant 9 : i32
        %broadcast_in_dim3A_1048 = vector.broadcast %broadcast_in_dim3A_1047 : i32 to vector<16xi32>
        %mul3A_1049 = arith.constant 48 : i32
        %mul3A_1050 = arith.muli %add3A_1046, %mul3A_1049 : i32
        %add3A_1051 = arith.constant 0 : i32
        %add3A_1052 = arith.addi %mul3A_1050, %add3A_1051 : i32
        %get3A_1053 = arith.index_cast %add3A_1052 : i32 to index
        %get3A_1054 = tpu.vector_load %arg5[%get3A_1053] {strides = array<i32>} : memref<6144xi32, #tpu.memory_space<vmem>>, vector<16xi32>,
        tpu.vector_store_idx %arg6[%broadcast_in_dim3A_1048, %get3A_1054], %broadcast_in_dim3A_5 : memref<16x2048xf32, #tpu.memory_space<vmem>>[vector<16xi32>, vector<16xi32>], vector<16xf32>,
        %mul3A_1055 = arith.constant 48 : i32
        %mul3A_1056 = arith.muli %add3A_1046, %mul3A_1055 : i32
        %add3A_1057 = arith.constant 16 : i32
        %add3A_1058 = arith.addi %mul3A_1056, %add3A_1057 : i32
        %get3A_1059 = arith.index_cast %add3A_1058 : i32 to index
        %get3A_1060 = tpu.vector_load %arg5[%get3A_1059] {strides = array<i32>} : memref<6144xi32, #tpu.memory_space<vmem>>, vector<16xi32>,
        tpu.vector_store_idx %arg6[%broadcast_in_dim3A_1048, %get3A_1060], %broadcast_in_dim3A_5 : memref<16x2048xf32, #tpu.memory_space<vmem>>[vector<16xi32>, vector<16xi32>], vector<16xf32>,
        %mul3A_1061 = arith.constant 48 : i32
        %mul3A_1062 = arith.muli %add3A_1046, %mul3A_1061 : i32
        %add3A_1063 = arith.constant 32 : i32
        %add3A_1064 = arith.addi %mul3A_1062, %add3A_1063 : i32
        %get3A_1065 = arith.index_cast %add3A_1064 : i32 to index
        %get3A_1066 = tpu.vector_load %arg5[%get3A_1065] {strides = array<i32>} : memref<6144xi32, #tpu.memory_space<vmem>>, vector<16xi32>,
        tpu.vector_store_idx %arg6[%broadcast_in_dim3A_1048, %get3A_1066], %broadcast_in_dim3A_5 : memref<16x2048xf32, #tpu.memory_space<vmem>>[vector<16xi32>, vector<16xi32>], vector<16xf32>,
        %mul3A_1067 = arith.constant 16 : i32
        %mul3A_1068 = arith.muli %sub3A_826, %mul3A_1067 : i32
        %add3A_1069 = arith.constant 10 : i32
        %add3A_1070 = arith.addi %mul3A_1068, %add3A_1069 : i32
        %broadcast_in_dim3A_1071 = arith.constant 10 : i32
        %broadcast_in_dim3A_1072 = vector.broadcast %broadcast_in_dim3A_1071 : i32 to vector<16xi32>
        %mul3A_1073 = arith.constant 48 : i32
        %mul3A_1074 = arith.muli %add3A_1070, %mul3A_1073 : i32
        %add3A_1075 = arith.constant 0 : i32
        %add3A_1076 = arith.addi %mul3A_1074, %add3A_1075 : i32
        %get3A_1077 = arith.index_cast %add3A_1076 : i32 to index
        %get3A_1078 = tpu.vector_load %arg5[%get3A_1077] {strides = array<i32>} : memref<6144xi32, #tpu.memory_space<vmem>>, vector<16xi32>,
        tpu.vector_store_idx %arg6[%broadcast_in_dim3A_1072, %get3A_1078], %broadcast_in_dim3A_5 : memref<16x2048xf32, #tpu.memory_space<vmem>>[vector<16xi32>, vector<16xi32>], vector<16xf32>,
        %mul3A_1079 = arith.constant 48 : i32
        %mul3A_1080 = arith.muli %add3A_1070, %mul3A_1079 : i32
        %add3A_1081 = arith.constant 16 : i32
        %add3A_1082 = arith.addi %mul3A_1080, %add3A_1081 : i32
        %get3A_1083 = arith.index_cast %add3A_1082 : i32 to index
        %get3A_1084 = tpu.vector_load %arg5[%get3A_1083] {strides = array<i32>} : memref<6144xi32, #tpu.memory_space<vmem>>, vector<16xi32>,
        tpu.vector_store_idx %arg6[%broadcast_in_dim3A_1072, %get3A_1084], %broadcast_in_dim3A_5 : memref<16x2048xf32, #tpu.memory_space<vmem>>[vector<16xi32>, vector<16xi32>], vector<16xf32>,
        %mul3A_1085 = arith.constant 48 : i32
        %mul3A_1086 = arith.muli %add3A_1070, %mul3A_1085 : i32
        %add3A_1087 = arith.constant 32 : i32
        %add3A_1088 = arith.addi %mul3A_1086, %add3A_1087 : i32
        %get3A_1089 = arith.index_cast %add3A_1088 : i32 to index
        %get3A_1090 = tpu.vector_load %arg5[%get3A_1089] {strides = array<i32>} : memref<6144xi32, #tpu.memory_space<vmem>>, vector<16xi32>,
        tpu.vector_store_idx %arg6[%broadcast_in_dim3A_1072, %get3A_1090], %broadcast_in_dim3A_5 : memref<16x2048xf32, #tpu.memory_space<vmem>>[vector<16xi32>, vector<16xi32>], vector<16xf32>,
        %mul3A_1091 = arith.constant 16 : i32
        %mul3A_1092 = arith.muli %sub3A_826, %mul3A_1091 : i32
        %add3A_1093 = arith.constant 11 : i32
        %add3A_1094 = arith.addi %mul3A_1092, %add3A_1093 : i32
        %broadcast_in_dim3A_1095 = arith.constant 11 : i32
        %broadcast_in_dim3A_1096 = vector.broadcast %broadcast_in_dim3A_1095 : i32 to vector<16xi32>
        %mul3A_1097 = arith.constant 48 : i32
        %mul3A_1098 = arith.muli %add3A_1094, %mul3A_1097 : i32
        %add3A_1099 = arith.constant 0 : i32
        %add3A_1100 = arith.addi %mul3A_1098, %add3A_1099 : i32
        %get3A_1101 = arith.index_cast %add3A_1100 : i32 to index
        %get3A_1102 = tpu.vector_load %arg5[%get3A_1101] {strides = array<i32>} : memref<6144xi32, #tpu.memory_space<vmem>>, vector<16xi32>,
        tpu.vector_store_idx %arg6[%broadcast_in_dim3A_1096, %get3A_1102], %broadcast_in_dim3A_5 : memref<16x2048xf32, #tpu.memory_space<vmem>>[vector<16xi32>, vector<16xi32>], vector<16xf32>,
        %mul3A_1103 = arith.constant 48 : i32
        %mul3A_1104 = arith.muli %add3A_1094, %mul3A_1103 : i32
        %add3A_1105 = arith.constant 16 : i32
        %add3A_1106 = arith.addi %mul3A_1104, %add3A_1105 : i32
        %get3A_1107 = arith.index_cast %add3A_1106 : i32 to index
        %get3A_1108 = tpu.vector_load %arg5[%get3A_1107] {strides = array<i32>} : memref<6144xi32, #tpu.memory_space<vmem>>, vector<16xi32>,
        tpu.vector_store_idx %arg6[%broadcast_in_dim3A_1096, %get3A_1108], %broadcast_in_dim3A_5 : memref<16x2048xf32, #tpu.memory_space<vmem>>[vector<16xi32>, vector<16xi32>], vector<16xf32>,
        %mul3A_1109 = arith.constant 48 : i32
        %mul3A_1110 = arith.muli %add3A_1094, %mul3A_1109 : i32
        %add3A_1111 = arith.constant 32 : i32
        %add3A_1112 = arith.addi %mul3A_1110, %add3A_1111 : i32
        %get3A_1113 = arith.index_cast %add3A_1112 : i32 to index
        %get3A_1114 = tpu.vector_load %arg5[%get3A_1113] {strides = array<i32>} : memref<6144xi32, #tpu.memory_space<vmem>>, vector<16xi32>,
        tpu.vector_store_idx %arg6[%broadcast_in_dim3A_1096, %get3A_1114], %broadcast_in_dim3A_5 : memref<16x2048xf32, #tpu.memory_space<vmem>>[vector<16xi32>, vector<16xi32>], vector<16xf32>,
        %mul3A_1115 = arith.constant 16 : i32
        %mul3A_1116 = arith.muli %sub3A_826, %mul3A_1115 : i32
        %add3A_1117 = arith.constant 12 : i32
        %add3A_1118 = arith.addi %mul3A_1116, %add3A_1117 : i32
        %broadcast_in_dim3A_1119 = arith.constant 12 : i32
        %broadcast_in_dim3A_1120 = vector.broadcast %broadcast_in_dim3A_1119 : i32 to vector<16xi32>
        %mul3A_1121 = arith.constant 48 : i32
        %mul3A_1122 = arith.muli %add3A_1118, %mul3A_1121 : i32
        %add3A_1123 = arith.constant 0 : i32
        %add3A_1124 = arith.addi %mul3A_1122, %add3A_1123 : i32
        %get3A_1125 = arith.index_cast %add3A_1124 : i32 to index
        %get3A_1126 = tpu.vector_load %arg5[%get3A_1125] {strides = array<i32>} : memref<6144xi32, #tpu.memory_space<vmem>>, vector<16xi32>,
        tpu.vector_store_idx %arg6[%broadcast_in_dim3A_1120, %get3A_1126], %broadcast_in_dim3A_5 : memref<16x2048xf32, #tpu.memory_space<vmem>>[vector<16xi32>, vector<16xi32>], vector<16xf32>,
        %mul3A_1127 = arith.constant 48 : i32
        %mul3A_1128 = arith.muli %add3A_1118, %mul3A_1127 : i32
        %add3A_1129 = arith.constant 16 : i32
        %add3A_1130 = arith.addi %mul3A_1128, %add3A_1129 : i32
        %get3A_1131 = arith.index_cast %add3A_1130 : i32 to index
        %get3A_1132 = tpu.vector_load %arg5[%get3A_1131] {strides = array<i32>} : memref<6144xi32, #tpu.memory_space<vmem>>, vector<16xi32>,
        tpu.vector_store_idx %arg6[%broadcast_in_dim3A_1120, %get3A_1132], %broadcast_in_dim3A_5 : memref<16x2048xf32, #tpu.memory_space<vmem>>[vector<16xi32>, vector<16xi32>], vector<16xf32>,
        %mul3A_1133 = arith.constant 48 : i32
        %mul3A_1134 = arith.muli %add3A_1118, %mul3A_1133 : i32
        %add3A_1135 = arith.constant 32 : i32
        %add3A_1136 = arith.addi %mul3A_1134, %add3A_1135 : i32
        %get3A_1137 = arith.index_cast %add3A_1136 : i32 to index
        %get3A_1138 = tpu.vector_load %arg5[%get3A_1137] {strides = array<i32>} : memref<6144xi32, #tpu.memory_space<vmem>>, vector<16xi32>,
        tpu.vector_store_idx %arg6[%broadcast_in_dim3A_1120, %get3A_1138], %broadcast_in_dim3A_5 : memref<16x2048xf32, #tpu.memory_space<vmem>>[vector<16xi32>, vector<16xi32>], vector<16xf32>,
        %mul3A_1139 = arith.constant 16 : i32
        %mul3A_1140 = arith.muli %sub3A_826, %mul3A_1139 : i32
        %add3A_1141 = arith.constant 13 : i32
        %add3A_1142 = arith.addi %mul3A_1140, %add3A_1141 : i32
        %broadcast_in_dim3A_1143 = arith.constant 13 : i32
        %broadcast_in_dim3A_1144 = vector.broadcast %broadcast_in_dim3A_1143 : i32 to vector<16xi32>
        %mul3A_1145 = arith.constant 48 : i32
        %mul3A_1146 = arith.muli %add3A_1142, %mul3A_1145 : i32
        %add3A_1147 = arith.constant 0 : i32
        %add3A_1148 = arith.addi %mul3A_1146, %add3A_1147 : i32
        %get3A_1149 = arith.index_cast %add3A_1148 : i32 to index
        %get3A_1150 = tpu.vector_load %arg5[%get3A_1149] {strides = array<i32>} : memref<6144xi32, #tpu.memory_space<vmem>>, vector<16xi32>,
        tpu.vector_store_idx %arg6[%broadcast_in_dim3A_1144, %get3A_1150], %broadcast_in_dim3A_5 : memref<16x2048xf32, #tpu.memory_space<vmem>>[vector<16xi32>, vector<16xi32>], vector<16xf32>,
        %mul3A_1151 = arith.constant 48 : i32
        %mul3A_1152 = arith.muli %add3A_1142, %mul3A_1151 : i32
        %add3A_1153 = arith.constant 16 : i32
        %add3A_1154 = arith.addi %mul3A_1152, %add3A_1153 : i32
        %get3A_1155 = arith.index_cast %add3A_1154 : i32 to index
        %get3A_1156 = tpu.vector_load %arg5[%get3A_1155] {strides = array<i32>} : memref<6144xi32, #tpu.memory_space<vmem>>, vector<16xi32>,
        tpu.vector_store_idx %arg6[%broadcast_in_dim3A_1144, %get3A_1156], %broadcast_in_dim3A_5 : memref<16x2048xf32, #tpu.memory_space<vmem>>[vector<16xi32>, vector<16xi32>], vector<16xf32>,
        %mul3A_1157 = arith.constant 48 : i32
        %mul3A_1158 = arith.muli %add3A_1142, %mul3A_1157 : i32
        %add3A_1159 = arith.constant 32 : i32
        %add3A_1160 = arith.addi %mul3A_1158, %add3A_1159 : i32
        %get3A_1161 = arith.index_cast %add3A_1160 : i32 to index
        %get3A_1162 = tpu.vector_load %arg5[%get3A_1161] {strides = array<i32>} : memref<6144xi32, #tpu.memory_space<vmem>>, vector<16xi32>,
        tpu.vector_store_idx %arg6[%broadcast_in_dim3A_1144, %get3A_1162], %broadcast_in_dim3A_5 : memref<16x2048xf32, #tpu.memory_space<vmem>>[vector<16xi32>, vector<16xi32>], vector<16xf32>,
        %mul3A_1163 = arith.constant 16 : i32
        %mul3A_1164 = arith.muli %sub3A_826, %mul3A_1163 : i32
        %add3A_1165 = arith.constant 14 : i32
        %add3A_1166 = arith.addi %mul3A_1164, %add3A_1165 : i32
        %broadcast_in_dim3A_1167 = arith.constant 14 : i32
        %broadcast_in_dim3A_1168 = vector.broadcast %broadcast_in_dim3A_1167 : i32 to vector<16xi32>
        %mul3A_1169 = arith.constant 48 : i32
        %mul3A_1170 = arith.muli %add3A_1166, %mul3A_1169 : i32
        %add3A_1171 = arith.constant 0 : i32
        %add3A_1172 = arith.addi %mul3A_1170, %add3A_1171 : i32
        %get3A_1173 = arith.index_cast %add3A_1172 : i32 to index
        %get3A_1174 = tpu.vector_load %arg5[%get3A_1173] {strides = array<i32>} : memref<6144xi32, #tpu.memory_space<vmem>>, vector<16xi32>,
        tpu.vector_store_idx %arg6[%broadcast_in_dim3A_1168, %get3A_1174], %broadcast_in_dim3A_5 : memref<16x2048xf32, #tpu.memory_space<vmem>>[vector<16xi32>, vector<16xi32>], vector<16xf32>,
        %mul3A_1175 = arith.constant 48 : i32
        %mul3A_1176 = arith.muli %add3A_1166, %mul3A_1175 : i32
        %add3A_1177 = arith.constant 16 : i32
        %add3A_1178 = arith.addi %mul3A_1176, %add3A_1177 : i32
        %get3A_1179 = arith.index_cast %add3A_1178 : i32 to index
        %get3A_1180 = tpu.vector_load %arg5[%get3A_1179] {strides = array<i32>} : memref<6144xi32, #tpu.memory_space<vmem>>, vector<16xi32>,
        tpu.vector_store_idx %arg6[%broadcast_in_dim3A_1168, %get3A_1180], %broadcast_in_dim3A_5 : memref<16x2048xf32, #tpu.memory_space<vmem>>[vector<16xi32>, vector<16xi32>], vector<16xf32>,
        %mul3A_1181 = arith.constant 48 : i32
        %mul3A_1182 = arith.muli %add3A_1166, %mul3A_1181 : i32
        %add3A_1183 = arith.constant 32 : i32
        %add3A_1184 = arith.addi %mul3A_1182, %add3A_1183 : i32
        %get3A_1185 = arith.index_cast %add3A_1184 : i32 to index
        %get3A_1186 = tpu.vector_load %arg5[%get3A_1185] {strides = array<i32>} : memref<6144xi32, #tpu.memory_space<vmem>>, vector<16xi32>,
        tpu.vector_store_idx %arg6[%broadcast_in_dim3A_1168, %get3A_1186], %broadcast_in_dim3A_5 : memref<16x2048xf32, #tpu.memory_space<vmem>>[vector<16xi32>, vector<16xi32>], vector<16xf32>,
        %mul3A_1187 = arith.constant 16 : i32
        %mul3A_1188 = arith.muli %sub3A_826, %mul3A_1187 : i32
        %add3A_1189 = arith.constant 15 : i32
        %add3A_1190 = arith.addi %mul3A_1188, %add3A_1189 : i32
        %broadcast_in_dim3A_1191 = arith.constant 15 : i32
        %broadcast_in_dim3A_1192 = vector.broadcast %broadcast_in_dim3A_1191 : i32 to vector<16xi32>
        %mul3A_1193 = arith.constant 48 : i32
        %mul3A_1194 = arith.muli %add3A_1190, %mul3A_1193 : i32
        %add3A_1195 = arith.constant 0 : i32
        %add3A_1196 = arith.addi %mul3A_1194, %add3A_1195 : i32
        %get3A_1197 = arith.index_cast %add3A_1196 : i32 to index
        %get3A_1198 = tpu.vector_load %arg5[%get3A_1197] {strides = array<i32>} : memref<6144xi32, #tpu.memory_space<vmem>>, vector<16xi32>,
        tpu.vector_store_idx %arg6[%broadcast_in_dim3A_1192, %get3A_1198], %broadcast_in_dim3A_5 : memref<16x2048xf32, #tpu.memory_space<vmem>>[vector<16xi32>, vector<16xi32>], vector<16xf32>,
        %mul3A_1199 = arith.constant 48 : i32
        %mul3A_1200 = arith.muli %add3A_1190, %mul3A_1199 : i32
        %add3A_1201 = arith.constant 16 : i32
        %add3A_1202 = arith.addi %mul3A_1200, %add3A_1201 : i32
        %get3A_1203 = arith.index_cast %add3A_1202 : i32 to index
        %get3A_1204 = tpu.vector_load %arg5[%get3A_1203] {strides = array<i32>} : memref<6144xi32, #tpu.memory_space<vmem>>, vector<16xi32>,
        tpu.vector_store_idx %arg6[%broadcast_in_dim3A_1192, %get3A_1204], %broadcast_in_dim3A_5 : memref<16x2048xf32, #tpu.memory_space<vmem>>[vector<16xi32>, vector<16xi32>], vector<16xf32>,
        %mul3A_1205 = arith.constant 48 : i32
        %mul3A_1206 = arith.muli %add3A_1190, %mul3A_1205 : i32
        %add3A_1207 = arith.constant 32 : i32
        %add3A_1208 = arith.addi %mul3A_1206, %add3A_1207 : i32
        %get3A_1209 = arith.index_cast %add3A_1208 : i32 to index
        %get3A_1210 = tpu.vector_load %arg5[%get3A_1209] {strides = array<i32>} : memref<6144xi32, #tpu.memory_space<vmem>>, vector<16xi32>,
        tpu.vector_store_idx %arg6[%broadcast_in_dim3A_1192, %get3A_1210], %broadcast_in_dim3A_5 : memref<16x2048xf32, #tpu.memory_space<vmem>>[vector<16xi32>, vector<16xi32>], vector<16xf32>,
      } else {
      }
      %mul3A_31 = arith.constant 16 : i32
      %mul3A_32 = arith.muli %add3A_28, %mul3A_31 : i32
      %add3A_33 = arith.constant 0 : i32
      %add3A_34 = arith.addi %mul3A_32, %add3A_33 : i32
      %broadcast_in_dim3A_35 = arith.constant 0 : i32
      %broadcast_in_dim3A_36 = vector.broadcast %broadcast_in_dim3A_35 : i32 to vector<16xi32>
      %mul3A_37 = arith.constant 48 : i32
      %mul3A_38 = arith.muli %add3A_34, %mul3A_37 : i32
      %add3A_39 = arith.constant 0 : i32
      %add3A_40 = arith.addi %mul3A_38, %add3A_39 : i32
      %get3A = arith.index_cast %add3A_40 : i32 to index
      %get3A_41 = tpu.vector_load %arg5[%get3A] {strides = array<i32>} : memref<6144xi32, #tpu.memory_space<vmem>>, vector<16xi32>,
      tpu.vector_store_idx %arg6[%broadcast_in_dim3A_36, %get3A_41], %broadcast_in_dim3A_7 : memref<16x2048xf32, #tpu.memory_space<vmem>>[vector<16xi32>, vector<16xi32>], vector<16xf32>,
      %mul3A_42 = arith.constant 48 : i32
      %mul3A_43 = arith.muli %add3A_34, %mul3A_42 : i32
      %add3A_44 = arith.constant 16 : i32
      %add3A_45 = arith.addi %mul3A_43, %add3A_44 : i32
      %get3A_46 = arith.index_cast %add3A_45 : i32 to index
      %get3A_47 = tpu.vector_load %arg5[%get3A_46] {strides = array<i32>} : memref<6144xi32, #tpu.memory_space<vmem>>, vector<16xi32>,
      tpu.vector_store_idx %arg6[%broadcast_in_dim3A_36, %get3A_47], %broadcast_in_dim3A_7 : memref<16x2048xf32, #tpu.memory_space<vmem>>[vector<16xi32>, vector<16xi32>], vector<16xf32>,
      %mul3A_48 = arith.constant 48 : i32
      %mul3A_49 = arith.muli %add3A_34, %mul3A_48 : i32
      %add3A_50 = arith.constant 32 : i32
      %add3A_51 = arith.addi %mul3A_49, %add3A_50 : i32
      %get3A_52 = arith.index_cast %add3A_51 : i32 to index
      %get3A_53 = tpu.vector_load %arg5[%get3A_52] {strides = array<i32>} : memref<6144xi32, #tpu.memory_space<vmem>>, vector<16xi32>,
      tpu.vector_store_idx %arg6[%broadcast_in_dim3A_36, %get3A_53], %broadcast_in_dim3A_7 : memref<16x2048xf32, #tpu.memory_space<vmem>>[vector<16xi32>, vector<16xi32>], vector<16xf32>,
      %mul3A_54 = arith.constant 16 : i32
      %mul3A_55 = arith.muli %add3A_28, %mul3A_54 : i32
      %add3A_56 = arith.constant 1 : i32
      %add3A_57 = arith.addi %mul3A_55, %add3A_56 : i32
      %broadcast_in_dim3A_58 = arith.constant 1 : i32
      %broadcast_in_dim3A_59 = vector.broadcast %broadcast_in_dim3A_58 : i32 to vector<16xi32>
      %mul3A_60 = arith.constant 48 : i32
      %mul3A_61 = arith.muli %add3A_57, %mul3A_60 : i32
      %add3A_62 = arith.constant 0 : i32
      %add3A_63 = arith.addi %mul3A_61, %add3A_62 : i32
      %get3A_64 = arith.index_cast %add3A_63 : i32 to index
      %get3A_65 = tpu.vector_load %arg5[%get3A_64] {strides = array<i32>} : memref<6144xi32, #tpu.memory_space<vmem>>, vector<16xi32>,
      tpu.vector_store_idx %arg6[%broadcast_in_dim3A_59, %get3A_65], %broadcast_in_dim3A_7 : memref<16x2048xf32, #tpu.memory_space<vmem>>[vector<16xi32>, vector<16xi32>], vector<16xf32>,
      %mul3A_66 = arith.constant 48 : i32
      %mul3A_67 = arith.muli %add3A_57, %mul3A_66 : i32
      %add3A_68 = arith.constant 16 : i32
      %add3A_69 = arith.addi %mul3A_67, %add3A_68 : i32
      %get3A_70 = arith.index_cast %add3A_69 : i32 to index
      %get3A_71 = tpu.vector_load %arg5[%get3A_70] {strides = array<i32>} : memref<6144xi32, #tpu.memory_space<vmem>>, vector<16xi32>,
      tpu.vector_store_idx %arg6[%broadcast_in_dim3A_59, %get3A_71], %broadcast_in_dim3A_7 : memref<16x2048xf32, #tpu.memory_space<vmem>>[vector<16xi32>, vector<16xi32>], vector<16xf32>,
      %mul3A_72 = arith.constant 48 : i32
      %mul3A_73 = arith.muli %add3A_57, %mul3A_72 : i32
      %add3A_74 = arith.constant 32 : i32
      %add3A_75 = arith.addi %mul3A_73, %add3A_74 : i32
      %get3A_76 = arith.index_cast %add3A_75 : i32 to index
      %get3A_77 = tpu.vector_load %arg5[%get3A_76] {strides = array<i32>} : memref<6144xi32, #tpu.memory_space<vmem>>, vector<16xi32>,
      tpu.vector_store_idx %arg6[%broadcast_in_dim3A_59, %get3A_77], %broadcast_in_dim3A_7 : memref<16x2048xf32, #tpu.memory_space<vmem>>[vector<16xi32>, vector<16xi32>], vector<16xf32>,
      %mul3A_78 = arith.constant 16 : i32
      %mul3A_79 = arith.muli %add3A_28, %mul3A_78 : i32
      %add3A_80 = arith.constant 2 : i32
      %add3A_81 = arith.addi %mul3A_79, %add3A_80 : i32
      %broadcast_in_dim3A_82 = arith.constant 2 : i32
      %broadcast_in_dim3A_83 = vector.broadcast %broadcast_in_dim3A_82 : i32 to vector<16xi32>
      %mul3A_84 = arith.constant 48 : i32
      %mul3A_85 = arith.muli %add3A_81, %mul3A_84 : i32
      %add3A_86 = arith.constant 0 : i32
      %add3A_87 = arith.addi %mul3A_85, %add3A_86 : i32
      %get3A_88 = arith.index_cast %add3A_87 : i32 to index
      %get3A_89 = tpu.vector_load %arg5[%get3A_88] {strides = array<i32>} : memref<6144xi32, #tpu.memory_space<vmem>>, vector<16xi32>,
      tpu.vector_store_idx %arg6[%broadcast_in_dim3A_83, %get3A_89], %broadcast_in_dim3A_7 : memref<16x2048xf32, #tpu.memory_space<vmem>>[vector<16xi32>, vector<16xi32>], vector<16xf32>,
      %mul3A_90 = arith.constant 48 : i32
      %mul3A_91 = arith.muli %add3A_81, %mul3A_90 : i32
      %add3A_92 = arith.constant 16 : i32
      %add3A_93 = arith.addi %mul3A_91, %add3A_92 : i32
      %get3A_94 = arith.index_cast %add3A_93 : i32 to index
      %get3A_95 = tpu.vector_load %arg5[%get3A_94] {strides = array<i32>} : memref<6144xi32, #tpu.memory_space<vmem>>, vector<16xi32>,
      tpu.vector_store_idx %arg6[%broadcast_in_dim3A_83, %get3A_95], %broadcast_in_dim3A_7 : memref<16x2048xf32, #tpu.memory_space<vmem>>[vector<16xi32>, vector<16xi32>], vector<16xf32>,
      %mul3A_96 = arith.constant 48 : i32
      %mul3A_97 = arith.muli %add3A_81, %mul3A_96 : i32
      %add3A_98 = arith.constant 32 : i32
      %add3A_99 = arith.addi %mul3A_97, %add3A_98 : i32
      %get3A_100 = arith.index_cast %add3A_99 : i32 to index
      %get3A_101 = tpu.vector_load %arg5[%get3A_100] {strides = array<i32>} : memref<6144xi32, #tpu.memory_space<vmem>>, vector<16xi32>,
      tpu.vector_store_idx %arg6[%broadcast_in_dim3A_83, %get3A_101], %broadcast_in_dim3A_7 : memref<16x2048xf32, #tpu.memory_space<vmem>>[vector<16xi32>, vector<16xi32>], vector<16xf32>,
      %mul3A_102 = arith.constant 16 : i32
      %mul3A_103 = arith.muli %add3A_28, %mul3A_102 : i32
      %add3A_104 = arith.constant 3 : i32
      %add3A_105 = arith.addi %mul3A_103, %add3A_104 : i32
      %broadcast_in_dim3A_106 = arith.constant 3 : i32
      %broadcast_in_dim3A_107 = vector.broadcast %broadcast_in_dim3A_106 : i32 to vector<16xi32>
      %mul3A_108 = arith.constant 48 : i32
      %mul3A_109 = arith.muli %add3A_105, %mul3A_108 : i32
      %add3A_110 = arith.constant 0 : i32
      %add3A_111 = arith.addi %mul3A_109, %add3A_110 : i32
      %get3A_112 = arith.index_cast %add3A_111 : i32 to index
      %get3A_113 = tpu.vector_load %arg5[%get3A_112] {strides = array<i32>} : memref<6144xi32, #tpu.memory_space<vmem>>, vector<16xi32>,
      tpu.vector_store_idx %arg6[%broadcast_in_dim3A_107, %get3A_113], %broadcast_in_dim3A_7 : memref<16x2048xf32, #tpu.memory_space<vmem>>[vector<16xi32>, vector<16xi32>], vector<16xf32>,
      %mul3A_114 = arith.constant 48 : i32
      %mul3A_115 = arith.muli %add3A_105, %mul3A_114 : i32
      %add3A_116 = arith.constant 16 : i32
      %add3A_117 = arith.addi %mul3A_115, %add3A_116 : i32
      %get3A_118 = arith.index_cast %add3A_117 : i32 to index
      %get3A_119 = tpu.vector_load %arg5[%get3A_118] {strides = array<i32>} : memref<6144xi32, #tpu.memory_space<vmem>>, vector<16xi32>,
      tpu.vector_store_idx %arg6[%broadcast_in_dim3A_107, %get3A_119], %broadcast_in_dim3A_7 : memref<16x2048xf32, #tpu.memory_space<vmem>>[vector<16xi32>, vector<16xi32>], vector<16xf32>,
      %mul3A_120 = arith.constant 48 : i32
      %mul3A_121 = arith.muli %add3A_105, %mul3A_120 : i32
      %add3A_122 = arith.constant 32 : i32
      %add3A_123 = arith.addi %mul3A_121, %add3A_122 : i32
      %get3A_124 = arith.index_cast %add3A_123 : i32 to index
      %get3A_125 = tpu.vector_load %arg5[%get3A_124] {strides = array<i32>} : memref<6144xi32, #tpu.memory_space<vmem>>, vector<16xi32>,
      tpu.vector_store_idx %arg6[%broadcast_in_dim3A_107, %get3A_125], %broadcast_in_dim3A_7 : memref<16x2048xf32, #tpu.memory_space<vmem>>[vector<16xi32>, vector<16xi32>], vector<16xf32>,
      %mul3A_126 = arith.constant 16 : i32
      %mul3A_127 = arith.muli %add3A_28, %mul3A_126 : i32
      %add3A_128 = arith.constant 4 : i32
      %add3A_129 = arith.addi %mul3A_127, %add3A_128 : i32
      %broadcast_in_dim3A_130 = arith.constant 4 : i32
      %broadcast_in_dim3A_131 = vector.broadcast %broadcast_in_dim3A_130 : i32 to vector<16xi32>
      %mul3A_132 = arith.constant 48 : i32
      %mul3A_133 = arith.muli %add3A_129, %mul3A_132 : i32
      %add3A_134 = arith.constant 0 : i32
      %add3A_135 = arith.addi %mul3A_133, %add3A_134 : i32
      %get3A_136 = arith.index_cast %add3A_135 : i32 to index
      %get3A_137 = tpu.vector_load %arg5[%get3A_136] {strides = array<i32>} : memref<6144xi32, #tpu.memory_space<vmem>>, vector<16xi32>,
      tpu.vector_store_idx %arg6[%broadcast_in_dim3A_131, %get3A_137], %broadcast_in_dim3A_7 : memref<16x2048xf32, #tpu.memory_space<vmem>>[vector<16xi32>, vector<16xi32>], vector<16xf32>,
      %mul3A_138 = arith.constant 48 : i32
      %mul3A_139 = arith.muli %add3A_129, %mul3A_138 : i32
      %add3A_140 = arith.constant 16 : i32
      %add3A_141 = arith.addi %mul3A_139, %add3A_140 : i32
      %get3A_142 = arith.index_cast %add3A_141 : i32 to index
      %get3A_143 = tpu.vector_load %arg5[%get3A_142] {strides = array<i32>} : memref<6144xi32, #tpu.memory_space<vmem>>, vector<16xi32>,
      tpu.vector_store_idx %arg6[%broadcast_in_dim3A_131, %get3A_143], %broadcast_in_dim3A_7 : memref<16x2048xf32, #tpu.memory_space<vmem>>[vector<16xi32>, vector<16xi32>], vector<16xf32>,
      %mul3A_144 = arith.constant 48 : i32
      %mul3A_145 = arith.muli %add3A_129, %mul3A_144 : i32
      %add3A_146 = arith.constant 32 : i32
      %add3A_147 = arith.addi %mul3A_145, %add3A_146 : i32
      %get3A_148 = arith.index_cast %add3A_147 : i32 to index
      %get3A_149 = tpu.vector_load %arg5[%get3A_148] {strides = array<i32>} : memref<6144xi32, #tpu.memory_space<vmem>>, vector<16xi32>,
      tpu.vector_store_idx %arg6[%broadcast_in_dim3A_131, %get3A_149], %broadcast_in_dim3A_7 : memref<16x2048xf32, #tpu.memory_space<vmem>>[vector<16xi32>, vector<16xi32>], vector<16xf32>,
      %mul3A_150 = arith.constant 16 : i32
      %mul3A_151 = arith.muli %add3A_28, %mul3A_150 : i32
      %add3A_152 = arith.constant 5 : i32
      %add3A_153 = arith.addi %mul3A_151, %add3A_152 : i32
      %broadcast_in_dim3A_154 = arith.constant 5 : i32
      %broadcast_in_dim3A_155 = vector.broadcast %broadcast_in_dim3A_154 : i32 to vector<16xi32>
      %mul3A_156 = arith.constant 48 : i32
      %mul3A_157 = arith.muli %add3A_153, %mul3A_156 : i32
      %add3A_158 = arith.constant 0 : i32
      %add3A_159 = arith.addi %mul3A_157, %add3A_158 : i32
      %get3A_160 = arith.index_cast %add3A_159 : i32 to index
      %get3A_161 = tpu.vector_load %arg5[%get3A_160] {strides = array<i32>} : memref<6144xi32, #tpu.memory_space<vmem>>, vector<16xi32>,
      tpu.vector_store_idx %arg6[%broadcast_in_dim3A_155, %get3A_161], %broadcast_in_dim3A_7 : memref<16x2048xf32, #tpu.memory_space<vmem>>[vector<16xi32>, vector<16xi32>], vector<16xf32>,
      %mul3A_162 = arith.constant 48 : i32
      %mul3A_163 = arith.muli %add3A_153, %mul3A_162 : i32
      %add3A_164 = arith.constant 16 : i32
      %add3A_165 = arith.addi %mul3A_163, %add3A_164 : i32
      %get3A_166 = arith.index_cast %add3A_165 : i32 to index
      %get3A_167 = tpu.vector_load %arg5[%get3A_166] {strides = array<i32>} : memref<6144xi32, #tpu.memory_space<vmem>>, vector<16xi32>,
      tpu.vector_store_idx %arg6[%broadcast_in_dim3A_155, %get3A_167], %broadcast_in_dim3A_7 : memref<16x2048xf32, #tpu.memory_space<vmem>>[vector<16xi32>, vector<16xi32>], vector<16xf32>,
      %mul3A_168 = arith.constant 48 : i32
      %mul3A_169 = arith.muli %add3A_153, %mul3A_168 : i32
      %add3A_170 = arith.constant 32 : i32
      %add3A_171 = arith.addi %mul3A_169, %add3A_170 : i32
      %get3A_172 = arith.index_cast %add3A_171 : i32 to index
      %get3A_173 = tpu.vector_load %arg5[%get3A_172] {strides = array<i32>} : memref<6144xi32, #tpu.memory_space<vmem>>, vector<16xi32>,
      tpu.vector_store_idx %arg6[%broadcast_in_dim3A_155, %get3A_173], %broadcast_in_dim3A_7 : memref<16x2048xf32, #tpu.memory_space<vmem>>[vector<16xi32>, vector<16xi32>], vector<16xf32>,
      %mul3A_174 = arith.constant 16 : i32
      %mul3A_175 = arith.muli %add3A_28, %mul3A_174 : i32
      %add3A_176 = arith.constant 6 : i32
      %add3A_177 = arith.addi %mul3A_175, %add3A_176 : i32
      %broadcast_in_dim3A_178 = arith.constant 6 : i32
      %broadcast_in_dim3A_179 = vector.broadcast %broadcast_in_dim3A_178 : i32 to vector<16xi32>
      %mul3A_180 = arith.constant 48 : i32
      %mul3A_181 = arith.muli %add3A_177, %mul3A_180 : i32
      %add3A_182 = arith.constant 0 : i32
      %add3A_183 = arith.addi %mul3A_181, %add3A_182 : i32
      %get3A_184 = arith.index_cast %add3A_183 : i32 to index
      %get3A_185 = tpu.vector_load %arg5[%get3A_184] {strides = array<i32>} : memref<6144xi32, #tpu.memory_space<vmem>>, vector<16xi32>,
      tpu.vector_store_idx %arg6[%broadcast_in_dim3A_179, %get3A_185], %broadcast_in_dim3A_7 : memref<16x2048xf32, #tpu.memory_space<vmem>>[vector<16xi32>, vector<16xi32>], vector<16xf32>,
      %mul3A_186 = arith.constant 48 : i32
      %mul3A_187 = arith.muli %add3A_177, %mul3A_186 : i32
      %add3A_188 = arith.constant 16 : i32
      %add3A_189 = arith.addi %mul3A_187, %add3A_188 : i32
      %get3A_190 = arith.index_cast %add3A_189 : i32 to index
      %get3A_191 = tpu.vector_load %arg5[%get3A_190] {strides = array<i32>} : memref<6144xi32, #tpu.memory_space<vmem>>, vector<16xi32>,
      tpu.vector_store_idx %arg6[%broadcast_in_dim3A_179, %get3A_191], %broadcast_in_dim3A_7 : memref<16x2048xf32, #tpu.memory_space<vmem>>[vector<16xi32>, vector<16xi32>], vector<16xf32>,
      %mul3A_192 = arith.constant 48 : i32
      %mul3A_193 = arith.muli %add3A_177, %mul3A_192 : i32
      %add3A_194 = arith.constant 32 : i32
      %add3A_195 = arith.addi %mul3A_193, %add3A_194 : i32
      %get3A_196 = arith.index_cast %add3A_195 : i32 to index
      %get3A_197 = tpu.vector_load %arg5[%get3A_196] {strides = array<i32>} : memref<6144xi32, #tpu.memory_space<vmem>>, vector<16xi32>,
      tpu.vector_store_idx %arg6[%broadcast_in_dim3A_179, %get3A_197], %broadcast_in_dim3A_7 : memref<16x2048xf32, #tpu.memory_space<vmem>>[vector<16xi32>, vector<16xi32>], vector<16xf32>,
      %mul3A_198 = arith.constant 16 : i32
      %mul3A_199 = arith.muli %add3A_28, %mul3A_198 : i32
      %add3A_200 = arith.constant 7 : i32
      %add3A_201 = arith.addi %mul3A_199, %add3A_200 : i32
      %broadcast_in_dim3A_202 = arith.constant 7 : i32
      %broadcast_in_dim3A_203 = vector.broadcast %broadcast_in_dim3A_202 : i32 to vector<16xi32>
      %mul3A_204 = arith.constant 48 : i32
      %mul3A_205 = arith.muli %add3A_201, %mul3A_204 : i32
      %add3A_206 = arith.constant 0 : i32
      %add3A_207 = arith.addi %mul3A_205, %add3A_206 : i32
      %get3A_208 = arith.index_cast %add3A_207 : i32 to index
      %get3A_209 = tpu.vector_load %arg5[%get3A_208] {strides = array<i32>} : memref<6144xi32, #tpu.memory_space<vmem>>, vector<16xi32>,
      tpu.vector_store_idx %arg6[%broadcast_in_dim3A_203, %get3A_209], %broadcast_in_dim3A_7 : memref<16x2048xf32, #tpu.memory_space<vmem>>[vector<16xi32>, vector<16xi32>], vector<16xf32>,
      %mul3A_210 = arith.constant 48 : i32
      %mul3A_211 = arith.muli %add3A_201, %mul3A_210 : i32
      %add3A_212 = arith.constant 16 : i32
      %add3A_213 = arith.addi %mul3A_211, %add3A_212 : i32
      %get3A_214 = arith.index_cast %add3A_213 : i32 to index
      %get3A_215 = tpu.vector_load %arg5[%get3A_214] {strides = array<i32>} : memref<6144xi32, #tpu.memory_space<vmem>>, vector<16xi32>,
      tpu.vector_store_idx %arg6[%broadcast_in_dim3A_203, %get3A_215], %broadcast_in_dim3A_7 : memref<16x2048xf32, #tpu.memory_space<vmem>>[vector<16xi32>, vector<16xi32>], vector<16xf32>,
      %mul3A_216 = arith.constant 48 : i32
      %mul3A_217 = arith.muli %add3A_201, %mul3A_216 : i32
      %add3A_218 = arith.constant 32 : i32
      %add3A_219 = arith.addi %mul3A_217, %add3A_218 : i32
      %get3A_220 = arith.index_cast %add3A_219 : i32 to index
      %get3A_221 = tpu.vector_load %arg5[%get3A_220] {strides = array<i32>} : memref<6144xi32, #tpu.memory_space<vmem>>, vector<16xi32>,
      tpu.vector_store_idx %arg6[%broadcast_in_dim3A_203, %get3A_221], %broadcast_in_dim3A_7 : memref<16x2048xf32, #tpu.memory_space<vmem>>[vector<16xi32>, vector<16xi32>], vector<16xf32>,
      %mul3A_222 = arith.constant 16 : i32
      %mul3A_223 = arith.muli %add3A_28, %mul3A_222 : i32
      %add3A_224 = arith.constant 8 : i32
      %add3A_225 = arith.addi %mul3A_223, %add3A_224 : i32
      %broadcast_in_dim3A_226 = arith.constant 8 : i32
      %broadcast_in_dim3A_227 = vector.broadcast %broadcast_in_dim3A_226 : i32 to vector<16xi32>
      %mul3A_228 = arith.constant 48 : i32
      %mul3A_229 = arith.muli %add3A_225, %mul3A_228 : i32
      %add3A_230 = arith.constant 0 : i32
      %add3A_231 = arith.addi %mul3A_229, %add3A_230 : i32
      %get3A_232 = arith.index_cast %add3A_231 : i32 to index
      %get3A_233 = tpu.vector_load %arg5[%get3A_232] {strides = array<i32>} : memref<6144xi32, #tpu.memory_space<vmem>>, vector<16xi32>,
      tpu.vector_store_idx %arg6[%broadcast_in_dim3A_227, %get3A_233], %broadcast_in_dim3A_7 : memref<16x2048xf32, #tpu.memory_space<vmem>>[vector<16xi32>, vector<16xi32>], vector<16xf32>,
      %mul3A_234 = arith.constant 48 : i32
      %mul3A_235 = arith.muli %add3A_225, %mul3A_234 : i32
      %add3A_236 = arith.constant 16 : i32
      %add3A_237 = arith.addi %mul3A_235, %add3A_236 : i32
      %get3A_238 = arith.index_cast %add3A_237 : i32 to index
      %get3A_239 = tpu.vector_load %arg5[%get3A_238] {strides = array<i32>} : memref<6144xi32, #tpu.memory_space<vmem>>, vector<16xi32>,
      tpu.vector_store_idx %arg6[%broadcast_in_dim3A_227, %get3A_239], %broadcast_in_dim3A_7 : memref<16x2048xf32, #tpu.memory_space<vmem>>[vector<16xi32>, vector<16xi32>], vector<16xf32>,
      %mul3A_240 = arith.constant 48 : i32
      %mul3A_241 = arith.muli %add3A_225, %mul3A_240 : i32
      %add3A_242 = arith.constant 32 : i32
      %add3A_243 = arith.addi %mul3A_241, %add3A_242 : i32
      %get3A_244 = arith.index_cast %add3A_243 : i32 to index
      %get3A_245 = tpu.vector_load %arg5[%get3A_244] {strides = array<i32>} : memref<6144xi32, #tpu.memory_space<vmem>>, vector<16xi32>,
      tpu.vector_store_idx %arg6[%broadcast_in_dim3A_227, %get3A_245], %broadcast_in_dim3A_7 : memref<16x2048xf32, #tpu.memory_space<vmem>>[vector<16xi32>, vector<16xi32>], vector<16xf32>,
      %mul3A_246 = arith.constant 16 : i32
      %mul3A_247 = arith.muli %add3A_28, %mul3A_246 : i32
      %add3A_248 = arith.constant 9 : i32
      %add3A_249 = arith.addi %mul3A_247, %add3A_248 : i32
      %broadcast_in_dim3A_250 = arith.constant 9 : i32
      %broadcast_in_dim3A_251 = vector.broadcast %broadcast_in_dim3A_250 : i32 to vector<16xi32>
      %mul3A_252 = arith.constant 48 : i32
      %mul3A_253 = arith.muli %add3A_249, %mul3A_252 : i32
      %add3A_254 = arith.constant 0 : i32
      %add3A_255 = arith.addi %mul3A_253, %add3A_254 : i32
      %get3A_256 = arith.index_cast %add3A_255 : i32 to index
      %get3A_257 = tpu.vector_load %arg5[%get3A_256] {strides = array<i32>} : memref<6144xi32, #tpu.memory_space<vmem>>, vector<16xi32>,
      tpu.vector_store_idx %arg6[%broadcast_in_dim3A_251, %get3A_257], %broadcast_in_dim3A_7 : memref<16x2048xf32, #tpu.memory_space<vmem>>[vector<16xi32>, vector<16xi32>], vector<16xf32>,
      %mul3A_258 = arith.constant 48 : i32
      %mul3A_259 = arith.muli %add3A_249, %mul3A_258 : i32
      %add3A_260 = arith.constant 16 : i32
      %add3A_261 = arith.addi %mul3A_259, %add3A_260 : i32
      %get3A_262 = arith.index_cast %add3A_261 : i32 to index
      %get3A_263 = tpu.vector_load %arg5[%get3A_262] {strides = array<i32>} : memref<6144xi32, #tpu.memory_space<vmem>>, vector<16xi32>,
      tpu.vector_store_idx %arg6[%broadcast_in_dim3A_251, %get3A_263], %broadcast_in_dim3A_7 : memref<16x2048xf32, #tpu.memory_space<vmem>>[vector<16xi32>, vector<16xi32>], vector<16xf32>,
      %mul3A_264 = arith.constant 48 : i32
      %mul3A_265 = arith.muli %add3A_249, %mul3A_264 : i32
      %add3A_266 = arith.constant 32 : i32
      %add3A_267 = arith.addi %mul3A_265, %add3A_266 : i32
      %get3A_268 = arith.index_cast %add3A_267 : i32 to index
      %get3A_269 = tpu.vector_load %arg5[%get3A_268] {strides = array<i32>} : memref<6144xi32, #tpu.memory_space<vmem>>, vector<16xi32>,
      tpu.vector_store_idx %arg6[%broadcast_in_dim3A_251, %get3A_269], %broadcast_in_dim3A_7 : memref<16x2048xf32, #tpu.memory_space<vmem>>[vector<16xi32>, vector<16xi32>], vector<16xf32>,
      %mul3A_270 = arith.constant 16 : i32
      %mul3A_271 = arith.muli %add3A_28, %mul3A_270 : i32
      %add3A_272 = arith.constant 10 : i32
      %add3A_273 = arith.addi %mul3A_271, %add3A_272 : i32
      %broadcast_in_dim3A_274 = arith.constant 10 : i32
      %broadcast_in_dim3A_275 = vector.broadcast %broadcast_in_dim3A_274 : i32 to vector<16xi32>
      %mul3A_276 = arith.constant 48 : i32
      %mul3A_277 = arith.muli %add3A_273, %mul3A_276 : i32
      %add3A_278 = arith.constant 0 : i32
      %add3A_279 = arith.addi %mul3A_277, %add3A_278 : i32
      %get3A_280 = arith.index_cast %add3A_279 : i32 to index
      %get3A_281 = tpu.vector_load %arg5[%get3A_280] {strides = array<i32>} : memref<6144xi32, #tpu.memory_space<vmem>>, vector<16xi32>,
      tpu.vector_store_idx %arg6[%broadcast_in_dim3A_275, %get3A_281], %broadcast_in_dim3A_7 : memref<16x2048xf32, #tpu.memory_space<vmem>>[vector<16xi32>, vector<16xi32>], vector<16xf32>,
      %mul3A_282 = arith.constant 48 : i32
      %mul3A_283 = arith.muli %add3A_273, %mul3A_282 : i32
      %add3A_284 = arith.constant 16 : i32
      %add3A_285 = arith.addi %mul3A_283, %add3A_284 : i32
      %get3A_286 = arith.index_cast %add3A_285 : i32 to index
      %get3A_287 = tpu.vector_load %arg5[%get3A_286] {strides = array<i32>} : memref<6144xi32, #tpu.memory_space<vmem>>, vector<16xi32>,
      tpu.vector_store_idx %arg6[%broadcast_in_dim3A_275, %get3A_287], %broadcast_in_dim3A_7 : memref<16x2048xf32, #tpu.memory_space<vmem>>[vector<16xi32>, vector<16xi32>], vector<16xf32>,
      %mul3A_288 = arith.constant 48 : i32
      %mul3A_289 = arith.muli %add3A_273, %mul3A_288 : i32
      %add3A_290 = arith.constant 32 : i32
      %add3A_291 = arith.addi %mul3A_289, %add3A_290 : i32
      %get3A_292 = arith.index_cast %add3A_291 : i32 to index
      %get3A_293 = tpu.vector_load %arg5[%get3A_292] {strides = array<i32>} : memref<6144xi32, #tpu.memory_space<vmem>>, vector<16xi32>,
      tpu.vector_store_idx %arg6[%broadcast_in_dim3A_275, %get3A_293], %broadcast_in_dim3A_7 : memref<16x2048xf32, #tpu.memory_space<vmem>>[vector<16xi32>, vector<16xi32>], vector<16xf32>,
      %mul3A_294 = arith.constant 16 : i32
      %mul3A_295 = arith.muli %add3A_28, %mul3A_294 : i32
      %add3A_296 = arith.constant 11 : i32
      %add3A_297 = arith.addi %mul3A_295, %add3A_296 : i32
      %broadcast_in_dim3A_298 = arith.constant 11 : i32
      %broadcast_in_dim3A_299 = vector.broadcast %broadcast_in_dim3A_298 : i32 to vector<16xi32>
      %mul3A_300 = arith.constant 48 : i32
      %mul3A_301 = arith.muli %add3A_297, %mul3A_300 : i32
      %add3A_302 = arith.constant 0 : i32
      %add3A_303 = arith.addi %mul3A_301, %add3A_302 : i32
      %get3A_304 = arith.index_cast %add3A_303 : i32 to index
      %get3A_305 = tpu.vector_load %arg5[%get3A_304] {strides = array<i32>} : memref<6144xi32, #tpu.memory_space<vmem>>, vector<16xi32>,
      tpu.vector_store_idx %arg6[%broadcast_in_dim3A_299, %get3A_305], %broadcast_in_dim3A_7 : memref<16x2048xf32, #tpu.memory_space<vmem>>[vector<16xi32>, vector<16xi32>], vector<16xf32>,
      %mul3A_306 = arith.constant 48 : i32
      %mul3A_307 = arith.muli %add3A_297, %mul3A_306 : i32
      %add3A_308 = arith.constant 16 : i32
      %add3A_309 = arith.addi %mul3A_307, %add3A_308 : i32
      %get3A_310 = arith.index_cast %add3A_309 : i32 to index
      %get3A_311 = tpu.vector_load %arg5[%get3A_310] {strides = array<i32>} : memref<6144xi32, #tpu.memory_space<vmem>>, vector<16xi32>,
      tpu.vector_store_idx %arg6[%broadcast_in_dim3A_299, %get3A_311], %broadcast_in_dim3A_7 : memref<16x2048xf32, #tpu.memory_space<vmem>>[vector<16xi32>, vector<16xi32>], vector<16xf32>,
      %mul3A_312 = arith.constant 48 : i32
      %mul3A_313 = arith.muli %add3A_297, %mul3A_312 : i32
      %add3A_314 = arith.constant 32 : i32
      %add3A_315 = arith.addi %mul3A_313, %add3A_314 : i32
      %get3A_316 = arith.index_cast %add3A_315 : i32 to index
      %get3A_317 = tpu.vector_load %arg5[%get3A_316] {strides = array<i32>} : memref<6144xi32, #tpu.memory_space<vmem>>, vector<16xi32>,
      tpu.vector_store_idx %arg6[%broadcast_in_dim3A_299, %get3A_317], %broadcast_in_dim3A_7 : memref<16x2048xf32, #tpu.memory_space<vmem>>[vector<16xi32>, vector<16xi32>], vector<16xf32>,
      %mul3A_318 = arith.constant 16 : i32
      %mul3A_319 = arith.muli %add3A_28, %mul3A_318 : i32
      %add3A_320 = arith.constant 12 : i32
      %add3A_321 = arith.addi %mul3A_319, %add3A_320 : i32
      %broadcast_in_dim3A_322 = arith.constant 12 : i32
      %broadcast_in_dim3A_323 = vector.broadcast %broadcast_in_dim3A_322 : i32 to vector<16xi32>
      %mul3A_324 = arith.constant 48 : i32
      %mul3A_325 = arith.muli %add3A_321, %mul3A_324 : i32
      %add3A_326 = arith.constant 0 : i32
      %add3A_327 = arith.addi %mul3A_325, %add3A_326 : i32
      %get3A_328 = arith.index_cast %add3A_327 : i32 to index
      %get3A_329 = tpu.vector_load %arg5[%get3A_328] {strides = array<i32>} : memref<6144xi32, #tpu.memory_space<vmem>>, vector<16xi32>,
      tpu.vector_store_idx %arg6[%broadcast_in_dim3A_323, %get3A_329], %broadcast_in_dim3A_7 : memref<16x2048xf32, #tpu.memory_space<vmem>>[vector<16xi32>, vector<16xi32>], vector<16xf32>,
      %mul3A_330 = arith.constant 48 : i32
      %mul3A_331 = arith.muli %add3A_321, %mul3A_330 : i32
      %add3A_332 = arith.constant 16 : i32
      %add3A_333 = arith.addi %mul3A_331, %add3A_332 : i32
      %get3A_334 = arith.index_cast %add3A_333 : i32 to index
      %get3A_335 = tpu.vector_load %arg5[%get3A_334] {strides = array<i32>} : memref<6144xi32, #tpu.memory_space<vmem>>, vector<16xi32>,
      tpu.vector_store_idx %arg6[%broadcast_in_dim3A_323, %get3A_335], %broadcast_in_dim3A_7 : memref<16x2048xf32, #tpu.memory_space<vmem>>[vector<16xi32>, vector<16xi32>], vector<16xf32>,
      %mul3A_336 = arith.constant 48 : i32
      %mul3A_337 = arith.muli %add3A_321, %mul3A_336 : i32
      %add3A_338 = arith.constant 32 : i32
      %add3A_339 = arith.addi %mul3A_337, %add3A_338 : i32
      %get3A_340 = arith.index_cast %add3A_339 : i32 to index
      %get3A_341 = tpu.vector_load %arg5[%get3A_340] {strides = array<i32>} : memref<6144xi32, #tpu.memory_space<vmem>>, vector<16xi32>,
      tpu.vector_store_idx %arg6[%broadcast_in_dim3A_323, %get3A_341], %broadcast_in_dim3A_7 : memref<16x2048xf32, #tpu.memory_space<vmem>>[vector<16xi32>, vector<16xi32>], vector<16xf32>,
      %mul3A_342 = arith.constant 16 : i32
      %mul3A_343 = arith.muli %add3A_28, %mul3A_342 : i32
      %add3A_344 = arith.constant 13 : i32
      %add3A_345 = arith.addi %mul3A_343, %add3A_344 : i32
      %broadcast_in_dim3A_346 = arith.constant 13 : i32
      %broadcast_in_dim3A_347 = vector.broadcast %broadcast_in_dim3A_346 : i32 to vector<16xi32>
      %mul3A_348 = arith.constant 48 : i32
      %mul3A_349 = arith.muli %add3A_345, %mul3A_348 : i32
      %add3A_350 = arith.constant 0 : i32
      %add3A_351 = arith.addi %mul3A_349, %add3A_350 : i32
      %get3A_352 = arith.index_cast %add3A_351 : i32 to index
      %get3A_353 = tpu.vector_load %arg5[%get3A_352] {strides = array<i32>} : memref<6144xi32, #tpu.memory_space<vmem>>, vector<16xi32>,
      tpu.vector_store_idx %arg6[%broadcast_in_dim3A_347, %get3A_353], %broadcast_in_dim3A_7 : memref<16x2048xf32, #tpu.memory_space<vmem>>[vector<16xi32>, vector<16xi32>], vector<16xf32>,
      %mul3A_354 = arith.constant 48 : i32
      %mul3A_355 = arith.muli %add3A_345, %mul3A_354 : i32
      %add3A_356 = arith.constant 16 : i32
      %add3A_357 = arith.addi %mul3A_355, %add3A_356 : i32
      %get3A_358 = arith.index_cast %add3A_357 : i32 to index
      %get3A_359 = tpu.vector_load %arg5[%get3A_358] {strides = array<i32>} : memref<6144xi32, #tpu.memory_space<vmem>>, vector<16xi32>,
      tpu.vector_store_idx %arg6[%broadcast_in_dim3A_347, %get3A_359], %broadcast_in_dim3A_7 : memref<16x2048xf32, #tpu.memory_space<vmem>>[vector<16xi32>, vector<16xi32>], vector<16xf32>,
      %mul3A_360 = arith.constant 48 : i32
      %mul3A_361 = arith.muli %add3A_345, %mul3A_360 : i32
      %add3A_362 = arith.constant 32 : i32
      %add3A_363 = arith.addi %mul3A_361, %add3A_362 : i32
      %get3A_364 = arith.index_cast %add3A_363 : i32 to index
      %get3A_365 = tpu.vector_load %arg5[%get3A_364] {strides = array<i32>} : memref<6144xi32, #tpu.memory_space<vmem>>, vector<16xi32>,
      tpu.vector_store_idx %arg6[%broadcast_in_dim3A_347, %get3A_365], %broadcast_in_dim3A_7 : memref<16x2048xf32, #tpu.memory_space<vmem>>[vector<16xi32>, vector<16xi32>], vector<16xf32>,
      %mul3A_366 = arith.constant 16 : i32
      %mul3A_367 = arith.muli %add3A_28, %mul3A_366 : i32
      %add3A_368 = arith.constant 14 : i32
      %add3A_369 = arith.addi %mul3A_367, %add3A_368 : i32
      %broadcast_in_dim3A_370 = arith.constant 14 : i32
      %broadcast_in_dim3A_371 = vector.broadcast %broadcast_in_dim3A_370 : i32 to vector<16xi32>
      %mul3A_372 = arith.constant 48 : i32
      %mul3A_373 = arith.muli %add3A_369, %mul3A_372 : i32
      %add3A_374 = arith.constant 0 : i32
      %add3A_375 = arith.addi %mul3A_373, %add3A_374 : i32
      %get3A_376 = arith.index_cast %add3A_375 : i32 to index
      %get3A_377 = tpu.vector_load %arg5[%get3A_376] {strides = array<i32>} : memref<6144xi32, #tpu.memory_space<vmem>>, vector<16xi32>,
      tpu.vector_store_idx %arg6[%broadcast_in_dim3A_371, %get3A_377], %broadcast_in_dim3A_7 : memref<16x2048xf32, #tpu.memory_space<vmem>>[vector<16xi32>, vector<16xi32>], vector<16xf32>,
      %mul3A_378 = arith.constant 48 : i32
      %mul3A_379 = arith.muli %add3A_369, %mul3A_378 : i32
      %add3A_380 = arith.constant 16 : i32
      %add3A_381 = arith.addi %mul3A_379, %add3A_380 : i32
      %get3A_382 = arith.index_cast %add3A_381 : i32 to index
      %get3A_383 = tpu.vector_load %arg5[%get3A_382] {strides = array<i32>} : memref<6144xi32, #tpu.memory_space<vmem>>, vector<16xi32>,
      tpu.vector_store_idx %arg6[%broadcast_in_dim3A_371, %get3A_383], %broadcast_in_dim3A_7 : memref<16x2048xf32, #tpu.memory_space<vmem>>[vector<16xi32>, vector<16xi32>], vector<16xf32>,
      %mul3A_384 = arith.constant 48 : i32
      %mul3A_385 = arith.muli %add3A_369, %mul3A_384 : i32
      %add3A_386 = arith.constant 32 : i32
      %add3A_387 = arith.addi %mul3A_385, %add3A_386 : i32
      %get3A_388 = arith.index_cast %add3A_387 : i32 to index
      %get3A_389 = tpu.vector_load %arg5[%get3A_388] {strides = array<i32>} : memref<6144xi32, #tpu.memory_space<vmem>>, vector<16xi32>,
      tpu.vector_store_idx %arg6[%broadcast_in_dim3A_371, %get3A_389], %broadcast_in_dim3A_7 : memref<16x2048xf32, #tpu.memory_space<vmem>>[vector<16xi32>, vector<16xi32>], vector<16xf32>,
      %mul3A_390 = arith.constant 16 : i32
      %mul3A_391 = arith.muli %add3A_28, %mul3A_390 : i32
      %add3A_392 = arith.constant 15 : i32
      %add3A_393 = arith.addi %mul3A_391, %add3A_392 : i32
      %broadcast_in_dim3A_394 = arith.constant 15 : i32
      %broadcast_in_dim3A_395 = vector.broadcast %broadcast_in_dim3A_394 : i32 to vector<16xi32>
      %mul3A_396 = arith.constant 48 : i32
      %mul3A_397 = arith.muli %add3A_393, %mul3A_396 : i32
      %add3A_398 = arith.constant 0 : i32
      %add3A_399 = arith.addi %mul3A_397, %add3A_398 : i32
      %get3A_400 = arith.index_cast %add3A_399 : i32 to index
      %get3A_401 = tpu.vector_load %arg5[%get3A_400] {strides = array<i32>} : memref<6144xi32, #tpu.memory_space<vmem>>, vector<16xi32>,
      tpu.vector_store_idx %arg6[%broadcast_in_dim3A_395, %get3A_401], %broadcast_in_dim3A_7 : memref<16x2048xf32, #tpu.memory_space<vmem>>[vector<16xi32>, vector<16xi32>], vector<16xf32>,
      %mul3A_402 = arith.constant 48 : i32
      %mul3A_403 = arith.muli %add3A_393, %mul3A_402 : i32
      %add3A_404 = arith.constant 16 : i32
      %add3A_405 = arith.addi %mul3A_403, %add3A_404 : i32
      %get3A_406 = arith.index_cast %add3A_405 : i32 to index
      %get3A_407 = tpu.vector_load %arg5[%get3A_406] {strides = array<i32>} : memref<6144xi32, #tpu.memory_space<vmem>>, vector<16xi32>,
      tpu.vector_store_idx %arg6[%broadcast_in_dim3A_395, %get3A_407], %broadcast_in_dim3A_7 : memref<16x2048xf32, #tpu.memory_space<vmem>>[vector<16xi32>, vector<16xi32>], vector<16xf32>,
      %mul3A_408 = arith.constant 48 : i32
      %mul3A_409 = arith.muli %add3A_393, %mul3A_408 : i32
      %add3A_410 = arith.constant 32 : i32
      %add3A_411 = arith.addi %mul3A_409, %add3A_410 : i32
      %get3A_412 = arith.index_cast %add3A_411 : i32 to index
      %get3A_413 = tpu.vector_load %arg5[%get3A_412] {strides = array<i32>} : memref<6144xi32, #tpu.memory_space<vmem>>, vector<16xi32>,
      tpu.vector_store_idx %arg6[%broadcast_in_dim3A_395, %get3A_413], %broadcast_in_dim3A_7 : memref<16x2048xf32, #tpu.memory_space<vmem>>[vector<16xi32>, vector<16xi32>], vector<16xf32>,
      %mul3A_414 = arith.constant 16 : i32
      %mul3A_415 = arith.muli %add3A_28, %mul3A_414 : i32
      %add3A_416 = arith.addi %mul3A_2, %mul3A_415 : i32
      %dma_start3A = arith.constant 0 : i32
      %dma_start3A_417 = tpu.memref_slice %arg4[%add3A_416, %dma_start3A] : memref<4096x2048xf32, #tpu.memory_space<hbm>> -> memref<16x2048xf32, #tpu.memory_space<hbm>>
      %dma_start3A_418 = arith.constant 0 : i32
      %dma_start3A_419 = tpu.memref_slice %arg4[%add3A_416, %dma_start3A_418] : memref<4096x2048xf32, #tpu.memory_space<hbm>> -> memref<16x2048xf32, #tpu.memory_space<hbm>>
      tpu.enqueue_dma source(%arg6 : memref<16x2048xf32, #tpu.memory_space<vmem>>) target(%dma_start3A_419 : memref<16x2048xf32, #tpu.memory_space<hbm>>) target_semaphore(%arg8 : memref<!tpu.dma_semaphore, #tpu.memory_space<semaphore_mem>>)
      %mul3A_420 = arith.constant 2 : i32
      %mul3A_421 = arith.muli %scan3A_24, %mul3A_420 : i32
      %add3A_422 = arith.constant 1 : i32
      %add3A_423 = arith.addi %mul3A_421, %add3A_422 : i32
      %gt3A_424 = arith.constant 0 : i32
      %gt3A_425 = arith.cmpi sgt, %scan3A_24, %gt3A_424 : i32
      %convert_element_type3A_426 = arith.extui %gt3A_425 : i1 to i32
      %cond3A_427 = arith.constant 0 : i32
      %cond3A_428 = arith.cmpi ne, %convert_element_type3A_426, %cond3A_427 : i32
      scf.if %cond3A_428 {
        %dma_wait3A_820 = arith.constant 0 : i32
        %dma_wait3A_821 = arith.constant 0 : i32
        %dma_wait3A_822 = tpu.memref_slice %arg4[%dma_wait3A_820, %dma_wait3A_821] : memref<4096x2048xf32, #tpu.memory_space<hbm>> -> memref<16x2048xf32, #tpu.memory_space<hbm>>
        %dma_wait3A_823 = arith.constant 0 : i32
        %dma_wait3A_824 = arith.constant 0 : i32
        %dma_wait3A_825 = tpu.memref_slice %arg4[%dma_wait3A_823, %dma_wait3A_824] : memref<4096x2048xf32, #tpu.memory_space<hbm>> -> memref<16x2048xf32, #tpu.memory_space<hbm>>
        tpu.wait_dma2 semaphore(%arg9 : memref<!tpu.dma_semaphore, #tpu.memory_space<semaphore_mem>>) src(%arg7 : memref<16x2048xf32, #tpu.memory_space<vmem>>) dst(%dma_wait3A_825 : memref<16x2048xf32, #tpu.memory_space<hbm>>)
        %sub3A = arith.constant 2 : i32
        %sub3A_826 = arith.subi %add3A_423, %sub3A : i32
        %mul3A_827 = arith.constant 16 : i32
        %mul3A_828 = arith.muli %sub3A_826, %mul3A_827 : i32
        %add3A_829 = arith.constant 0 : i32
        %add3A_830 = arith.addi %mul3A_828, %add3A_829 : i32
        %broadcast_in_dim3A_831 = arith.constant 0 : i32
        %broadcast_in_dim3A_832 = vector.broadcast %broadcast_in_dim3A_831 : i32 to vector<16xi32>
        %mul3A_833 = arith.constant 48 : i32
        %mul3A_834 = arith.muli %add3A_830, %mul3A_833 : i32
        %add3A_835 = arith.constant 0 : i32
        %add3A_836 = arith.addi %mul3A_834, %add3A_835 : i32
        %get3A_837 = arith.index_cast %add3A_836 : i32 to index
        %get3A_838 = tpu.vector_load %arg5[%get3A_837] {strides = array<i32>} : memref<6144xi32, #tpu.memory_space<vmem>>, vector<16xi32>,
        tpu.vector_store_idx %arg7[%broadcast_in_dim3A_832, %get3A_838], %broadcast_in_dim3A_5 : memref<16x2048xf32, #tpu.memory_space<vmem>>[vector<16xi32>, vector<16xi32>], vector<16xf32>,
        %mul3A_839 = arith.constant 48 : i32
        %mul3A_840 = arith.muli %add3A_830, %mul3A_839 : i32
        %add3A_841 = arith.constant 16 : i32
        %add3A_842 = arith.addi %mul3A_840, %add3A_841 : i32
        %get3A_843 = arith.index_cast %add3A_842 : i32 to index
        %get3A_844 = tpu.vector_load %arg5[%get3A_843] {strides = array<i32>} : memref<6144xi32, #tpu.memory_space<vmem>>, vector<16xi32>,
        tpu.vector_store_idx %arg7[%broadcast_in_dim3A_832, %get3A_844], %broadcast_in_dim3A_5 : memref<16x2048xf32, #tpu.memory_space<vmem>>[vector<16xi32>, vector<16xi32>], vector<16xf32>,
        %mul3A_845 = arith.constant 48 : i32
        %mul3A_846 = arith.muli %add3A_830, %mul3A_845 : i32
        %add3A_847 = arith.constant 32 : i32
        %add3A_848 = arith.addi %mul3A_846, %add3A_847 : i32
        %get3A_849 = arith.index_cast %add3A_848 : i32 to index
        %get3A_850 = tpu.vector_load %arg5[%get3A_849] {strides = array<i32>} : memref<6144xi32, #tpu.memory_space<vmem>>, vector<16xi32>,
        tpu.vector_store_idx %arg7[%broadcast_in_dim3A_832, %get3A_850], %broadcast_in_dim3A_5 : memref<16x2048xf32, #tpu.memory_space<vmem>>[vector<16xi32>, vector<16xi32>], vector<16xf32>,
        %mul3A_851 = arith.constant 16 : i32
        %mul3A_852 = arith.muli %sub3A_826, %mul3A_851 : i32
        %add3A_853 = arith.constant 1 : i32
        %add3A_854 = arith.addi %mul3A_852, %add3A_853 : i32
        %broadcast_in_dim3A_855 = arith.constant 1 : i32
        %broadcast_in_dim3A_856 = vector.broadcast %broadcast_in_dim3A_855 : i32 to vector<16xi32>
        %mul3A_857 = arith.constant 48 : i32
        %mul3A_858 = arith.muli %add3A_854, %mul3A_857 : i32
        %add3A_859 = arith.constant 0 : i32
        %add3A_860 = arith.addi %mul3A_858, %add3A_859 : i32
        %get3A_861 = arith.index_cast %add3A_860 : i32 to index
        %get3A_862 = tpu.vector_load %arg5[%get3A_861] {strides = array<i32>} : memref<6144xi32, #tpu.memory_space<vmem>>, vector<16xi32>,
        tpu.vector_store_idx %arg7[%broadcast_in_dim3A_856, %get3A_862], %broadcast_in_dim3A_5 : memref<16x2048xf32, #tpu.memory_space<vmem>>[vector<16xi32>, vector<16xi32>], vector<16xf32>,
        %mul3A_863 = arith.constant 48 : i32
        %mul3A_864 = arith.muli %add3A_854, %mul3A_863 : i32
        %add3A_865 = arith.constant 16 : i32
        %add3A_866 = arith.addi %mul3A_864, %add3A_865 : i32
        %get3A_867 = arith.index_cast %add3A_866 : i32 to index
        %get3A_868 = tpu.vector_load %arg5[%get3A_867] {strides = array<i32>} : memref<6144xi32, #tpu.memory_space<vmem>>, vector<16xi32>,
        tpu.vector_store_idx %arg7[%broadcast_in_dim3A_856, %get3A_868], %broadcast_in_dim3A_5 : memref<16x2048xf32, #tpu.memory_space<vmem>>[vector<16xi32>, vector<16xi32>], vector<16xf32>,
        %mul3A_869 = arith.constant 48 : i32
        %mul3A_870 = arith.muli %add3A_854, %mul3A_869 : i32
        %add3A_871 = arith.constant 32 : i32
        %add3A_872 = arith.addi %mul3A_870, %add3A_871 : i32
        %get3A_873 = arith.index_cast %add3A_872 : i32 to index
        %get3A_874 = tpu.vector_load %arg5[%get3A_873] {strides = array<i32>} : memref<6144xi32, #tpu.memory_space<vmem>>, vector<16xi32>,
        tpu.vector_store_idx %arg7[%broadcast_in_dim3A_856, %get3A_874], %broadcast_in_dim3A_5 : memref<16x2048xf32, #tpu.memory_space<vmem>>[vector<16xi32>, vector<16xi32>], vector<16xf32>,
        %mul3A_875 = arith.constant 16 : i32
        %mul3A_876 = arith.muli %sub3A_826, %mul3A_875 : i32
        %add3A_877 = arith.constant 2 : i32
        %add3A_878 = arith.addi %mul3A_876, %add3A_877 : i32
        %broadcast_in_dim3A_879 = arith.constant 2 : i32
        %broadcast_in_dim3A_880 = vector.broadcast %broadcast_in_dim3A_879 : i32 to vector<16xi32>
        %mul3A_881 = arith.constant 48 : i32
        %mul3A_882 = arith.muli %add3A_878, %mul3A_881 : i32
        %add3A_883 = arith.constant 0 : i32
        %add3A_884 = arith.addi %mul3A_882, %add3A_883 : i32
        %get3A_885 = arith.index_cast %add3A_884 : i32 to index
        %get3A_886 = tpu.vector_load %arg5[%get3A_885] {strides = array<i32>} : memref<6144xi32, #tpu.memory_space<vmem>>, vector<16xi32>,
        tpu.vector_store_idx %arg7[%broadcast_in_dim3A_880, %get3A_886], %broadcast_in_dim3A_5 : memref<16x2048xf32, #tpu.memory_space<vmem>>[vector<16xi32>, vector<16xi32>], vector<16xf32>,
        %mul3A_887 = arith.constant 48 : i32
        %mul3A_888 = arith.muli %add3A_878, %mul3A_887 : i32
        %add3A_889 = arith.constant 16 : i32
        %add3A_890 = arith.addi %mul3A_888, %add3A_889 : i32
        %get3A_891 = arith.index_cast %add3A_890 : i32 to index
        %get3A_892 = tpu.vector_load %arg5[%get3A_891] {strides = array<i32>} : memref<6144xi32, #tpu.memory_space<vmem>>, vector<16xi32>,
        tpu.vector_store_idx %arg7[%broadcast_in_dim3A_880, %get3A_892], %broadcast_in_dim3A_5 : memref<16x2048xf32, #tpu.memory_space<vmem>>[vector<16xi32>, vector<16xi32>], vector<16xf32>,
        %mul3A_893 = arith.constant 48 : i32
        %mul3A_894 = arith.muli %add3A_878, %mul3A_893 : i32
        %add3A_895 = arith.constant 32 : i32
        %add3A_896 = arith.addi %mul3A_894, %add3A_895 : i32
        %get3A_897 = arith.index_cast %add3A_896 : i32 to index
        %get3A_898 = tpu.vector_load %arg5[%get3A_897] {strides = array<i32>} : memref<6144xi32, #tpu.memory_space<vmem>>, vector<16xi32>,
        tpu.vector_store_idx %arg7[%broadcast_in_dim3A_880, %get3A_898], %broadcast_in_dim3A_5 : memref<16x2048xf32, #tpu.memory_space<vmem>>[vector<16xi32>, vector<16xi32>], vector<16xf32>,
        %mul3A_899 = arith.constant 16 : i32
        %mul3A_900 = arith.muli %sub3A_826, %mul3A_899 : i32
        %add3A_901 = arith.constant 3 : i32
        %add3A_902 = arith.addi %mul3A_900, %add3A_901 : i32
        %broadcast_in_dim3A_903 = arith.constant 3 : i32
        %broadcast_in_dim3A_904 = vector.broadcast %broadcast_in_dim3A_903 : i32 to vector<16xi32>
        %mul3A_905 = arith.constant 48 : i32
        %mul3A_906 = arith.muli %add3A_902, %mul3A_905 : i32
        %add3A_907 = arith.constant 0 : i32
        %add3A_908 = arith.addi %mul3A_906, %add3A_907 : i32
        %get3A_909 = arith.index_cast %add3A_908 : i32 to index
        %get3A_910 = tpu.vector_load %arg5[%get3A_909] {strides = array<i32>} : memref<6144xi32, #tpu.memory_space<vmem>>, vector<16xi32>,
        tpu.vector_store_idx %arg7[%broadcast_in_dim3A_904, %get3A_910], %broadcast_in_dim3A_5 : memref<16x2048xf32, #tpu.memory_space<vmem>>[vector<16xi32>, vector<16xi32>], vector<16xf32>,
        %mul3A_911 = arith.constant 48 : i32
        %mul3A_912 = arith.muli %add3A_902, %mul3A_911 : i32
        %add3A_913 = arith.constant 16 : i32
        %add3A_914 = arith.addi %mul3A_912, %add3A_913 : i32
        %get3A_915 = arith.index_cast %add3A_914 : i32 to index
        %get3A_916 = tpu.vector_load %arg5[%get3A_915] {strides = array<i32>} : memref<6144xi32, #tpu.memory_space<vmem>>, vector<16xi32>,
        tpu.vector_store_idx %arg7[%broadcast_in_dim3A_904, %get3A_916], %broadcast_in_dim3A_5 : memref<16x2048xf32, #tpu.memory_space<vmem>>[vector<16xi32>, vector<16xi32>], vector<16xf32>,
        %mul3A_917 = arith.constant 48 : i32
        %mul3A_918 = arith.muli %add3A_902, %mul3A_917 : i32
        %add3A_919 = arith.constant 32 : i32
        %add3A_920 = arith.addi %mul3A_918, %add3A_919 : i32
        %get3A_921 = arith.index_cast %add3A_920 : i32 to index
        %get3A_922 = tpu.vector_load %arg5[%get3A_921] {strides = array<i32>} : memref<6144xi32, #tpu.memory_space<vmem>>, vector<16xi32>,
        tpu.vector_store_idx %arg7[%broadcast_in_dim3A_904, %get3A_922], %broadcast_in_dim3A_5 : memref<16x2048xf32, #tpu.memory_space<vmem>>[vector<16xi32>, vector<16xi32>], vector<16xf32>,
        %mul3A_923 = arith.constant 16 : i32
        %mul3A_924 = arith.muli %sub3A_826, %mul3A_923 : i32
        %add3A_925 = arith.constant 4 : i32
        %add3A_926 = arith.addi %mul3A_924, %add3A_925 : i32
        %broadcast_in_dim3A_927 = arith.constant 4 : i32
        %broadcast_in_dim3A_928 = vector.broadcast %broadcast_in_dim3A_927 : i32 to vector<16xi32>
        %mul3A_929 = arith.constant 48 : i32
        %mul3A_930 = arith.muli %add3A_926, %mul3A_929 : i32
        %add3A_931 = arith.constant 0 : i32
        %add3A_932 = arith.addi %mul3A_930, %add3A_931 : i32
        %get3A_933 = arith.index_cast %add3A_932 : i32 to index
        %get3A_934 = tpu.vector_load %arg5[%get3A_933] {strides = array<i32>} : memref<6144xi32, #tpu.memory_space<vmem>>, vector<16xi32>,
        tpu.vector_store_idx %arg7[%broadcast_in_dim3A_928, %get3A_934], %broadcast_in_dim3A_5 : memref<16x2048xf32, #tpu.memory_space<vmem>>[vector<16xi32>, vector<16xi32>], vector<16xf32>,
        %mul3A_935 = arith.constant 48 : i32
        %mul3A_936 = arith.muli %add3A_926, %mul3A_935 : i32
        %add3A_937 = arith.constant 16 : i32
        %add3A_938 = arith.addi %mul3A_936, %add3A_937 : i32
        %get3A_939 = arith.index_cast %add3A_938 : i32 to index
        %get3A_940 = tpu.vector_load %arg5[%get3A_939] {strides = array<i32>} : memref<6144xi32, #tpu.memory_space<vmem>>, vector<16xi32>,
        tpu.vector_store_idx %arg7[%broadcast_in_dim3A_928, %get3A_940], %broadcast_in_dim3A_5 : memref<16x2048xf32, #tpu.memory_space<vmem>>[vector<16xi32>, vector<16xi32>], vector<16xf32>,
        %mul3A_941 = arith.constant 48 : i32
        %mul3A_942 = arith.muli %add3A_926, %mul3A_941 : i32
        %add3A_943 = arith.constant 32 : i32
        %add3A_944 = arith.addi %mul3A_942, %add3A_943 : i32
        %get3A_945 = arith.index_cast %add3A_944 : i32 to index
        %get3A_946 = tpu.vector_load %arg5[%get3A_945] {strides = array<i32>} : memref<6144xi32, #tpu.memory_space<vmem>>, vector<16xi32>,
        tpu.vector_store_idx %arg7[%broadcast_in_dim3A_928, %get3A_946], %broadcast_in_dim3A_5 : memref<16x2048xf32, #tpu.memory_space<vmem>>[vector<16xi32>, vector<16xi32>], vector<16xf32>,
        %mul3A_947 = arith.constant 16 : i32
        %mul3A_948 = arith.muli %sub3A_826, %mul3A_947 : i32
        %add3A_949 = arith.constant 5 : i32
        %add3A_950 = arith.addi %mul3A_948, %add3A_949 : i32
        %broadcast_in_dim3A_951 = arith.constant 5 : i32
        %broadcast_in_dim3A_952 = vector.broadcast %broadcast_in_dim3A_951 : i32 to vector<16xi32>
        %mul3A_953 = arith.constant 48 : i32
        %mul3A_954 = arith.muli %add3A_950, %mul3A_953 : i32
        %add3A_955 = arith.constant 0 : i32
        %add3A_956 = arith.addi %mul3A_954, %add3A_955 : i32
        %get3A_957 = arith.index_cast %add3A_956 : i32 to index
        %get3A_958 = tpu.vector_load %arg5[%get3A_957] {strides = array<i32>} : memref<6144xi32, #tpu.memory_space<vmem>>, vector<16xi32>,
        tpu.vector_store_idx %arg7[%broadcast_in_dim3A_952, %get3A_958], %broadcast_in_dim3A_5 : memref<16x2048xf32, #tpu.memory_space<vmem>>[vector<16xi32>, vector<16xi32>], vector<16xf32>,
        %mul3A_959 = arith.constant 48 : i32
        %mul3A_960 = arith.muli %add3A_950, %mul3A_959 : i32
        %add3A_961 = arith.constant 16 : i32
        %add3A_962 = arith.addi %mul3A_960, %add3A_961 : i32
        %get3A_963 = arith.index_cast %add3A_962 : i32 to index
        %get3A_964 = tpu.vector_load %arg5[%get3A_963] {strides = array<i32>} : memref<6144xi32, #tpu.memory_space<vmem>>, vector<16xi32>,
        tpu.vector_store_idx %arg7[%broadcast_in_dim3A_952, %get3A_964], %broadcast_in_dim3A_5 : memref<16x2048xf32, #tpu.memory_space<vmem>>[vector<16xi32>, vector<16xi32>], vector<16xf32>,
        %mul3A_965 = arith.constant 48 : i32
        %mul3A_966 = arith.muli %add3A_950, %mul3A_965 : i32
        %add3A_967 = arith.constant 32 : i32
        %add3A_968 = arith.addi %mul3A_966, %add3A_967 : i32
        %get3A_969 = arith.index_cast %add3A_968 : i32 to index
        %get3A_970 = tpu.vector_load %arg5[%get3A_969] {strides = array<i32>} : memref<6144xi32, #tpu.memory_space<vmem>>, vector<16xi32>,
        tpu.vector_store_idx %arg7[%broadcast_in_dim3A_952, %get3A_970], %broadcast_in_dim3A_5 : memref<16x2048xf32, #tpu.memory_space<vmem>>[vector<16xi32>, vector<16xi32>], vector<16xf32>,
        %mul3A_971 = arith.constant 16 : i32
        %mul3A_972 = arith.muli %sub3A_826, %mul3A_971 : i32
        %add3A_973 = arith.constant 6 : i32
        %add3A_974 = arith.addi %mul3A_972, %add3A_973 : i32
        %broadcast_in_dim3A_975 = arith.constant 6 : i32
        %broadcast_in_dim3A_976 = vector.broadcast %broadcast_in_dim3A_975 : i32 to vector<16xi32>
        %mul3A_977 = arith.constant 48 : i32
        %mul3A_978 = arith.muli %add3A_974, %mul3A_977 : i32
        %add3A_979 = arith.constant 0 : i32
        %add3A_980 = arith.addi %mul3A_978, %add3A_979 : i32
        %get3A_981 = arith.index_cast %add3A_980 : i32 to index
        %get3A_982 = tpu.vector_load %arg5[%get3A_981] {strides = array<i32>} : memref<6144xi32, #tpu.memory_space<vmem>>, vector<16xi32>,
        tpu.vector_store_idx %arg7[%broadcast_in_dim3A_976, %get3A_982], %broadcast_in_dim3A_5 : memref<16x2048xf32, #tpu.memory_space<vmem>>[vector<16xi32>, vector<16xi32>], vector<16xf32>,
        %mul3A_983 = arith.constant 48 : i32
        %mul3A_984 = arith.muli %add3A_974, %mul3A_983 : i32
        %add3A_985 = arith.constant 16 : i32
        %add3A_986 = arith.addi %mul3A_984, %add3A_985 : i32
        %get3A_987 = arith.index_cast %add3A_986 : i32 to index
        %get3A_988 = tpu.vector_load %arg5[%get3A_987] {strides = array<i32>} : memref<6144xi32, #tpu.memory_space<vmem>>, vector<16xi32>,
        tpu.vector_store_idx %arg7[%broadcast_in_dim3A_976, %get3A_988], %broadcast_in_dim3A_5 : memref<16x2048xf32, #tpu.memory_space<vmem>>[vector<16xi32>, vector<16xi32>], vector<16xf32>,
        %mul3A_989 = arith.constant 48 : i32
        %mul3A_990 = arith.muli %add3A_974, %mul3A_989 : i32
        %add3A_991 = arith.constant 32 : i32
        %add3A_992 = arith.addi %mul3A_990, %add3A_991 : i32
        %get3A_993 = arith.index_cast %add3A_992 : i32 to index
        %get3A_994 = tpu.vector_load %arg5[%get3A_993] {strides = array<i32>} : memref<6144xi32, #tpu.memory_space<vmem>>, vector<16xi32>,
        tpu.vector_store_idx %arg7[%broadcast_in_dim3A_976, %get3A_994], %broadcast_in_dim3A_5 : memref<16x2048xf32, #tpu.memory_space<vmem>>[vector<16xi32>, vector<16xi32>], vector<16xf32>,
        %mul3A_995 = arith.constant 16 : i32
        %mul3A_996 = arith.muli %sub3A_826, %mul3A_995 : i32
        %add3A_997 = arith.constant 7 : i32
        %add3A_998 = arith.addi %mul3A_996, %add3A_997 : i32
        %broadcast_in_dim3A_999 = arith.constant 7 : i32
        %broadcast_in_dim3A_1000 = vector.broadcast %broadcast_in_dim3A_999 : i32 to vector<16xi32>
        %mul3A_1001 = arith.constant 48 : i32
        %mul3A_1002 = arith.muli %add3A_998, %mul3A_1001 : i32
        %add3A_1003 = arith.constant 0 : i32
        %add3A_1004 = arith.addi %mul3A_1002, %add3A_1003 : i32
        %get3A_1005 = arith.index_cast %add3A_1004 : i32 to index
        %get3A_1006 = tpu.vector_load %arg5[%get3A_1005] {strides = array<i32>} : memref<6144xi32, #tpu.memory_space<vmem>>, vector<16xi32>,
        tpu.vector_store_idx %arg7[%broadcast_in_dim3A_1000, %get3A_1006], %broadcast_in_dim3A_5 : memref<16x2048xf32, #tpu.memory_space<vmem>>[vector<16xi32>, vector<16xi32>], vector<16xf32>,
        %mul3A_1007 = arith.constant 48 : i32
        %mul3A_1008 = arith.muli %add3A_998, %mul3A_1007 : i32
        %add3A_1009 = arith.constant 16 : i32
        %add3A_1010 = arith.addi %mul3A_1008, %add3A_1009 : i32
        %get3A_1011 = arith.index_cast %add3A_1010 : i32 to index
        %get3A_1012 = tpu.vector_load %arg5[%get3A_1011] {strides = array<i32>} : memref<6144xi32, #tpu.memory_space<vmem>>, vector<16xi32>,
        tpu.vector_store_idx %arg7[%broadcast_in_dim3A_1000, %get3A_1012], %broadcast_in_dim3A_5 : memref<16x2048xf32, #tpu.memory_space<vmem>>[vector<16xi32>, vector<16xi32>], vector<16xf32>,
        %mul3A_1013 = arith.constant 48 : i32
        %mul3A_1014 = arith.muli %add3A_998, %mul3A_1013 : i32
        %add3A_1015 = arith.constant 32 : i32
        %add3A_1016 = arith.addi %mul3A_1014, %add3A_1015 : i32
        %get3A_1017 = arith.index_cast %add3A_1016 : i32 to index
        %get3A_1018 = tpu.vector_load %arg5[%get3A_1017] {strides = array<i32>} : memref<6144xi32, #tpu.memory_space<vmem>>, vector<16xi32>,
        tpu.vector_store_idx %arg7[%broadcast_in_dim3A_1000, %get3A_1018], %broadcast_in_dim3A_5 : memref<16x2048xf32, #tpu.memory_space<vmem>>[vector<16xi32>, vector<16xi32>], vector<16xf32>,
        %mul3A_1019 = arith.constant 16 : i32
        %mul3A_1020 = arith.muli %sub3A_826, %mul3A_1019 : i32
        %add3A_1021 = arith.constant 8 : i32
        %add3A_1022 = arith.addi %mul3A_1020, %add3A_1021 : i32
        %broadcast_in_dim3A_1023 = arith.constant 8 : i32
        %broadcast_in_dim3A_1024 = vector.broadcast %broadcast_in_dim3A_1023 : i32 to vector<16xi32>
        %mul3A_1025 = arith.constant 48 : i32
        %mul3A_1026 = arith.muli %add3A_1022, %mul3A_1025 : i32
        %add3A_1027 = arith.constant 0 : i32
        %add3A_1028 = arith.addi %mul3A_1026, %add3A_1027 : i32
        %get3A_1029 = arith.index_cast %add3A_1028 : i32 to index
        %get3A_1030 = tpu.vector_load %arg5[%get3A_1029] {strides = array<i32>} : memref<6144xi32, #tpu.memory_space<vmem>>, vector<16xi32>,
        tpu.vector_store_idx %arg7[%broadcast_in_dim3A_1024, %get3A_1030], %broadcast_in_dim3A_5 : memref<16x2048xf32, #tpu.memory_space<vmem>>[vector<16xi32>, vector<16xi32>], vector<16xf32>,
        %mul3A_1031 = arith.constant 48 : i32
        %mul3A_1032 = arith.muli %add3A_1022, %mul3A_1031 : i32
        %add3A_1033 = arith.constant 16 : i32
        %add3A_1034 = arith.addi %mul3A_1032, %add3A_1033 : i32
        %get3A_1035 = arith.index_cast %add3A_1034 : i32 to index
        %get3A_1036 = tpu.vector_load %arg5[%get3A_1035] {strides = array<i32>} : memref<6144xi32, #tpu.memory_space<vmem>>, vector<16xi32>,
        tpu.vector_store_idx %arg7[%broadcast_in_dim3A_1024, %get3A_1036], %broadcast_in_dim3A_5 : memref<16x2048xf32, #tpu.memory_space<vmem>>[vector<16xi32>, vector<16xi32>], vector<16xf32>,
        %mul3A_1037 = arith.constant 48 : i32
        %mul3A_1038 = arith.muli %add3A_1022, %mul3A_1037 : i32
        %add3A_1039 = arith.constant 32 : i32
        %add3A_1040 = arith.addi %mul3A_1038, %add3A_1039 : i32
        %get3A_1041 = arith.index_cast %add3A_1040 : i32 to index
        %get3A_1042 = tpu.vector_load %arg5[%get3A_1041] {strides = array<i32>} : memref<6144xi32, #tpu.memory_space<vmem>>, vector<16xi32>,
        tpu.vector_store_idx %arg7[%broadcast_in_dim3A_1024, %get3A_1042], %broadcast_in_dim3A_5 : memref<16x2048xf32, #tpu.memory_space<vmem>>[vector<16xi32>, vector<16xi32>], vector<16xf32>,
        %mul3A_1043 = arith.constant 16 : i32
        %mul3A_1044 = arith.muli %sub3A_826, %mul3A_1043 : i32
        %add3A_1045 = arith.constant 9 : i32
        %add3A_1046 = arith.addi %mul3A_1044, %add3A_1045 : i32
        %broadcast_in_dim3A_1047 = arith.constant 9 : i32
        %broadcast_in_dim3A_1048 = vector.broadcast %broadcast_in_dim3A_1047 : i32 to vector<16xi32>
        %mul3A_1049 = arith.constant 48 : i32
        %mul3A_1050 = arith.muli %add3A_1046, %mul3A_1049 : i32
        %add3A_1051 = arith.constant 0 : i32
        %add3A_1052 = arith.addi %mul3A_1050, %add3A_1051 : i32
        %get3A_1053 = arith.index_cast %add3A_1052 : i32 to index
        %get3A_1054 = tpu.vector_load %arg5[%get3A_1053] {strides = array<i32>} : memref<6144xi32, #tpu.memory_space<vmem>>, vector<16xi32>,
        tpu.vector_store_idx %arg7[%broadcast_in_dim3A_1048, %get3A_1054], %broadcast_in_dim3A_5 : memref<16x2048xf32, #tpu.memory_space<vmem>>[vector<16xi32>, vector<16xi32>], vector<16xf32>,
        %mul3A_1055 = arith.constant 48 : i32
        %mul3A_1056 = arith.muli %add3A_1046, %mul3A_1055 : i32
        %add3A_1057 = arith.constant 16 : i32
        %add3A_1058 = arith.addi %mul3A_1056, %add3A_1057 : i32
        %get3A_1059 = arith.index_cast %add3A_1058 : i32 to index
        %get3A_1060 = tpu.vector_load %arg5[%get3A_1059] {strides = array<i32>} : memref<6144xi32, #tpu.memory_space<vmem>>, vector<16xi32>,
        tpu.vector_store_idx %arg7[%broadcast_in_dim3A_1048, %get3A_1060], %broadcast_in_dim3A_5 : memref<16x2048xf32, #tpu.memory_space<vmem>>[vector<16xi32>, vector<16xi32>], vector<16xf32>,
        %mul3A_1061 = arith.constant 48 : i32
        %mul3A_1062 = arith.muli %add3A_1046, %mul3A_1061 : i32
        %add3A_1063 = arith.constant 32 : i32
        %add3A_1064 = arith.addi %mul3A_1062, %add3A_1063 : i32
        %get3A_1065 = arith.index_cast %add3A_1064 : i32 to index
        %get3A_1066 = tpu.vector_load %arg5[%get3A_1065] {strides = array<i32>} : memref<6144xi32, #tpu.memory_space<vmem>>, vector<16xi32>,
        tpu.vector_store_idx %arg7[%broadcast_in_dim3A_1048, %get3A_1066], %broadcast_in_dim3A_5 : memref<16x2048xf32, #tpu.memory_space<vmem>>[vector<16xi32>, vector<16xi32>], vector<16xf32>,
        %mul3A_1067 = arith.constant 16 : i32
        %mul3A_1068 = arith.muli %sub3A_826, %mul3A_1067 : i32
        %add3A_1069 = arith.constant 10 : i32
        %add3A_1070 = arith.addi %mul3A_1068, %add3A_1069 : i32
        %broadcast_in_dim3A_1071 = arith.constant 10 : i32
        %broadcast_in_dim3A_1072 = vector.broadcast %broadcast_in_dim3A_1071 : i32 to vector<16xi32>
        %mul3A_1073 = arith.constant 48 : i32
        %mul3A_1074 = arith.muli %add3A_1070, %mul3A_1073 : i32
        %add3A_1075 = arith.constant 0 : i32
        %add3A_1076 = arith.addi %mul3A_1074, %add3A_1075 : i32
        %get3A_1077 = arith.index_cast %add3A_1076 : i32 to index
        %get3A_1078 = tpu.vector_load %arg5[%get3A_1077] {strides = array<i32>} : memref<6144xi32, #tpu.memory_space<vmem>>, vector<16xi32>,
        tpu.vector_store_idx %arg7[%broadcast_in_dim3A_1072, %get3A_1078], %broadcast_in_dim3A_5 : memref<16x2048xf32, #tpu.memory_space<vmem>>[vector<16xi32>, vector<16xi32>], vector<16xf32>,
        %mul3A_1079 = arith.constant 48 : i32
        %mul3A_1080 = arith.muli %add3A_1070, %mul3A_1079 : i32
        %add3A_1081 = arith.constant 16 : i32
        %add3A_1082 = arith.addi %mul3A_1080, %add3A_1081 : i32
        %get3A_1083 = arith.index_cast %add3A_1082 : i32 to index
        %get3A_1084 = tpu.vector_load %arg5[%get3A_1083] {strides = array<i32>} : memref<6144xi32, #tpu.memory_space<vmem>>, vector<16xi32>,
        tpu.vector_store_idx %arg7[%broadcast_in_dim3A_1072, %get3A_1084], %broadcast_in_dim3A_5 : memref<16x2048xf32, #tpu.memory_space<vmem>>[vector<16xi32>, vector<16xi32>], vector<16xf32>,
        %mul3A_1085 = arith.constant 48 : i32
        %mul3A_1086 = arith.muli %add3A_1070, %mul3A_1085 : i32
        %add3A_1087 = arith.constant 32 : i32
        %add3A_1088 = arith.addi %mul3A_1086, %add3A_1087 : i32
        %get3A_1089 = arith.index_cast %add3A_1088 : i32 to index
        %get3A_1090 = tpu.vector_load %arg5[%get3A_1089] {strides = array<i32>} : memref<6144xi32, #tpu.memory_space<vmem>>, vector<16xi32>,
        tpu.vector_store_idx %arg7[%broadcast_in_dim3A_1072, %get3A_1090], %broadcast_in_dim3A_5 : memref<16x2048xf32, #tpu.memory_space<vmem>>[vector<16xi32>, vector<16xi32>], vector<16xf32>,
        %mul3A_1091 = arith.constant 16 : i32
        %mul3A_1092 = arith.muli %sub3A_826, %mul3A_1091 : i32
        %add3A_1093 = arith.constant 11 : i32
        %add3A_1094 = arith.addi %mul3A_1092, %add3A_1093 : i32
        %broadcast_in_dim3A_1095 = arith.constant 11 : i32
        %broadcast_in_dim3A_1096 = vector.broadcast %broadcast_in_dim3A_1095 : i32 to vector<16xi32>
        %mul3A_1097 = arith.constant 48 : i32
        %mul3A_1098 = arith.muli %add3A_1094, %mul3A_1097 : i32
        %add3A_1099 = arith.constant 0 : i32
        %add3A_1100 = arith.addi %mul3A_1098, %add3A_1099 : i32
        %get3A_1101 = arith.index_cast %add3A_1100 : i32 to index
        %get3A_1102 = tpu.vector_load %arg5[%get3A_1101] {strides = array<i32>} : memref<6144xi32, #tpu.memory_space<vmem>>, vector<16xi32>,
        tpu.vector_store_idx %arg7[%broadcast_in_dim3A_1096, %get3A_1102], %broadcast_in_dim3A_5 : memref<16x2048xf32, #tpu.memory_space<vmem>>[vector<16xi32>, vector<16xi32>], vector<16xf32>,
        %mul3A_1103 = arith.constant 48 : i32
        %mul3A_1104 = arith.muli %add3A_1094, %mul3A_1103 : i32
        %add3A_1105 = arith.constant 16 : i32
        %add3A_1106 = arith.addi %mul3A_1104, %add3A_1105 : i32
        %get3A_1107 = arith.index_cast %add3A_1106 : i32 to index
        %get3A_1108 = tpu.vector_load %arg5[%get3A_1107] {strides = array<i32>} : memref<6144xi32, #tpu.memory_space<vmem>>, vector<16xi32>,
        tpu.vector_store_idx %arg7[%broadcast_in_dim3A_1096, %get3A_1108], %broadcast_in_dim3A_5 : memref<16x2048xf32, #tpu.memory_space<vmem>>[vector<16xi32>, vector<16xi32>], vector<16xf32>,
        %mul3A_1109 = arith.constant 48 : i32
        %mul3A_1110 = arith.muli %add3A_1094, %mul3A_1109 : i32
        %add3A_1111 = arith.constant 32 : i32
        %add3A_1112 = arith.addi %mul3A_1110, %add3A_1111 : i32
        %get3A_1113 = arith.index_cast %add3A_1112 : i32 to index
        %get3A_1114 = tpu.vector_load %arg5[%get3A_1113] {strides = array<i32>} : memref<6144xi32, #tpu.memory_space<vmem>>, vector<16xi32>,
        tpu.vector_store_idx %arg7[%broadcast_in_dim3A_1096, %get3A_1114], %broadcast_in_dim3A_5 : memref<16x2048xf32, #tpu.memory_space<vmem>>[vector<16xi32>, vector<16xi32>], vector<16xf32>,
        %mul3A_1115 = arith.constant 16 : i32
        %mul3A_1116 = arith.muli %sub3A_826, %mul3A_1115 : i32
        %add3A_1117 = arith.constant 12 : i32
        %add3A_1118 = arith.addi %mul3A_1116, %add3A_1117 : i32
        %broadcast_in_dim3A_1119 = arith.constant 12 : i32
        %broadcast_in_dim3A_1120 = vector.broadcast %broadcast_in_dim3A_1119 : i32 to vector<16xi32>
        %mul3A_1121 = arith.constant 48 : i32
        %mul3A_1122 = arith.muli %add3A_1118, %mul3A_1121 : i32
        %add3A_1123 = arith.constant 0 : i32
        %add3A_1124 = arith.addi %mul3A_1122, %add3A_1123 : i32
        %get3A_1125 = arith.index_cast %add3A_1124 : i32 to index
        %get3A_1126 = tpu.vector_load %arg5[%get3A_1125] {strides = array<i32>} : memref<6144xi32, #tpu.memory_space<vmem>>, vector<16xi32>,
        tpu.vector_store_idx %arg7[%broadcast_in_dim3A_1120, %get3A_1126], %broadcast_in_dim3A_5 : memref<16x2048xf32, #tpu.memory_space<vmem>>[vector<16xi32>, vector<16xi32>], vector<16xf32>,
        %mul3A_1127 = arith.constant 48 : i32
        %mul3A_1128 = arith.muli %add3A_1118, %mul3A_1127 : i32
        %add3A_1129 = arith.constant 16 : i32
        %add3A_1130 = arith.addi %mul3A_1128, %add3A_1129 : i32
        %get3A_1131 = arith.index_cast %add3A_1130 : i32 to index
        %get3A_1132 = tpu.vector_load %arg5[%get3A_1131] {strides = array<i32>} : memref<6144xi32, #tpu.memory_space<vmem>>, vector<16xi32>,
        tpu.vector_store_idx %arg7[%broadcast_in_dim3A_1120, %get3A_1132], %broadcast_in_dim3A_5 : memref<16x2048xf32, #tpu.memory_space<vmem>>[vector<16xi32>, vector<16xi32>], vector<16xf32>,
        %mul3A_1133 = arith.constant 48 : i32
        %mul3A_1134 = arith.muli %add3A_1118, %mul3A_1133 : i32
        %add3A_1135 = arith.constant 32 : i32
        %add3A_1136 = arith.addi %mul3A_1134, %add3A_1135 : i32
        %get3A_1137 = arith.index_cast %add3A_1136 : i32 to index
        %get3A_1138 = tpu.vector_load %arg5[%get3A_1137] {strides = array<i32>} : memref<6144xi32, #tpu.memory_space<vmem>>, vector<16xi32>,
        tpu.vector_store_idx %arg7[%broadcast_in_dim3A_1120, %get3A_1138], %broadcast_in_dim3A_5 : memref<16x2048xf32, #tpu.memory_space<vmem>>[vector<16xi32>, vector<16xi32>], vector<16xf32>,
        %mul3A_1139 = arith.constant 16 : i32
        %mul3A_1140 = arith.muli %sub3A_826, %mul3A_1139 : i32
        %add3A_1141 = arith.constant 13 : i32
        %add3A_1142 = arith.addi %mul3A_1140, %add3A_1141 : i32
        %broadcast_in_dim3A_1143 = arith.constant 13 : i32
        %broadcast_in_dim3A_1144 = vector.broadcast %broadcast_in_dim3A_1143 : i32 to vector<16xi32>
        %mul3A_1145 = arith.constant 48 : i32
        %mul3A_1146 = arith.muli %add3A_1142, %mul3A_1145 : i32
        %add3A_1147 = arith.constant 0 : i32
        %add3A_1148 = arith.addi %mul3A_1146, %add3A_1147 : i32
        %get3A_1149 = arith.index_cast %add3A_1148 : i32 to index
        %get3A_1150 = tpu.vector_load %arg5[%get3A_1149] {strides = array<i32>} : memref<6144xi32, #tpu.memory_space<vmem>>, vector<16xi32>,
        tpu.vector_store_idx %arg7[%broadcast_in_dim3A_1144, %get3A_1150], %broadcast_in_dim3A_5 : memref<16x2048xf32, #tpu.memory_space<vmem>>[vector<16xi32>, vector<16xi32>], vector<16xf32>,
        %mul3A_1151 = arith.constant 48 : i32
        %mul3A_1152 = arith.muli %add3A_1142, %mul3A_1151 : i32
        %add3A_1153 = arith.constant 16 : i32
        %add3A_1154 = arith.addi %mul3A_1152, %add3A_1153 : i32
        %get3A_1155 = arith.index_cast %add3A_1154 : i32 to index
        %get3A_1156 = tpu.vector_load %arg5[%get3A_1155] {strides = array<i32>} : memref<6144xi32, #tpu.memory_space<vmem>>, vector<16xi32>,
        tpu.vector_store_idx %arg7[%broadcast_in_dim3A_1144, %get3A_1156], %broadcast_in_dim3A_5 : memref<16x2048xf32, #tpu.memory_space<vmem>>[vector<16xi32>, vector<16xi32>], vector<16xf32>,
        %mul3A_1157 = arith.constant 48 : i32
        %mul3A_1158 = arith.muli %add3A_1142, %mul3A_1157 : i32
        %add3A_1159 = arith.constant 32 : i32
        %add3A_1160 = arith.addi %mul3A_1158, %add3A_1159 : i32
        %get3A_1161 = arith.index_cast %add3A_1160 : i32 to index
        %get3A_1162 = tpu.vector_load %arg5[%get3A_1161] {strides = array<i32>} : memref<6144xi32, #tpu.memory_space<vmem>>, vector<16xi32>,
        tpu.vector_store_idx %arg7[%broadcast_in_dim3A_1144, %get3A_1162], %broadcast_in_dim3A_5 : memref<16x2048xf32, #tpu.memory_space<vmem>>[vector<16xi32>, vector<16xi32>], vector<16xf32>,
        %mul3A_1163 = arith.constant 16 : i32
        %mul3A_1164 = arith.muli %sub3A_826, %mul3A_1163 : i32
        %add3A_1165 = arith.constant 14 : i32
        %add3A_1166 = arith.addi %mul3A_1164, %add3A_1165 : i32
        %broadcast_in_dim3A_1167 = arith.constant 14 : i32
        %broadcast_in_dim3A_1168 = vector.broadcast %broadcast_in_dim3A_1167 : i32 to vector<16xi32>
        %mul3A_1169 = arith.constant 48 : i32
        %mul3A_1170 = arith.muli %add3A_1166, %mul3A_1169 : i32
        %add3A_1171 = arith.constant 0 : i32
        %add3A_1172 = arith.addi %mul3A_1170, %add3A_1171 : i32
        %get3A_1173 = arith.index_cast %add3A_1172 : i32 to index
        %get3A_1174 = tpu.vector_load %arg5[%get3A_1173] {strides = array<i32>} : memref<6144xi32, #tpu.memory_space<vmem>>, vector<16xi32>,
        tpu.vector_store_idx %arg7[%broadcast_in_dim3A_1168, %get3A_1174], %broadcast_in_dim3A_5 : memref<16x2048xf32, #tpu.memory_space<vmem>>[vector<16xi32>, vector<16xi32>], vector<16xf32>,
        %mul3A_1175 = arith.constant 48 : i32
        %mul3A_1176 = arith.muli %add3A_1166, %mul3A_1175 : i32
        %add3A_1177 = arith.constant 16 : i32
        %add3A_1178 = arith.addi %mul3A_1176, %add3A_1177 : i32
        %get3A_1179 = arith.index_cast %add3A_1178 : i32 to index
        %get3A_1180 = tpu.vector_load %arg5[%get3A_1179] {strides = array<i32>} : memref<6144xi32, #tpu.memory_space<vmem>>, vector<16xi32>,
        tpu.vector_store_idx %arg7[%broadcast_in_dim3A_1168, %get3A_1180], %broadcast_in_dim3A_5 : memref<16x2048xf32, #tpu.memory_space<vmem>>[vector<16xi32>, vector<16xi32>], vector<16xf32>,
        %mul3A_1181 = arith.constant 48 : i32
        %mul3A_1182 = arith.muli %add3A_1166, %mul3A_1181 : i32
        %add3A_1183 = arith.constant 32 : i32
        %add3A_1184 = arith.addi %mul3A_1182, %add3A_1183 : i32
        %get3A_1185 = arith.index_cast %add3A_1184 : i32 to index
        %get3A_1186 = tpu.vector_load %arg5[%get3A_1185] {strides = array<i32>} : memref<6144xi32, #tpu.memory_space<vmem>>, vector<16xi32>,
        tpu.vector_store_idx %arg7[%broadcast_in_dim3A_1168, %get3A_1186], %broadcast_in_dim3A_5 : memref<16x2048xf32, #tpu.memory_space<vmem>>[vector<16xi32>, vector<16xi32>], vector<16xf32>,
        %mul3A_1187 = arith.constant 16 : i32
        %mul3A_1188 = arith.muli %sub3A_826, %mul3A_1187 : i32
        %add3A_1189 = arith.constant 15 : i32
        %add3A_1190 = arith.addi %mul3A_1188, %add3A_1189 : i32
        %broadcast_in_dim3A_1191 = arith.constant 15 : i32
        %broadcast_in_dim3A_1192 = vector.broadcast %broadcast_in_dim3A_1191 : i32 to vector<16xi32>
        %mul3A_1193 = arith.constant 48 : i32
        %mul3A_1194 = arith.muli %add3A_1190, %mul3A_1193 : i32
        %add3A_1195 = arith.constant 0 : i32
        %add3A_1196 = arith.addi %mul3A_1194, %add3A_1195 : i32
        %get3A_1197 = arith.index_cast %add3A_1196 : i32 to index
        %get3A_1198 = tpu.vector_load %arg5[%get3A_1197] {strides = array<i32>} : memref<6144xi32, #tpu.memory_space<vmem>>, vector<16xi32>,
        tpu.vector_store_idx %arg7[%broadcast_in_dim3A_1192, %get3A_1198], %broadcast_in_dim3A_5 : memref<16x2048xf32, #tpu.memory_space<vmem>>[vector<16xi32>, vector<16xi32>], vector<16xf32>,
        %mul3A_1199 = arith.constant 48 : i32
        %mul3A_1200 = arith.muli %add3A_1190, %mul3A_1199 : i32
        %add3A_1201 = arith.constant 16 : i32
        %add3A_1202 = arith.addi %mul3A_1200, %add3A_1201 : i32
        %get3A_1203 = arith.index_cast %add3A_1202 : i32 to index
        %get3A_1204 = tpu.vector_load %arg5[%get3A_1203] {strides = array<i32>} : memref<6144xi32, #tpu.memory_space<vmem>>, vector<16xi32>,
        tpu.vector_store_idx %arg7[%broadcast_in_dim3A_1192, %get3A_1204], %broadcast_in_dim3A_5 : memref<16x2048xf32, #tpu.memory_space<vmem>>[vector<16xi32>, vector<16xi32>], vector<16xf32>,
        %mul3A_1205 = arith.constant 48 : i32
        %mul3A_1206 = arith.muli %add3A_1190, %mul3A_1205 : i32
        %add3A_1207 = arith.constant 32 : i32
        %add3A_1208 = arith.addi %mul3A_1206, %add3A_1207 : i32
        %get3A_1209 = arith.index_cast %add3A_1208 : i32 to index
        %get3A_1210 = tpu.vector_load %arg5[%get3A_1209] {strides = array<i32>} : memref<6144xi32, #tpu.memory_space<vmem>>, vector<16xi32>,
        tpu.vector_store_idx %arg7[%broadcast_in_dim3A_1192, %get3A_1210], %broadcast_in_dim3A_5 : memref<16x2048xf32, #tpu.memory_space<vmem>>[vector<16xi32>, vector<16xi32>], vector<16xf32>,
      } else {
      }
      %mul3A_429 = arith.constant 16 : i32
      %mul3A_430 = arith.muli %add3A_423, %mul3A_429 : i32
      %add3A_431 = arith.constant 0 : i32
      %add3A_432 = arith.addi %mul3A_430, %add3A_431 : i32
      %broadcast_in_dim3A_433 = arith.constant 0 : i32
      %broadcast_in_dim3A_434 = vector.broadcast %broadcast_in_dim3A_433 : i32 to vector<16xi32>
      %mul3A_435 = arith.constant 48 : i32
      %mul3A_436 = arith.muli %add3A_432, %mul3A_435 : i32
      %add3A_437 = arith.constant 0 : i32
      %add3A_438 = arith.addi %mul3A_436, %add3A_437 : i32
      %get3A_439 = arith.index_cast %add3A_438 : i32 to index
      %get3A_440 = tpu.vector_load %arg5[%get3A_439] {strides = array<i32>} : memref<6144xi32, #tpu.memory_space<vmem>>, vector<16xi32>,
      tpu.vector_store_idx %arg7[%broadcast_in_dim3A_434, %get3A_440], %broadcast_in_dim3A_7 : memref<16x2048xf32, #tpu.memory_space<vmem>>[vector<16xi32>, vector<16xi32>], vector<16xf32>,
      %mul3A_441 = arith.constant 48 : i32
      %mul3A_442 = arith.muli %add3A_432, %mul3A_441 : i32
      %add3A_443 = arith.constant 16 : i32
      %add3A_444 = arith.addi %mul3A_442, %add3A_443 : i32
      %get3A_445 = arith.index_cast %add3A_444 : i32 to index
      %get3A_446 = tpu.vector_load %arg5[%get3A_445] {strides = array<i32>} : memref<6144xi32, #tpu.memory_space<vmem>>, vector<16xi32>,
      tpu.vector_store_idx %arg7[%broadcast_in_dim3A_434, %get3A_446], %broadcast_in_dim3A_7 : memref<16x2048xf32, #tpu.memory_space<vmem>>[vector<16xi32>, vector<16xi32>], vector<16xf32>,
      %mul3A_447 = arith.constant 48 : i32
      %mul3A_448 = arith.muli %add3A_432, %mul3A_447 : i32
      %add3A_449 = arith.constant 32 : i32
      %add3A_450 = arith.addi %mul3A_448, %add3A_449 : i32
      %get3A_451 = arith.index_cast %add3A_450 : i32 to index
      %get3A_452 = tpu.vector_load %arg5[%get3A_451] {strides = array<i32>} : memref<6144xi32, #tpu.memory_space<vmem>>, vector<16xi32>,
      tpu.vector_store_idx %arg7[%broadcast_in_dim3A_434, %get3A_452], %broadcast_in_dim3A_7 : memref<16x2048xf32, #tpu.memory_space<vmem>>[vector<16xi32>, vector<16xi32>], vector<16xf32>,
      %mul3A_453 = arith.constant 16 : i32
      %mul3A_454 = arith.muli %add3A_423, %mul3A_453 : i32
      %add3A_455 = arith.constant 1 : i32
      %add3A_456 = arith.addi %mul3A_454, %add3A_455 : i32
      %broadcast_in_dim3A_457 = arith.constant 1 : i32
      %broadcast_in_dim3A_458 = vector.broadcast %broadcast_in_dim3A_457 : i32 to vector<16xi32>
      %mul3A_459 = arith.constant 48 : i32
      %mul3A_460 = arith.muli %add3A_456, %mul3A_459 : i32
      %add3A_461 = arith.constant 0 : i32
      %add3A_462 = arith.addi %mul3A_460, %add3A_461 : i32
      %get3A_463 = arith.index_cast %add3A_462 : i32 to index
      %get3A_464 = tpu.vector_load %arg5[%get3A_463] {strides = array<i32>} : memref<6144xi32, #tpu.memory_space<vmem>>, vector<16xi32>,
      tpu.vector_store_idx %arg7[%broadcast_in_dim3A_458, %get3A_464], %broadcast_in_dim3A_7 : memref<16x2048xf32, #tpu.memory_space<vmem>>[vector<16xi32>, vector<16xi32>], vector<16xf32>,
      %mul3A_465 = arith.constant 48 : i32
      %mul3A_466 = arith.muli %add3A_456, %mul3A_465 : i32
      %add3A_467 = arith.constant 16 : i32
      %add3A_468 = arith.addi %mul3A_466, %add3A_467 : i32
      %get3A_469 = arith.index_cast %add3A_468 : i32 to index
      %get3A_470 = tpu.vector_load %arg5[%get3A_469] {strides = array<i32>} : memref<6144xi32, #tpu.memory_space<vmem>>, vector<16xi32>,
      tpu.vector_store_idx %arg7[%broadcast_in_dim3A_458, %get3A_470], %broadcast_in_dim3A_7 : memref<16x2048xf32, #tpu.memory_space<vmem>>[vector<16xi32>, vector<16xi32>], vector<16xf32>,
      %mul3A_471 = arith.constant 48 : i32
      %mul3A_472 = arith.muli %add3A_456, %mul3A_471 : i32
      %add3A_473 = arith.constant 32 : i32
      %add3A_474 = arith.addi %mul3A_472, %add3A_473 : i32
      %get3A_475 = arith.index_cast %add3A_474 : i32 to index
      %get3A_476 = tpu.vector_load %arg5[%get3A_475] {strides = array<i32>} : memref<6144xi32, #tpu.memory_space<vmem>>, vector<16xi32>,
      tpu.vector_store_idx %arg7[%broadcast_in_dim3A_458, %get3A_476], %broadcast_in_dim3A_7 : memref<16x2048xf32, #tpu.memory_space<vmem>>[vector<16xi32>, vector<16xi32>], vector<16xf32>,
      %mul3A_477 = arith.constant 16 : i32
      %mul3A_478 = arith.muli %add3A_423, %mul3A_477 : i32
      %add3A_479 = arith.constant 2 : i32
      %add3A_480 = arith.addi %mul3A_478, %add3A_479 : i32
      %broadcast_in_dim3A_481 = arith.constant 2 : i32
      %broadcast_in_dim3A_482 = vector.broadcast %broadcast_in_dim3A_481 : i32 to vector<16xi32>
      %mul3A_483 = arith.constant 48 : i32
      %mul3A_484 = arith.muli %add3A_480, %mul3A_483 : i32
      %add3A_485 = arith.constant 0 : i32
      %add3A_486 = arith.addi %mul3A_484, %add3A_485 : i32
      %get3A_487 = arith.index_cast %add3A_486 : i32 to index
      %get3A_488 = tpu.vector_load %arg5[%get3A_487] {strides = array<i32>} : memref<6144xi32, #tpu.memory_space<vmem>>, vector<16xi32>,
      tpu.vector_store_idx %arg7[%broadcast_in_dim3A_482, %get3A_488], %broadcast_in_dim3A_7 : memref<16x2048xf32, #tpu.memory_space<vmem>>[vector<16xi32>, vector<16xi32>], vector<16xf32>,
      %mul3A_489 = arith.constant 48 : i32
      %mul3A_490 = arith.muli %add3A_480, %mul3A_489 : i32
      %add3A_491 = arith.constant 16 : i32
      %add3A_492 = arith.addi %mul3A_490, %add3A_491 : i32
      %get3A_493 = arith.index_cast %add3A_492 : i32 to index
      %get3A_494 = tpu.vector_load %arg5[%get3A_493] {strides = array<i32>} : memref<6144xi32, #tpu.memory_space<vmem>>, vector<16xi32>,
      tpu.vector_store_idx %arg7[%broadcast_in_dim3A_482, %get3A_494], %broadcast_in_dim3A_7 : memref<16x2048xf32, #tpu.memory_space<vmem>>[vector<16xi32>, vector<16xi32>], vector<16xf32>,
      %mul3A_495 = arith.constant 48 : i32
      %mul3A_496 = arith.muli %add3A_480, %mul3A_495 : i32
      %add3A_497 = arith.constant 32 : i32
      %add3A_498 = arith.addi %mul3A_496, %add3A_497 : i32
      %get3A_499 = arith.index_cast %add3A_498 : i32 to index
      %get3A_500 = tpu.vector_load %arg5[%get3A_499] {strides = array<i32>} : memref<6144xi32, #tpu.memory_space<vmem>>, vector<16xi32>,
      tpu.vector_store_idx %arg7[%broadcast_in_dim3A_482, %get3A_500], %broadcast_in_dim3A_7 : memref<16x2048xf32, #tpu.memory_space<vmem>>[vector<16xi32>, vector<16xi32>], vector<16xf32>,
      %mul3A_501 = arith.constant 16 : i32
      %mul3A_502 = arith.muli %add3A_423, %mul3A_501 : i32
      %add3A_503 = arith.constant 3 : i32
      %add3A_504 = arith.addi %mul3A_502, %add3A_503 : i32
      %broadcast_in_dim3A_505 = arith.constant 3 : i32
      %broadcast_in_dim3A_506 = vector.broadcast %broadcast_in_dim3A_505 : i32 to vector<16xi32>
      %mul3A_507 = arith.constant 48 : i32
      %mul3A_508 = arith.muli %add3A_504, %mul3A_507 : i32
      %add3A_509 = arith.constant 0 : i32
      %add3A_510 = arith.addi %mul3A_508, %add3A_509 : i32
      %get3A_511 = arith.index_cast %add3A_510 : i32 to index
      %get3A_512 = tpu.vector_load %arg5[%get3A_511] {strides = array<i32>} : memref<6144xi32, #tpu.memory_space<vmem>>, vector<16xi32>,
      tpu.vector_store_idx %arg7[%broadcast_in_dim3A_506, %get3A_512], %broadcast_in_dim3A_7 : memref<16x2048xf32, #tpu.memory_space<vmem>>[vector<16xi32>, vector<16xi32>], vector<16xf32>,
      %mul3A_513 = arith.constant 48 : i32
      %mul3A_514 = arith.muli %add3A_504, %mul3A_513 : i32
      %add3A_515 = arith.constant 16 : i32
      %add3A_516 = arith.addi %mul3A_514, %add3A_515 : i32
      %get3A_517 = arith.index_cast %add3A_516 : i32 to index
      %get3A_518 = tpu.vector_load %arg5[%get3A_517] {strides = array<i32>} : memref<6144xi32, #tpu.memory_space<vmem>>, vector<16xi32>,
      tpu.vector_store_idx %arg7[%broadcast_in_dim3A_506, %get3A_518], %broadcast_in_dim3A_7 : memref<16x2048xf32, #tpu.memory_space<vmem>>[vector<16xi32>, vector<16xi32>], vector<16xf32>,
      %mul3A_519 = arith.constant 48 : i32
      %mul3A_520 = arith.muli %add3A_504, %mul3A_519 : i32
      %add3A_521 = arith.constant 32 : i32
      %add3A_522 = arith.addi %mul3A_520, %add3A_521 : i32
      %get3A_523 = arith.index_cast %add3A_522 : i32 to index
      %get3A_524 = tpu.vector_load %arg5[%get3A_523] {strides = array<i32>} : memref<6144xi32, #tpu.memory_space<vmem>>, vector<16xi32>,
      tpu.vector_store_idx %arg7[%broadcast_in_dim3A_506, %get3A_524], %broadcast_in_dim3A_7 : memref<16x2048xf32, #tpu.memory_space<vmem>>[vector<16xi32>, vector<16xi32>], vector<16xf32>,
      %mul3A_525 = arith.constant 16 : i32
      %mul3A_526 = arith.muli %add3A_423, %mul3A_525 : i32
      %add3A_527 = arith.constant 4 : i32
      %add3A_528 = arith.addi %mul3A_526, %add3A_527 : i32
      %broadcast_in_dim3A_529 = arith.constant 4 : i32
      %broadcast_in_dim3A_530 = vector.broadcast %broadcast_in_dim3A_529 : i32 to vector<16xi32>
      %mul3A_531 = arith.constant 48 : i32
      %mul3A_532 = arith.muli %add3A_528, %mul3A_531 : i32
      %add3A_533 = arith.constant 0 : i32
      %add3A_534 = arith.addi %mul3A_532, %add3A_533 : i32
      %get3A_535 = arith.index_cast %add3A_534 : i32 to index
      %get3A_536 = tpu.vector_load %arg5[%get3A_535] {strides = array<i32>} : memref<6144xi32, #tpu.memory_space<vmem>>, vector<16xi32>,
      tpu.vector_store_idx %arg7[%broadcast_in_dim3A_530, %get3A_536], %broadcast_in_dim3A_7 : memref<16x2048xf32, #tpu.memory_space<vmem>>[vector<16xi32>, vector<16xi32>], vector<16xf32>,
      %mul3A_537 = arith.constant 48 : i32
      %mul3A_538 = arith.muli %add3A_528, %mul3A_537 : i32
      %add3A_539 = arith.constant 16 : i32
      %add3A_540 = arith.addi %mul3A_538, %add3A_539 : i32
      %get3A_541 = arith.index_cast %add3A_540 : i32 to index
      %get3A_542 = tpu.vector_load %arg5[%get3A_541] {strides = array<i32>} : memref<6144xi32, #tpu.memory_space<vmem>>, vector<16xi32>,
      tpu.vector_store_idx %arg7[%broadcast_in_dim3A_530, %get3A_542], %broadcast_in_dim3A_7 : memref<16x2048xf32, #tpu.memory_space<vmem>>[vector<16xi32>, vector<16xi32>], vector<16xf32>,
      %mul3A_543 = arith.constant 48 : i32
      %mul3A_544 = arith.muli %add3A_528, %mul3A_543 : i32
      %add3A_545 = arith.constant 32 : i32
      %add3A_546 = arith.addi %mul3A_544, %add3A_545 : i32
      %get3A_547 = arith.index_cast %add3A_546 : i32 to index
      %get3A_548 = tpu.vector_load %arg5[%get3A_547] {strides = array<i32>} : memref<6144xi32, #tpu.memory_space<vmem>>, vector<16xi32>,
      tpu.vector_store_idx %arg7[%broadcast_in_dim3A_530, %get3A_548], %broadcast_in_dim3A_7 : memref<16x2048xf32, #tpu.memory_space<vmem>>[vector<16xi32>, vector<16xi32>], vector<16xf32>,
      %mul3A_549 = arith.constant 16 : i32
      %mul3A_550 = arith.muli %add3A_423, %mul3A_549 : i32
      %add3A_551 = arith.constant 5 : i32
      %add3A_552 = arith.addi %mul3A_550, %add3A_551 : i32
      %broadcast_in_dim3A_553 = arith.constant 5 : i32
      %broadcast_in_dim3A_554 = vector.broadcast %broadcast_in_dim3A_553 : i32 to vector<16xi32>
      %mul3A_555 = arith.constant 48 : i32
      %mul3A_556 = arith.muli %add3A_552, %mul3A_555 : i32
      %add3A_557 = arith.constant 0 : i32
      %add3A_558 = arith.addi %mul3A_556, %add3A_557 : i32
      %get3A_559 = arith.index_cast %add3A_558 : i32 to index
      %get3A_560 = tpu.vector_load %arg5[%get3A_559] {strides = array<i32>} : memref<6144xi32, #tpu.memory_space<vmem>>, vector<16xi32>,
      tpu.vector_store_idx %arg7[%broadcast_in_dim3A_554, %get3A_560], %broadcast_in_dim3A_7 : memref<16x2048xf32, #tpu.memory_space<vmem>>[vector<16xi32>, vector<16xi32>], vector<16xf32>,
      %mul3A_561 = arith.constant 48 : i32
      %mul3A_562 = arith.muli %add3A_552, %mul3A_561 : i32
      %add3A_563 = arith.constant 16 : i32
      %add3A_564 = arith.addi %mul3A_562, %add3A_563 : i32
      %get3A_565 = arith.index_cast %add3A_564 : i32 to index
      %get3A_566 = tpu.vector_load %arg5[%get3A_565] {strides = array<i32>} : memref<6144xi32, #tpu.memory_space<vmem>>, vector<16xi32>,
      tpu.vector_store_idx %arg7[%broadcast_in_dim3A_554, %get3A_566], %broadcast_in_dim3A_7 : memref<16x2048xf32, #tpu.memory_space<vmem>>[vector<16xi32>, vector<16xi32>], vector<16xf32>,
      %mul3A_567 = arith.constant 48 : i32
      %mul3A_568 = arith.muli %add3A_552, %mul3A_567 : i32
      %add3A_569 = arith.constant 32 : i32
      %add3A_570 = arith.addi %mul3A_568, %add3A_569 : i32
      %get3A_571 = arith.index_cast %add3A_570 : i32 to index
      %get3A_572 = tpu.vector_load %arg5[%get3A_571] {strides = array<i32>} : memref<6144xi32, #tpu.memory_space<vmem>>, vector<16xi32>,
      tpu.vector_store_idx %arg7[%broadcast_in_dim3A_554, %get3A_572], %broadcast_in_dim3A_7 : memref<16x2048xf32, #tpu.memory_space<vmem>>[vector<16xi32>, vector<16xi32>], vector<16xf32>,
      %mul3A_573 = arith.constant 16 : i32
      %mul3A_574 = arith.muli %add3A_423, %mul3A_573 : i32
      %add3A_575 = arith.constant 6 : i32
      %add3A_576 = arith.addi %mul3A_574, %add3A_575 : i32
      %broadcast_in_dim3A_577 = arith.constant 6 : i32
      %broadcast_in_dim3A_578 = vector.broadcast %broadcast_in_dim3A_577 : i32 to vector<16xi32>
      %mul3A_579 = arith.constant 48 : i32
      %mul3A_580 = arith.muli %add3A_576, %mul3A_579 : i32
      %add3A_581 = arith.constant 0 : i32
      %add3A_582 = arith.addi %mul3A_580, %add3A_581 : i32
      %get3A_583 = arith.index_cast %add3A_582 : i32 to index
      %get3A_584 = tpu.vector_load %arg5[%get3A_583] {strides = array<i32>} : memref<6144xi32, #tpu.memory_space<vmem>>, vector<16xi32>,
      tpu.vector_store_idx %arg7[%broadcast_in_dim3A_578, %get3A_584], %broadcast_in_dim3A_7 : memref<16x2048xf32, #tpu.memory_space<vmem>>[vector<16xi32>, vector<16xi32>], vector<16xf32>,
      %mul3A_585 = arith.constant 48 : i32
      %mul3A_586 = arith.muli %add3A_576, %mul3A_585 : i32
      %add3A_587 = arith.constant 16 : i32
      %add3A_588 = arith.addi %mul3A_586, %add3A_587 : i32
      %get3A_589 = arith.index_cast %add3A_588 : i32 to index
      %get3A_590 = tpu.vector_load %arg5[%get3A_589] {strides = array<i32>} : memref<6144xi32, #tpu.memory_space<vmem>>, vector<16xi32>,
      tpu.vector_store_idx %arg7[%broadcast_in_dim3A_578, %get3A_590], %broadcast_in_dim3A_7 : memref<16x2048xf32, #tpu.memory_space<vmem>>[vector<16xi32>, vector<16xi32>], vector<16xf32>,
      %mul3A_591 = arith.constant 48 : i32
      %mul3A_592 = arith.muli %add3A_576, %mul3A_591 : i32
      %add3A_593 = arith.constant 32 : i32
      %add3A_594 = arith.addi %mul3A_592, %add3A_593 : i32
      %get3A_595 = arith.index_cast %add3A_594 : i32 to index
      %get3A_596 = tpu.vector_load %arg5[%get3A_595] {strides = array<i32>} : memref<6144xi32, #tpu.memory_space<vmem>>, vector<16xi32>,
      tpu.vector_store_idx %arg7[%broadcast_in_dim3A_578, %get3A_596], %broadcast_in_dim3A_7 : memref<16x2048xf32, #tpu.memory_space<vmem>>[vector<16xi32>, vector<16xi32>], vector<16xf32>,
      %mul3A_597 = arith.constant 16 : i32
      %mul3A_598 = arith.muli %add3A_423, %mul3A_597 : i32
      %add3A_599 = arith.constant 7 : i32
      %add3A_600 = arith.addi %mul3A_598, %add3A_599 : i32
      %broadcast_in_dim3A_601 = arith.constant 7 : i32
      %broadcast_in_dim3A_602 = vector.broadcast %broadcast_in_dim3A_601 : i32 to vector<16xi32>
      %mul3A_603 = arith.constant 48 : i32
      %mul3A_604 = arith.muli %add3A_600, %mul3A_603 : i32
      %add3A_605 = arith.constant 0 : i32
      %add3A_606 = arith.addi %mul3A_604, %add3A_605 : i32
      %get3A_607 = arith.index_cast %add3A_606 : i32 to index
      %get3A_608 = tpu.vector_load %arg5[%get3A_607] {strides = array<i32>} : memref<6144xi32, #tpu.memory_space<vmem>>, vector<16xi32>,
      tpu.vector_store_idx %arg7[%broadcast_in_dim3A_602, %get3A_608], %broadcast_in_dim3A_7 : memref<16x2048xf32, #tpu.memory_space<vmem>>[vector<16xi32>, vector<16xi32>], vector<16xf32>,
      %mul3A_609 = arith.constant 48 : i32
      %mul3A_610 = arith.muli %add3A_600, %mul3A_609 : i32
      %add3A_611 = arith.constant 16 : i32
      %add3A_612 = arith.addi %mul3A_610, %add3A_611 : i32
      %get3A_613 = arith.index_cast %add3A_612 : i32 to index
      %get3A_614 = tpu.vector_load %arg5[%get3A_613] {strides = array<i32>} : memref<6144xi32, #tpu.memory_space<vmem>>, vector<16xi32>,
      tpu.vector_store_idx %arg7[%broadcast_in_dim3A_602, %get3A_614], %broadcast_in_dim3A_7 : memref<16x2048xf32, #tpu.memory_space<vmem>>[vector<16xi32>, vector<16xi32>], vector<16xf32>,
      %mul3A_615 = arith.constant 48 : i32
      %mul3A_616 = arith.muli %add3A_600, %mul3A_615 : i32
      %add3A_617 = arith.constant 32 : i32
      %add3A_618 = arith.addi %mul3A_616, %add3A_617 : i32
      %get3A_619 = arith.index_cast %add3A_618 : i32 to index
      %get3A_620 = tpu.vector_load %arg5[%get3A_619] {strides = array<i32>} : memref<6144xi32, #tpu.memory_space<vmem>>, vector<16xi32>,
      tpu.vector_store_idx %arg7[%broadcast_in_dim3A_602, %get3A_620], %broadcast_in_dim3A_7 : memref<16x2048xf32, #tpu.memory_space<vmem>>[vector<16xi32>, vector<16xi32>], vector<16xf32>,
      %mul3A_621 = arith.constant 16 : i32
      %mul3A_622 = arith.muli %add3A_423, %mul3A_621 : i32
      %add3A_623 = arith.constant 8 : i32
      %add3A_624 = arith.addi %mul3A_622, %add3A_623 : i32
      %broadcast_in_dim3A_625 = arith.constant 8 : i32
      %broadcast_in_dim3A_626 = vector.broadcast %broadcast_in_dim3A_625 : i32 to vector<16xi32>
      %mul3A_627 = arith.constant 48 : i32
      %mul3A_628 = arith.muli %add3A_624, %mul3A_627 : i32
      %add3A_629 = arith.constant 0 : i32
      %add3A_630 = arith.addi %mul3A_628, %add3A_629 : i32
      %get3A_631 = arith.index_cast %add3A_630 : i32 to index
      %get3A_632 = tpu.vector_load %arg5[%get3A_631] {strides = array<i32>} : memref<6144xi32, #tpu.memory_space<vmem>>, vector<16xi32>,
      tpu.vector_store_idx %arg7[%broadcast_in_dim3A_626, %get3A_632], %broadcast_in_dim3A_7 : memref<16x2048xf32, #tpu.memory_space<vmem>>[vector<16xi32>, vector<16xi32>], vector<16xf32>,
      %mul3A_633 = arith.constant 48 : i32
      %mul3A_634 = arith.muli %add3A_624, %mul3A_633 : i32
      %add3A_635 = arith.constant 16 : i32
      %add3A_636 = arith.addi %mul3A_634, %add3A_635 : i32
      %get3A_637 = arith.index_cast %add3A_636 : i32 to index
      %get3A_638 = tpu.vector_load %arg5[%get3A_637] {strides = array<i32>} : memref<6144xi32, #tpu.memory_space<vmem>>, vector<16xi32>,
      tpu.vector_store_idx %arg7[%broadcast_in_dim3A_626, %get3A_638], %broadcast_in_dim3A_7 : memref<16x2048xf32, #tpu.memory_space<vmem>>[vector<16xi32>, vector<16xi32>], vector<16xf32>,
      %mul3A_639 = arith.constant 48 : i32
      %mul3A_640 = arith.muli %add3A_624, %mul3A_639 : i32
      %add3A_641 = arith.constant 32 : i32
      %add3A_642 = arith.addi %mul3A_640, %add3A_641 : i32
      %get3A_643 = arith.index_cast %add3A_642 : i32 to index
      %get3A_644 = tpu.vector_load %arg5[%get3A_643] {strides = array<i32>} : memref<6144xi32, #tpu.memory_space<vmem>>, vector<16xi32>,
      tpu.vector_store_idx %arg7[%broadcast_in_dim3A_626, %get3A_644], %broadcast_in_dim3A_7 : memref<16x2048xf32, #tpu.memory_space<vmem>>[vector<16xi32>, vector<16xi32>], vector<16xf32>,
      %mul3A_645 = arith.constant 16 : i32
      %mul3A_646 = arith.muli %add3A_423, %mul3A_645 : i32
      %add3A_647 = arith.constant 9 : i32
      %add3A_648 = arith.addi %mul3A_646, %add3A_647 : i32
      %broadcast_in_dim3A_649 = arith.constant 9 : i32
      %broadcast_in_dim3A_650 = vector.broadcast %broadcast_in_dim3A_649 : i32 to vector<16xi32>
      %mul3A_651 = arith.constant 48 : i32
      %mul3A_652 = arith.muli %add3A_648, %mul3A_651 : i32
      %add3A_653 = arith.constant 0 : i32
      %add3A_654 = arith.addi %mul3A_652, %add3A_653 : i32
      %get3A_655 = arith.index_cast %add3A_654 : i32 to index
      %get3A_656 = tpu.vector_load %arg5[%get3A_655] {strides = array<i32>} : memref<6144xi32, #tpu.memory_space<vmem>>, vector<16xi32>,
      tpu.vector_store_idx %arg7[%broadcast_in_dim3A_650, %get3A_656], %broadcast_in_dim3A_7 : memref<16x2048xf32, #tpu.memory_space<vmem>>[vector<16xi32>, vector<16xi32>], vector<16xf32>,
      %mul3A_657 = arith.constant 48 : i32
      %mul3A_658 = arith.muli %add3A_648, %mul3A_657 : i32
      %add3A_659 = arith.constant 16 : i32
      %add3A_660 = arith.addi %mul3A_658, %add3A_659 : i32
      %get3A_661 = arith.index_cast %add3A_660 : i32 to index
      %get3A_662 = tpu.vector_load %arg5[%get3A_661] {strides = array<i32>} : memref<6144xi32, #tpu.memory_space<vmem>>, vector<16xi32>,
      tpu.vector_store_idx %arg7[%broadcast_in_dim3A_650, %get3A_662], %broadcast_in_dim3A_7 : memref<16x2048xf32, #tpu.memory_space<vmem>>[vector<16xi32>, vector<16xi32>], vector<16xf32>,
      %mul3A_663 = arith.constant 48 : i32
      %mul3A_664 = arith.muli %add3A_648, %mul3A_663 : i32
      %add3A_665 = arith.constant 32 : i32
      %add3A_666 = arith.addi %mul3A_664, %add3A_665 : i32
      %get3A_667 = arith.index_cast %add3A_666 : i32 to index
      %get3A_668 = tpu.vector_load %arg5[%get3A_667] {strides = array<i32>} : memref<6144xi32, #tpu.memory_space<vmem>>, vector<16xi32>,
      tpu.vector_store_idx %arg7[%broadcast_in_dim3A_650, %get3A_668], %broadcast_in_dim3A_7 : memref<16x2048xf32, #tpu.memory_space<vmem>>[vector<16xi32>, vector<16xi32>], vector<16xf32>,
      %mul3A_669 = arith.constant 16 : i32
      %mul3A_670 = arith.muli %add3A_423, %mul3A_669 : i32
      %add3A_671 = arith.constant 10 : i32
      %add3A_672 = arith.addi %mul3A_670, %add3A_671 : i32
      %broadcast_in_dim3A_673 = arith.constant 10 : i32
      %broadcast_in_dim3A_674 = vector.broadcast %broadcast_in_dim3A_673 : i32 to vector<16xi32>
      %mul3A_675 = arith.constant 48 : i32
      %mul3A_676 = arith.muli %add3A_672, %mul3A_675 : i32
      %add3A_677 = arith.constant 0 : i32
      %add3A_678 = arith.addi %mul3A_676, %add3A_677 : i32
      %get3A_679 = arith.index_cast %add3A_678 : i32 to index
      %get3A_680 = tpu.vector_load %arg5[%get3A_679] {strides = array<i32>} : memref<6144xi32, #tpu.memory_space<vmem>>, vector<16xi32>,
      tpu.vector_store_idx %arg7[%broadcast_in_dim3A_674, %get3A_680], %broadcast_in_dim3A_7 : memref<16x2048xf32, #tpu.memory_space<vmem>>[vector<16xi32>, vector<16xi32>], vector<16xf32>,
      %mul3A_681 = arith.constant 48 : i32
      %mul3A_682 = arith.muli %add3A_672, %mul3A_681 : i32
      %add3A_683 = arith.constant 16 : i32
      %add3A_684 = arith.addi %mul3A_682, %add3A_683 : i32
      %get3A_685 = arith.index_cast %add3A_684 : i32 to index
      %get3A_686 = tpu.vector_load %arg5[%get3A_685] {strides = array<i32>} : memref<6144xi32, #tpu.memory_space<vmem>>, vector<16xi32>,
      tpu.vector_store_idx %arg7[%broadcast_in_dim3A_674, %get3A_686], %broadcast_in_dim3A_7 : memref<16x2048xf32, #tpu.memory_space<vmem>>[vector<16xi32>, vector<16xi32>], vector<16xf32>,
      %mul3A_687 = arith.constant 48 : i32
      %mul3A_688 = arith.muli %add3A_672, %mul3A_687 : i32
      %add3A_689 = arith.constant 32 : i32
      %add3A_690 = arith.addi %mul3A_688, %add3A_689 : i32
      %get3A_691 = arith.index_cast %add3A_690 : i32 to index
      %get3A_692 = tpu.vector_load %arg5[%get3A_691] {strides = array<i32>} : memref<6144xi32, #tpu.memory_space<vmem>>, vector<16xi32>,
      tpu.vector_store_idx %arg7[%broadcast_in_dim3A_674, %get3A_692], %broadcast_in_dim3A_7 : memref<16x2048xf32, #tpu.memory_space<vmem>>[vector<16xi32>, vector<16xi32>], vector<16xf32>,
      %mul3A_693 = arith.constant 16 : i32
      %mul3A_694 = arith.muli %add3A_423, %mul3A_693 : i32
      %add3A_695 = arith.constant 11 : i32
      %add3A_696 = arith.addi %mul3A_694, %add3A_695 : i32
      %broadcast_in_dim3A_697 = arith.constant 11 : i32
      %broadcast_in_dim3A_698 = vector.broadcast %broadcast_in_dim3A_697 : i32 to vector<16xi32>
      %mul3A_699 = arith.constant 48 : i32
      %mul3A_700 = arith.muli %add3A_696, %mul3A_699 : i32
      %add3A_701 = arith.constant 0 : i32
      %add3A_702 = arith.addi %mul3A_700, %add3A_701 : i32
      %get3A_703 = arith.index_cast %add3A_702 : i32 to index
      %get3A_704 = tpu.vector_load %arg5[%get3A_703] {strides = array<i32>} : memref<6144xi32, #tpu.memory_space<vmem>>, vector<16xi32>,
      tpu.vector_store_idx %arg7[%broadcast_in_dim3A_698, %get3A_704], %broadcast_in_dim3A_7 : memref<16x2048xf32, #tpu.memory_space<vmem>>[vector<16xi32>, vector<16xi32>], vector<16xf32>,
      %mul3A_705 = arith.constant 48 : i32
      %mul3A_706 = arith.muli %add3A_696, %mul3A_705 : i32
      %add3A_707 = arith.constant 16 : i32
      %add3A_708 = arith.addi %mul3A_706, %add3A_707 : i32
      %get3A_709 = arith.index_cast %add3A_708 : i32 to index
      %get3A_710 = tpu.vector_load %arg5[%get3A_709] {strides = array<i32>} : memref<6144xi32, #tpu.memory_space<vmem>>, vector<16xi32>,
      tpu.vector_store_idx %arg7[%broadcast_in_dim3A_698, %get3A_710], %broadcast_in_dim3A_7 : memref<16x2048xf32, #tpu.memory_space<vmem>>[vector<16xi32>, vector<16xi32>], vector<16xf32>,
      %mul3A_711 = arith.constant 48 : i32
      %mul3A_712 = arith.muli %add3A_696, %mul3A_711 : i32
      %add3A_713 = arith.constant 32 : i32
      %add3A_714 = arith.addi %mul3A_712, %add3A_713 : i32
      %get3A_715 = arith.index_cast %add3A_714 : i32 to index
      %get3A_716 = tpu.vector_load %arg5[%get3A_715] {strides = array<i32>} : memref<6144xi32, #tpu.memory_space<vmem>>, vector<16xi32>,
      tpu.vector_store_idx %arg7[%broadcast_in_dim3A_698, %get3A_716], %broadcast_in_dim3A_7 : memref<16x2048xf32, #tpu.memory_space<vmem>>[vector<16xi32>, vector<16xi32>], vector<16xf32>,
      %mul3A_717 = arith.constant 16 : i32
      %mul3A_718 = arith.muli %add3A_423, %mul3A_717 : i32
      %add3A_719 = arith.constant 12 : i32
      %add3A_720 = arith.addi %mul3A_718, %add3A_719 : i32
      %broadcast_in_dim3A_721 = arith.constant 12 : i32
      %broadcast_in_dim3A_722 = vector.broadcast %broadcast_in_dim3A_721 : i32 to vector<16xi32>
      %mul3A_723 = arith.constant 48 : i32
      %mul3A_724 = arith.muli %add3A_720, %mul3A_723 : i32
      %add3A_725 = arith.constant 0 : i32
      %add3A_726 = arith.addi %mul3A_724, %add3A_725 : i32
      %get3A_727 = arith.index_cast %add3A_726 : i32 to index
      %get3A_728 = tpu.vector_load %arg5[%get3A_727] {strides = array<i32>} : memref<6144xi32, #tpu.memory_space<vmem>>, vector<16xi32>,
      tpu.vector_store_idx %arg7[%broadcast_in_dim3A_722, %get3A_728], %broadcast_in_dim3A_7 : memref<16x2048xf32, #tpu.memory_space<vmem>>[vector<16xi32>, vector<16xi32>], vector<16xf32>,
      %mul3A_729 = arith.constant 48 : i32
      %mul3A_730 = arith.muli %add3A_720, %mul3A_729 : i32
      %add3A_731 = arith.constant 16 : i32
      %add3A_732 = arith.addi %mul3A_730, %add3A_731 : i32
      %get3A_733 = arith.index_cast %add3A_732 : i32 to index
      %get3A_734 = tpu.vector_load %arg5[%get3A_733] {strides = array<i32>} : memref<6144xi32, #tpu.memory_space<vmem>>, vector<16xi32>,
      tpu.vector_store_idx %arg7[%broadcast_in_dim3A_722, %get3A_734], %broadcast_in_dim3A_7 : memref<16x2048xf32, #tpu.memory_space<vmem>>[vector<16xi32>, vector<16xi32>], vector<16xf32>,
      %mul3A_735 = arith.constant 48 : i32
      %mul3A_736 = arith.muli %add3A_720, %mul3A_735 : i32
      %add3A_737 = arith.constant 32 : i32
      %add3A_738 = arith.addi %mul3A_736, %add3A_737 : i32
      %get3A_739 = arith.index_cast %add3A_738 : i32 to index
      %get3A_740 = tpu.vector_load %arg5[%get3A_739] {strides = array<i32>} : memref<6144xi32, #tpu.memory_space<vmem>>, vector<16xi32>,
      tpu.vector_store_idx %arg7[%broadcast_in_dim3A_722, %get3A_740], %broadcast_in_dim3A_7 : memref<16x2048xf32, #tpu.memory_space<vmem>>[vector<16xi32>, vector<16xi32>], vector<16xf32>,
      %mul3A_741 = arith.constant 16 : i32
      %mul3A_742 = arith.muli %add3A_423, %mul3A_741 : i32
      %add3A_743 = arith.constant 13 : i32
      %add3A_744 = arith.addi %mul3A_742, %add3A_743 : i32
      %broadcast_in_dim3A_745 = arith.constant 13 : i32
      %broadcast_in_dim3A_746 = vector.broadcast %broadcast_in_dim3A_745 : i32 to vector<16xi32>
      %mul3A_747 = arith.constant 48 : i32
      %mul3A_748 = arith.muli %add3A_744, %mul3A_747 : i32
      %add3A_749 = arith.constant 0 : i32
      %add3A_750 = arith.addi %mul3A_748, %add3A_749 : i32
      %get3A_751 = arith.index_cast %add3A_750 : i32 to index
      %get3A_752 = tpu.vector_load %arg5[%get3A_751] {strides = array<i32>} : memref<6144xi32, #tpu.memory_space<vmem>>, vector<16xi32>,
      tpu.vector_store_idx %arg7[%broadcast_in_dim3A_746, %get3A_752], %broadcast_in_dim3A_7 : memref<16x2048xf32, #tpu.memory_space<vmem>>[vector<16xi32>, vector<16xi32>], vector<16xf32>,
      %mul3A_753 = arith.constant 48 : i32
      %mul3A_754 = arith.muli %add3A_744, %mul3A_753 : i32
      %add3A_755 = arith.constant 16 : i32
      %add3A_756 = arith.addi %mul3A_754, %add3A_755 : i32
      %get3A_757 = arith.index_cast %add3A_756 : i32 to index
      %get3A_758 = tpu.vector_load %arg5[%get3A_757] {strides = array<i32>} : memref<6144xi32, #tpu.memory_space<vmem>>, vector<16xi32>,
      tpu.vector_store_idx %arg7[%broadcast_in_dim3A_746, %get3A_758], %broadcast_in_dim3A_7 : memref<16x2048xf32, #tpu.memory_space<vmem>>[vector<16xi32>, vector<16xi32>], vector<16xf32>,
      %mul3A_759 = arith.constant 48 : i32
      %mul3A_760 = arith.muli %add3A_744, %mul3A_759 : i32
      %add3A_761 = arith.constant 32 : i32
      %add3A_762 = arith.addi %mul3A_760, %add3A_761 : i32
      %get3A_763 = arith.index_cast %add3A_762 : i32 to index
      %get3A_764 = tpu.vector_load %arg5[%get3A_763] {strides = array<i32>} : memref<6144xi32, #tpu.memory_space<vmem>>, vector<16xi32>,
      tpu.vector_store_idx %arg7[%broadcast_in_dim3A_746, %get3A_764], %broadcast_in_dim3A_7 : memref<16x2048xf32, #tpu.memory_space<vmem>>[vector<16xi32>, vector<16xi32>], vector<16xf32>,
      %mul3A_765 = arith.constant 16 : i32
      %mul3A_766 = arith.muli %add3A_423, %mul3A_765 : i32
      %add3A_767 = arith.constant 14 : i32
      %add3A_768 = arith.addi %mul3A_766, %add3A_767 : i32
      %broadcast_in_dim3A_769 = arith.constant 14 : i32
      %broadcast_in_dim3A_770 = vector.broadcast %broadcast_in_dim3A_769 : i32 to vector<16xi32>
      %mul3A_771 = arith.constant 48 : i32
      %mul3A_772 = arith.muli %add3A_768, %mul3A_771 : i32
      %add3A_773 = arith.constant 0 : i32
      %add3A_774 = arith.addi %mul3A_772, %add3A_773 : i32
      %get3A_775 = arith.index_cast %add3A_774 : i32 to index
      %get3A_776 = tpu.vector_load %arg5[%get3A_775] {strides = array<i32>} : memref<6144xi32, #tpu.memory_space<vmem>>, vector<16xi32>,
      tpu.vector_store_idx %arg7[%broadcast_in_dim3A_770, %get3A_776], %broadcast_in_dim3A_7 : memref<16x2048xf32, #tpu.memory_space<vmem>>[vector<16xi32>, vector<16xi32>], vector<16xf32>,
      %mul3A_777 = arith.constant 48 : i32
      %mul3A_778 = arith.muli %add3A_768, %mul3A_777 : i32
      %add3A_779 = arith.constant 16 : i32
      %add3A_780 = arith.addi %mul3A_778, %add3A_779 : i32
      %get3A_781 = arith.index_cast %add3A_780 : i32 to index
      %get3A_782 = tpu.vector_load %arg5[%get3A_781] {strides = array<i32>} : memref<6144xi32, #tpu.memory_space<vmem>>, vector<16xi32>,
      tpu.vector_store_idx %arg7[%broadcast_in_dim3A_770, %get3A_782], %broadcast_in_dim3A_7 : memref<16x2048xf32, #tpu.memory_space<vmem>>[vector<16xi32>, vector<16xi32>], vector<16xf32>,
      %mul3A_783 = arith.constant 48 : i32
      %mul3A_784 = arith.muli %add3A_768, %mul3A_783 : i32
      %add3A_785 = arith.constant 32 : i32
      %add3A_786 = arith.addi %mul3A_784, %add3A_785 : i32
      %get3A_787 = arith.index_cast %add3A_786 : i32 to index
      %get3A_788 = tpu.vector_load %arg5[%get3A_787] {strides = array<i32>} : memref<6144xi32, #tpu.memory_space<vmem>>, vector<16xi32>,
      tpu.vector_store_idx %arg7[%broadcast_in_dim3A_770, %get3A_788], %broadcast_in_dim3A_7 : memref<16x2048xf32, #tpu.memory_space<vmem>>[vector<16xi32>, vector<16xi32>], vector<16xf32>,
      %mul3A_789 = arith.constant 16 : i32
      %mul3A_790 = arith.muli %add3A_423, %mul3A_789 : i32
      %add3A_791 = arith.constant 15 : i32
      %add3A_792 = arith.addi %mul3A_790, %add3A_791 : i32
      %broadcast_in_dim3A_793 = arith.constant 15 : i32
      %broadcast_in_dim3A_794 = vector.broadcast %broadcast_in_dim3A_793 : i32 to vector<16xi32>
      %mul3A_795 = arith.constant 48 : i32
      %mul3A_796 = arith.muli %add3A_792, %mul3A_795 : i32
      %add3A_797 = arith.constant 0 : i32
      %add3A_798 = arith.addi %mul3A_796, %add3A_797 : i32
      %get3A_799 = arith.index_cast %add3A_798 : i32 to index
      %get3A_800 = tpu.vector_load %arg5[%get3A_799] {strides = array<i32>} : memref<6144xi32, #tpu.memory_space<vmem>>, vector<16xi32>,
      tpu.vector_store_idx %arg7[%broadcast_in_dim3A_794, %get3A_800], %broadcast_in_dim3A_7 : memref<16x2048xf32, #tpu.memory_space<vmem>>[vector<16xi32>, vector<16xi32>], vector<16xf32>,
      %mul3A_801 = arith.constant 48 : i32
      %mul3A_802 = arith.muli %add3A_792, %mul3A_801 : i32
      %add3A_803 = arith.constant 16 : i32
      %add3A_804 = arith.addi %mul3A_802, %add3A_803 : i32
      %get3A_805 = arith.index_cast %add3A_804 : i32 to index
      %get3A_806 = tpu.vector_load %arg5[%get3A_805] {strides = array<i32>} : memref<6144xi32, #tpu.memory_space<vmem>>, vector<16xi32>,
      tpu.vector_store_idx %arg7[%broadcast_in_dim3A_794, %get3A_806], %broadcast_in_dim3A_7 : memref<16x2048xf32, #tpu.memory_space<vmem>>[vector<16xi32>, vector<16xi32>], vector<16xf32>,
      %mul3A_807 = arith.constant 48 : i32
      %mul3A_808 = arith.muli %add3A_792, %mul3A_807 : i32
      %add3A_809 = arith.constant 32 : i32
      %add3A_810 = arith.addi %mul3A_808, %add3A_809 : i32
      %get3A_811 = arith.index_cast %add3A_810 : i32 to index
      %get3A_812 = tpu.vector_load %arg5[%get3A_811] {strides = array<i32>} : memref<6144xi32, #tpu.memory_space<vmem>>, vector<16xi32>,
      tpu.vector_store_idx %arg7[%broadcast_in_dim3A_794, %get3A_812], %broadcast_in_dim3A_7 : memref<16x2048xf32, #tpu.memory_space<vmem>>[vector<16xi32>, vector<16xi32>], vector<16xf32>,
      %mul3A_813 = arith.constant 16 : i32
      %mul3A_814 = arith.muli %add3A_423, %mul3A_813 : i32
      %add3A_815 = arith.addi %mul3A_2, %mul3A_814 : i32
      %dma_start3A_816 = arith.constant 0 : i32
      %dma_start3A_817 = tpu.memref_slice %arg4[%add3A_815, %dma_start3A_816] : memref<4096x2048xf32, #tpu.memory_space<hbm>> -> memref<16x2048xf32, #tpu.memory_space<hbm>>
      %dma_start3A_818 = arith.constant 0 : i32
      %dma_start3A_819 = tpu.memref_slice %arg4[%add3A_815, %dma_start3A_818] : memref<4096x2048xf32, #tpu.memory_space<hbm>> -> memref<16x2048xf32, #tpu.memory_space<hbm>>
      tpu.enqueue_dma source(%arg7 : memref<16x2048xf32, #tpu.memory_space<vmem>>) target(%dma_start3A_819 : memref<16x2048xf32, #tpu.memory_space<hbm>>) target_semaphore(%arg9 : memref<!tpu.dma_semaphore, #tpu.memory_space<semaphore_mem>>)
    }
    %scan3A_12 = arith.constant 4 : i32
    %dma_wait3A = arith.constant 0 : i32
    %dma_wait3A_13 = arith.constant 0 : i32
    %dma_wait3A_14 = tpu.memref_slice %arg4[%dma_wait3A, %dma_wait3A_13] : memref<4096x2048xf32, #tpu.memory_space<hbm>> -> memref<16x2048xf32, #tpu.memory_space<hbm>>
    %dma_wait3A_15 = arith.constant 0 : i32
    %dma_wait3A_16 = arith.constant 0 : i32
    %dma_wait3A_17 = tpu.memref_slice %arg4[%dma_wait3A_15, %dma_wait3A_16] : memref<4096x2048xf32, #tpu.memory_space<hbm>> -> memref<16x2048xf32, #tpu.memory_space<hbm>>
    tpu.wait_dma2 semaphore(%arg8 : memref<!tpu.dma_semaphore, #tpu.memory_space<semaphore_mem>>) src(%arg6 : memref<16x2048xf32, #tpu.memory_space<vmem>>) dst(%dma_wait3A_17 : memref<16x2048xf32, #tpu.memory_space<hbm>>)
    %dma_wait3A_18 = arith.constant 0 : i32
    %dma_wait3A_19 = arith.constant 0 : i32
    %dma_wait3A_20 = tpu.memref_slice %arg4[%dma_wait3A_18, %dma_wait3A_19] : memref<4096x2048xf32, #tpu.memory_space<hbm>> -> memref<16x2048xf32, #tpu.memory_space<hbm>>
    %dma_wait3A_21 = arith.constant 0 : i32
    %dma_wait3A_22 = arith.constant 0 : i32
    %dma_wait3A_23 = tpu.memref_slice %arg4[%dma_wait3A_21, %dma_wait3A_22] : memref<4096x2048xf32, #tpu.memory_space<hbm>> -> memref<16x2048xf32, #tpu.memory_space<hbm>>
    tpu.wait_dma2 semaphore(%arg9 : memref<!tpu.dma_semaphore, #tpu.memory_space<semaphore_mem>>) src(%arg7 : memref<16x2048xf32, #tpu.memory_space<vmem>>) dst(%dma_wait3A_23 : memref<16x2048xf32, #tpu.memory_space<hbm>>)
    return
  }
}

module attributes {stable_mosaic.version = 14 : i64} {
  func.func @_proj_ln_body(%arg0: i32, %arg1: memref<512x2048xf32, #tpu.memory_space<vmem>>, %arg2: memref<2048x2048xbf16, #tpu.memory_space<vmem>>, %arg3: memref<1x2048xf32, #tpu.memory_space<vmem>>, %arg4: memref<1x2048xf32, #tpu.memory_space<vmem>>, %arg5: memref<512x2048xf32, #tpu.memory_space<vmem>>) attributes {dimension_semantics = [#tpu.dimension_semantics<arbitrary>], iteration_bounds = array<i64: 8>, scalar_prefetch = 0 : i64, scratch_operands = 0 : i64, tpu.core_type = #tpu.core_type<tc>, window_params = [{transform_indices = @transform_0, window_bounds = array<i64: 512, 2048>}, {pipeline_mode = #tpu.pipeline_mode<synchronous>, transform_indices = @transform_1, window_bounds = array<i64: 2048, 2048>}, {pipeline_mode = #tpu.pipeline_mode<synchronous>, transform_indices = @transform_2, window_bounds = array<i64: 1, 2048>}, {pipeline_mode = #tpu.pipeline_mode<synchronous>, transform_indices = @transform_3, window_bounds = array<i64: 1, 2048>}, {transform_indices = @transform_4, window_bounds = array<i64: 512, 2048>}]} {
    %get3A = arith.constant 0 : index
    %get3A_0 = arith.constant 0 : index
    %get3A_1 = vector.load %arg1[%get3A, %get3A_0] : memref<512x2048xf32, #tpu.memory_space<vmem>>, vector<512x2048xf32>
    %convert_element_type3A = arith.truncf %get3A_1 : vector<512x2048xf32> to vector<512x2048xbf16>
    %get3A_2 = arith.constant 0 : index
    %get3A_3 = arith.constant 0 : index
    %get3A_4 = vector.load %arg2[%get3A_2, %get3A_3] : memref<2048x2048xbf16, #tpu.memory_space<vmem>>, vector<2048x2048xbf16>
    %dot_general3A = arith.constant dense<0.000000e+00> : vector<512x2048xf32>
    %dot_general3A_5 = tpu.matmul %convert_element_type3A, %get3A_4, %dot_general3A {dimension_numbers = #tpu.dot_dimension_numbers<[1], [0], [0], [1], [0, 0, 1, 1], [], []>, transpose_lhs_hint = false} : vector<512x2048xbf16>, vector<2048x2048xbf16>, vector<512x2048xf32> -> vector<512x2048xf32>
    %reduce_sum3A = arith.constant dense<0.000000e+00> : vector<512xf32>
    %reduce_sum3A_6 = vector.multi_reduction <add>, %dot_general3A_5, %reduce_sum3A [1] : vector<512x2048xf32> to vector<512xf32>
    %broadcast_in_dim3A = vector.shape_cast %reduce_sum3A_6 : vector<512xf32> to vector<512x1xf32>
    %div3A = arith.constant 2.048000e+03 : f32
    %div3A_7 = vector.broadcast %div3A : f32 to vector<512x1xf32>
    %div3A_8 = arith.divf %broadcast_in_dim3A, %div3A_7 : vector<512x1xf32>
    %mul3A = arith.mulf %dot_general3A_5, %dot_general3A_5 : vector<512x2048xf32>
    %reduce_sum3A_9 = arith.constant dense<0.000000e+00> : vector<512xf32>
    %reduce_sum3A_10 = vector.multi_reduction <add>, %mul3A, %reduce_sum3A_9 [1] : vector<512x2048xf32> to vector<512xf32>
    %broadcast_in_dim3A_11 = vector.shape_cast %reduce_sum3A_10 : vector<512xf32> to vector<512x1xf32>
    %div3A_12 = arith.constant 2.048000e+03 : f32
    %div3A_13 = vector.broadcast %div3A_12 : f32 to vector<512x1xf32>
    %div3A_14 = arith.divf %broadcast_in_dim3A_11, %div3A_13 : vector<512x1xf32>
    %mul3A_15 = arith.mulf %div3A_8, %div3A_8 : vector<512x1xf32>
    %sub3A = arith.subf %div3A_14, %mul3A_15 : vector<512x1xf32>
    %add3A = arith.constant 9.99999974E-6 : f32
    %add3A_16 = vector.broadcast %add3A : f32 to vector<512x1xf32>
    %add3A_17 = arith.addf %sub3A, %add3A_16 : vector<512x1xf32>
    %rsqrt3A = math.rsqrt %add3A_17 : vector<512x1xf32>
    %sub3A_18 = vector.broadcast %div3A_8 : vector<512x1xf32> to vector<512x2048xf32>
    %sub3A_19 = arith.subf %dot_general3A_5, %sub3A_18 : vector<512x2048xf32>
    %mul3A_20 = vector.broadcast %rsqrt3A : vector<512x1xf32> to vector<512x2048xf32>
    %mul3A_21 = arith.mulf %sub3A_19, %mul3A_20 : vector<512x2048xf32>
    %get3A_22 = arith.constant 0 : index
    %get3A_23 = arith.constant 0 : index
    %get3A_24 = vector.load %arg3[%get3A_22, %get3A_23] : memref<1x2048xf32, #tpu.memory_space<vmem>>, vector<1x2048xf32>
    %mul3A_25 = vector.broadcast %get3A_24 : vector<1x2048xf32> to vector<512x2048xf32>
    %mul3A_26 = arith.mulf %mul3A_21, %mul3A_25 : vector<512x2048xf32>
    %get3A_27 = arith.constant 0 : index
    %get3A_28 = arith.constant 0 : index
    %get3A_29 = vector.load %arg4[%get3A_27, %get3A_28] : memref<1x2048xf32, #tpu.memory_space<vmem>>, vector<1x2048xf32>
    %add3A_30 = vector.broadcast %get3A_29 : vector<1x2048xf32> to vector<512x2048xf32>
    %add3A_31 = arith.addf %mul3A_26, %add3A_30 : vector<512x2048xf32>
    %swap3A = arith.constant 0 : index
    %swap3A_32 = arith.constant 0 : index
    %swap3A_33 = vector.load %arg5[%swap3A, %swap3A_32] : memref<512x2048xf32, #tpu.memory_space<vmem>>, vector<512x2048xf32>
    tpu.vector_store %arg5[%swap3A, %swap3A_32], %add3A_31 {strides = array<i32>} : memref<512x2048xf32, #tpu.memory_space<vmem>>, vector<512x2048xf32>,
    return
  }
  func.func @transform_0(%arg0: i32) -> (i32, i32) {
    %c0_i32 = arith.constant 0 : i32
    %c0_i32_0 = arith.constant 0 : i32
    return %arg0, %c0_i32 : i32, i32
  }
  func.func @transform_1(%arg0: i32) -> (i32, i32) {
    %c0_i32 = arith.constant 0 : i32
    %c0_i32_0 = arith.constant 0 : i32
    %c0_i32_1 = arith.constant 0 : i32
    return %c0_i32, %c0_i32_0 : i32, i32
  }
  func.func @transform_2(%arg0: i32) -> (i32, i32) {
    %c0_i32 = arith.constant 0 : i32
    %c0_i32_0 = arith.constant 0 : i32
    %c0_i32_1 = arith.constant 0 : i32
    return %c0_i32, %c0_i32_0 : i32, i32
  }
  func.func @transform_3(%arg0: i32) -> (i32, i32) {
    %c0_i32 = arith.constant 0 : i32
    %c0_i32_0 = arith.constant 0 : i32
    %c0_i32_1 = arith.constant 0 : i32
    return %c0_i32, %c0_i32_0 : i32, i32
  }
  func.func @transform_4(%arg0: i32) -> (i32, i32) {
    %add3A = arith.constant 0 : i32
    %add3A_0 = arith.addi %arg0, %add3A : i32
    %c0_i32 = arith.constant 0 : i32
    %c0_i32_1 = arith.constant 0 : i32
    return %add3A_0, %c0_i32 : i32, i32
  }
}

module attributes {stable_mosaic.version = 14 : i64} {
  func.func @_proj_ln_body_alias(%arg0: i32, %arg1: memref<16384x2048xf32, #tpu.memory_space<any>>, %arg2: memref<512x2048xf32, #tpu.memory_space<vmem>>, %arg3: memref<2048x2048xbf16, #tpu.memory_space<vmem>>, %arg4: memref<1x2048xf32, #tpu.memory_space<vmem>>, %arg5: memref<1x2048xf32, #tpu.memory_space<vmem>>, %arg6: memref<512x2048xf32, #tpu.memory_space<vmem>>) attributes {dimension_semantics = [#tpu.dimension_semantics<arbitrary>], iteration_bounds = array<i64: 24>, scalar_prefetch = 0 : i64, scratch_operands = 0 : i64, tpu.core_type = #tpu.core_type<tc>, window_params = [{}, {transform_indices = @transform_1, window_bounds = array<i64: 512, 2048>}, {pipeline_mode = #tpu.pipeline_mode<synchronous>, transform_indices = @transform_2, window_bounds = array<i64: 2048, 2048>}, {pipeline_mode = #tpu.pipeline_mode<synchronous>, transform_indices = @transform_3, window_bounds = array<i64: 1, 2048>}, {pipeline_mode = #tpu.pipeline_mode<synchronous>, transform_indices = @transform_4, window_bounds = array<i64: 1, 2048>}, {transform_indices = @transform_5, window_bounds = array<i64: 512, 2048>}]} {
    %get3A = arith.constant 0 : index
    %get3A_0 = arith.constant 0 : index
    %get3A_1 = vector.load %arg2[%get3A, %get3A_0] : memref<512x2048xf32, #tpu.memory_space<vmem>>, vector<512x2048xf32>
    %convert_element_type3A = arith.truncf %get3A_1 : vector<512x2048xf32> to vector<512x2048xbf16>
    %get3A_2 = arith.constant 0 : index
    %get3A_3 = arith.constant 0 : index
    %get3A_4 = vector.load %arg3[%get3A_2, %get3A_3] : memref<2048x2048xbf16, #tpu.memory_space<vmem>>, vector<2048x2048xbf16>
    %dot_general3A = arith.constant dense<0.000000e+00> : vector<512x2048xf32>
    %dot_general3A_5 = tpu.matmul %convert_element_type3A, %get3A_4, %dot_general3A {dimension_numbers = #tpu.dot_dimension_numbers<[1], [0], [0], [1], [0, 0, 1, 1], [], []>, transpose_lhs_hint = false} : vector<512x2048xbf16>, vector<2048x2048xbf16>, vector<512x2048xf32> -> vector<512x2048xf32>
    %reduce_sum3A = arith.constant dense<0.000000e+00> : vector<512xf32>
    %reduce_sum3A_6 = vector.multi_reduction <add>, %dot_general3A_5, %reduce_sum3A [1] : vector<512x2048xf32> to vector<512xf32>
    %broadcast_in_dim3A = vector.shape_cast %reduce_sum3A_6 : vector<512xf32> to vector<512x1xf32>
    %div3A = arith.constant 2.048000e+03 : f32
    %div3A_7 = vector.broadcast %div3A : f32 to vector<512x1xf32>
    %div3A_8 = arith.divf %broadcast_in_dim3A, %div3A_7 : vector<512x1xf32>
    %mul3A = arith.mulf %dot_general3A_5, %dot_general3A_5 : vector<512x2048xf32>
    %reduce_sum3A_9 = arith.constant dense<0.000000e+00> : vector<512xf32>
    %reduce_sum3A_10 = vector.multi_reduction <add>, %mul3A, %reduce_sum3A_9 [1] : vector<512x2048xf32> to vector<512xf32>
    %broadcast_in_dim3A_11 = vector.shape_cast %reduce_sum3A_10 : vector<512xf32> to vector<512x1xf32>
    %div3A_12 = arith.constant 2.048000e+03 : f32
    %div3A_13 = vector.broadcast %div3A_12 : f32 to vector<512x1xf32>
    %div3A_14 = arith.divf %broadcast_in_dim3A_11, %div3A_13 : vector<512x1xf32>
    %mul3A_15 = arith.mulf %div3A_8, %div3A_8 : vector<512x1xf32>
    %sub3A = arith.subf %div3A_14, %mul3A_15 : vector<512x1xf32>
    %add3A = arith.constant 9.99999974E-6 : f32
    %add3A_16 = vector.broadcast %add3A : f32 to vector<512x1xf32>
    %add3A_17 = arith.addf %sub3A, %add3A_16 : vector<512x1xf32>
    %rsqrt3A = math.rsqrt %add3A_17 : vector<512x1xf32>
    %sub3A_18 = vector.broadcast %div3A_8 : vector<512x1xf32> to vector<512x2048xf32>
    %sub3A_19 = arith.subf %dot_general3A_5, %sub3A_18 : vector<512x2048xf32>
    %mul3A_20 = vector.broadcast %rsqrt3A : vector<512x1xf32> to vector<512x2048xf32>
    %mul3A_21 = arith.mulf %sub3A_19, %mul3A_20 : vector<512x2048xf32>
    %get3A_22 = arith.constant 0 : index
    %get3A_23 = arith.constant 0 : index
    %get3A_24 = vector.load %arg4[%get3A_22, %get3A_23] : memref<1x2048xf32, #tpu.memory_space<vmem>>, vector<1x2048xf32>
    %mul3A_25 = vector.broadcast %get3A_24 : vector<1x2048xf32> to vector<512x2048xf32>
    %mul3A_26 = arith.mulf %mul3A_21, %mul3A_25 : vector<512x2048xf32>
    %get3A_27 = arith.constant 0 : index
    %get3A_28 = arith.constant 0 : index
    %get3A_29 = vector.load %arg5[%get3A_27, %get3A_28] : memref<1x2048xf32, #tpu.memory_space<vmem>>, vector<1x2048xf32>
    %add3A_30 = vector.broadcast %get3A_29 : vector<1x2048xf32> to vector<512x2048xf32>
    %add3A_31 = arith.addf %mul3A_26, %add3A_30 : vector<512x2048xf32>
    %swap3A = arith.constant 0 : index
    %swap3A_32 = arith.constant 0 : index
    %swap3A_33 = vector.load %arg6[%swap3A, %swap3A_32] : memref<512x2048xf32, #tpu.memory_space<vmem>>, vector<512x2048xf32>
    tpu.vector_store %arg6[%swap3A, %swap3A_32], %add3A_31 {strides = array<i32>} : memref<512x2048xf32, #tpu.memory_space<vmem>>, vector<512x2048xf32>,
    return
  }
  func.func @transform_1(%arg0: i32) -> (i32, i32) {
    %c0_i32 = arith.constant 0 : i32
    %c0_i32_0 = arith.constant 0 : i32
    return %arg0, %c0_i32 : i32, i32
  }
  func.func @transform_2(%arg0: i32) -> (i32, i32) {
    %c0_i32 = arith.constant 0 : i32
    %c0_i32_0 = arith.constant 0 : i32
    %c0_i32_1 = arith.constant 0 : i32
    return %c0_i32, %c0_i32_0 : i32, i32
  }
  func.func @transform_3(%arg0: i32) -> (i32, i32) {
    %c0_i32 = arith.constant 0 : i32
    %c0_i32_0 = arith.constant 0 : i32
    %c0_i32_1 = arith.constant 0 : i32
    return %c0_i32, %c0_i32_0 : i32, i32
  }
  func.func @transform_4(%arg0: i32) -> (i32, i32) {
    %c0_i32 = arith.constant 0 : i32
    %c0_i32_0 = arith.constant 0 : i32
    %c0_i32_1 = arith.constant 0 : i32
    return %c0_i32, %c0_i32_0 : i32, i32
  }
  func.func @transform_5(%arg0: i32) -> (i32, i32) {
    %add3A = arith.constant 8 : i32
    %add3A_0 = arith.addi %arg0, %add3A : i32
    %c0_i32 = arith.constant 0 : i32
    %c0_i32_1 = arith.constant 0 : i32
    return %add3A_0, %c0_i32 : i32, i32
  }
}

</mosaic_0001>

<sc_bundles>
// kernel: kernel.6.cloned.1.call-start
scs
__scs_entry_jumppad:
0x0: {  	(pc) =	sbr.rel $0x88, $3  }
0x1: {  	(tag) =	ssettag $0x0;
	lr =	simm.s32 $0x1  }
0x2: {  	[smem:$0x3F9D] =	sst lr;
	_ =	strace $0xD0000000  }
0x3: {  	_ = 	snop  }
0x4: {  	_ = 	snop  }
0x5: {  	_ = 	snop  }
0x6: {  	_ = 	snop  }
0x7: {  	_ = 	snop  }
__scs_overlays_trampoline_lowered:
0x8: {  	[smem:$0x3FAC] =	sst s0  }
0x9: {  	[smem:$0x3FAD] =	sst s1  }
0xa: {  	[smem:$0x3FAE] =	sst s2  }
0xb: {  	[smem:$0x3FAF] =	sst s3  }
0xc: {  	[smem:$0x3FB0] =	sst s4  }
0xd: {  	[smem:$0x3FB1] =	sst s5  }
0xe: {  	[smem:$0x3FB2] =	sst s6  }
0xf: {  	[smem:$0x3FB3] =	sst s7  }
0x10: {  	[smem:$0x3FB4] =	sst s8  }
0x11: {  	[smem:$0x3FB5] =	sst s9;
	s0 =	simm.s32 @!p0 $0x0  }
0x12: {  	s1 =	sld [smem:$0x3F9B];
	s0 =	simm.s32 @p0 $0x1  }
0x13: {  	[smem:$0x3FB6] =	sst s0;
	s0 =	simm.s32 @!p1 $0x0  }
0x14: {  	s2 =	sld [smem:$0x3F9A];
	s0 =	simm.s32 @p1 $0x1  }
0x15: {  	[smem:$0x3FB7] =	sst s0;
	s0 =	simm.s32 @!p2 $0x0  }
0x16: {  	s3 =	sld [smem:$0x3FDB];
	s0 =	simm.s32 @p2 $0x1  }
0x17: {  	s4 =	simm.s32 $0x1BF5;
	[smem:$0x3FB9] =	sst s0  }
0x18: {  	s0 =	sld [smem:$0x3F9C];
	_ =	swait.ge [sflag:s4], $0x0  }
0x19: {  	s7 =	sld [smem:$0x3F9D]  }
0x1a: {  	s8 =	sadd.s32 $0xFFFFE003, lr  }
0x1b: {  	s9 =	sadd.s32 $0xFFFFFEF7, lr;
	s5 =	simm.s32 $0xFFFFFFFF;
	p2 =	slt.u32 s8, $0xFFFFF086  }
0x1c: {  	p1 =	slt.u32 s9, $0xF7A;
	s5 =	simm.s32 @!p2 $0x0  }
0x1d: {  	s5 =	simm.s32 @p1 $0x1;
	p0 =	seq.s32 s7, s2  }
0x1e: {  	s7 =	smul.u32 @!p0 $0xF7A, s2;
	p2 =	seq.s32 @!p0 s5, $0x0  }
0x1f: {  	s9 =	smul.u32 $0xF7A, s1;
	s8 =	simm.s32 @!p0 $0x1BF5;
	p2 =	por !p2, p0  }
0x20: {  	[sflag:s8] =	ssyncset.s32 @!p0 $0xFFFFF086;
	s6 =	sadd.s32 @!p0 s3, s7;
	s7 =	simm.s32 @!p0 $0x108  }
0x21: {  	s3 =	sadd.s32 s3, s9;
	s6 =	sadd.s32 @!p0 $0x88, s6;
	s7 =	simm.s32 @p2 $0x1082  }
0x22: {  	[simem:s7], [sflag:s8] =	dma.local @!p0 [hbm:s6], $0xF7A  }
0x23: {  	s9 =	sor.u32 $0xD0000000, s2;
	s6 =	simm.s32 $0x108;
	_ =	swait.ge @!p0 [sflag:s8], $0x0  }
0x24: {  	s3 =	sadd.s32 $0x88, s3;
	s6 =	simm.s32 @!p1 $0x1082;
	[sflag:s4] =	ssyncset.s32 $0xFFFFF086  }
0x25: {  	[simem:s6], [sflag:s4] =	dma.local [hbm:s3], $0xF7A  }
0x26: {  	[smem:$0x3F9D] =	sst s1;
	(tag) =	ssettag s2;
	_ =	strace s9  }
0x27: {  	s1 =	sld [smem:$0x3FAD]  }
0x28: {  	s2 =	sld [smem:$0x3FAE]  }
0x29: {  	s4 =	sld [smem:$0x3FB0]  }
0x2a: {  	p0 =	seq.s32 s5, $0x0;
	s5 =	sld [smem:$0x3FB1]  }
0x2b: {  	s6 =	sld [smem:$0x3FB2]  }
0x2c: {  	s7 =	sld [smem:$0x3FB3]  }
0x2d: {  	s3 =	simm.s32 $0x108;
	s8 =	sld [smem:$0x3FB4]  }
0x2e: {  	s3 =	simm.s32 @!p0 $0x1082;
	s9 =	sld [smem:$0x3FB5]  }
0x2f: {  	lr =	sadd.s32 s0, s3;
	s0 =	sld [smem:$0x3FAC]  }
0x30: {  	s3 =	sld [smem:$0x3FAF]  }
0x31: {  	[smem:$0x3FB8] =	sst s10  }
0x32: {  	s10 =	sld [smem:$0x3FB6];
	_ =	sdelay $0x3  }
0x33: {  	p0 =	seq.s32 s10, $0x1;
	s10 =	sld [smem:$0x3FB8];
	_ =	sdelay $0x3  }
0x34: {  	[smem:$0x3FB8] =	sst s10  }
0x35: {  	s10 =	sld [smem:$0x3FB7];
	_ =	sdelay $0x3  }
0x36: {  	p1 =	seq.s32 s10, $0x1;
	s10 =	sld [smem:$0x3FB8];
	_ =	sdelay $0x3  }
0x37: {  	[smem:$0x3FB8] =	sst s10  }
0x38: {  	s10 =	sld [smem:$0x3FB9]  }
0x39: {  	_ = 	snop;
	(pc) =	sbr.ind lr, $3  }
0x3a: {  	_ = 	snop  }
0x3b: {  	_ = 	snop  }
0x3c: {  	p2 =	seq.s32 s10, $0x1;
	s10 =	sld [smem:$0x3FB8]  }
0x3d: {  	_ =	shalt  }
0x3e: {  	_ =	shalt  }
0x3f: {  	_ =	shalt  }
0x40: {  	_ =	shalt  }
0x41: {  	_ =	shalt  }
0x42: {  	_ =	shalt  }
0x43: {  	_ =	shalt  }
0x44: {  	_ =	shalt  }
0x45: {  	_ =	shalt  }
0x46: {  	_ =	shalt  }
0x47: {  	_ =	shalt  }
0x48: {  	_ =	shalt  }
0x49: {  	_ =	shalt  }
0x4a: {  	_ =	shalt  }
0x4b: {  	_ =	shalt  }
0x4c: {  	_ =	shalt  }
0x4d: {  	_ =	shalt  }
0x4e: {  	_ =	shalt  }
0x4f: {  	_ =	shalt  }
0x50: {  	_ =	shalt  }
0x51: {  	_ =	shalt  }
0x52: {  	_ =	shalt  }
0x53: {  	_ =	shalt  }
0x54: {  	_ =	shalt  }
0x55: {  	_ =	shalt  }
0x56: {  	_ =	shalt  }
0x57: {  	_ =	shalt  }
0x58: {  	_ =	shalt  }
0x59: {  	_ =	shalt  }
0x5a: {  	_ =	shalt  }
0x5b: {  	_ =	shalt  }
0x5c: {  	_ =	shalt  }
0x5d: {  	_ =	shalt  }
0x5e: {  	_ =	shalt  }
0x5f: {  	_ =	shalt  }
0x60: {  	_ =	shalt  }
0x61: {  	_ =	shalt  }
0x62: {  	_ =	shalt  }
0x63: {  	_ =	shalt  }
0x64: {  	_ =	shalt  }
0x65: {  	_ =	shalt  }
0x66: {  	_ =	shalt  }
0x67: {  	_ =	shalt  }
0x68: {  	_ =	shalt  }
0x69: {  	_ =	shalt  }
0x6a: {  	_ =	shalt  }
0x6b: {  	_ =	shalt  }
0x6c: {  	_ =	shalt  }
0x6d: {  	_ =	shalt  }
0x6e: {  	_ =	shalt  }
0x6f: {  	_ =	shalt  }
0x70: {  	_ =	shalt  }
0x71: {  	_ =	shalt  }
0x72: {  	_ =	shalt  }
0x73: {  	_ =	shalt  }
0x74: {  	_ =	shalt  }
0x75: {  	_ =	shalt  }
0x76: {  	_ =	shalt  }
0x77: {  	_ =	shalt  }
0x78: {  	_ =	shalt  }
0x79: {  	_ =	shalt  }
0x7a: {  	_ =	shalt  }
0x7b: {  	_ =	shalt  }
0x7c: {  	_ =	shalt  }
0x7d: {  	_ =	shalt  }
0x7e: {  	_ =	shalt  }
0x7f: {  	_ =	shalt  }
0x80: {  	_ =	shalt  }
0x81: {  	_ =	shalt  }
0x82: {  	_ =	shalt  }
0x83: {  	_ =	shalt  }
0x84: {  	_ =	shalt  }
0x85: {  	_ =	shalt  }
0x86: {  	_ =	shalt  }
0x87: {  	_ =	shalt  }
.Lfunc_end0:
.L_simem_size_0:
called_computation_lowered:
.L_overlay_start_0:
0x88: {  	s2 =	sld [smem:$0x3FD9]  }
0x89: {  	s3 =	sld [smem:$0x3FFE];
	_ =	sdelay $0x1  }
0x8a: {  	s1 =	srdreg.scid  }
0x8b: {  	s0 =	sand.u32 $0x1, s1  }
0x8c: {  	s17 =	sshll.u32 s0, $0xA;
	s2 =	sadd.s32 s3, s2  }
0x8d: {  	s2 =	sadd.s32 s2, s17  }
0x8e: {  	[smem:$0x3FC4] =	sst s2  }
0x8f: {  	_ = 	snop  }
0x90: {  	s2 =	sld [smem:$0x3FD0];
	(tm) =	ssettm $0x1  }
0x91: {  	s18 =	sld [smem:$0x3FFB];
	_ =	sdelay $0x3  }
0x92: {  	_ =	strace s18  }
0x93: {  	s3 =	sld [smem:$0x3FFC];
	_ =	sdelay $0x3  }
0x94: {  	_ =	strace s3  }
0x95: {  	s3 =	sld [smem:$0x3FFD];
	_ =	sdelay $0x3  }
0x96: {  	_ =	strace s3  }
0x97: {  	_ =	strace $0x8FFFFFFF  }
0x98: {  	s19 =	sld [smem:$0x3FDB];
	_ =	sdelay $0x1  }
0x99: {  	s4 =	simm.s32 $_scs_section_size  }
0x9a: {  	s5 =	simm.s32 $_size__tile_overlayer_lowered;
	s6 =	simm.s32 $_tile_overlayer_lowered  }
0x9b: {  	s22 =	simm.s32 $0x1BFF;
	s21 =	sshll.u32 s6, $0x1;
	s3 =	sadd.s32 s4, s19  }
0x9c: {  	s7 =	simm.s32 $0x0;
	s20 =	sshll.u32 s5, $0x1;
	s5 =	sadd.s32 s21, s3  }
0x9d: {  	[timem:s7], [sflag:s22] =	dma.local [hbm:s5], s20  }
0x9e: {  	_ =	swait.ge [sflag:s22], s20  }
0x9f: {  	s4 =	ssub.s32 $0x0, s20;
	[sflag:s22] =	ssyncset.done $0x0  }
0xa0: {  	[sflag:s22] =	ssyncadd.s32 s4;
	_ =	sdelay $0x1  }
0xa1: {  	s23 =	simm.s32 $0x1B8B  }
0xa2: {  	_ =	swait.ge [sflag:s23], $0x1  }
0xa3: {  	[sflag:s23] =	ssyncset.done $0x0  }
0xa4: {  	s25 =	simm.s32 $0x1B8E;
	s24 =	sld [smem:$0x3FFE];
	[sflag:s23] =	ssyncadd.s32 $0xFFFFFFFF  }
0xa5: {  	s26 =	simm.s32 $execute0_lowered;
	[smem:$0x3FD2] =	sst s25  }
0xa6: {  	s5 =	sshll.u32 s26, $0x1;
	_ =	strace $0x80000046;
	[dreg:$0x1] =	wrdreg $0xFFFFFFFF  }
0xa7: {  	s28 =	simm.s32 $_size_execute0_lowered;
	s3 =	sadd.s32 s3, s5;
	[dreg:$0x0] =	wrdreg $0x0  }
0xa8: {  	s5 =	sshll.u32 s28, $0x1;
	[dreg:$0x2] =	wrdreg s3  }
0xa9: {  	[dreg:$0x3] =	wrdreg s5  }
0xaa: {  	[dreg:$0x4] =	wrdreg $0xC0  }
0xab: {  	_ =	task [dreg:s7], $0x5FFFF  }
0xac: {  	[dreg:$0x1] =	wrdreg $0xFFFFFFFF  }
0xad: {  	[dreg:$0x0] =	wrdreg $0x60  }
0xae: {  	[dreg:$0x2] =	wrdreg s2  }
0xaf: {  	[dreg:$0x3] =	wrdreg s24  }
0xb0: {  	[dreg:$0x4] =	wrdreg $0x9  }
0xb1: {  	_ =	task.clear_ibuf [dreg:s7], $0x5FFFF;
	_ =	strace $0x90000046  }
0xb2: {  	s29 =	simm.s32 $0x9;
	_ =	strace $0x80000048  }
0xb3: {  	_ =	swait.ge [sflag:s29], $0x1  }
0xb4: {  	[sflag:s29] =	ssyncadd.s32 $0xFFFFFFFF  }
0xb5: {  	_ =	strace $0x90000048  }
0xb6: {  	_ =	sfence  }
0xb7: {  	s30 =	sld [smem:$0x0];
	_ =	sdelay $0x2  }
0xb8: {  	s31 =	sshll.u32 s1, $0xD;
	s1 =	sshrl.u32 s1, $0x2  }
0xb9: {  	s3 =	sand.u32 $0x4000, s31;
	s1 =	sadd.s32 s1, s30  }
0xba: {  	s0 =	sor.u32 s3, s0;
	s1 =	sshll.u32 s1, $0x11  }
0xbb: {  	s0 =	sor.u32 s1, s0  }
0xbc: {  	s0 =	sadd.s32 $0x8F2B, s0  }
0xbd: {  	[sflag:s0] =	ssyncadd.remote.s32 $0x1  }
0xbe: {  	_ =	sfence.sel $0xFFFF  }
0xbf: {  	[dreg:$0x0] =	wrdreg $0xFFFFFFFF;
	(pc) =	sbr.abs _section_cstart, $3  }
0xc0: {  	[dreg:$0x1] =	wrdreg $0xFFFFFFFF  }
0xc1: {  	_ =	task.clear_ibuf [dreg:s7], $0x2FFFF;
	_ =	strace $0x9FFFFFFF  }
0xc2: {  	(tm) =	ssettm $0x7FFFFFFF  }
0xc3: {  	_ =	shalt  }
tec
execute0_lowered:
.L_overlay_start_1:
0x0: {  	(tag) =	ssettag $0x1  }
0x1: {  	s4 =	rddreg [dreg:$0x0]  }
0x2: {  	s3 =	rddreg [dreg:$0x1]  }
0x3: {  	s0 =	rddreg [dreg:$0x2]  }
0x4: {  	s2 =	simm.s32 $0x0;
	s1 =	stileid.u32;
	s5 =	srdreg.scid  }
0x5: {  	s10 =	simm.s32 $0x1;
	s11 =	simm.s32 $0x2;
	s12 =	simm.s32 $0x0  }
0x6: {  	[smem:$0x7FF] =	sst s2;
	s6 =	sshll.u32 s1, $0x10;
	s5 =	sand.u32 $0x1, s5  }
0x7: {  	s7 =	sshll.u32 s1, $0x1;
	_ =	strace $0x80000047;
	s6 =	sadd.s32 s6, s3  }
.Ltmp0:
0x8: {  	s8 =	ssub.s32 $0x2, s5;
	s7 =	sor.u32 s5, s7;
	(pc) =	sbr.rel .LBB2_1-.Ltmp0, $4  }
0x9: {  	s5 =	sshll.u32 s5, $0xF;
	s9 =	sshrl.u32 s8, $0x1;
	s7 =	smul.u32 $0x300, s7  }
0xa: {  	s3 =	sadd.s32 $0x1C00, s3;
	s6 =	sadd.s32 s5, s6;
	s8 =	ssub.s32 s8, s9  }
0xb: {  	s6 =	sadd.s32 $0x3C00, s6;
	s9 =	simm.s32 $0x9800;
	s4 =	sadd.s32 s4, s7  }
0xc: {  	v0 =	vimm.f32 $1.000000000e+00;
	v1 =	vimm.f32 $0.0e+00;
	s5 =	smax.u32 s8, $0x1;
	s7 =	simm.s32 $0x3;
	s8 =	simm.s32 $0x1800  }
.LBB2_8:
0xd: {  	s12 =	sadd.s32 $0x1, s12  }
0xe: {  	_ =	swait.ge [sflag:s10], $0x8000;
	p0 =	sne.s32 s12, s5  }
.Ltmp1:
0xf: {  	[sflag:s10] =	ssyncset.done $0x0;
	(pc) =	sbr.rel @!p0 .LBB2_9-.Ltmp1, $4  }
0x10: {  	[sflag:s10] =	ssyncadd.s32 $0xFFFF8000  }
0x11: {  	_ =	swait.ge [sflag:s11], $0x8000  }
0x12: {  	[sflag:s11] =	ssyncset.done $0x0  }
0x13: {  	[sflag:s11] =	ssyncadd.s32 $0xFFFF8000  }
.LBB2_1:
0x14: {  	[tilespmem:s2], [sflag:$0x3] =	stream.linear.gather [hbm4b:s4+s2], $0x1800, $0x38;
	[tilespmem:$0x11800] =	vst v63  }
0x15: {  	_ =	swait.ge [sflag:s7], $0x1800  }
0x16: {  	[sflag:s7] =	ssyncset.done $0x0  }
0x17: {  	[sflag:s7] =	ssyncadd.s32 $0xFFFFE800  }
0x18: {  	[tilespmem:s8], [sflag:$0x3] =	stream.linear.gather [hbm4b:s3+s2], $0x8000, $0x38;
	[tilespmem:$0x11800] =	vst v63  }
0x19: {  	_ =	swait.ge [sflag:s7], $0x8000  }
0x1a: {  	[sflag:s7] =	ssyncset.done $0x0  }
.Ltmp2:
0x1b: {  	[sflag:s7] =	ssyncadd.s32 $0xFFFF8000;
	(pc) =	sbr.rel .LBB2_2-.Ltmp2, $4  }
0x1c: {  	[tilespmem:s9], [sflag:$0x3] =	stream.linear.gather [hbm4b:s3+s2], $0x8000, $0x38;
	[tilespmem:$0x11800] =	vst v63  }
0x1d: {  	_ =	swait.ge [sflag:s7], $0x8000  }
0x1e: {  	[sflag:s7] =	ssyncset.done $0x0  }
0x1f: {  	s13 =	smov.u32 s6;
	s14 =	simm.s32 $0x0;
	[sflag:s7] =	ssyncadd.s32 $0xFFFF8000  }
.LBB2_7:
0x20: {  	s15 =	sshra.s32 s14, $0x2  }
0x21: {  	v2 =	vld [tilespmem:s15+$0x300];
	_ =	sdelay $0x4  }
0x22: {  	v3 =	vshll.u32 v2, $0x3  }
0x23: {  	v2 =	vand.u32 $0x7F, v2;
	v3 =	vand.u32 $0xFFFFFC00, v3  }
0x24: {  	v2 =	vor.u32 v2, v3;
	_ =	sdelay $0x4  }
0x25: {  	[tilespmem:v2+s9+$0x0] =	vst.idx.msk $0xffff, v0  }
0x26: {  	v2 =	vld [tilespmem:s15+$0x310];
	_ =	sdelay $0x4  }
0x27: {  	v3 =	vshll.u32 v2, $0x3  }
0x28: {  	v2 =	vand.u32 $0x7F, v2;
	v3 =	vand.u32 $0xFFFFFC00, v3  }
0x29: {  	v2 =	vor.u32 v2, v3;
	_ =	sdelay $0x4  }
0x2a: {  	[tilespmem:v2+s9+$0x0] =	vst.idx.msk $0xffff, v0  }
0x2b: {  	v2 =	vld [tilespmem:s15+$0x320];
	_ =	sdelay $0x4  }
0x2c: {  	v3 =	vshll.u32 v2, $0x3  }
0x2d: {  	v2 =	vand.u32 $0x7F, v2;
	v3 =	vand.u32 $0xFFFFFC00, v3  }
0x2e: {  	v2 =	vor.u32 v2, v3;
	_ =	sdelay $0x4  }
0x2f: {  	[tilespmem:v2+s9+$0x0] =	vst.idx.msk $0xffff, v0  }
0x30: {  	v2 =	vld [tilespmem:s15+$0x330];
	_ =	sdelay $0x4  }
0x31: {  	v3 =	vshll.u32 v2, $0x3  }
0x32: {  	v2 =	vand.u32 $0x7F, v2;
	v3 =	vand.u32 $0xFFFFFC00, v3  }
0x33: {  	v2 =	vor.u32 v3, v2  }
0x34: {  	v2 =	vor.u32 $0x80, v2;
	_ =	sdelay $0x4  }
0x35: {  	[tilespmem:v2+s9+$0x0] =	vst.idx.msk $0xffff, v0  }
0x36: {  	v2 =	vld [tilespmem:s15+$0x340];
	_ =	sdelay $0x4  }
0x37: {  	v3 =	vshll.u32 v2, $0x3  }
0x38: {  	v2 =	vand.u32 $0x7F, v2;
	v3 =	vand.u32 $0xFFFFFC00, v3  }
0x39: {  	v2 =	vor.u32 v3, v2  }
0x3a: {  	v2 =	vor.u32 $0x80, v2;
	_ =	sdelay $0x4  }
0x3b: {  	[tilespmem:v2+s9+$0x0] =	vst.idx.msk $0xffff, v0  }
0x3c: {  	v2 =	vld [tilespmem:s15+$0x350];
	_ =	sdelay $0x4  }
0x3d: {  	v3 =	vshll.u32 v2, $0x3  }
0x3e: {  	v2 =	vand.u32 $0x7F, v2;
	v3 =	vand.u32 $0xFFFFFC00, v3  }
0x3f: {  	v2 =	vor.u32 v3, v2  }
0x40: {  	v2 =	vor.u32 $0x80, v2;
	_ =	sdelay $0x4  }
0x41: {  	[tilespmem:v2+s9+$0x0] =	vst.idx.msk $0xffff, v0  }
0x42: {  	v2 =	vld [tilespmem:s15+$0x360];
	_ =	sdelay $0x4  }
0x43: {  	v3 =	vshll.u32 v2, $0x3  }
0x44: {  	v2 =	vand.u32 $0x7F, v2;
	v3 =	vand.u32 $0xFFFFFC00, v3  }
0x45: {  	v2 =	vor.u32 v3, v2  }
0x46: {  	v2 =	vor.u32 $0x100, v2;
	_ =	sdelay $0x4  }
0x47: {  	[tilespmem:v2+s9+$0x0] =	vst.idx.msk $0xffff, v0  }
0x48: {  	v2 =	vld [tilespmem:s15+$0x370];
	_ =	sdelay $0x4  }
0x49: {  	v3 =	vshll.u32 v2, $0x3  }
0x4a: {  	v2 =	vand.u32 $0x7F, v2;
	v3 =	vand.u32 $0xFFFFFC00, v3  }
0x4b: {  	v2 =	vor.u32 v3, v2  }
0x4c: {  	v2 =	vor.u32 $0x100, v2;
	_ =	sdelay $0x4  }
0x4d: {  	[tilespmem:v2+s9+$0x0] =	vst.idx.msk $0xffff, v0  }
0x4e: {  	v2 =	vld [tilespmem:s15+$0x380];
	_ =	sdelay $0x4  }
0x4f: {  	v3 =	vshll.u32 v2, $0x3  }
0x50: {  	v2 =	vand.u32 $0x7F, v2;
	v3 =	vand.u32 $0xFFFFFC00, v3  }
0x51: {  	v2 =	vor.u32 v3, v2  }
0x52: {  	v2 =	vor.u32 $0x100, v2;
	_ =	sdelay $0x4  }
0x53: {  	[tilespmem:v2+s9+$0x0] =	vst.idx.msk $0xffff, v0  }
0x54: {  	v2 =	vld [tilespmem:s15+$0x390];
	_ =	sdelay $0x4  }
0x55: {  	v3 =	vshll.u32 v2, $0x3  }
0x56: {  	v2 =	vand.u32 $0x7F, v2;
	v3 =	vand.u32 $0xFFFFFC00, v3  }
0x57: {  	v2 =	vor.u32 v3, v2  }
0x58: {  	v2 =	vor.u32 $0x180, v2;
	_ =	sdelay $0x4  }
0x59: {  	[tilespmem:v2+s9+$0x0] =	vst.idx.msk $0xffff, v0  }
0x5a: {  	v2 =	vld [tilespmem:s15+$0x3A0];
	_ =	sdelay $0x4  }
0x5b: {  	v3 =	vshll.u32 v2, $0x3  }
0x5c: {  	v2 =	vand.u32 $0x7F, v2;
	v3 =	vand.u32 $0xFFFFFC00, v3  }
0x5d: {  	v2 =	vor.u32 v3, v2  }
0x5e: {  	v2 =	vor.u32 $0x180, v2;
	_ =	sdelay $0x4  }
0x5f: {  	[tilespmem:v2+s9+$0x0] =	vst.idx.msk $0xffff, v0  }
0x60: {  	v2 =	vld [tilespmem:s15+$0x3B0];
	_ =	sdelay $0x4  }
0x61: {  	v3 =	vshll.u32 v2, $0x3  }
0x62: {  	v2 =	vand.u32 $0x7F, v2;
	v3 =	vand.u32 $0xFFFFFC00, v3  }
0x63: {  	v2 =	vor.u32 v3, v2  }
0x64: {  	v2 =	vor.u32 $0x180, v2;
	_ =	sdelay $0x4  }
0x65: {  	[tilespmem:v2+s9+$0x0] =	vst.idx.msk $0xffff, v0  }
0x66: {  	v2 =	vld [tilespmem:s15+$0x3C0];
	_ =	sdelay $0x4  }
0x67: {  	v3 =	vshll.u32 v2, $0x3  }
0x68: {  	v2 =	vand.u32 $0x7F, v2;
	v3 =	vand.u32 $0xFFFFFC00, v3  }
0x69: {  	v2 =	vor.u32 v3, v2  }
0x6a: {  	v2 =	vor.u32 $0x200, v2;
	_ =	sdelay $0x4  }
0x6b: {  	[tilespmem:v2+s9+$0x0] =	vst.idx.msk $0xffff, v0  }
0x6c: {  	v2 =	vld [tilespmem:s15+$0x3D0];
	_ =	sdelay $0x4  }
0x6d: {  	v3 =	vshll.u32 v2, $0x3  }
0x6e: {  	v2 =	vand.u32 $0x7F, v2;
	v3 =	vand.u32 $0xFFFFFC00, v3  }
0x6f: {  	v2 =	vor.u32 v3, v2  }
0x70: {  	v2 =	vor.u32 $0x200, v2;
	_ =	sdelay $0x4  }
0x71: {  	[tilespmem:v2+s9+$0x0] =	vst.idx.msk $0xffff, v0  }
0x72: {  	v2 =	vld [tilespmem:s15+$0x3E0];
	_ =	sdelay $0x4  }
0x73: {  	v3 =	vshll.u32 v2, $0x3  }
0x74: {  	v2 =	vand.u32 $0x7F, v2;
	v3 =	vand.u32 $0xFFFFFC00, v3  }
0x75: {  	v2 =	vor.u32 v3, v2  }
0x76: {  	v2 =	vor.u32 $0x200, v2;
	_ =	sdelay $0x4  }
0x77: {  	[tilespmem:v2+s9+$0x0] =	vst.idx.msk $0xffff, v0  }
0x78: {  	v2 =	vld [tilespmem:s15+$0x3F0];
	_ =	sdelay $0x4  }
0x79: {  	v3 =	vshll.u32 v2, $0x3  }
0x7a: {  	v2 =	vand.u32 $0x7F, v2;
	v3 =	vand.u32 $0xFFFFFC00, v3  }
0x7b: {  	v2 =	vor.u32 v3, v2  }
0x7c: {  	v2 =	vor.u32 $0x280, v2;
	_ =	sdelay $0x4  }
0x7d: {  	[tilespmem:v2+s9+$0x0] =	vst.idx.msk $0xffff, v0  }
0x7e: {  	v2 =	vld [tilespmem:s15+$0x400];
	_ =	sdelay $0x4  }
0x7f: {  	v3 =	vshll.u32 v2, $0x3  }
0x80: {  	v2 =	vand.u32 $0x7F, v2;
	v3 =	vand.u32 $0xFFFFFC00, v3  }
0x81: {  	v2 =	vor.u32 v3, v2  }
0x82: {  	v2 =	vor.u32 $0x280, v2;
	_ =	sdelay $0x4  }
0x83: {  	[tilespmem:v2+s9+$0x0] =	vst.idx.msk $0xffff, v0  }
0x84: {  	v2 =	vld [tilespmem:s15+$0x410];
	_ =	sdelay $0x4  }
0x85: {  	v3 =	vshll.u32 v2, $0x3  }
0x86: {  	v2 =	vand.u32 $0x7F, v2;
	v3 =	vand.u32 $0xFFFFFC00, v3  }
0x87: {  	v2 =	vor.u32 v3, v2  }
0x88: {  	v2 =	vor.u32 $0x280, v2;
	_ =	sdelay $0x4  }
0x89: {  	[tilespmem:v2+s9+$0x0] =	vst.idx.msk $0xffff, v0  }
0x8a: {  	v2 =	vld [tilespmem:s15+$0x420];
	_ =	sdelay $0x4  }
0x8b: {  	v3 =	vshll.u32 v2, $0x3  }
0x8c: {  	v2 =	vand.u32 $0x7F, v2;
	v3 =	vand.u32 $0xFFFFFC00, v3  }
0x8d: {  	v2 =	vor.u32 v3, v2  }
0x8e: {  	v2 =	vor.u32 $0x300, v2;
	_ =	sdelay $0x4  }
0x8f: {  	[tilespmem:v2+s9+$0x0] =	vst.idx.msk $0xffff, v0  }
0x90: {  	v2 =	vld [tilespmem:s15+$0x430];
	_ =	sdelay $0x4  }
0x91: {  	v3 =	vshll.u32 v2, $0x3  }
0x92: {  	v2 =	vand.u32 $0x7F, v2;
	v3 =	vand.u32 $0xFFFFFC00, v3  }
0x93: {  	v2 =	vor.u32 v3, v2  }
0x94: {  	v2 =	vor.u32 $0x300, v2;
	_ =	sdelay $0x4  }
0x95: {  	[tilespmem:v2+s9+$0x0] =	vst.idx.msk $0xffff, v0  }
0x96: {  	v2 =	vld [tilespmem:s15+$0x440];
	_ =	sdelay $0x4  }
0x97: {  	v3 =	vshll.u32 v2, $0x3  }
0x98: {  	v2 =	vand.u32 $0x7F, v2;
	v3 =	vand.u32 $0xFFFFFC00, v3  }
0x99: {  	v2 =	vor.u32 v3, v2  }
0x9a: {  	v2 =	vor.u32 $0x300, v2;
	_ =	sdelay $0x4  }
0x9b: {  	[tilespmem:v2+s9+$0x0] =	vst.idx.msk $0xffff, v0  }
0x9c: {  	v2 =	vld [tilespmem:s15+$0x450];
	_ =	sdelay $0x4  }
0x9d: {  	v3 =	vshll.u32 v2, $0x3  }
0x9e: {  	v2 =	vand.u32 $0x7F, v2;
	v3 =	vand.u32 $0xFFFFFC00, v3  }
0x9f: {  	v2 =	vor.u32 v3, v2  }
0xa0: {  	v2 =	vor.u32 $0x380, v2;
	_ =	sdelay $0x4  }
0xa1: {  	[tilespmem:v2+s9+$0x0] =	vst.idx.msk $0xffff, v0  }
0xa2: {  	v2 =	vld [tilespmem:s15+$0x460];
	_ =	sdelay $0x4  }
0xa3: {  	v3 =	vshll.u32 v2, $0x3  }
0xa4: {  	v2 =	vand.u32 $0x7F, v2;
	v3 =	vand.u32 $0xFFFFFC00, v3  }
0xa5: {  	v2 =	vor.u32 v3, v2  }
0xa6: {  	v2 =	vor.u32 $0x380, v2;
	_ =	sdelay $0x4  }
0xa7: {  	[tilespmem:v2+s9+$0x0] =	vst.idx.msk $0xffff, v0  }
0xa8: {  	v2 =	vld [tilespmem:s15+$0x470];
	_ =	sdelay $0x4  }
0xa9: {  	v3 =	vshll.u32 v2, $0x3  }
0xaa: {  	v2 =	vand.u32 $0x7F, v2;
	v3 =	vand.u32 $0xFFFFFC00, v3  }
0xab: {  	v2 =	vor.u32 v3, v2  }
0xac: {  	v2 =	vor.u32 $0x380, v2;
	_ =	sdelay $0x4  }
0xad: {  	[tilespmem:v2+s9+$0x0] =	vst.idx.msk $0xffff, v0  }
0xae: {  	v2 =	vld [tilespmem:s15+$0x480];
	_ =	sdelay $0x4  }
0xaf: {  	v3 =	vshll.u32 v2, $0x3  }
0xb0: {  	v2 =	vand.u32 $0x7F, v2;
	v3 =	vand.u32 $0xFFFFFC00, v3  }
0xb1: {  	v2 =	vor.u32 v2, v3  }
0xb2: {  	v2 =	vadd.s32 $0x4000, v2;
	_ =	sdelay $0x4  }
0xb3: {  	[tilespmem:v2+s9+$0x0] =	vst.idx.msk $0xffff, v0  }
0xb4: {  	v2 =	vld [tilespmem:s15+$0x490];
	_ =	sdelay $0x4  }
0xb5: {  	v3 =	vshll.u32 v2, $0x3  }
0xb6: {  	v2 =	vand.u32 $0x7F, v2;
	v3 =	vand.u32 $0xFFFFFC00, v3  }
0xb7: {  	v2 =	vor.u32 v2, v3  }
0xb8: {  	v2 =	vadd.s32 $0x4000, v2;
	_ =	sdelay $0x4  }
0xb9: {  	[tilespmem:v2+s9+$0x0] =	vst.idx.msk $0xffff, v0  }
0xba: {  	v2 =	vld [tilespmem:s15+$0x4A0];
	_ =	sdelay $0x4  }
0xbb: {  	v3 =	vshll.u32 v2, $0x3  }
0xbc: {  	v2 =	vand.u32 $0x7F, v2;
	v3 =	vand.u32 $0xFFFFFC00, v3  }
0xbd: {  	v2 =	vor.u32 v2, v3  }
0xbe: {  	v2 =	vadd.s32 $0x4000, v2;
	_ =	sdelay $0x4  }
0xbf: {  	[tilespmem:v2+s9+$0x0] =	vst.idx.msk $0xffff, v0  }
0xc0: {  	v2 =	vld [tilespmem:s15+$0x4B0];
	_ =	sdelay $0x4  }
0xc1: {  	v3 =	vshll.u32 v2, $0x3  }
0xc2: {  	v2 =	vand.u32 $0x7F, v2;
	v3 =	vand.u32 $0xFFFFFC00, v3  }
0xc3: {  	v2 =	vor.u32 v2, v3  }
0xc4: {  	v2 =	vadd.s32 $0x4080, v2;
	_ =	sdelay $0x4  }
0xc5: {  	[tilespmem:v2+s9+$0x0] =	vst.idx.msk $0xffff, v0  }
0xc6: {  	v2 =	vld [tilespmem:s15+$0x4C0];
	_ =	sdelay $0x4  }
0xc7: {  	v3 =	vshll.u32 v2, $0x3  }
0xc8: {  	v2 =	vand.u32 $0x7F, v2;
	v3 =	vand.u32 $0xFFFFFC00, v3  }
0xc9: {  	v2 =	vor.u32 v2, v3  }
0xca: {  	v2 =	vadd.s32 $0x4080, v2;
	_ =	sdelay $0x4  }
0xcb: {  	[tilespmem:v2+s9+$0x0] =	vst.idx.msk $0xffff, v0  }
0xcc: {  	v2 =	vld [tilespmem:s15+$0x4D0];
	_ =	sdelay $0x4  }
0xcd: {  	v3 =	vshll.u32 v2, $0x3  }
0xce: {  	v2 =	vand.u32 $0x7F, v2;
	v3 =	vand.u32 $0xFFFFFC00, v3  }
0xcf: {  	v2 =	vor.u32 v2, v3  }
0xd0: {  	v2 =	vadd.s32 $0x4080, v2;
	_ =	sdelay $0x4  }
0xd1: {  	[tilespmem:v2+s9+$0x0] =	vst.idx.msk $0xffff, v0  }
0xd2: {  	v2 =	vld [tilespmem:s15+$0x4E0];
	_ =	sdelay $0x4  }
0xd3: {  	v3 =	vshll.u32 v2, $0x3  }
0xd4: {  	v2 =	vand.u32 $0x7F, v2;
	v3 =	vand.u32 $0xFFFFFC00, v3  }
0xd5: {  	v2 =	vor.u32 v2, v3  }
0xd6: {  	v2 =	vadd.s32 $0x4100, v2;
	_ =	sdelay $0x4  }
0xd7: {  	[tilespmem:v2+s9+$0x0] =	vst.idx.msk $0xffff, v0  }
0xd8: {  	v2 =	vld [tilespmem:s15+$0x4F0];
	_ =	sdelay $0x4  }
0xd9: {  	v3 =	vshll.u32 v2, $0x3  }
0xda: {  	v2 =	vand.u32 $0x7F, v2;
	v3 =	vand.u32 $0xFFFFFC00, v3  }
0xdb: {  	v2 =	vor.u32 v2, v3  }
0xdc: {  	v2 =	vadd.s32 $0x4100, v2;
	_ =	sdelay $0x4  }
0xdd: {  	[tilespmem:v2+s9+$0x0] =	vst.idx.msk $0xffff, v0  }
0xde: {  	v2 =	vld [tilespmem:s15+$0x500];
	_ =	sdelay $0x4  }
0xdf: {  	v3 =	vshll.u32 v2, $0x3  }
0xe0: {  	v2 =	vand.u32 $0x7F, v2;
	v3 =	vand.u32 $0xFFFFFC00, v3  }
0xe1: {  	v2 =	vor.u32 v2, v3  }
0xe2: {  	v2 =	vadd.s32 $0x4100, v2;
	_ =	sdelay $0x4  }
0xe3: {  	[tilespmem:v2+s9+$0x0] =	vst.idx.msk $0xffff, v0  }
0xe4: {  	v2 =	vld [tilespmem:s15+$0x510];
	_ =	sdelay $0x4  }
0xe5: {  	v3 =	vshll.u32 v2, $0x3  }
0xe6: {  	v2 =	vand.u32 $0x7F, v2;
	v3 =	vand.u32 $0xFFFFFC00, v3  }
0xe7: {  	v2 =	vor.u32 v2, v3  }
0xe8: {  	v2 =	vadd.s32 $0x4180, v2;
	_ =	sdelay $0x4  }
0xe9: {  	[tilespmem:v2+s9+$0x0] =	vst.idx.msk $0xffff, v0  }
0xea: {  	v2 =	vld [tilespmem:s15+$0x520];
	_ =	sdelay $0x4  }
0xeb: {  	v3 =	vshll.u32 v2, $0x3  }
0xec: {  	v2 =	vand.u32 $0x7F, v2;
	v3 =	vand.u32 $0xFFFFFC00, v3  }
0xed: {  	v2 =	vor.u32 v2, v3  }
0xee: {  	v2 =	vadd.s32 $0x4180, v2;
	_ =	sdelay $0x4  }
0xef: {  	[tilespmem:v2+s9+$0x0] =	vst.idx.msk $0xffff, v0  }
0xf0: {  	v2 =	vld [tilespmem:s15+$0x530];
	_ =	sdelay $0x4  }
0xf1: {  	v3 =	vshll.u32 v2, $0x3  }
0xf2: {  	v2 =	vand.u32 $0x7F, v2;
	v3 =	vand.u32 $0xFFFFFC00, v3  }
0xf3: {  	v2 =	vor.u32 v2, v3  }
0xf4: {  	v2 =	vadd.s32 $0x4180, v2;
	_ =	sdelay $0x4  }
0xf5: {  	[tilespmem:v2+s9+$0x0] =	vst.idx.msk $0xffff, v0  }
0xf6: {  	v2 =	vld [tilespmem:s15+$0x540];
	_ =	sdelay $0x4  }
0xf7: {  	v3 =	vshll.u32 v2, $0x3  }
0xf8: {  	v2 =	vand.u32 $0x7F, v2;
	v3 =	vand.u32 $0xFFFFFC00, v3  }
0xf9: {  	v2 =	vor.u32 v2, v3  }
0xfa: {  	v2 =	vadd.s32 $0x4200, v2;
	_ =	sdelay $0x4  }
0xfb: {  	[tilespmem:v2+s9+$0x0] =	vst.idx.msk $0xffff, v0  }
0xfc: {  	v2 =	vld [tilespmem:s15+$0x550];
	_ =	sdelay $0x4  }
0xfd: {  	v3 =	vshll.u32 v2, $0x3  }
0xfe: {  	v2 =	vand.u32 $0x7F, v2;
	v3 =	vand.u32 $0xFFFFFC00, v3  }
0xff: {  	v2 =	vor.u32 v2, v3  }
0x100: {  	v2 =	vadd.s32 $0x4200, v2;
	_ =	sdelay $0x4  }
0x101: {  	[tilespmem:v2+s9+$0x0] =	vst.idx.msk $0xffff, v0  }
0x102: {  	v2 =	vld [tilespmem:s15+$0x560];
	_ =	sdelay $0x4  }
0x103: {  	v3 =	vshll.u32 v2, $0x3  }
0x104: {  	v2 =	vand.u32 $0x7F, v2;
	v3 =	vand.u32 $0xFFFFFC00, v3  }
0x105: {  	v2 =	vor.u32 v2, v3  }
0x106: {  	v2 =	vadd.s32 $0x4200, v2;
	_ =	sdelay $0x4  }
0x107: {  	[tilespmem:v2+s9+$0x0] =	vst.idx.msk $0xffff, v0  }
0x108: {  	v2 =	vld [tilespmem:s15+$0x570];
	_ =	sdelay $0x4  }
0x109: {  	v3 =	vshll.u32 v2, $0x3  }
0x10a: {  	v2 =	vand.u32 $0x7F, v2;
	v3 =	vand.u32 $0xFFFFFC00, v3  }
0x10b: {  	v2 =	vor.u32 v2, v3  }
0x10c: {  	v2 =	vadd.s32 $0x4280, v2;
	_ =	sdelay $0x4  }
0x10d: {  	[tilespmem:v2+s9+$0x0] =	vst.idx.msk $0xffff, v0  }
0x10e: {  	v2 =	vld [tilespmem:s15+$0x580];
	_ =	sdelay $0x4  }
0x10f: {  	v3 =	vshll.u32 v2, $0x3  }
0x110: {  	v2 =	vand.u32 $0x7F, v2;
	v3 =	vand.u32 $0xFFFFFC00, v3  }
0x111: {  	v2 =	vor.u32 v2, v3  }
0x112: {  	v2 =	vadd.s32 $0x4280, v2;
	_ =	sdelay $0x4  }
0x113: {  	[tilespmem:v2+s9+$0x0] =	vst.idx.msk $0xffff, v0  }
0x114: {  	v2 =	vld [tilespmem:s15+$0x590];
	_ =	sdelay $0x4  }
0x115: {  	v3 =	vshll.u32 v2, $0x3  }
0x116: {  	v2 =	vand.u32 $0x7F, v2;
	v3 =	vand.u32 $0xFFFFFC00, v3  }
0x117: {  	v2 =	vor.u32 v2, v3  }
0x118: {  	v2 =	vadd.s32 $0x4280, v2;
	_ =	sdelay $0x4  }
0x119: {  	[tilespmem:v2+s9+$0x0] =	vst.idx.msk $0xffff, v0  }
0x11a: {  	v2 =	vld [tilespmem:s15+$0x5A0];
	_ =	sdelay $0x4  }
0x11b: {  	v3 =	vshll.u32 v2, $0x3  }
0x11c: {  	v2 =	vand.u32 $0x7F, v2;
	v3 =	vand.u32 $0xFFFFFC00, v3  }
0x11d: {  	v2 =	vor.u32 v2, v3  }
0x11e: {  	v2 =	vadd.s32 $0x4300, v2;
	_ =	sdelay $0x4  }
0x11f: {  	[tilespmem:v2+s9+$0x0] =	vst.idx.msk $0xffff, v0  }
0x120: {  	v2 =	vld [tilespmem:s15+$0x5B0];
	_ =	sdelay $0x4  }
0x121: {  	v3 =	vshll.u32 v2, $0x3  }
0x122: {  	v2 =	vand.u32 $0x7F, v2;
	v3 =	vand.u32 $0xFFFFFC00, v3  }
0x123: {  	v2 =	vor.u32 v2, v3  }
0x124: {  	v2 =	vadd.s32 $0x4300, v2;
	_ =	sdelay $0x4  }
0x125: {  	[tilespmem:v2+s9+$0x0] =	vst.idx.msk $0xffff, v0  }
0x126: {  	v2 =	vld [tilespmem:s15+$0x5C0];
	_ =	sdelay $0x4  }
0x127: {  	v3 =	vshll.u32 v2, $0x3  }
0x128: {  	v2 =	vand.u32 $0x7F, v2;
	v3 =	vand.u32 $0xFFFFFC00, v3  }
0x129: {  	v2 =	vor.u32 v2, v3  }
0x12a: {  	v2 =	vadd.s32 $0x4300, v2;
	_ =	sdelay $0x4  }
0x12b: {  	[tilespmem:v2+s9+$0x0] =	vst.idx.msk $0xffff, v0  }
0x12c: {  	v2 =	vld [tilespmem:s15+$0x5D0];
	_ =	sdelay $0x4  }
0x12d: {  	v3 =	vshll.u32 v2, $0x3  }
0x12e: {  	v2 =	vand.u32 $0x7F, v2;
	v3 =	vand.u32 $0xFFFFFC00, v3  }
0x12f: {  	v2 =	vor.u32 v2, v3  }
0x130: {  	v2 =	vadd.s32 $0x4380, v2;
	_ =	sdelay $0x4  }
0x131: {  	[tilespmem:v2+s9+$0x0] =	vst.idx.msk $0xffff, v0  }
0x132: {  	v2 =	vld [tilespmem:s15+$0x5E0];
	_ =	sdelay $0x4  }
0x133: {  	v3 =	vshll.u32 v2, $0x3  }
0x134: {  	v2 =	vand.u32 $0x7F, v2;
	v3 =	vand.u32 $0xFFFFFC00, v3  }
0x135: {  	v2 =	vor.u32 v2, v3  }
0x136: {  	v2 =	vadd.s32 $0x4380, v2;
	_ =	sdelay $0x4  }
0x137: {  	[tilespmem:v2+s9+$0x0] =	vst.idx.msk $0xffff, v0  }
0x138: {  	v2 =	vld [tilespmem:s15+$0x5F0];
	_ =	sdelay $0x4  }
0x139: {  	v3 =	vshll.u32 v2, $0x3  }
0x13a: {  	v2 =	vand.u32 $0x7F, v2;
	v3 =	vand.u32 $0xFFFFFC00, v3  }
0x13b: {  	v2 =	vor.u32 v2, v3  }
0x13c: {  	v2 =	vadd.s32 $0x4380, v2  }
0x13d: {  	s14 =	sadd.s32 $0x1800, s14  }
0x13e: {  	p0 =	sne.s32 s14, $0x6000  }
.Ltmp3:
0x13f: {  	_ = 	snop;
	(pc) =	sbr.rel @!p0 .LBB2_8-.Ltmp3, $4  }
0x140: {  	_ = 	snop  }
0x141: {  	[tilespmem:v2+s9+$0x0] =	vst.idx.msk $0xffff, v0  }
0x142: {  	[hbm4b:s13+s2] =	stream.linear.scatter [tilespmem:s9], [sflag:$0x2], $0x8000, $0x38;
	[tilespmem:$0x11800] =	vst v63  }
0x143: {  	s13 =	sadd.s32 $0x2000, s13  }
.LBB2_2:
0x144: {  	p0 =	seq.s32 s14, $0x0  }
.Ltmp4:
0x145: {  	_ = 	snop;
	(pc) =	sbr.rel @p0 .LBB2_3-.Ltmp4, $1  }
0x146: {  	_ =	sdelay $0x3  }
0x147: {  	_ =	swait.ge [sflag:s10], $0x8000  }
0x148: {  	[sflag:s10] =	ssyncset.done $0x0  }
0x149: {  	s15 =	sshra.s32 s14, $0x2;
	[sflag:s10] =	ssyncadd.s32 $0xFFFF8000  }
0x14a: {  	v2 =	vld [tilespmem:s15+$0xFFFFFA00];
	_ =	sdelay $0x4  }
0x14b: {  	v3 =	vshll.u32 v2, $0x3  }
0x14c: {  	v2 =	vand.u32 $0x7F, v2;
	v3 =	vand.u32 $0xFFFFFC00, v3  }
0x14d: {  	v2 =	vor.u32 v2, v3;
	_ =	sdelay $0x4  }
0x14e: {  	[tilespmem:v2+s8+$0x0] =	vst.idx.msk $0xffff, v1  }
0x14f: {  	v2 =	vld [tilespmem:s15+$0xFFFFFA10];
	_ =	sdelay $0x4  }
0x150: {  	v3 =	vshll.u32 v2, $0x3  }
0x151: {  	v2 =	vand.u32 $0x7F, v2;
	v3 =	vand.u32 $0xFFFFFC00, v3  }
0x152: {  	v2 =	vor.u32 v2, v3;
	_ =	sdelay $0x4  }
0x153: {  	[tilespmem:v2+s8+$0x0] =	vst.idx.msk $0xffff, v1  }
0x154: {  	v2 =	vld [tilespmem:s15+$0xFFFFFA20];
	_ =	sdelay $0x4  }
0x155: {  	v3 =	vshll.u32 v2, $0x3  }
0x156: {  	v2 =	vand.u32 $0x7F, v2;
	v3 =	vand.u32 $0xFFFFFC00, v3  }
0x157: {  	v2 =	vor.u32 v2, v3;
	_ =	sdelay $0x4  }
0x158: {  	[tilespmem:v2+s8+$0x0] =	vst.idx.msk $0xffff, v1  }
0x159: {  	v2 =	vld [tilespmem:s15+$0xFFFFFA30];
	_ =	sdelay $0x4  }
0x15a: {  	v3 =	vshll.u32 v2, $0x3  }
0x15b: {  	v2 =	vand.u32 $0x7F, v2;
	v3 =	vand.u32 $0xFFFFFC00, v3  }
0x15c: {  	v2 =	vor.u32 v3, v2  }
0x15d: {  	v2 =	vor.u32 $0x80, v2;
	_ =	sdelay $0x4  }
0x15e: {  	[tilespmem:v2+s8+$0x0] =	vst.idx.msk $0xffff, v1  }
0x15f: {  	v2 =	vld [tilespmem:s15+$0xFFFFFA40];
	_ =	sdelay $0x4  }
0x160: {  	v3 =	vshll.u32 v2, $0x3  }
0x161: {  	v2 =	vand.u32 $0x7F, v2;
	v3 =	vand.u32 $0xFFFFFC00, v3  }
0x162: {  	v2 =	vor.u32 v3, v2  }
0x163: {  	v2 =	vor.u32 $0x80, v2;
	_ =	sdelay $0x4  }
0x164: {  	[tilespmem:v2+s8+$0x0] =	vst.idx.msk $0xffff, v1  }
0x165: {  	v2 =	vld [tilespmem:s15+$0xFFFFFA50];
	_ =	sdelay $0x4  }
0x166: {  	v3 =	vshll.u32 v2, $0x3  }
0x167: {  	v2 =	vand.u32 $0x7F, v2;
	v3 =	vand.u32 $0xFFFFFC00, v3  }
0x168: {  	v2 =	vor.u32 v3, v2  }
0x169: {  	v2 =	vor.u32 $0x80, v2;
	_ =	sdelay $0x4  }
0x16a: {  	[tilespmem:v2+s8+$0x0] =	vst.idx.msk $0xffff, v1  }
0x16b: {  	v2 =	vld [tilespmem:s15+$0xFFFFFA60];
	_ =	sdelay $0x4  }
0x16c: {  	v3 =	vshll.u32 v2, $0x3  }
0x16d: {  	v2 =	vand.u32 $0x7F, v2;
	v3 =	vand.u32 $0xFFFFFC00, v3  }
0x16e: {  	v2 =	vor.u32 v3, v2  }
0x16f: {  	v2 =	vor.u32 $0x100, v2;
	_ =	sdelay $0x4  }
0x170: {  	[tilespmem:v2+s8+$0x0] =	vst.idx.msk $0xffff, v1  }
0x171: {  	v2 =	vld [tilespmem:s15+$0xFFFFFA70];
	_ =	sdelay $0x4  }
0x172: {  	v3 =	vshll.u32 v2, $0x3  }
0x173: {  	v2 =	vand.u32 $0x7F, v2;
	v3 =	vand.u32 $0xFFFFFC00, v3  }
0x174: {  	v2 =	vor.u32 v3, v2  }
0x175: {  	v2 =	vor.u32 $0x100, v2;
	_ =	sdelay $0x4  }
0x176: {  	[tilespmem:v2+s8+$0x0] =	vst.idx.msk $0xffff, v1  }
0x177: {  	v2 =	vld [tilespmem:s15+$0xFFFFFA80];
	_ =	sdelay $0x4  }
0x178: {  	v3 =	vshll.u32 v2, $0x3  }
0x179: {  	v2 =	vand.u32 $0x7F, v2;
	v3 =	vand.u32 $0xFFFFFC00, v3  }
0x17a: {  	v2 =	vor.u32 v3, v2  }
0x17b: {  	v2 =	vor.u32 $0x100, v2;
	_ =	sdelay $0x4  }
0x17c: {  	[tilespmem:v2+s8+$0x0] =	vst.idx.msk $0xffff, v1  }
0x17d: {  	v2 =	vld [tilespmem:s15+$0xFFFFFA90];
	_ =	sdelay $0x4  }
0x17e: {  	v3 =	vshll.u32 v2, $0x3  }
0x17f: {  	v2 =	vand.u32 $0x7F, v2;
	v3 =	vand.u32 $0xFFFFFC00, v3  }
0x180: {  	v2 =	vor.u32 v3, v2  }
0x181: {  	v2 =	vor.u32 $0x180, v2;
	_ =	sdelay $0x4  }
0x182: {  	[tilespmem:v2+s8+$0x0] =	vst.idx.msk $0xffff, v1  }
0x183: {  	v2 =	vld [tilespmem:s15+$0xFFFFFAA0];
	_ =	sdelay $0x4  }
0x184: {  	v3 =	vshll.u32 v2, $0x3  }
0x185: {  	v2 =	vand.u32 $0x7F, v2;
	v3 =	vand.u32 $0xFFFFFC00, v3  }
0x186: {  	v2 =	vor.u32 v3, v2  }
0x187: {  	v2 =	vor.u32 $0x180, v2;
	_ =	sdelay $0x4  }
0x188: {  	[tilespmem:v2+s8+$0x0] =	vst.idx.msk $0xffff, v1  }
0x189: {  	v2 =	vld [tilespmem:s15+$0xFFFFFAB0];
	_ =	sdelay $0x4  }
0x18a: {  	v3 =	vshll.u32 v2, $0x3  }
0x18b: {  	v2 =	vand.u32 $0x7F, v2;
	v3 =	vand.u32 $0xFFFFFC00, v3  }
0x18c: {  	v2 =	vor.u32 v3, v2  }
0x18d: {  	v2 =	vor.u32 $0x180, v2;
	_ =	sdelay $0x4  }
0x18e: {  	[tilespmem:v2+s8+$0x0] =	vst.idx.msk $0xffff, v1  }
0x18f: {  	v2 =	vld [tilespmem:s15+$0xFFFFFAC0];
	_ =	sdelay $0x4  }
0x190: {  	v3 =	vshll.u32 v2, $0x3  }
0x191: {  	v2 =	vand.u32 $0x7F, v2;
	v3 =	vand.u32 $0xFFFFFC00, v3  }
0x192: {  	v2 =	vor.u32 v3, v2  }
0x193: {  	v2 =	vor.u32 $0x200, v2;
	_ =	sdelay $0x4  }
0x194: {  	[tilespmem:v2+s8+$0x0] =	vst.idx.msk $0xffff, v1  }
0x195: {  	v2 =	vld [tilespmem:s15+$0xFFFFFAD0];
	_ =	sdelay $0x4  }
0x196: {  	v3 =	vshll.u32 v2, $0x3  }
0x197: {  	v2 =	vand.u32 $0x7F, v2;
	v3 =	vand.u32 $0xFFFFFC00, v3  }
0x198: {  	v2 =	vor.u32 v3, v2  }
0x199: {  	v2 =	vor.u32 $0x200, v2;
	_ =	sdelay $0x4  }
0x19a: {  	[tilespmem:v2+s8+$0x0] =	vst.idx.msk $0xffff, v1  }
0x19b: {  	v2 =	vld [tilespmem:s15+$0xFFFFFAE0];
	_ =	sdelay $0x4  }
0x19c: {  	v3 =	vshll.u32 v2, $0x3  }
0x19d: {  	v2 =	vand.u32 $0x7F, v2;
	v3 =	vand.u32 $0xFFFFFC00, v3  }
0x19e: {  	v2 =	vor.u32 v3, v2  }
0x19f: {  	v2 =	vor.u32 $0x200, v2;
	_ =	sdelay $0x4  }
0x1a0: {  	[tilespmem:v2+s8+$0x0] =	vst.idx.msk $0xffff, v1  }
0x1a1: {  	v2 =	vld [tilespmem:s15+$0xFFFFFAF0];
	_ =	sdelay $0x4  }
0x1a2: {  	v3 =	vshll.u32 v2, $0x3  }
0x1a3: {  	v2 =	vand.u32 $0x7F, v2;
	v3 =	vand.u32 $0xFFFFFC00, v3  }
0x1a4: {  	v2 =	vor.u32 v3, v2  }
0x1a5: {  	v2 =	vor.u32 $0x280, v2;
	_ =	sdelay $0x4  }
0x1a6: {  	[tilespmem:v2+s8+$0x0] =	vst.idx.msk $0xffff, v1  }
0x1a7: {  	v2 =	vld [tilespmem:s15+$0xFFFFFB00];
	_ =	sdelay $0x4  }
0x1a8: {  	v3 =	vshll.u32 v2, $0x3  }
0x1a9: {  	v2 =	vand.u32 $0x7F, v2;
	v3 =	vand.u32 $0xFFFFFC00, v3  }
0x1aa: {  	v2 =	vor.u32 v3, v2  }
0x1ab: {  	v2 =	vor.u32 $0x280, v2;
	_ =	sdelay $0x4  }
0x1ac: {  	[tilespmem:v2+s8+$0x0] =	vst.idx.msk $0xffff, v1  }
0x1ad: {  	v2 =	vld [tilespmem:s15+$0xFFFFFB10];
	_ =	sdelay $0x4  }
0x1ae: {  	v3 =	vshll.u32 v2, $0x3  }
0x1af: {  	v2 =	vand.u32 $0x7F, v2;
	v3 =	vand.u32 $0xFFFFFC00, v3  }
0x1b0: {  	v2 =	vor.u32 v3, v2  }
0x1b1: {  	v2 =	vor.u32 $0x280, v2;
	_ =	sdelay $0x4  }
0x1b2: {  	[tilespmem:v2+s8+$0x0] =	vst.idx.msk $0xffff, v1  }
0x1b3: {  	v2 =	vld [tilespmem:s15+$0xFFFFFB20];
	_ =	sdelay $0x4  }
0x1b4: {  	v3 =	vshll.u32 v2, $0x3  }
0x1b5: {  	v2 =	vand.u32 $0x7F, v2;
	v3 =	vand.u32 $0xFFFFFC00, v3  }
0x1b6: {  	v2 =	vor.u32 v3, v2  }
0x1b7: {  	v2 =	vor.u32 $0x300, v2;
	_ =	sdelay $0x4  }
0x1b8: {  	[tilespmem:v2+s8+$0x0] =	vst.idx.msk $0xffff, v1  }
0x1b9: {  	v2 =	vld [tilespmem:s15+$0xFFFFFB30];
	_ =	sdelay $0x4  }
0x1ba: {  	v3 =	vshll.u32 v2, $0x3  }
0x1bb: {  	v2 =	vand.u32 $0x7F, v2;
	v3 =	vand.u32 $0xFFFFFC00, v3  }
0x1bc: {  	v2 =	vor.u32 v3, v2  }
0x1bd: {  	v2 =	vor.u32 $0x300, v2;
	_ =	sdelay $0x4  }
0x1be: {  	[tilespmem:v2+s8+$0x0] =	vst.idx.msk $0xffff, v1  }
0x1bf: {  	v2 =	vld [tilespmem:s15+$0xFFFFFB40];
	_ =	sdelay $0x4  }
0x1c0: {  	v3 =	vshll.u32 v2, $0x3  }
0x1c1: {  	v2 =	vand.u32 $0x7F, v2;
	v3 =	vand.u32 $0xFFFFFC00, v3  }
0x1c2: {  	v2 =	vor.u32 v3, v2  }
0x1c3: {  	v2 =	vor.u32 $0x300, v2;
	_ =	sdelay $0x4  }
0x1c4: {  	[tilespmem:v2+s8+$0x0] =	vst.idx.msk $0xffff, v1  }
0x1c5: {  	v2 =	vld [tilespmem:s15+$0xFFFFFB50];
	_ =	sdelay $0x4  }
0x1c6: {  	v3 =	vshll.u32 v2, $0x3  }
0x1c7: {  	v2 =	vand.u32 $0x7F, v2;
	v3 =	vand.u32 $0xFFFFFC00, v3  }
0x1c8: {  	v2 =	vor.u32 v3, v2  }
0x1c9: {  	v2 =	vor.u32 $0x380, v2;
	_ =	sdelay $0x4  }
0x1ca: {  	[tilespmem:v2+s8+$0x0] =	vst.idx.msk $0xffff, v1  }
0x1cb: {  	v2 =	vld [tilespmem:s15+$0xFFFFFB60];
	_ =	sdelay $0x4  }
0x1cc: {  	v3 =	vshll.u32 v2, $0x3  }
0x1cd: {  	v2 =	vand.u32 $0x7F, v2;
	v3 =	vand.u32 $0xFFFFFC00, v3  }
0x1ce: {  	v2 =	vor.u32 v3, v2  }
0x1cf: {  	v2 =	vor.u32 $0x380, v2;
	_ =	sdelay $0x4  }
0x1d0: {  	[tilespmem:v2+s8+$0x0] =	vst.idx.msk $0xffff, v1  }
0x1d1: {  	v2 =	vld [tilespmem:s15+$0xFFFFFB70];
	_ =	sdelay $0x4  }
0x1d2: {  	v3 =	vshll.u32 v2, $0x3  }
0x1d3: {  	v2 =	vand.u32 $0x7F, v2;
	v3 =	vand.u32 $0xFFFFFC00, v3  }
0x1d4: {  	v2 =	vor.u32 v3, v2  }
0x1d5: {  	v2 =	vor.u32 $0x380, v2;
	_ =	sdelay $0x4  }
0x1d6: {  	[tilespmem:v2+s8+$0x0] =	vst.idx.msk $0xffff, v1  }
0x1d7: {  	v2 =	vld [tilespmem:s15+$0xFFFFFB80];
	_ =	sdelay $0x4  }
0x1d8: {  	v3 =	vshll.u32 v2, $0x3  }
0x1d9: {  	v2 =	vand.u32 $0x7F, v2;
	v3 =	vand.u32 $0xFFFFFC00, v3  }
0x1da: {  	v2 =	vor.u32 v2, v3  }
0x1db: {  	v2 =	vadd.s32 $0x4000, v2;
	_ =	sdelay $0x4  }
0x1dc: {  	[tilespmem:v2+s8+$0x0] =	vst.idx.msk $0xffff, v1  }
0x1dd: {  	v2 =	vld [tilespmem:s15+$0xFFFFFB90];
	_ =	sdelay $0x4  }
0x1de: {  	v3 =	vshll.u32 v2, $0x3  }
0x1df: {  	v2 =	vand.u32 $0x7F, v2;
	v3 =	vand.u32 $0xFFFFFC00, v3  }
0x1e0: {  	v2 =	vor.u32 v2, v3  }
0x1e1: {  	v2 =	vadd.s32 $0x4000, v2;
	_ =	sdelay $0x4  }
0x1e2: {  	[tilespmem:v2+s8+$0x0] =	vst.idx.msk $0xffff, v1  }
0x1e3: {  	v2 =	vld [tilespmem:s15+$0xFFFFFBA0];
	_ =	sdelay $0x4  }
0x1e4: {  	v3 =	vshll.u32 v2, $0x3  }
0x1e5: {  	v2 =	vand.u32 $0x7F, v2;
	v3 =	vand.u32 $0xFFFFFC00, v3  }
0x1e6: {  	v2 =	vor.u32 v2, v3  }
0x1e7: {  	v2 =	vadd.s32 $0x4000, v2;
	_ =	sdelay $0x4  }
0x1e8: {  	[tilespmem:v2+s8+$0x0] =	vst.idx.msk $0xffff, v1  }
0x1e9: {  	v2 =	vld [tilespmem:s15+$0xFFFFFBB0];
	_ =	sdelay $0x4  }
0x1ea: {  	v3 =	vshll.u32 v2, $0x3  }
0x1eb: {  	v2 =	vand.u32 $0x7F, v2;
	v3 =	vand.u32 $0xFFFFFC00, v3  }
0x1ec: {  	v2 =	vor.u32 v2, v3  }
0x1ed: {  	v2 =	vadd.s32 $0x4080, v2;
	_ =	sdelay $0x4  }
0x1ee: {  	[tilespmem:v2+s8+$0x0] =	vst.idx.msk $0xffff, v1  }
0x1ef: {  	v2 =	vld [tilespmem:s15+$0xFFFFFBC0];
	_ =	sdelay $0x4  }
0x1f0: {  	v3 =	vshll.u32 v2, $0x3  }
0x1f1: {  	v2 =	vand.u32 $0x7F, v2;
	v3 =	vand.u32 $0xFFFFFC00, v3  }
0x1f2: {  	v2 =	vor.u32 v2, v3  }
0x1f3: {  	v2 =	vadd.s32 $0x4080, v2;
	_ =	sdelay $0x4  }
0x1f4: {  	[tilespmem:v2+s8+$0x0] =	vst.idx.msk $0xffff, v1  }
0x1f5: {  	v2 =	vld [tilespmem:s15+$0xFFFFFBD0];
	_ =	sdelay $0x4  }
0x1f6: {  	v3 =	vshll.u32 v2, $0x3  }
0x1f7: {  	v2 =	vand.u32 $0x7F, v2;
	v3 =	vand.u32 $0xFFFFFC00, v3  }
0x1f8: {  	v2 =	vor.u32 v2, v3  }
0x1f9: {  	v2 =	vadd.s32 $0x4080, v2;
	_ =	sdelay $0x4  }
0x1fa: {  	[tilespmem:v2+s8+$0x0] =	vst.idx.msk $0xffff, v1  }
0x1fb: {  	v2 =	vld [tilespmem:s15+$0xFFFFFBE0];
	_ =	sdelay $0x4  }
0x1fc: {  	v3 =	vshll.u32 v2, $0x3  }
0x1fd: {  	v2 =	vand.u32 $0x7F, v2;
	v3 =	vand.u32 $0xFFFFFC00, v3  }
0x1fe: {  	v2 =	vor.u32 v2, v3  }
0x1ff: {  	v2 =	vadd.s32 $0x4100, v2;
	_ =	sdelay $0x4  }
0x200: {  	[tilespmem:v2+s8+$0x0] =	vst.idx.msk $0xffff, v1  }
0x201: {  	v2 =	vld [tilespmem:s15+$0xFFFFFBF0];
	_ =	sdelay $0x4  }
0x202: {  	v3 =	vshll.u32 v2, $0x3  }
0x203: {  	v2 =	vand.u32 $0x7F, v2;
	v3 =	vand.u32 $0xFFFFFC00, v3  }
0x204: {  	v2 =	vor.u32 v2, v3  }
0x205: {  	v2 =	vadd.s32 $0x4100, v2;
	_ =	sdelay $0x4  }
0x206: {  	[tilespmem:v2+s8+$0x0] =	vst.idx.msk $0xffff, v1  }
0x207: {  	v2 =	vld [tilespmem:s15+$0xFFFFFC00];
	_ =	sdelay $0x4  }
0x208: {  	v3 =	vshll.u32 v2, $0x3  }
0x209: {  	v2 =	vand.u32 $0x7F, v2;
	v3 =	vand.u32 $0xFFFFFC00, v3  }
0x20a: {  	v2 =	vor.u32 v2, v3  }
0x20b: {  	v2 =	vadd.s32 $0x4100, v2;
	_ =	sdelay $0x4  }
0x20c: {  	[tilespmem:v2+s8+$0x0] =	vst.idx.msk $0xffff, v1  }
0x20d: {  	v2 =	vld [tilespmem:s15+$0xFFFFFC10];
	_ =	sdelay $0x4  }
0x20e: {  	v3 =	vshll.u32 v2, $0x3  }
0x20f: {  	v2 =	vand.u32 $0x7F, v2;
	v3 =	vand.u32 $0xFFFFFC00, v3  }
0x210: {  	v2 =	vor.u32 v2, v3  }
0x211: {  	v2 =	vadd.s32 $0x4180, v2;
	_ =	sdelay $0x4  }
0x212: {  	[tilespmem:v2+s8+$0x0] =	vst.idx.msk $0xffff, v1  }
0x213: {  	v2 =	vld [tilespmem:s15+$0xFFFFFC20];
	_ =	sdelay $0x4  }
0x214: {  	v3 =	vshll.u32 v2, $0x3  }
0x215: {  	v2 =	vand.u32 $0x7F, v2;
	v3 =	vand.u32 $0xFFFFFC00, v3  }
0x216: {  	v2 =	vor.u32 v2, v3  }
0x217: {  	v2 =	vadd.s32 $0x4180, v2;
	_ =	sdelay $0x4  }
0x218: {  	[tilespmem:v2+s8+$0x0] =	vst.idx.msk $0xffff, v1  }
0x219: {  	v2 =	vld [tilespmem:s15+$0xFFFFFC30];
	_ =	sdelay $0x4  }
0x21a: {  	v3 =	vshll.u32 v2, $0x3  }
0x21b: {  	v2 =	vand.u32 $0x7F, v2;
	v3 =	vand.u32 $0xFFFFFC00, v3  }
0x21c: {  	v2 =	vor.u32 v2, v3  }
0x21d: {  	v2 =	vadd.s32 $0x4180, v2;
	_ =	sdelay $0x4  }
0x21e: {  	[tilespmem:v2+s8+$0x0] =	vst.idx.msk $0xffff, v1  }
0x21f: {  	v2 =	vld [tilespmem:s15+$0xFFFFFC40];
	_ =	sdelay $0x4  }
0x220: {  	v3 =	vshll.u32 v2, $0x3  }
0x221: {  	v2 =	vand.u32 $0x7F, v2;
	v3 =	vand.u32 $0xFFFFFC00, v3  }
0x222: {  	v2 =	vor.u32 v2, v3  }
0x223: {  	v2 =	vadd.s32 $0x4200, v2;
	_ =	sdelay $0x4  }
0x224: {  	[tilespmem:v2+s8+$0x0] =	vst.idx.msk $0xffff, v1  }
0x225: {  	v2 =	vld [tilespmem:s15+$0xFFFFFC50];
	_ =	sdelay $0x4  }
0x226: {  	v3 =	vshll.u32 v2, $0x3  }
0x227: {  	v2 =	vand.u32 $0x7F, v2;
	v3 =	vand.u32 $0xFFFFFC00, v3  }
0x228: {  	v2 =	vor.u32 v2, v3  }
0x229: {  	v2 =	vadd.s32 $0x4200, v2;
	_ =	sdelay $0x4  }
0x22a: {  	[tilespmem:v2+s8+$0x0] =	vst.idx.msk $0xffff, v1  }
0x22b: {  	v2 =	vld [tilespmem:s15+$0xFFFFFC60];
	_ =	sdelay $0x4  }
0x22c: {  	v3 =	vshll.u32 v2, $0x3  }
0x22d: {  	v2 =	vand.u32 $0x7F, v2;
	v3 =	vand.u32 $0xFFFFFC00, v3  }
0x22e: {  	v2 =	vor.u32 v2, v3  }
0x22f: {  	v2 =	vadd.s32 $0x4200, v2;
	_ =	sdelay $0x4  }
0x230: {  	[tilespmem:v2+s8+$0x0] =	vst.idx.msk $0xffff, v1  }
0x231: {  	v2 =	vld [tilespmem:s15+$0xFFFFFC70];
	_ =	sdelay $0x4  }
0x232: {  	v3 =	vshll.u32 v2, $0x3  }
0x233: {  	v2 =	vand.u32 $0x7F, v2;
	v3 =	vand.u32 $0xFFFFFC00, v3  }
0x234: {  	v2 =	vor.u32 v2, v3  }
0x235: {  	v2 =	vadd.s32 $0x4280, v2;
	_ =	sdelay $0x4  }
0x236: {  	[tilespmem:v2+s8+$0x0] =	vst.idx.msk $0xffff, v1  }
0x237: {  	v2 =	vld [tilespmem:s15+$0xFFFFFC80];
	_ =	sdelay $0x4  }
0x238: {  	v3 =	vshll.u32 v2, $0x3  }
0x239: {  	v2 =	vand.u32 $0x7F, v2;
	v3 =	vand.u32 $0xFFFFFC00, v3  }
0x23a: {  	v2 =	vor.u32 v2, v3  }
0x23b: {  	v2 =	vadd.s32 $0x4280, v2;
	_ =	sdelay $0x4  }
0x23c: {  	[tilespmem:v2+s8+$0x0] =	vst.idx.msk $0xffff, v1  }
0x23d: {  	v2 =	vld [tilespmem:s15+$0xFFFFFC90];
	_ =	sdelay $0x4  }
0x23e: {  	v3 =	vshll.u32 v2, $0x3  }
0x23f: {  	v2 =	vand.u32 $0x7F, v2;
	v3 =	vand.u32 $0xFFFFFC00, v3  }
0x240: {  	v2 =	vor.u32 v2, v3  }
0x241: {  	v2 =	vadd.s32 $0x4280, v2;
	_ =	sdelay $0x4  }
0x242: {  	[tilespmem:v2+s8+$0x0] =	vst.idx.msk $0xffff, v1  }
0x243: {  	v2 =	vld [tilespmem:s15+$0xFFFFFCA0];
	_ =	sdelay $0x4  }
0x244: {  	v3 =	vshll.u32 v2, $0x3  }
0x245: {  	v2 =	vand.u32 $0x7F, v2;
	v3 =	vand.u32 $0xFFFFFC00, v3  }
0x246: {  	v2 =	vor.u32 v2, v3  }
0x247: {  	v2 =	vadd.s32 $0x4300, v2;
	_ =	sdelay $0x4  }
0x248: {  	[tilespmem:v2+s8+$0x0] =	vst.idx.msk $0xffff, v1  }
0x249: {  	v2 =	vld [tilespmem:s15+$0xFFFFFCB0];
	_ =	sdelay $0x4  }
0x24a: {  	v3 =	vshll.u32 v2, $0x3  }
0x24b: {  	v2 =	vand.u32 $0x7F, v2;
	v3 =	vand.u32 $0xFFFFFC00, v3  }
0x24c: {  	v2 =	vor.u32 v2, v3  }
0x24d: {  	v2 =	vadd.s32 $0x4300, v2;
	_ =	sdelay $0x4  }
0x24e: {  	[tilespmem:v2+s8+$0x0] =	vst.idx.msk $0xffff, v1  }
0x24f: {  	v2 =	vld [tilespmem:s15+$0xFFFFFCC0];
	_ =	sdelay $0x4  }
0x250: {  	v3 =	vshll.u32 v2, $0x3  }
0x251: {  	v2 =	vand.u32 $0x7F, v2;
	v3 =	vand.u32 $0xFFFFFC00, v3  }
0x252: {  	v2 =	vor.u32 v2, v3  }
0x253: {  	v2 =	vadd.s32 $0x4300, v2;
	_ =	sdelay $0x4  }
0x254: {  	[tilespmem:v2+s8+$0x0] =	vst.idx.msk $0xffff, v1  }
0x255: {  	v2 =	vld [tilespmem:s15+$0xFFFFFCD0];
	_ =	sdelay $0x4  }
0x256: {  	v3 =	vshll.u32 v2, $0x3  }
0x257: {  	v2 =	vand.u32 $0x7F, v2;
	v3 =	vand.u32 $0xFFFFFC00, v3  }
0x258: {  	v2 =	vor.u32 v2, v3  }
0x259: {  	v2 =	vadd.s32 $0x4380, v2;
	_ =	sdelay $0x4  }
0x25a: {  	[tilespmem:v2+s8+$0x0] =	vst.idx.msk $0xffff, v1  }
0x25b: {  	v2 =	vld [tilespmem:s15+$0xFFFFFCE0];
	_ =	sdelay $0x4  }
0x25c: {  	v3 =	vshll.u32 v2, $0x3  }
0x25d: {  	v2 =	vand.u32 $0x7F, v2;
	v3 =	vand.u32 $0xFFFFFC00, v3  }
0x25e: {  	v2 =	vor.u32 v2, v3  }
0x25f: {  	v2 =	vadd.s32 $0x4380, v2;
	_ =	sdelay $0x4  }
0x260: {  	[tilespmem:v2+s8+$0x0] =	vst.idx.msk $0xffff, v1  }
0x261: {  	v2 =	vld [tilespmem:s15+$0xFFFFFCF0];
	_ =	sdelay $0x4  }
0x262: {  	v3 =	vshll.u32 v2, $0x3  }
0x263: {  	v2 =	vand.u32 $0x7F, v2;
	v3 =	vand.u32 $0xFFFFFC00, v3  }
0x264: {  	v2 =	vor.u32 v2, v3  }
0x265: {  	v2 =	vadd.s32 $0x4380, v2  }
.Ltmp5:
0x266: {  	_ = 	snop;
	(pc) =	sbr.rel .LBB2_5-.Ltmp5, $2  }
0x267: {  	_ =	sdelay $0x2  }
0x268: {  	s15 =	smov.u32 s14;
	[tilespmem:v2+s8+$0x0] =	vst.idx.msk $0xffff, v1  }
.LBB2_3:
0x269: {  	s15 =	simm.s32 $0x0  }
.LBB2_5:
0x26a: {  	s15 =	sshra.s32 s15, $0x2  }
0x26b: {  	v2 =	vld [tilespmem:s15+$0x0];
	_ =	sdelay $0x4  }
0x26c: {  	v3 =	vshll.u32 v2, $0x3  }
0x26d: {  	v2 =	vand.u32 $0x7F, v2;
	v3 =	vand.u32 $0xFFFFFC00, v3  }
0x26e: {  	v2 =	vor.u32 v2, v3;
	_ =	sdelay $0x4  }
0x26f: {  	[tilespmem:v2+s8+$0x0] =	vst.idx.msk $0xffff, v0  }
0x270: {  	v2 =	vld [tilespmem:s15+$0x10];
	_ =	sdelay $0x4  }
0x271: {  	v3 =	vshll.u32 v2, $0x3  }
0x272: {  	v2 =	vand.u32 $0x7F, v2;
	v3 =	vand.u32 $0xFFFFFC00, v3  }
0x273: {  	v2 =	vor.u32 v2, v3;
	_ =	sdelay $0x4  }
0x274: {  	[tilespmem:v2+s8+$0x0] =	vst.idx.msk $0xffff, v0  }
0x275: {  	v2 =	vld [tilespmem:s15+$0x20];
	_ =	sdelay $0x4  }
0x276: {  	v3 =	vshll.u32 v2, $0x3  }
0x277: {  	v2 =	vand.u32 $0x7F, v2;
	v3 =	vand.u32 $0xFFFFFC00, v3  }
0x278: {  	v2 =	vor.u32 v2, v3;
	_ =	sdelay $0x4  }
0x279: {  	[tilespmem:v2+s8+$0x0] =	vst.idx.msk $0xffff, v0  }
0x27a: {  	v2 =	vld [tilespmem:s15+$0x30];
	_ =	sdelay $0x4  }
0x27b: {  	v3 =	vshll.u32 v2, $0x3  }
0x27c: {  	v2 =	vand.u32 $0x7F, v2;
	v3 =	vand.u32 $0xFFFFFC00, v3  }
0x27d: {  	v2 =	vor.u32 v3, v2  }
0x27e: {  	v2 =	vor.u32 $0x80, v2;
	_ =	sdelay $0x4  }
0x27f: {  	[tilespmem:v2+s8+$0x0] =	vst.idx.msk $0xffff, v0  }
0x280: {  	v2 =	vld [tilespmem:s15+$0x40];
	_ =	sdelay $0x4  }
0x281: {  	v3 =	vshll.u32 v2, $0x3  }
0x282: {  	v2 =	vand.u32 $0x7F, v2;
	v3 =	vand.u32 $0xFFFFFC00, v3  }
0x283: {  	v2 =	vor.u32 v3, v2  }
0x284: {  	v2 =	vor.u32 $0x80, v2;
	_ =	sdelay $0x4  }
0x285: {  	[tilespmem:v2+s8+$0x0] =	vst.idx.msk $0xffff, v0  }
0x286: {  	v2 =	vld [tilespmem:s15+$0x50];
	_ =	sdelay $0x4  }
0x287: {  	v3 =	vshll.u32 v2, $0x3  }
0x288: {  	v2 =	vand.u32 $0x7F, v2;
	v3 =	vand.u32 $0xFFFFFC00, v3  }
0x289: {  	v2 =	vor.u32 v3, v2  }
0x28a: {  	v2 =	vor.u32 $0x80, v2;
	_ =	sdelay $0x4  }
0x28b: {  	[tilespmem:v2+s8+$0x0] =	vst.idx.msk $0xffff, v0  }
0x28c: {  	v2 =	vld [tilespmem:s15+$0x60];
	_ =	sdelay $0x4  }
0x28d: {  	v3 =	vshll.u32 v2, $0x3  }
0x28e: {  	v2 =	vand.u32 $0x7F, v2;
	v3 =	vand.u32 $0xFFFFFC00, v3  }
0x28f: {  	v2 =	vor.u32 v3, v2  }
0x290: {  	v2 =	vor.u32 $0x100, v2;
	_ =	sdelay $0x4  }
0x291: {  	[tilespmem:v2+s8+$0x0] =	vst.idx.msk $0xffff, v0  }
0x292: {  	v2 =	vld [tilespmem:s15+$0x70];
	_ =	sdelay $0x4  }
0x293: {  	v3 =	vshll.u32 v2, $0x3  }
0x294: {  	v2 =	vand.u32 $0x7F, v2;
	v3 =	vand.u32 $0xFFFFFC00, v3  }
0x295: {  	v2 =	vor.u32 v3, v2  }
0x296: {  	v2 =	vor.u32 $0x100, v2;
	_ =	sdelay $0x4  }
0x297: {  	[tilespmem:v2+s8+$0x0] =	vst.idx.msk $0xffff, v0  }
0x298: {  	v2 =	vld [tilespmem:s15+$0x80];
	_ =	sdelay $0x4  }
0x299: {  	v3 =	vshll.u32 v2, $0x3  }
0x29a: {  	v2 =	vand.u32 $0x7F, v2;
	v3 =	vand.u32 $0xFFFFFC00, v3  }
0x29b: {  	v2 =	vor.u32 v3, v2  }
0x29c: {  	v2 =	vor.u32 $0x100, v2;
	_ =	sdelay $0x4  }
0x29d: {  	[tilespmem:v2+s8+$0x0] =	vst.idx.msk $0xffff, v0  }
0x29e: {  	v2 =	vld [tilespmem:s15+$0x90];
	_ =	sdelay $0x4  }
0x29f: {  	v3 =	vshll.u32 v2, $0x3  }
0x2a0: {  	v2 =	vand.u32 $0x7F, v2;
	v3 =	vand.u32 $0xFFFFFC00, v3  }
0x2a1: {  	v2 =	vor.u32 v3, v2  }
0x2a2: {  	v2 =	vor.u32 $0x180, v2;
	_ =	sdelay $0x4  }
0x2a3: {  	[tilespmem:v2+s8+$0x0] =	vst.idx.msk $0xffff, v0  }
0x2a4: {  	v2 =	vld [tilespmem:s15+$0xA0];
	_ =	sdelay $0x4  }
0x2a5: {  	v3 =	vshll.u32 v2, $0x3  }
0x2a6: {  	v2 =	vand.u32 $0x7F, v2;
	v3 =	vand.u32 $0xFFFFFC00, v3  }
0x2a7: {  	v2 =	vor.u32 v3, v2  }
0x2a8: {  	v2 =	vor.u32 $0x180, v2;
	_ =	sdelay $0x4  }
0x2a9: {  	[tilespmem:v2+s8+$0x0] =	vst.idx.msk $0xffff, v0  }
0x2aa: {  	v2 =	vld [tilespmem:s15+$0xB0];
	_ =	sdelay $0x4  }
0x2ab: {  	v3 =	vshll.u32 v2, $0x3  }
0x2ac: {  	v2 =	vand.u32 $0x7F, v2;
	v3 =	vand.u32 $0xFFFFFC00, v3  }
0x2ad: {  	v2 =	vor.u32 v3, v2  }
0x2ae: {  	v2 =	vor.u32 $0x180, v2;
	_ =	sdelay $0x4  }
0x2af: {  	[tilespmem:v2+s8+$0x0] =	vst.idx.msk $0xffff, v0  }
0x2b0: {  	v2 =	vld [tilespmem:s15+$0xC0];
	_ =	sdelay $0x4  }
0x2b1: {  	v3 =	vshll.u32 v2, $0x3  }
0x2b2: {  	v2 =	vand.u32 $0x7F, v2;
	v3 =	vand.u32 $0xFFFFFC00, v3  }
0x2b3: {  	v2 =	vor.u32 v3, v2  }
0x2b4: {  	v2 =	vor.u32 $0x200, v2;
	_ =	sdelay $0x4  }
0x2b5: {  	[tilespmem:v2+s8+$0x0] =	vst.idx.msk $0xffff, v0  }
0x2b6: {  	v2 =	vld [tilespmem:s15+$0xD0];
	_ =	sdelay $0x4  }
0x2b7: {  	v3 =	vshll.u32 v2, $0x3  }
0x2b8: {  	v2 =	vand.u32 $0x7F, v2;
	v3 =	vand.u32 $0xFFFFFC00, v3  }
0x2b9: {  	v2 =	vor.u32 v3, v2  }
0x2ba: {  	v2 =	vor.u32 $0x200, v2;
	_ =	sdelay $0x4  }
0x2bb: {  	[tilespmem:v2+s8+$0x0] =	vst.idx.msk $0xffff, v0  }
0x2bc: {  	v2 =	vld [tilespmem:s15+$0xE0];
	_ =	sdelay $0x4  }
0x2bd: {  	v3 =	vshll.u32 v2, $0x3  }
0x2be: {  	v2 =	vand.u32 $0x7F, v2;
	v3 =	vand.u32 $0xFFFFFC00, v3  }
0x2bf: {  	v2 =	vor.u32 v3, v2  }
0x2c0: {  	v2 =	vor.u32 $0x200, v2;
	_ =	sdelay $0x4  }
0x2c1: {  	[tilespmem:v2+s8+$0x0] =	vst.idx.msk $0xffff, v0  }
0x2c2: {  	v2 =	vld [tilespmem:s15+$0xF0];
	_ =	sdelay $0x4  }
0x2c3: {  	v3 =	vshll.u32 v2, $0x3  }
0x2c4: {  	v2 =	vand.u32 $0x7F, v2;
	v3 =	vand.u32 $0xFFFFFC00, v3  }
0x2c5: {  	v2 =	vor.u32 v3, v2  }
0x2c6: {  	v2 =	vor.u32 $0x280, v2;
	_ =	sdelay $0x4  }
0x2c7: {  	[tilespmem:v2+s8+$0x0] =	vst.idx.msk $0xffff, v0  }
0x2c8: {  	v2 =	vld [tilespmem:s15+$0x100];
	_ =	sdelay $0x4  }
0x2c9: {  	v3 =	vshll.u32 v2, $0x3  }
0x2ca: {  	v2 =	vand.u32 $0x7F, v2;
	v3 =	vand.u32 $0xFFFFFC00, v3  }
0x2cb: {  	v2 =	vor.u32 v3, v2  }
0x2cc: {  	v2 =	vor.u32 $0x280, v2;
	_ =	sdelay $0x4  }
0x2cd: {  	[tilespmem:v2+s8+$0x0] =	vst.idx.msk $0xffff, v0  }
0x2ce: {  	v2 =	vld [tilespmem:s15+$0x110];
	_ =	sdelay $0x4  }
0x2cf: {  	v3 =	vshll.u32 v2, $0x3  }
0x2d0: {  	v2 =	vand.u32 $0x7F, v2;
	v3 =	vand.u32 $0xFFFFFC00, v3  }
0x2d1: {  	v2 =	vor.u32 v3, v2  }
0x2d2: {  	v2 =	vor.u32 $0x280, v2;
	_ =	sdelay $0x4  }
0x2d3: {  	[tilespmem:v2+s8+$0x0] =	vst.idx.msk $0xffff, v0  }
0x2d4: {  	v2 =	vld [tilespmem:s15+$0x120];
	_ =	sdelay $0x4  }
0x2d5: {  	v3 =	vshll.u32 v2, $0x3  }
0x2d6: {  	v2 =	vand.u32 $0x7F, v2;
	v3 =	vand.u32 $0xFFFFFC00, v3  }
0x2d7: {  	v2 =	vor.u32 v3, v2  }
0x2d8: {  	v2 =	vor.u32 $0x300, v2;
	_ =	sdelay $0x4  }
0x2d9: {  	[tilespmem:v2+s8+$0x0] =	vst.idx.msk $0xffff, v0  }
0x2da: {  	v2 =	vld [tilespmem:s15+$0x130];
	_ =	sdelay $0x4  }
0x2db: {  	v3 =	vshll.u32 v2, $0x3  }
0x2dc: {  	v2 =	vand.u32 $0x7F, v2;
	v3 =	vand.u32 $0xFFFFFC00, v3  }
0x2dd: {  	v2 =	vor.u32 v3, v2  }
0x2de: {  	v2 =	vor.u32 $0x300, v2;
	_ =	sdelay $0x4  }
0x2df: {  	[tilespmem:v2+s8+$0x0] =	vst.idx.msk $0xffff, v0  }
0x2e0: {  	v2 =	vld [tilespmem:s15+$0x140];
	_ =	sdelay $0x4  }
0x2e1: {  	v3 =	vshll.u32 v2, $0x3  }
0x2e2: {  	v2 =	vand.u32 $0x7F, v2;
	v3 =	vand.u32 $0xFFFFFC00, v3  }
0x2e3: {  	v2 =	vor.u32 v3, v2  }
0x2e4: {  	v2 =	vor.u32 $0x300, v2;
	_ =	sdelay $0x4  }
0x2e5: {  	[tilespmem:v2+s8+$0x0] =	vst.idx.msk $0xffff, v0  }
0x2e6: {  	v2 =	vld [tilespmem:s15+$0x150];
	_ =	sdelay $0x4  }
0x2e7: {  	v3 =	vshll.u32 v2, $0x3  }
0x2e8: {  	v2 =	vand.u32 $0x7F, v2;
	v3 =	vand.u32 $0xFFFFFC00, v3  }
0x2e9: {  	v2 =	vor.u32 v3, v2  }
0x2ea: {  	v2 =	vor.u32 $0x380, v2;
	_ =	sdelay $0x4  }
0x2eb: {  	[tilespmem:v2+s8+$0x0] =	vst.idx.msk $0xffff, v0  }
0x2ec: {  	v2 =	vld [tilespmem:s15+$0x160];
	_ =	sdelay $0x4  }
0x2ed: {  	v3 =	vshll.u32 v2, $0x3  }
0x2ee: {  	v2 =	vand.u32 $0x7F, v2;
	v3 =	vand.u32 $0xFFFFFC00, v3  }
0x2ef: {  	v2 =	vor.u32 v3, v2  }
0x2f0: {  	v2 =	vor.u32 $0x380, v2;
	_ =	sdelay $0x4  }
0x2f1: {  	[tilespmem:v2+s8+$0x0] =	vst.idx.msk $0xffff, v0  }
0x2f2: {  	v2 =	vld [tilespmem:s15+$0x170];
	_ =	sdelay $0x4  }
0x2f3: {  	v3 =	vshll.u32 v2, $0x3  }
0x2f4: {  	v2 =	vand.u32 $0x7F, v2;
	v3 =	vand.u32 $0xFFFFFC00, v3  }
0x2f5: {  	v2 =	vor.u32 v3, v2  }
0x2f6: {  	v2 =	vor.u32 $0x380, v2;
	_ =	sdelay $0x4  }
0x2f7: {  	[tilespmem:v2+s8+$0x0] =	vst.idx.msk $0xffff, v0  }
0x2f8: {  	v2 =	vld [tilespmem:s15+$0x180];
	_ =	sdelay $0x4  }
0x2f9: {  	v3 =	vshll.u32 v2, $0x3  }
0x2fa: {  	v2 =	vand.u32 $0x7F, v2;
	v3 =	vand.u32 $0xFFFFFC00, v3  }
0x2fb: {  	v2 =	vor.u32 v2, v3  }
0x2fc: {  	v2 =	vadd.s32 $0x4000, v2;
	_ =	sdelay $0x4  }
0x2fd: {  	[tilespmem:v2+s8+$0x0] =	vst.idx.msk $0xffff, v0  }
0x2fe: {  	v2 =	vld [tilespmem:s15+$0x190];
	_ =	sdelay $0x4  }
0x2ff: {  	v3 =	vshll.u32 v2, $0x3  }
0x300: {  	v2 =	vand.u32 $0x7F, v2;
	v3 =	vand.u32 $0xFFFFFC00, v3  }
0x301: {  	v2 =	vor.u32 v2, v3  }
0x302: {  	v2 =	vadd.s32 $0x4000, v2;
	_ =	sdelay $0x4  }
0x303: {  	[tilespmem:v2+s8+$0x0] =	vst.idx.msk $0xffff, v0  }
0x304: {  	v2 =	vld [tilespmem:s15+$0x1A0];
	_ =	sdelay $0x4  }
0x305: {  	v3 =	vshll.u32 v2, $0x3  }
0x306: {  	v2 =	vand.u32 $0x7F, v2;
	v3 =	vand.u32 $0xFFFFFC00, v3  }
0x307: {  	v2 =	vor.u32 v2, v3  }
0x308: {  	v2 =	vadd.s32 $0x4000, v2;
	_ =	sdelay $0x4  }
0x309: {  	[tilespmem:v2+s8+$0x0] =	vst.idx.msk $0xffff, v0  }
0x30a: {  	v2 =	vld [tilespmem:s15+$0x1B0];
	_ =	sdelay $0x4  }
0x30b: {  	v3 =	vshll.u32 v2, $0x3  }
0x30c: {  	v2 =	vand.u32 $0x7F, v2;
	v3 =	vand.u32 $0xFFFFFC00, v3  }
0x30d: {  	v2 =	vor.u32 v2, v3  }
0x30e: {  	v2 =	vadd.s32 $0x4080, v2;
	_ =	sdelay $0x4  }
0x30f: {  	[tilespmem:v2+s8+$0x0] =	vst.idx.msk $0xffff, v0  }
0x310: {  	v2 =	vld [tilespmem:s15+$0x1C0];
	_ =	sdelay $0x4  }
0x311: {  	v3 =	vshll.u32 v2, $0x3  }
0x312: {  	v2 =	vand.u32 $0x7F, v2;
	v3 =	vand.u32 $0xFFFFFC00, v3  }
0x313: {  	v2 =	vor.u32 v2, v3  }
0x314: {  	v2 =	vadd.s32 $0x4080, v2;
	_ =	sdelay $0x4  }
0x315: {  	[tilespmem:v2+s8+$0x0] =	vst.idx.msk $0xffff, v0  }
0x316: {  	v2 =	vld [tilespmem:s15+$0x1D0];
	_ =	sdelay $0x4  }
0x317: {  	v3 =	vshll.u32 v2, $0x3  }
0x318: {  	v2 =	vand.u32 $0x7F, v2;
	v3 =	vand.u32 $0xFFFFFC00, v3  }
0x319: {  	v2 =	vor.u32 v2, v3  }
0x31a: {  	v2 =	vadd.s32 $0x4080, v2;
	_ =	sdelay $0x4  }
0x31b: {  	[tilespmem:v2+s8+$0x0] =	vst.idx.msk $0xffff, v0  }
0x31c: {  	v2 =	vld [tilespmem:s15+$0x1E0];
	_ =	sdelay $0x4  }
0x31d: {  	v3 =	vshll.u32 v2, $0x3  }
0x31e: {  	v2 =	vand.u32 $0x7F, v2;
	v3 =	vand.u32 $0xFFFFFC00, v3  }
0x31f: {  	v2 =	vor.u32 v2, v3  }
0x320: {  	v2 =	vadd.s32 $0x4100, v2;
	_ =	sdelay $0x4  }
0x321: {  	[tilespmem:v2+s8+$0x0] =	vst.idx.msk $0xffff, v0  }
0x322: {  	v2 =	vld [tilespmem:s15+$0x1F0];
	_ =	sdelay $0x4  }
0x323: {  	v3 =	vshll.u32 v2, $0x3  }
0x324: {  	v2 =	vand.u32 $0x7F, v2;
	v3 =	vand.u32 $0xFFFFFC00, v3  }
0x325: {  	v2 =	vor.u32 v2, v3  }
0x326: {  	v2 =	vadd.s32 $0x4100, v2;
	_ =	sdelay $0x4  }
0x327: {  	[tilespmem:v2+s8+$0x0] =	vst.idx.msk $0xffff, v0  }
0x328: {  	v2 =	vld [tilespmem:s15+$0x200];
	_ =	sdelay $0x4  }
0x329: {  	v3 =	vshll.u32 v2, $0x3  }
0x32a: {  	v2 =	vand.u32 $0x7F, v2;
	v3 =	vand.u32 $0xFFFFFC00, v3  }
0x32b: {  	v2 =	vor.u32 v2, v3  }
0x32c: {  	v2 =	vadd.s32 $0x4100, v2;
	_ =	sdelay $0x4  }
0x32d: {  	[tilespmem:v2+s8+$0x0] =	vst.idx.msk $0xffff, v0  }
0x32e: {  	v2 =	vld [tilespmem:s15+$0x210];
	_ =	sdelay $0x4  }
0x32f: {  	v3 =	vshll.u32 v2, $0x3  }
0x330: {  	v2 =	vand.u32 $0x7F, v2;
	v3 =	vand.u32 $0xFFFFFC00, v3  }
0x331: {  	v2 =	vor.u32 v2, v3  }
0x332: {  	v2 =	vadd.s32 $0x4180, v2;
	_ =	sdelay $0x4  }
0x333: {  	[tilespmem:v2+s8+$0x0] =	vst.idx.msk $0xffff, v0  }
0x334: {  	v2 =	vld [tilespmem:s15+$0x220];
	_ =	sdelay $0x4  }
0x335: {  	v3 =	vshll.u32 v2, $0x3  }
0x336: {  	v2 =	vand.u32 $0x7F, v2;
	v3 =	vand.u32 $0xFFFFFC00, v3  }
0x337: {  	v2 =	vor.u32 v2, v3  }
0x338: {  	v2 =	vadd.s32 $0x4180, v2;
	_ =	sdelay $0x4  }
0x339: {  	[tilespmem:v2+s8+$0x0] =	vst.idx.msk $0xffff, v0  }
0x33a: {  	v2 =	vld [tilespmem:s15+$0x230];
	_ =	sdelay $0x4  }
0x33b: {  	v3 =	vshll.u32 v2, $0x3  }
0x33c: {  	v2 =	vand.u32 $0x7F, v2;
	v3 =	vand.u32 $0xFFFFFC00, v3  }
0x33d: {  	v2 =	vor.u32 v2, v3  }
0x33e: {  	v2 =	vadd.s32 $0x4180, v2;
	_ =	sdelay $0x4  }
0x33f: {  	[tilespmem:v2+s8+$0x0] =	vst.idx.msk $0xffff, v0  }
0x340: {  	v2 =	vld [tilespmem:s15+$0x240];
	_ =	sdelay $0x4  }
0x341: {  	v3 =	vshll.u32 v2, $0x3  }
0x342: {  	v2 =	vand.u32 $0x7F, v2;
	v3 =	vand.u32 $0xFFFFFC00, v3  }
0x343: {  	v2 =	vor.u32 v2, v3  }
0x344: {  	v2 =	vadd.s32 $0x4200, v2;
	_ =	sdelay $0x4  }
0x345: {  	[tilespmem:v2+s8+$0x0] =	vst.idx.msk $0xffff, v0  }
0x346: {  	v2 =	vld [tilespmem:s15+$0x250];
	_ =	sdelay $0x4  }
0x347: {  	v3 =	vshll.u32 v2, $0x3  }
0x348: {  	v2 =	vand.u32 $0x7F, v2;
	v3 =	vand.u32 $0xFFFFFC00, v3  }
0x349: {  	v2 =	vor.u32 v2, v3  }
0x34a: {  	v2 =	vadd.s32 $0x4200, v2;
	_ =	sdelay $0x4  }
0x34b: {  	[tilespmem:v2+s8+$0x0] =	vst.idx.msk $0xffff, v0  }
0x34c: {  	v2 =	vld [tilespmem:s15+$0x260];
	_ =	sdelay $0x4  }
0x34d: {  	v3 =	vshll.u32 v2, $0x3  }
0x34e: {  	v2 =	vand.u32 $0x7F, v2;
	v3 =	vand.u32 $0xFFFFFC00, v3  }
0x34f: {  	v2 =	vor.u32 v2, v3  }
0x350: {  	v2 =	vadd.s32 $0x4200, v2;
	_ =	sdelay $0x4  }
0x351: {  	[tilespmem:v2+s8+$0x0] =	vst.idx.msk $0xffff, v0  }
0x352: {  	v2 =	vld [tilespmem:s15+$0x270];
	_ =	sdelay $0x4  }
0x353: {  	v3 =	vshll.u32 v2, $0x3  }
0x354: {  	v2 =	vand.u32 $0x7F, v2;
	v3 =	vand.u32 $0xFFFFFC00, v3  }
0x355: {  	v2 =	vor.u32 v2, v3  }
0x356: {  	v2 =	vadd.s32 $0x4280, v2;
	_ =	sdelay $0x4  }
0x357: {  	[tilespmem:v2+s8+$0x0] =	vst.idx.msk $0xffff, v0  }
0x358: {  	v2 =	vld [tilespmem:s15+$0x280];
	_ =	sdelay $0x4  }
0x359: {  	v3 =	vshll.u32 v2, $0x3  }
0x35a: {  	v2 =	vand.u32 $0x7F, v2;
	v3 =	vand.u32 $0xFFFFFC00, v3  }
0x35b: {  	v2 =	vor.u32 v2, v3  }
0x35c: {  	v2 =	vadd.s32 $0x4280, v2;
	_ =	sdelay $0x4  }
0x35d: {  	[tilespmem:v2+s8+$0x0] =	vst.idx.msk $0xffff, v0  }
0x35e: {  	v2 =	vld [tilespmem:s15+$0x290];
	_ =	sdelay $0x4  }
0x35f: {  	v3 =	vshll.u32 v2, $0x3  }
0x360: {  	v2 =	vand.u32 $0x7F, v2;
	v3 =	vand.u32 $0xFFFFFC00, v3  }
0x361: {  	v2 =	vor.u32 v2, v3  }
0x362: {  	v2 =	vadd.s32 $0x4280, v2;
	_ =	sdelay $0x4  }
0x363: {  	[tilespmem:v2+s8+$0x0] =	vst.idx.msk $0xffff, v0  }
0x364: {  	v2 =	vld [tilespmem:s15+$0x2A0];
	_ =	sdelay $0x4  }
0x365: {  	v3 =	vshll.u32 v2, $0x3  }
0x366: {  	v2 =	vand.u32 $0x7F, v2;
	v3 =	vand.u32 $0xFFFFFC00, v3  }
0x367: {  	v2 =	vor.u32 v2, v3  }
0x368: {  	v2 =	vadd.s32 $0x4300, v2;
	_ =	sdelay $0x4  }
0x369: {  	[tilespmem:v2+s8+$0x0] =	vst.idx.msk $0xffff, v0  }
0x36a: {  	v2 =	vld [tilespmem:s15+$0x2B0];
	_ =	sdelay $0x4  }
0x36b: {  	v3 =	vshll.u32 v2, $0x3  }
0x36c: {  	v2 =	vand.u32 $0x7F, v2;
	v3 =	vand.u32 $0xFFFFFC00, v3  }
0x36d: {  	v2 =	vor.u32 v2, v3  }
0x36e: {  	v2 =	vadd.s32 $0x4300, v2;
	_ =	sdelay $0x4  }
0x36f: {  	[tilespmem:v2+s8+$0x0] =	vst.idx.msk $0xffff, v0  }
0x370: {  	v2 =	vld [tilespmem:s15+$0x2C0];
	_ =	sdelay $0x4  }
0x371: {  	v3 =	vshll.u32 v2, $0x3  }
0x372: {  	v2 =	vand.u32 $0x7F, v2;
	v3 =	vand.u32 $0xFFFFFC00, v3  }
0x373: {  	v2 =	vor.u32 v2, v3  }
0x374: {  	v2 =	vadd.s32 $0x4300, v2;
	_ =	sdelay $0x4  }
0x375: {  	[tilespmem:v2+s8+$0x0] =	vst.idx.msk $0xffff, v0  }
0x376: {  	v2 =	vld [tilespmem:s15+$0x2D0];
	_ =	sdelay $0x4  }
0x377: {  	v3 =	vshll.u32 v2, $0x3  }
0x378: {  	v2 =	vand.u32 $0x7F, v2;
	v3 =	vand.u32 $0xFFFFFC00, v3  }
0x379: {  	v2 =	vor.u32 v2, v3  }
0x37a: {  	v2 =	vadd.s32 $0x4380, v2;
	_ =	sdelay $0x4  }
0x37b: {  	[tilespmem:v2+s8+$0x0] =	vst.idx.msk $0xffff, v0  }
0x37c: {  	v2 =	vld [tilespmem:s15+$0x2E0];
	_ =	sdelay $0x4  }
0x37d: {  	v3 =	vshll.u32 v2, $0x3  }
0x37e: {  	v2 =	vand.u32 $0x7F, v2;
	v3 =	vand.u32 $0xFFFFFC00, v3  }
0x37f: {  	v2 =	vor.u32 v2, v3  }
0x380: {  	v2 =	vadd.s32 $0x4380, v2;
	_ =	sdelay $0x4  }
0x381: {  	[tilespmem:v2+s8+$0x0] =	vst.idx.msk $0xffff, v0  }
0x382: {  	v2 =	vld [tilespmem:s15+$0x2F0];
	_ =	sdelay $0x4  }
0x383: {  	v3 =	vshll.u32 v2, $0x3  }
0x384: {  	v2 =	vand.u32 $0x7F, v2;
	v3 =	vand.u32 $0xFFFFFC00, v3  }
0x385: {  	v2 =	vor.u32 v2, v3  }
0x386: {  	v2 =	vadd.s32 $0x4380, v2;
	_ =	sdelay $0x1  }
.Ltmp6:
0x387: {  	_ = 	snop;
	(pc) =	sbr.rel @p0 .LBB2_7-.Ltmp6, $3  }
0x388: {  	_ =	sdelay $0x1  }
0x389: {  	s16 =	sadd.s32 $0xFFFFF000, s13;
	[tilespmem:v2+s8+$0x0] =	vst.idx.msk $0xffff, v0  }
0x38a: {  	[hbm4b:s16+s2] =	stream.linear.scatter [tilespmem:s8], [sflag:$0x1], $0x8000, $0x38;
	[tilespmem:$0x11800] =	vst v63  }
0x38b: {  	_ =	swait.ge [sflag:s11], $0x8000  }
0x38c: {  	[sflag:s11] =	ssyncset.done $0x0  }
0x38d: {  	[sflag:s11] =	ssyncadd.s32 $0xFFFF8000  }
0x38e: {  	v2 =	vld [tilespmem:s15+$0xFFFFFD00];
	_ =	sdelay $0x4  }
0x38f: {  	v3 =	vshll.u32 v2, $0x3  }
0x390: {  	v2 =	vand.u32 $0x7F, v2;
	v3 =	vand.u32 $0xFFFFFC00, v3  }
0x391: {  	v2 =	vor.u32 v2, v3;
	_ =	sdelay $0x4  }
0x392: {  	[tilespmem:v2+s9+$0x0] =	vst.idx.msk $0xffff, v1  }
0x393: {  	v2 =	vld [tilespmem:s15+$0xFFFFFD10];
	_ =	sdelay $0x4  }
0x394: {  	v3 =	vshll.u32 v2, $0x3  }
0x395: {  	v2 =	vand.u32 $0x7F, v2;
	v3 =	vand.u32 $0xFFFFFC00, v3  }
0x396: {  	v2 =	vor.u32 v2, v3;
	_ =	sdelay $0x4  }
0x397: {  	[tilespmem:v2+s9+$0x0] =	vst.idx.msk $0xffff, v1  }
0x398: {  	v2 =	vld [tilespmem:s15+$0xFFFFFD20];
	_ =	sdelay $0x4  }
0x399: {  	v3 =	vshll.u32 v2, $0x3  }
0x39a: {  	v2 =	vand.u32 $0x7F, v2;
	v3 =	vand.u32 $0xFFFFFC00, v3  }
0x39b: {  	v2 =	vor.u32 v2, v3;
	_ =	sdelay $0x4  }
0x39c: {  	[tilespmem:v2+s9+$0x0] =	vst.idx.msk $0xffff, v1  }
0x39d: {  	v2 =	vld [tilespmem:s15+$0xFFFFFD30];
	_ =	sdelay $0x4  }
0x39e: {  	v3 =	vshll.u32 v2, $0x3  }
0x39f: {  	v2 =	vand.u32 $0x7F, v2;
	v3 =	vand.u32 $0xFFFFFC00, v3  }
0x3a0: {  	v2 =	vor.u32 v3, v2  }
0x3a1: {  	v2 =	vor.u32 $0x80, v2;
	_ =	sdelay $0x4  }
0x3a2: {  	[tilespmem:v2+s9+$0x0] =	vst.idx.msk $0xffff, v1  }
0x3a3: {  	v2 =	vld [tilespmem:s15+$0xFFFFFD40];
	_ =	sdelay $0x4  }
0x3a4: {  	v3 =	vshll.u32 v2, $0x3  }
0x3a5: {  	v2 =	vand.u32 $0x7F, v2;
	v3 =	vand.u32 $0xFFFFFC00, v3  }
0x3a6: {  	v2 =	vor.u32 v3, v2  }
0x3a7: {  	v2 =	vor.u32 $0x80, v2;
	_ =	sdelay $0x4  }
0x3a8: {  	[tilespmem:v2+s9+$0x0] =	vst.idx.msk $0xffff, v1  }
0x3a9: {  	v2 =	vld [tilespmem:s15+$0xFFFFFD50];
	_ =	sdelay $0x4  }
0x3aa: {  	v3 =	vshll.u32 v2, $0x3  }
0x3ab: {  	v2 =	vand.u32 $0x7F, v2;
	v3 =	vand.u32 $0xFFFFFC00, v3  }
0x3ac: {  	v2 =	vor.u32 v3, v2  }
0x3ad: {  	v2 =	vor.u32 $0x80, v2;
	_ =	sdelay $0x4  }
0x3ae: {  	[tilespmem:v2+s9+$0x0] =	vst.idx.msk $0xffff, v1  }
0x3af: {  	v2 =	vld [tilespmem:s15+$0xFFFFFD60];
	_ =	sdelay $0x4  }
0x3b0: {  	v3 =	vshll.u32 v2, $0x3  }
0x3b1: {  	v2 =	vand.u32 $0x7F, v2;
	v3 =	vand.u32 $0xFFFFFC00, v3  }
0x3b2: {  	v2 =	vor.u32 v3, v2  }
0x3b3: {  	v2 =	vor.u32 $0x100, v2;
	_ =	sdelay $0x4  }
0x3b4: {  	[tilespmem:v2+s9+$0x0] =	vst.idx.msk $0xffff, v1  }
0x3b5: {  	v2 =	vld [tilespmem:s15+$0xFFFFFD70];
	_ =	sdelay $0x4  }
0x3b6: {  	v3 =	vshll.u32 v2, $0x3  }
0x3b7: {  	v2 =	vand.u32 $0x7F, v2;
	v3 =	vand.u32 $0xFFFFFC00, v3  }
0x3b8: {  	v2 =	vor.u32 v3, v2  }
0x3b9: {  	v2 =	vor.u32 $0x100, v2;
	_ =	sdelay $0x4  }
0x3ba: {  	[tilespmem:v2+s9+$0x0] =	vst.idx.msk $0xffff, v1  }
0x3bb: {  	v2 =	vld [tilespmem:s15+$0xFFFFFD80];
	_ =	sdelay $0x4  }
0x3bc: {  	v3 =	vshll.u32 v2, $0x3  }
0x3bd: {  	v2 =	vand.u32 $0x7F, v2;
	v3 =	vand.u32 $0xFFFFFC00, v3  }
0x3be: {  	v2 =	vor.u32 v3, v2  }
0x3bf: {  	v2 =	vor.u32 $0x100, v2;
	_ =	sdelay $0x4  }
0x3c0: {  	[tilespmem:v2+s9+$0x0] =	vst.idx.msk $0xffff, v1  }
0x3c1: {  	v2 =	vld [tilespmem:s15+$0xFFFFFD90];
	_ =	sdelay $0x4  }
0x3c2: {  	v3 =	vshll.u32 v2, $0x3  }
0x3c3: {  	v2 =	vand.u32 $0x7F, v2;
	v3 =	vand.u32 $0xFFFFFC00, v3  }
0x3c4: {  	v2 =	vor.u32 v3, v2  }
0x3c5: {  	v2 =	vor.u32 $0x180, v2;
	_ =	sdelay $0x4  }
0x3c6: {  	[tilespmem:v2+s9+$0x0] =	vst.idx.msk $0xffff, v1  }
0x3c7: {  	v2 =	vld [tilespmem:s15+$0xFFFFFDA0];
	_ =	sdelay $0x4  }
0x3c8: {  	v3 =	vshll.u32 v2, $0x3  }
0x3c9: {  	v2 =	vand.u32 $0x7F, v2;
	v3 =	vand.u32 $0xFFFFFC00, v3  }
0x3ca: {  	v2 =	vor.u32 v3, v2  }
0x3cb: {  	v2 =	vor.u32 $0x180, v2;
	_ =	sdelay $0x4  }
0x3cc: {  	[tilespmem:v2+s9+$0x0] =	vst.idx.msk $0xffff, v1  }
0x3cd: {  	v2 =	vld [tilespmem:s15+$0xFFFFFDB0];
	_ =	sdelay $0x4  }
0x3ce: {  	v3 =	vshll.u32 v2, $0x3  }
0x3cf: {  	v2 =	vand.u32 $0x7F, v2;
	v3 =	vand.u32 $0xFFFFFC00, v3  }
0x3d0: {  	v2 =	vor.u32 v3, v2  }
0x3d1: {  	v2 =	vor.u32 $0x180, v2;
	_ =	sdelay $0x4  }
0x3d2: {  	[tilespmem:v2+s9+$0x0] =	vst.idx.msk $0xffff, v1  }
0x3d3: {  	v2 =	vld [tilespmem:s15+$0xFFFFFDC0];
	_ =	sdelay $0x4  }
0x3d4: {  	v3 =	vshll.u32 v2, $0x3  }
0x3d5: {  	v2 =	vand.u32 $0x7F, v2;
	v3 =	vand.u32 $0xFFFFFC00, v3  }
0x3d6: {  	v2 =	vor.u32 v3, v2  }
0x3d7: {  	v2 =	vor.u32 $0x200, v2;
	_ =	sdelay $0x4  }
0x3d8: {  	[tilespmem:v2+s9+$0x0] =	vst.idx.msk $0xffff, v1  }
0x3d9: {  	v2 =	vld [tilespmem:s15+$0xFFFFFDD0];
	_ =	sdelay $0x4  }
0x3da: {  	v3 =	vshll.u32 v2, $0x3  }
0x3db: {  	v2 =	vand.u32 $0x7F, v2;
	v3 =	vand.u32 $0xFFFFFC00, v3  }
0x3dc: {  	v2 =	vor.u32 v3, v2  }
0x3dd: {  	v2 =	vor.u32 $0x200, v2;
	_ =	sdelay $0x4  }
0x3de: {  	[tilespmem:v2+s9+$0x0] =	vst.idx.msk $0xffff, v1  }
0x3df: {  	v2 =	vld [tilespmem:s15+$0xFFFFFDE0];
	_ =	sdelay $0x4  }
0x3e0: {  	v3 =	vshll.u32 v2, $0x3  }
0x3e1: {  	v2 =	vand.u32 $0x7F, v2;
	v3 =	vand.u32 $0xFFFFFC00, v3  }
0x3e2: {  	v2 =	vor.u32 v3, v2  }
0x3e3: {  	v2 =	vor.u32 $0x200, v2;
	_ =	sdelay $0x4  }
0x3e4: {  	[tilespmem:v2+s9+$0x0] =	vst.idx.msk $0xffff, v1  }
0x3e5: {  	v2 =	vld [tilespmem:s15+$0xFFFFFDF0];
	_ =	sdelay $0x4  }
0x3e6: {  	v3 =	vshll.u32 v2, $0x3  }
0x3e7: {  	v2 =	vand.u32 $0x7F, v2;
	v3 =	vand.u32 $0xFFFFFC00, v3  }
0x3e8: {  	v2 =	vor.u32 v3, v2  }
0x3e9: {  	v2 =	vor.u32 $0x280, v2;
	_ =	sdelay $0x4  }
0x3ea: {  	[tilespmem:v2+s9+$0x0] =	vst.idx.msk $0xffff, v1  }
0x3eb: {  	v2 =	vld [tilespmem:s15+$0xFFFFFE00];
	_ =	sdelay $0x4  }
0x3ec: {  	v3 =	vshll.u32 v2, $0x3  }
0x3ed: {  	v2 =	vand.u32 $0x7F, v2;
	v3 =	vand.u32 $0xFFFFFC00, v3  }
0x3ee: {  	v2 =	vor.u32 v3, v2  }
0x3ef: {  	v2 =	vor.u32 $0x280, v2;
	_ =	sdelay $0x4  }
0x3f0: {  	[tilespmem:v2+s9+$0x0] =	vst.idx.msk $0xffff, v1  }
0x3f1: {  	v2 =	vld [tilespmem:s15+$0xFFFFFE10];
	_ =	sdelay $0x4  }
0x3f2: {  	v3 =	vshll.u32 v2, $0x3  }
0x3f3: {  	v2 =	vand.u32 $0x7F, v2;
	v3 =	vand.u32 $0xFFFFFC00, v3  }
0x3f4: {  	v2 =	vor.u32 v3, v2  }
0x3f5: {  	v2 =	vor.u32 $0x280, v2;
	_ =	sdelay $0x4  }
0x3f6: {  	[tilespmem:v2+s9+$0x0] =	vst.idx.msk $0xffff, v1  }
0x3f7: {  	v2 =	vld [tilespmem:s15+$0xFFFFFE20];
	_ =	sdelay $0x4  }
0x3f8: {  	v3 =	vshll.u32 v2, $0x3  }
0x3f9: {  	v2 =	vand.u32 $0x7F, v2;
	v3 =	vand.u32 $0xFFFFFC00, v3  }
0x3fa: {  	v2 =	vor.u32 v3, v2  }
0x3fb: {  	v2 =	vor.u32 $0x300, v2;
	_ =	sdelay $0x4  }
0x3fc: {  	[tilespmem:v2+s9+$0x0] =	vst.idx.msk $0xffff, v1  }
0x3fd: {  	v2 =	vld [tilespmem:s15+$0xFFFFFE30];
	_ =	sdelay $0x4  }
0x3fe: {  	v3 =	vshll.u32 v2, $0x3  }
0x3ff: {  	v2 =	vand.u32 $0x7F, v2;
	v3 =	vand.u32 $0xFFFFFC00, v3  }
0x400: {  	v2 =	vor.u32 v3, v2  }
0x401: {  	v2 =	vor.u32 $0x300, v2;
	_ =	sdelay $0x4  }
0x402: {  	[tilespmem:v2+s9+$0x0] =	vst.idx.msk $0xffff, v1  }
0x403: {  	v2 =	vld [tilespmem:s15+$0xFFFFFE40];
	_ =	sdelay $0x4  }
0x404: {  	v3 =	vshll.u32 v2, $0x3  }
0x405: {  	v2 =	vand.u32 $0x7F, v2;
	v3 =	vand.u32 $0xFFFFFC00, v3  }
0x406: {  	v2 =	vor.u32 v3, v2  }
0x407: {  	v2 =	vor.u32 $0x300, v2;
	_ =	sdelay $0x4  }
0x408: {  	[tilespmem:v2+s9+$0x0] =	vst.idx.msk $0xffff, v1  }
0x409: {  	v2 =	vld [tilespmem:s15+$0xFFFFFE50];
	_ =	sdelay $0x4  }
0x40a: {  	v3 =	vshll.u32 v2, $0x3  }
0x40b: {  	v2 =	vand.u32 $0x7F, v2;
	v3 =	vand.u32 $0xFFFFFC00, v3  }
0x40c: {  	v2 =	vor.u32 v3, v2  }
0x40d: {  	v2 =	vor.u32 $0x380, v2;
	_ =	sdelay $0x4  }
0x40e: {  	[tilespmem:v2+s9+$0x0] =	vst.idx.msk $0xffff, v1  }
0x40f: {  	v2 =	vld [tilespmem:s15+$0xFFFFFE60];
	_ =	sdelay $0x4  }
0x410: {  	v3 =	vshll.u32 v2, $0x3  }
0x411: {  	v2 =	vand.u32 $0x7F, v2;
	v3 =	vand.u32 $0xFFFFFC00, v3  }
0x412: {  	v2 =	vor.u32 v3, v2  }
0x413: {  	v2 =	vor.u32 $0x380, v2;
	_ =	sdelay $0x4  }
0x414: {  	[tilespmem:v2+s9+$0x0] =	vst.idx.msk $0xffff, v1  }
0x415: {  	v2 =	vld [tilespmem:s15+$0xFFFFFE70];
	_ =	sdelay $0x4  }
0x416: {  	v3 =	vshll.u32 v2, $0x3  }
0x417: {  	v2 =	vand.u32 $0x7F, v2;
	v3 =	vand.u32 $0xFFFFFC00, v3  }
0x418: {  	v2 =	vor.u32 v3, v2  }
0x419: {  	v2 =	vor.u32 $0x380, v2;
	_ =	sdelay $0x4  }
0x41a: {  	[tilespmem:v2+s9+$0x0] =	vst.idx.msk $0xffff, v1  }
0x41b: {  	v2 =	vld [tilespmem:s15+$0xFFFFFE80];
	_ =	sdelay $0x4  }
0x41c: {  	v3 =	vshll.u32 v2, $0x3  }
0x41d: {  	v2 =	vand.u32 $0x7F, v2;
	v3 =	vand.u32 $0xFFFFFC00, v3  }
0x41e: {  	v2 =	vor.u32 v2, v3  }
0x41f: {  	v2 =	vadd.s32 $0x4000, v2;
	_ =	sdelay $0x4  }
0x420: {  	[tilespmem:v2+s9+$0x0] =	vst.idx.msk $0xffff, v1  }
0x421: {  	v2 =	vld [tilespmem:s15+$0xFFFFFE90];
	_ =	sdelay $0x4  }
0x422: {  	v3 =	vshll.u32 v2, $0x3  }
0x423: {  	v2 =	vand.u32 $0x7F, v2;
	v3 =	vand.u32 $0xFFFFFC00, v3  }
0x424: {  	v2 =	vor.u32 v2, v3  }
0x425: {  	v2 =	vadd.s32 $0x4000, v2;
	_ =	sdelay $0x4  }
0x426: {  	[tilespmem:v2+s9+$0x0] =	vst.idx.msk $0xffff, v1  }
0x427: {  	v2 =	vld [tilespmem:s15+$0xFFFFFEA0];
	_ =	sdelay $0x4  }
0x428: {  	v3 =	vshll.u32 v2, $0x3  }
0x429: {  	v2 =	vand.u32 $0x7F, v2;
	v3 =	vand.u32 $0xFFFFFC00, v3  }
0x42a: {  	v2 =	vor.u32 v2, v3  }
0x42b: {  	v2 =	vadd.s32 $0x4000, v2;
	_ =	sdelay $0x4  }
0x42c: {  	[tilespmem:v2+s9+$0x0] =	vst.idx.msk $0xffff, v1  }
0x42d: {  	v2 =	vld [tilespmem:s15+$0xFFFFFEB0];
	_ =	sdelay $0x4  }
0x42e: {  	v3 =	vshll.u32 v2, $0x3  }
0x42f: {  	v2 =	vand.u32 $0x7F, v2;
	v3 =	vand.u32 $0xFFFFFC00, v3  }
0x430: {  	v2 =	vor.u32 v2, v3  }
0x431: {  	v2 =	vadd.s32 $0x4080, v2;
	_ =	sdelay $0x4  }
0x432: {  	[tilespmem:v2+s9+$0x0] =	vst.idx.msk $0xffff, v1  }
0x433: {  	v2 =	vld [tilespmem:s15+$0xFFFFFEC0];
	_ =	sdelay $0x4  }
0x434: {  	v3 =	vshll.u32 v2, $0x3  }
0x435: {  	v2 =	vand.u32 $0x7F, v2;
	v3 =	vand.u32 $0xFFFFFC00, v3  }
0x436: {  	v2 =	vor.u32 v2, v3  }
0x437: {  	v2 =	vadd.s32 $0x4080, v2;
	_ =	sdelay $0x4  }
0x438: {  	[tilespmem:v2+s9+$0x0] =	vst.idx.msk $0xffff, v1  }
0x439: {  	v2 =	vld [tilespmem:s15+$0xFFFFFED0];
	_ =	sdelay $0x4  }
0x43a: {  	v3 =	vshll.u32 v2, $0x3  }
0x43b: {  	v2 =	vand.u32 $0x7F, v2;
	v3 =	vand.u32 $0xFFFFFC00, v3  }
0x43c: {  	v2 =	vor.u32 v2, v3  }
0x43d: {  	v2 =	vadd.s32 $0x4080, v2;
	_ =	sdelay $0x4  }
0x43e: {  	[tilespmem:v2+s9+$0x0] =	vst.idx.msk $0xffff, v1  }
0x43f: {  	v2 =	vld [tilespmem:s15+$0xFFFFFEE0];
	_ =	sdelay $0x4  }
0x440: {  	v3 =	vshll.u32 v2, $0x3  }
0x441: {  	v2 =	vand.u32 $0x7F, v2;
	v3 =	vand.u32 $0xFFFFFC00, v3  }
0x442: {  	v2 =	vor.u32 v2, v3  }
0x443: {  	v2 =	vadd.s32 $0x4100, v2;
	_ =	sdelay $0x4  }
0x444: {  	[tilespmem:v2+s9+$0x0] =	vst.idx.msk $0xffff, v1  }
0x445: {  	v2 =	vld [tilespmem:s15+$0xFFFFFEF0];
	_ =	sdelay $0x4  }
0x446: {  	v3 =	vshll.u32 v2, $0x3  }
0x447: {  	v2 =	vand.u32 $0x7F, v2;
	v3 =	vand.u32 $0xFFFFFC00, v3  }
0x448: {  	v2 =	vor.u32 v2, v3  }
0x449: {  	v2 =	vadd.s32 $0x4100, v2;
	_ =	sdelay $0x4  }
0x44a: {  	[tilespmem:v2+s9+$0x0] =	vst.idx.msk $0xffff, v1  }
0x44b: {  	v2 =	vld [tilespmem:s15+$0xFFFFFF00];
	_ =	sdelay $0x4  }
0x44c: {  	v3 =	vshll.u32 v2, $0x3  }
0x44d: {  	v2 =	vand.u32 $0x7F, v2;
	v3 =	vand.u32 $0xFFFFFC00, v3  }
0x44e: {  	v2 =	vor.u32 v2, v3  }
0x44f: {  	v2 =	vadd.s32 $0x4100, v2;
	_ =	sdelay $0x4  }
0x450: {  	[tilespmem:v2+s9+$0x0] =	vst.idx.msk $0xffff, v1  }
0x451: {  	v2 =	vld [tilespmem:s15+$0xFFFFFF10];
	_ =	sdelay $0x4  }
0x452: {  	v3 =	vshll.u32 v2, $0x3  }
0x453: {  	v2 =	vand.u32 $0x7F, v2;
	v3 =	vand.u32 $0xFFFFFC00, v3  }
0x454: {  	v2 =	vor.u32 v2, v3  }
0x455: {  	v2 =	vadd.s32 $0x4180, v2;
	_ =	sdelay $0x4  }
0x456: {  	[tilespmem:v2+s9+$0x0] =	vst.idx.msk $0xffff, v1  }
0x457: {  	v2 =	vld [tilespmem:s15+$0xFFFFFF20];
	_ =	sdelay $0x4  }
0x458: {  	v3 =	vshll.u32 v2, $0x3  }
0x459: {  	v2 =	vand.u32 $0x7F, v2;
	v3 =	vand.u32 $0xFFFFFC00, v3  }
0x45a: {  	v2 =	vor.u32 v2, v3  }
0x45b: {  	v2 =	vadd.s32 $0x4180, v2;
	_ =	sdelay $0x4  }
0x45c: {  	[tilespmem:v2+s9+$0x0] =	vst.idx.msk $0xffff, v1  }
0x45d: {  	v2 =	vld [tilespmem:s15+$0xFFFFFF30];
	_ =	sdelay $0x4  }
0x45e: {  	v3 =	vshll.u32 v2, $0x3  }
0x45f: {  	v2 =	vand.u32 $0x7F, v2;
	v3 =	vand.u32 $0xFFFFFC00, v3  }
0x460: {  	v2 =	vor.u32 v2, v3  }
0x461: {  	v2 =	vadd.s32 $0x4180, v2;
	_ =	sdelay $0x4  }
0x462: {  	[tilespmem:v2+s9+$0x0] =	vst.idx.msk $0xffff, v1  }
0x463: {  	v2 =	vld [tilespmem:s15+$0xFFFFFF40];
	_ =	sdelay $0x4  }
0x464: {  	v3 =	vshll.u32 v2, $0x3  }
0x465: {  	v2 =	vand.u32 $0x7F, v2;
	v3 =	vand.u32 $0xFFFFFC00, v3  }
0x466: {  	v2 =	vor.u32 v2, v3  }
0x467: {  	v2 =	vadd.s32 $0x4200, v2;
	_ =	sdelay $0x4  }
0x468: {  	[tilespmem:v2+s9+$0x0] =	vst.idx.msk $0xffff, v1  }
0x469: {  	v2 =	vld [tilespmem:s15+$0xFFFFFF50];
	_ =	sdelay $0x4  }
0x46a: {  	v3 =	vshll.u32 v2, $0x3  }
0x46b: {  	v2 =	vand.u32 $0x7F, v2;
	v3 =	vand.u32 $0xFFFFFC00, v3  }
0x46c: {  	v2 =	vor.u32 v2, v3  }
0x46d: {  	v2 =	vadd.s32 $0x4200, v2;
	_ =	sdelay $0x4  }
0x46e: {  	[tilespmem:v2+s9+$0x0] =	vst.idx.msk $0xffff, v1  }
0x46f: {  	v2 =	vld [tilespmem:s15+$0xFFFFFF60];
	_ =	sdelay $0x4  }
0x470: {  	v3 =	vshll.u32 v2, $0x3  }
0x471: {  	v2 =	vand.u32 $0x7F, v2;
	v3 =	vand.u32 $0xFFFFFC00, v3  }
0x472: {  	v2 =	vor.u32 v2, v3  }
0x473: {  	v2 =	vadd.s32 $0x4200, v2;
	_ =	sdelay $0x4  }
0x474: {  	[tilespmem:v2+s9+$0x0] =	vst.idx.msk $0xffff, v1  }
0x475: {  	v2 =	vld [tilespmem:s15+$0xFFFFFF70];
	_ =	sdelay $0x4  }
0x476: {  	v3 =	vshll.u32 v2, $0x3  }
0x477: {  	v2 =	vand.u32 $0x7F, v2;
	v3 =	vand.u32 $0xFFFFFC00, v3  }
0x478: {  	v2 =	vor.u32 v2, v3  }
0x479: {  	v2 =	vadd.s32 $0x4280, v2;
	_ =	sdelay $0x4  }
0x47a: {  	[tilespmem:v2+s9+$0x0] =	vst.idx.msk $0xffff, v1  }
0x47b: {  	v2 =	vld [tilespmem:s15+$0xFFFFFF80];
	_ =	sdelay $0x4  }
0x47c: {  	v3 =	vshll.u32 v2, $0x3  }
0x47d: {  	v2 =	vand.u32 $0x7F, v2;
	v3 =	vand.u32 $0xFFFFFC00, v3  }
0x47e: {  	v2 =	vor.u32 v2, v3  }
0x47f: {  	v2 =	vadd.s32 $0x4280, v2;
	_ =	sdelay $0x4  }
0x480: {  	[tilespmem:v2+s9+$0x0] =	vst.idx.msk $0xffff, v1  }
0x481: {  	v2 =	vld [tilespmem:s15+$0xFFFFFF90];
	_ =	sdelay $0x4  }
0x482: {  	v3 =	vshll.u32 v2, $0x3  }
0x483: {  	v2 =	vand.u32 $0x7F, v2;
	v3 =	vand.u32 $0xFFFFFC00, v3  }
0x484: {  	v2 =	vor.u32 v2, v3  }
0x485: {  	v2 =	vadd.s32 $0x4280, v2;
	_ =	sdelay $0x4  }
0x486: {  	[tilespmem:v2+s9+$0x0] =	vst.idx.msk $0xffff, v1  }
0x487: {  	v2 =	vld [tilespmem:s15+$0xFFFFFFA0];
	_ =	sdelay $0x4  }
0x488: {  	v3 =	vshll.u32 v2, $0x3  }
0x489: {  	v2 =	vand.u32 $0x7F, v2;
	v3 =	vand.u32 $0xFFFFFC00, v3  }
0x48a: {  	v2 =	vor.u32 v2, v3  }
0x48b: {  	v2 =	vadd.s32 $0x4300, v2;
	_ =	sdelay $0x4  }
0x48c: {  	[tilespmem:v2+s9+$0x0] =	vst.idx.msk $0xffff, v1  }
0x48d: {  	v2 =	vld [tilespmem:s15+$0xFFFFFFB0];
	_ =	sdelay $0x4  }
0x48e: {  	v3 =	vshll.u32 v2, $0x3  }
0x48f: {  	v2 =	vand.u32 $0x7F, v2;
	v3 =	vand.u32 $0xFFFFFC00, v3  }
0x490: {  	v2 =	vor.u32 v2, v3  }
0x491: {  	v2 =	vadd.s32 $0x4300, v2;
	_ =	sdelay $0x4  }
0x492: {  	[tilespmem:v2+s9+$0x0] =	vst.idx.msk $0xffff, v1  }
0x493: {  	v2 =	vld [tilespmem:s15+$0xFFFFFFC0];
	_ =	sdelay $0x4  }
0x494: {  	v3 =	vshll.u32 v2, $0x3  }
0x495: {  	v2 =	vand.u32 $0x7F, v2;
	v3 =	vand.u32 $0xFFFFFC00, v3  }
0x496: {  	v2 =	vor.u32 v2, v3  }
0x497: {  	v2 =	vadd.s32 $0x4300, v2;
	_ =	sdelay $0x4  }
0x498: {  	[tilespmem:v2+s9+$0x0] =	vst.idx.msk $0xffff, v1  }
0x499: {  	v2 =	vld [tilespmem:s15+$0xFFFFFFD0];
	_ =	sdelay $0x4  }
0x49a: {  	v3 =	vshll.u32 v2, $0x3  }
0x49b: {  	v2 =	vand.u32 $0x7F, v2;
	v3 =	vand.u32 $0xFFFFFC00, v3  }
0x49c: {  	v2 =	vor.u32 v2, v3  }
0x49d: {  	v2 =	vadd.s32 $0x4380, v2;
	_ =	sdelay $0x4  }
0x49e: {  	[tilespmem:v2+s9+$0x0] =	vst.idx.msk $0xffff, v1  }
0x49f: {  	v2 =	vld [tilespmem:s15+$0xFFFFFFE0];
	_ =	sdelay $0x4  }
0x4a0: {  	v3 =	vshll.u32 v2, $0x3  }
0x4a1: {  	v2 =	vand.u32 $0x7F, v2;
	v3 =	vand.u32 $0xFFFFFC00, v3  }
0x4a2: {  	v2 =	vor.u32 v2, v3  }
0x4a3: {  	v2 =	vadd.s32 $0x4380, v2;
	_ =	sdelay $0x4  }
0x4a4: {  	[tilespmem:v2+s9+$0x0] =	vst.idx.msk $0xffff, v1  }
0x4a5: {  	v2 =	vld [tilespmem:s15+$0xFFFFFFF0];
	_ =	sdelay $0x4  }
0x4a6: {  	v3 =	vshll.u32 v2, $0x3  }
0x4a7: {  	v2 =	vand.u32 $0x7F, v2;
	v3 =	vand.u32 $0xFFFFFC00, v3  }
0x4a8: {  	v2 =	vor.u32 v2, v3  }
0x4a9: {  	v2 =	vadd.s32 $0x4380, v2  }
.Ltmp7:
0x4aa: {  	_ = 	snop;
	(pc) =	sbr.rel .LBB2_7-.Ltmp7, $2  }
0x4ab: {  	_ =	sdelay $0x2  }
0x4ac: {  	[tilespmem:v2+s9+$0x0] =	vst.idx.msk $0xffff, v1  }
.LBB2_9:
0x4ad: {  	_ =	sfence.sel $0x180000  }
0x4ae: {  	[bflag:$0x0] =	sbarrier.arrive $0xFFFF  }
0x4af: {  	p0 =	sne.s32 s1, $0x0;
	_ =	strace $0x90000047  }
0x4b0: {  	s0 =	sadd.s32 @!p0 $0x100000, s0;
	[bflag:$0x2] =	sbarrier.arrive $0xFFFF  }
0x4b1: {  	[sflag:s0] =	ssyncadd.tile.s32 @!p0 $0x1;
	_ =	shalt  }
.Lfunc_end2:
_tile_overlayer_lowered:
.L_overlay_start_2:
0x4b2: {  	(tag) =	ssettag $0x2  }
0x4b3: {  	s0 =	rddreg [dreg:$0x0];
	s2 =	stileid.u32  }
0x4b4: {  	s1 =	rddreg [dreg:$0x1];
	p0 =	sne.s32 s2, $0x0  }
0x4b5: {  	s3 =	rddreg [dreg:$0x2];
	[bflag:$0x3] =	sbarrier.arrive $0xFFFF;
	s2 =	simm.s32 @!p0 $0x1C03  }
0x4b6: {  	[timem:s3], [sflag:s2] =	dma.local @!p0 [hbm:s0], s1  }
0x4b7: {  	s0 =	simm.s32 @!p0 $0x3  }
0x4b8: {  	_ =	swait.ge @!p0 [sflag:s0], s1  }
0x4b9: {  	s1 =	ssub.s32 @!p0 $0x0, s1;
	[sflag:s0] =	ssyncset.done @!p0 $0x0  }
0x4ba: {  	[sflag:s0] =	ssyncadd.s32 @!p0 s1  }
0x4bb: {  	[bflag:$0x3] =	sbarrier.arrive $0xFFFF  }
0x4bc: {  	_ =	shalt  }

// kernel: kernel.9.cloned.1.call-start
scs
__scs_entry_jumppad:
0x0: {  	(pc) =	sbr.rel $0x88, $3  }
0x1: {  	(tag) =	ssettag $0x0;
	lr =	simm.s32 $0x1  }
0x2: {  	[smem:$0x3F9D] =	sst lr;
	_ =	strace $0xD0000000  }
0x3: {  	_ = 	snop  }
0x4: {  	_ = 	snop  }
0x5: {  	_ = 	snop  }
0x6: {  	_ = 	snop  }
0x7: {  	_ = 	snop  }
__scs_overlays_trampoline_lowered:
0x8: {  	[smem:$0x3FAC] =	sst s0  }
0x9: {  	[smem:$0x3FAD] =	sst s1  }
0xa: {  	[smem:$0x3FAE] =	sst s2  }
0xb: {  	[smem:$0x3FAF] =	sst s3  }
0xc: {  	[smem:$0x3FB0] =	sst s4  }
0xd: {  	[smem:$0x3FB1] =	sst s5  }
0xe: {  	[smem:$0x3FB2] =	sst s6  }
0xf: {  	[smem:$0x3FB3] =	sst s7  }
0x10: {  	[smem:$0x3FB4] =	sst s8  }
0x11: {  	[smem:$0x3FB5] =	sst s9;
	s0 =	simm.s32 @!p0 $0x0  }
0x12: {  	s1 =	sld [smem:$0x3F9B];
	s0 =	simm.s32 @p0 $0x1  }
0x13: {  	[smem:$0x3FB6] =	sst s0;
	s0 =	simm.s32 @!p1 $0x0  }
0x14: {  	s2 =	sld [smem:$0x3F9A];
	s0 =	simm.s32 @p1 $0x1  }
0x15: {  	[smem:$0x3FB7] =	sst s0;
	s0 =	simm.s32 @!p2 $0x0  }
0x16: {  	s3 =	sld [smem:$0x3FDB];
	s0 =	simm.s32 @p2 $0x1  }
0x17: {  	s4 =	simm.s32 $0x1BF5;
	[smem:$0x3FB9] =	sst s0  }
0x18: {  	s0 =	sld [smem:$0x3F9C];
	_ =	swait.ge [sflag:s4], $0x0  }
0x19: {  	s7 =	sld [smem:$0x3F9D]  }
0x1a: {  	s8 =	sadd.s32 $0xFFFFE003, lr  }
0x1b: {  	s9 =	sadd.s32 $0xFFFFFEF7, lr;
	s5 =	simm.s32 $0xFFFFFFFF;
	p2 =	slt.u32 s8, $0xFFFFF086  }
0x1c: {  	p1 =	slt.u32 s9, $0xF7A;
	s5 =	simm.s32 @!p2 $0x0  }
0x1d: {  	s5 =	simm.s32 @p1 $0x1;
	p0 =	seq.s32 s7, s2  }
0x1e: {  	s7 =	smul.u32 @!p0 $0xF7A, s2;
	p2 =	seq.s32 @!p0 s5, $0x0  }
0x1f: {  	s9 =	smul.u32 $0xF7A, s1;
	s8 =	simm.s32 @!p0 $0x1BF5;
	p2 =	por !p2, p0  }
0x20: {  	[sflag:s8] =	ssyncset.s32 @!p0 $0xFFFFF086;
	s6 =	sadd.s32 @!p0 s3, s7;
	s7 =	simm.s32 @!p0 $0x108  }
0x21: {  	s3 =	sadd.s32 s3, s9;
	s6 =	sadd.s32 @!p0 $0x88, s6;
	s7 =	simm.s32 @p2 $0x1082  }
0x22: {  	[simem:s7], [sflag:s8] =	dma.local @!p0 [hbm:s6], $0xF7A  }
0x23: {  	s9 =	sor.u32 $0xD0000000, s2;
	s6 =	simm.s32 $0x108;
	_ =	swait.ge @!p0 [sflag:s8], $0x0  }
0x24: {  	s3 =	sadd.s32 $0x88, s3;
	s6 =	simm.s32 @!p1 $0x1082;
	[sflag:s4] =	ssyncset.s32 $0xFFFFF086  }
0x25: {  	[simem:s6], [sflag:s4] =	dma.local [hbm:s3], $0xF7A  }
0x26: {  	[smem:$0x3F9D] =	sst s1;
	(tag) =	ssettag s2;
	_ =	strace s9  }
0x27: {  	s1 =	sld [smem:$0x3FAD]  }
0x28: {  	s2 =	sld [smem:$0x3FAE]  }
0x29: {  	s4 =	sld [smem:$0x3FB0]  }
0x2a: {  	p0 =	seq.s32 s5, $0x0;
	s5 =	sld [smem:$0x3FB1]  }
0x2b: {  	s6 =	sld [smem:$0x3FB2]  }
0x2c: {  	s7 =	sld [smem:$0x3FB3]  }
0x2d: {  	s3 =	simm.s32 $0x108;
	s8 =	sld [smem:$0x3FB4]  }
0x2e: {  	s3 =	simm.s32 @!p0 $0x1082;
	s9 =	sld [smem:$0x3FB5]  }
0x2f: {  	lr =	sadd.s32 s0, s3;
	s0 =	sld [smem:$0x3FAC]  }
0x30: {  	s3 =	sld [smem:$0x3FAF]  }
0x31: {  	[smem:$0x3FB8] =	sst s10  }
0x32: {  	s10 =	sld [smem:$0x3FB6];
	_ =	sdelay $0x3  }
0x33: {  	p0 =	seq.s32 s10, $0x1;
	s10 =	sld [smem:$0x3FB8];
	_ =	sdelay $0x3  }
0x34: {  	[smem:$0x3FB8] =	sst s10  }
0x35: {  	s10 =	sld [smem:$0x3FB7];
	_ =	sdelay $0x3  }
0x36: {  	p1 =	seq.s32 s10, $0x1;
	s10 =	sld [smem:$0x3FB8];
	_ =	sdelay $0x3  }
0x37: {  	[smem:$0x3FB8] =	sst s10  }
0x38: {  	s10 =	sld [smem:$0x3FB9]  }
0x39: {  	_ = 	snop;
	(pc) =	sbr.ind lr, $3  }
0x3a: {  	_ = 	snop  }
0x3b: {  	_ = 	snop  }
0x3c: {  	p2 =	seq.s32 s10, $0x1;
	s10 =	sld [smem:$0x3FB8]  }
0x3d: {  	_ =	shalt  }
0x3e: {  	_ =	shalt  }
0x3f: {  	_ =	shalt  }
0x40: {  	_ =	shalt  }
0x41: {  	_ =	shalt  }
0x42: {  	_ =	shalt  }
0x43: {  	_ =	shalt  }
0x44: {  	_ =	shalt  }
0x45: {  	_ =	shalt  }
0x46: {  	_ =	shalt  }
0x47: {  	_ =	shalt  }
0x48: {  	_ =	shalt  }
0x49: {  	_ =	shalt  }
0x4a: {  	_ =	shalt  }
0x4b: {  	_ =	shalt  }
0x4c: {  	_ =	shalt  }
0x4d: {  	_ =	shalt  }
0x4e: {  	_ =	shalt  }
0x4f: {  	_ =	shalt  }
0x50: {  	_ =	shalt  }
0x51: {  	_ =	shalt  }
0x52: {  	_ =	shalt  }
0x53: {  	_ =	shalt  }
0x54: {  	_ =	shalt  }
0x55: {  	_ =	shalt  }
0x56: {  	_ =	shalt  }
0x57: {  	_ =	shalt  }
0x58: {  	_ =	shalt  }
0x59: {  	_ =	shalt  }
0x5a: {  	_ =	shalt  }
0x5b: {  	_ =	shalt  }
0x5c: {  	_ =	shalt  }
0x5d: {  	_ =	shalt  }
0x5e: {  	_ =	shalt  }
0x5f: {  	_ =	shalt  }
0x60: {  	_ =	shalt  }
0x61: {  	_ =	shalt  }
0x62: {  	_ =	shalt  }
0x63: {  	_ =	shalt  }
0x64: {  	_ =	shalt  }
0x65: {  	_ =	shalt  }
0x66: {  	_ =	shalt  }
0x67: {  	_ =	shalt  }
0x68: {  	_ =	shalt  }
0x69: {  	_ =	shalt  }
0x6a: {  	_ =	shalt  }
0x6b: {  	_ =	shalt  }
0x6c: {  	_ =	shalt  }
0x6d: {  	_ =	shalt  }
0x6e: {  	_ =	shalt  }
0x6f: {  	_ =	shalt  }
0x70: {  	_ =	shalt  }
0x71: {  	_ =	shalt  }
0x72: {  	_ =	shalt  }
0x73: {  	_ =	shalt  }
0x74: {  	_ =	shalt  }
0x75: {  	_ =	shalt  }
0x76: {  	_ =	shalt  }
0x77: {  	_ =	shalt  }
0x78: {  	_ =	shalt  }
0x79: {  	_ =	shalt  }
0x7a: {  	_ =	shalt  }
0x7b: {  	_ =	shalt  }
0x7c: {  	_ =	shalt  }
0x7d: {  	_ =	shalt  }
0x7e: {  	_ =	shalt  }
0x7f: {  	_ =	shalt  }
0x80: {  	_ =	shalt  }
0x81: {  	_ =	shalt  }
0x82: {  	_ =	shalt  }
0x83: {  	_ =	shalt  }
0x84: {  	_ =	shalt  }
0x85: {  	_ =	shalt  }
0x86: {  	_ =	shalt  }
0x87: {  	_ =	shalt  }
.Lfunc_end0:
.L_simem_size_0:
called_computation.1_lowered:
.L_overlay_start_0:
0x88: {  	s2 =	sld [smem:$0x3FD9]  }
0x89: {  	s3 =	sld [smem:$0x3FFE];
	_ =	sdelay $0x1  }
0x8a: {  	s1 =	srdreg.scid  }
0x8b: {  	s0 =	sand.u32 $0x1, s1  }
0x8c: {  	s17 =	sshll.u32 s0, $0xA;
	s2 =	sadd.s32 s3, s2  }
0x8d: {  	s2 =	sadd.s32 s2, s17  }
0x8e: {  	[smem:$0x3FC4] =	sst s2  }
0x8f: {  	_ = 	snop  }
0x90: {  	(tm) =	ssettm $0x1  }
0x91: {  	s18 =	sld [smem:$0x3FFB];
	_ =	sdelay $0x3  }
0x92: {  	_ =	strace s18  }
0x93: {  	s2 =	sld [smem:$0x3FFC];
	_ =	sdelay $0x3  }
0x94: {  	_ =	strace s2  }
0x95: {  	s2 =	sld [smem:$0x3FFD];
	_ =	sdelay $0x3  }
0x96: {  	_ =	strace s2  }
0x97: {  	_ =	strace $0x8FFFFFFF  }
0x98: {  	s19 =	sld [smem:$0x3FDB];
	_ =	sdelay $0x1  }
0x99: {  	s20 =	simm.s32 $_scs_section_size  }
0x9a: {  	s4 =	simm.s32 $_size__tile_overlayer_lowered;
	s5 =	simm.s32 $_tile_overlayer_lowered  }
0x9b: {  	s6 =	simm.s32 $0x1BFF;
	s21 =	sshll.u32 s5, $0x1;
	s3 =	sadd.s32 s20, s19  }
0x9c: {  	s22 =	simm.s32 $0x0;
	s4 =	sshll.u32 s4, $0x1;
	s5 =	sadd.s32 s21, s3  }
0x9d: {  	[timem:s22], [sflag:s6] =	dma.local [hbm:s5], s4  }
0x9e: {  	_ =	swait.ge [sflag:s6], s4  }
0x9f: {  	s4 =	ssub.s32 $0x0, s4;
	[sflag:s6] =	ssyncset.done $0x0  }
0xa0: {  	[sflag:s6] =	ssyncadd.s32 s4;
	_ =	sdelay $0x1  }
0xa1: {  	s23 =	simm.s32 $0x1B8B  }
0xa2: {  	_ =	swait.ge [sflag:s23], $0x1  }
0xa3: {  	[sflag:s23] =	ssyncset.done $0x0  }
0xa4: {  	[sflag:s23] =	ssyncadd.s32 $0xFFFFFFFF  }
0xa5: {  	s4 =	sld [smem:$0x0]  }
0xa6: {  	s5 =	sand.u32 $0xFFFFFFFE, s1  }
0xa7: {  	p0 =	sne.s32 s1, s5  }
0xa8: {  	s5 =	sshll.u32 @p0 s5, $0xE  }
0xa9: {  	s5 =	sadd.s32 @p0 $0x11B8D, s5;
	s6 =	sshll.u32 @p0 s4, $0x11  }
0xaa: {  	s5 =	sor.u32 @p0 s6, s5  }
0xab: {  	[sflag:s5] =	ssyncadd.remote.s32 @p0 $0x1;
	_ =	sdelay $0x1  }
0xac: {  	s5 =	simm.s32 @p0 $0x1B8D  }
0xad: {  	_ =	swait.eq @p0 [sflag:s5], $0x1  }
0xae: {  	[sflag:s5] =	ssyncadd.s32 @p0 $0xFFFFFFFF  }
0xaf: {  	s6 =	sshll.u32 @!p0 s1, $0xE  }
0xb0: {  	s6 =	sor.u32 @!p0 $0x4000, s6;
	s5 =	simm.s32 @!p0 $0x1B8D  }
0xb1: {  	s4 =	sshll.u32 @!p0 s4, $0x11;
	s6 =	sadd.s32 @!p0 $0x11B8D, s6;
	_ =	swait.eq @!p0 [sflag:s5], $0x1  }
0xb2: {  	s4 =	sor.u32 @!p0 s4, s6;
	[sflag:s5] =	ssyncadd.s32 @!p0 $0xFFFFFFFF  }
0xb3: {  	s25 =	simm.s32 $0x1B8E;
	s24 =	sld [smem:$0x3FFE];
	[sflag:s4] =	ssyncadd.remote.s32 @!p0 $0x1  }
0xb4: {  	s26 =	simm.s32 $execute0_lowered;
	[smem:$0x3FD2] =	sst s25  }
0xb5: {  	s5 =	sshll.u32 s26, $0x1;
	_ =	strace $0x80000049;
	[dreg:$0x1] =	wrdreg $0xFFFFFFFF  }
0xb6: {  	s28 =	simm.s32 $_size_execute0_lowered;
	s3 =	sadd.s32 s3, s5;
	[dreg:$0x0] =	wrdreg $0x0  }
0xb7: {  	s5 =	sshll.u32 s28, $0x1;
	[dreg:$0x2] =	wrdreg s3  }
0xb8: {  	[dreg:$0x3] =	wrdreg s5  }
0xb9: {  	[dreg:$0x4] =	wrdreg $0xC0  }
0xba: {  	_ =	task [dreg:s22], $0x5FFFF  }
0xbb: {  	[dreg:$0x1] =	wrdreg $0xFFFFFFFF  }
0xbc: {  	[dreg:$0x0] =	wrdreg $0x60  }
0xbd: {  	[dreg:$0x2] =	wrdreg s24  }
0xbe: {  	[dreg:$0x3] =	wrdreg $0xA  }
0xbf: {  	_ =	task.clear_ibuf [dreg:s22], $0x4FFFF;
	_ =	strace $0x90000049  }
0xc0: {  	s29 =	simm.s32 $0xA;
	_ =	strace $0x8000004B  }
0xc1: {  	_ =	swait.ge [sflag:s29], $0x1  }
0xc2: {  	[sflag:s29] =	ssyncadd.s32 $0xFFFFFFFF  }
0xc3: {  	_ =	strace $0x9000004B  }
0xc4: {  	_ =	sfence  }
0xc5: {  	s30 =	sld [smem:$0x0];
	_ =	sdelay $0x2  }
0xc6: {  	s31 =	sshll.u32 s1, $0xD;
	s1 =	sshrl.u32 s1, $0x2  }
0xc7: {  	s4 =	sand.u32 $0x4000, s31;
	s1 =	sadd.s32 s1, s30  }
0xc8: {  	s0 =	sor.u32 s4, s0;
	s1 =	sshll.u32 s1, $0x11  }
0xc9: {  	s0 =	sor.u32 s1, s0  }
0xca: {  	s0 =	sadd.s32 $0x8F2B, s0  }
0xcb: {  	[sflag:s0] =	ssyncadd.remote.s32 $0x1  }
0xcc: {  	_ =	sfence.sel $0xFFFF  }
0xcd: {  	[dreg:$0x0] =	wrdreg $0xFFFFFFFF;
	(pc) =	sbr.abs _section_cstart, $3  }
0xce: {  	[dreg:$0x1] =	wrdreg $0xFFFFFFFF  }
0xcf: {  	_ =	task.clear_ibuf [dreg:s22], $0x2FFFF;
	_ =	strace $0x9FFFFFFF  }
0xd0: {  	(tm) =	ssettm $0x7FFFFFFF  }
0xd1: {  	_ =	shalt  }
tec
execute0_lowered:
.L_overlay_start_1:
0x0: {  	(tag) =	ssettag $0x1  }
0x1: {  	s1 =	srdreg.scid  }
0x2: {  	s0 =	stileid.u32;
	s4 =	rddreg [dreg:$0x0];
	s2 =	simm.s32 $0x0  }
0x3: {  	s10 =	simm.s32 $0xC800;
	s11 =	simm.s32 $0x1;
	s12 =	simm.s32 $0x2  }
0x4: {  	s13 =	simm.s32 $0x0;
	s3 =	sand.u32 $0x1, s1;
	s29 =	sshll.u32 s0, $0x1  }
0x5: {  	s6 =	smul.u32 $0x180000, s0;
	[smem:$0x7FF] =	sst s2;
	s30 =	sadd.s32 $0x114C00, s4  }
0x6: {  	s1 =	sor.u32 s3, s29;
	s7 =	smul.u32 $0xC0000, s3;
	s8 =	ssub.s32 $0x2, s3  }
0x7: {  	s3 =	sadd.s32 $0x1C00, s4;
	s5 =	smul.u32 $0x900, s1;
	s1 =	rddreg [dreg:$0x1]  }
.Ltmp0:
0x8: {  	_ =	strace $0x8000004A;
	s9 =	sshrl.u32 s8, $0x1;
	(pc) =	sbr.rel .LBB2_1-.Ltmp0, $4  }
0x9: {  	s6 =	sadd.s32 s7, s6;
	s8 =	ssub.s32 s8, s9;
	s5 =	sadd.s32 s5, s4  }
0xa: {  	s31 =	sor.u32 $0x8000, s6;
	s6 =	sshrl.u32 s6, $0x3;
	s4 =	sadd.s32 $0x102C00, s5  }
0xb: {  	s9 =	sshrl.u32 s31, $0x3;
	s5 =	smax.u32 s8, $0x1;
	s6 =	sadd.s32 s6, s30  }
0xc: {  	v0 =	vimm.f32 $1.000000000e+00;
	v1 =	vimm.f32 $0.0e+00;
	s8 =	simm.s32 $0x3;
	s7 =	sadd.s32 s9, s30;
	s9 =	simm.s32 $0x4800  }
.LBB2_8:
0xd: {  	s13 =	sadd.s32 $0x1, s13  }
0xe: {  	_ =	swait.ge [sflag:s11], $0x8000;
	p0 =	sne.s32 s13, s5  }
.Ltmp1:
0xf: {  	[sflag:s11] =	ssyncset.done $0x0;
	(pc) =	sbr.rel @!p0 .LBB2_9-.Ltmp1, $4  }
0x10: {  	[sflag:s11] =	ssyncadd.s32 $0xFFFF8000  }
0x11: {  	_ =	swait.ge [sflag:s12], $0x8000  }
0x12: {  	[sflag:s12] =	ssyncset.done $0x0  }
0x13: {  	[sflag:s12] =	ssyncadd.s32 $0xFFFF8000  }
.LBB2_1:
0x14: {  	[tilespmem:s2], [sflag:$0x3] =	stream.linear.gather [hbm4b:s4+s2], $0x4800, $0x38;
	[tilespmem:$0x14800] =	vst v63  }
0x15: {  	_ =	swait.ge [sflag:s8], $0x4800  }
0x16: {  	[sflag:s8] =	ssyncset.done $0x0  }
0x17: {  	[sflag:s8] =	ssyncadd.s32 $0xFFFFB800  }
0x18: {  	[tilespmem:s9], [sflag:$0x3] =	stream.linear.gather [hbm4b:s3+s2], $0x8000, $0x38;
	[tilespmem:$0x14800] =	vst v63  }
0x19: {  	_ =	swait.ge [sflag:s8], $0x8000  }
0x1a: {  	[sflag:s8] =	ssyncset.done $0x0  }
.Ltmp2:
0x1b: {  	[sflag:s8] =	ssyncadd.s32 $0xFFFF8000;
	(pc) =	sbr.rel .LBB2_2-.Ltmp2, $4  }
0x1c: {  	[tilespmem:s10], [sflag:$0x3] =	stream.linear.gather [hbm4b:s3+s2], $0x8000, $0x38;
	[tilespmem:$0x14800] =	vst v63  }
0x1d: {  	_ =	swait.ge [sflag:s8], $0x8000  }
0x1e: {  	s14 =	smov.u32 s7;
	[sflag:s8] =	ssyncset.done $0x0  }
0x1f: {  	s15 =	smov.u32 s6;
	s16 =	simm.s32 $0x0;
	[sflag:s8] =	ssyncadd.s32 $0xFFFF8000  }
.LBB2_7:
0x20: {  	s17 =	sshra.s32 s16, $0x2  }
0x21: {  	v2 =	vld [tilespmem:s17+$0x300];
	_ =	sdelay $0x4  }
0x22: {  	v3 =	vshll.u32 v2, $0x3  }
0x23: {  	v2 =	vand.u32 $0x7F, v2;
	v3 =	vand.u32 $0xFFFFFC00, v3  }
0x24: {  	v2 =	vor.u32 v2, v3;
	_ =	sdelay $0x4  }
0x25: {  	[tilespmem:v2+s10+$0x0] =	vst.idx.msk $0xffff, v0  }
0x26: {  	v2 =	vld [tilespmem:s17+$0x310];
	_ =	sdelay $0x4  }
0x27: {  	v3 =	vshll.u32 v2, $0x3  }
0x28: {  	v2 =	vand.u32 $0x7F, v2;
	v3 =	vand.u32 $0xFFFFFC00, v3  }
0x29: {  	v2 =	vor.u32 v2, v3;
	_ =	sdelay $0x4  }
0x2a: {  	[tilespmem:v2+s10+$0x0] =	vst.idx.msk $0xffff, v0  }
0x2b: {  	v2 =	vld [tilespmem:s17+$0x320];
	_ =	sdelay $0x4  }
0x2c: {  	v3 =	vshll.u32 v2, $0x3  }
0x2d: {  	v2 =	vand.u32 $0x7F, v2;
	v3 =	vand.u32 $0xFFFFFC00, v3  }
0x2e: {  	v2 =	vor.u32 v2, v3;
	_ =	sdelay $0x4  }
0x2f: {  	[tilespmem:v2+s10+$0x0] =	vst.idx.msk $0xffff, v0  }
0x30: {  	v2 =	vld [tilespmem:s17+$0x330];
	_ =	sdelay $0x4  }
0x31: {  	v3 =	vshll.u32 v2, $0x3  }
0x32: {  	v2 =	vand.u32 $0x7F, v2;
	v3 =	vand.u32 $0xFFFFFC00, v3  }
0x33: {  	v2 =	vor.u32 v3, v2  }
0x34: {  	v2 =	vor.u32 $0x80, v2;
	_ =	sdelay $0x4  }
0x35: {  	[tilespmem:v2+s10+$0x0] =	vst.idx.msk $0xffff, v0  }
0x36: {  	v2 =	vld [tilespmem:s17+$0x340];
	_ =	sdelay $0x4  }
0x37: {  	v3 =	vshll.u32 v2, $0x3  }
0x38: {  	v2 =	vand.u32 $0x7F, v2;
	v3 =	vand.u32 $0xFFFFFC00, v3  }
0x39: {  	v2 =	vor.u32 v3, v2  }
0x3a: {  	v2 =	vor.u32 $0x80, v2;
	_ =	sdelay $0x4  }
0x3b: {  	[tilespmem:v2+s10+$0x0] =	vst.idx.msk $0xffff, v0  }
0x3c: {  	v2 =	vld [tilespmem:s17+$0x350];
	_ =	sdelay $0x4  }
0x3d: {  	v3 =	vshll.u32 v2, $0x3  }
0x3e: {  	v2 =	vand.u32 $0x7F, v2;
	v3 =	vand.u32 $0xFFFFFC00, v3  }
0x3f: {  	v2 =	vor.u32 v3, v2  }
0x40: {  	v2 =	vor.u32 $0x80, v2;
	_ =	sdelay $0x4  }
0x41: {  	[tilespmem:v2+s10+$0x0] =	vst.idx.msk $0xffff, v0  }
0x42: {  	v2 =	vld [tilespmem:s17+$0x360];
	_ =	sdelay $0x4  }
0x43: {  	v3 =	vshll.u32 v2, $0x3  }
0x44: {  	v2 =	vand.u32 $0x7F, v2;
	v3 =	vand.u32 $0xFFFFFC00, v3  }
0x45: {  	v2 =	vor.u32 v3, v2  }
0x46: {  	v2 =	vor.u32 $0x100, v2;
	_ =	sdelay $0x4  }
0x47: {  	[tilespmem:v2+s10+$0x0] =	vst.idx.msk $0xffff, v0  }
0x48: {  	v2 =	vld [tilespmem:s17+$0x370];
	_ =	sdelay $0x4  }
0x49: {  	v3 =	vshll.u32 v2, $0x3  }
0x4a: {  	v2 =	vand.u32 $0x7F, v2;
	v3 =	vand.u32 $0xFFFFFC00, v3  }
0x4b: {  	v2 =	vor.u32 v3, v2  }
0x4c: {  	v2 =	vor.u32 $0x100, v2;
	_ =	sdelay $0x4  }
0x4d: {  	[tilespmem:v2+s10+$0x0] =	vst.idx.msk $0xffff, v0  }
0x4e: {  	v2 =	vld [tilespmem:s17+$0x380];
	_ =	sdelay $0x4  }
0x4f: {  	v3 =	vshll.u32 v2, $0x3  }
0x50: {  	v2 =	vand.u32 $0x7F, v2;
	v3 =	vand.u32 $0xFFFFFC00, v3  }
0x51: {  	v2 =	vor.u32 v3, v2  }
0x52: {  	v2 =	vor.u32 $0x100, v2;
	_ =	sdelay $0x4  }
0x53: {  	[tilespmem:v2+s10+$0x0] =	vst.idx.msk $0xffff, v0  }
0x54: {  	v2 =	vld [tilespmem:s17+$0x390];
	_ =	sdelay $0x4  }
0x55: {  	v3 =	vshll.u32 v2, $0x3  }
0x56: {  	v2 =	vand.u32 $0x7F, v2;
	v3 =	vand.u32 $0xFFFFFC00, v3  }
0x57: {  	v2 =	vor.u32 v3, v2  }
0x58: {  	v2 =	vor.u32 $0x180, v2;
	_ =	sdelay $0x4  }
0x59: {  	[tilespmem:v2+s10+$0x0] =	vst.idx.msk $0xffff, v0  }
0x5a: {  	v2 =	vld [tilespmem:s17+$0x3A0];
	_ =	sdelay $0x4  }
0x5b: {  	v3 =	vshll.u32 v2, $0x3  }
0x5c: {  	v2 =	vand.u32 $0x7F, v2;
	v3 =	vand.u32 $0xFFFFFC00, v3  }
0x5d: {  	v2 =	vor.u32 v3, v2  }
0x5e: {  	v2 =	vor.u32 $0x180, v2;
	_ =	sdelay $0x4  }
0x5f: {  	[tilespmem:v2+s10+$0x0] =	vst.idx.msk $0xffff, v0  }
0x60: {  	v2 =	vld [tilespmem:s17+$0x3B0];
	_ =	sdelay $0x4  }
0x61: {  	v3 =	vshll.u32 v2, $0x3  }
0x62: {  	v2 =	vand.u32 $0x7F, v2;
	v3 =	vand.u32 $0xFFFFFC00, v3  }
0x63: {  	v2 =	vor.u32 v3, v2  }
0x64: {  	v2 =	vor.u32 $0x180, v2;
	_ =	sdelay $0x4  }
0x65: {  	[tilespmem:v2+s10+$0x0] =	vst.idx.msk $0xffff, v0  }
0x66: {  	v2 =	vld [tilespmem:s17+$0x3C0];
	_ =	sdelay $0x4  }
0x67: {  	v3 =	vshll.u32 v2, $0x3  }
0x68: {  	v2 =	vand.u32 $0x7F, v2;
	v3 =	vand.u32 $0xFFFFFC00, v3  }
0x69: {  	v2 =	vor.u32 v3, v2  }
0x6a: {  	v2 =	vor.u32 $0x200, v2;
	_ =	sdelay $0x4  }
0x6b: {  	[tilespmem:v2+s10+$0x0] =	vst.idx.msk $0xffff, v0  }
0x6c: {  	v2 =	vld [tilespmem:s17+$0x3D0];
	_ =	sdelay $0x4  }
0x6d: {  	v3 =	vshll.u32 v2, $0x3  }
0x6e: {  	v2 =	vand.u32 $0x7F, v2;
	v3 =	vand.u32 $0xFFFFFC00, v3  }
0x6f: {  	v2 =	vor.u32 v3, v2  }
0x70: {  	v2 =	vor.u32 $0x200, v2;
	_ =	sdelay $0x4  }
0x71: {  	[tilespmem:v2+s10+$0x0] =	vst.idx.msk $0xffff, v0  }
0x72: {  	v2 =	vld [tilespmem:s17+$0x3E0];
	_ =	sdelay $0x4  }
0x73: {  	v3 =	vshll.u32 v2, $0x3  }
0x74: {  	v2 =	vand.u32 $0x7F, v2;
	v3 =	vand.u32 $0xFFFFFC00, v3  }
0x75: {  	v2 =	vor.u32 v3, v2  }
0x76: {  	v2 =	vor.u32 $0x200, v2;
	_ =	sdelay $0x4  }
0x77: {  	[tilespmem:v2+s10+$0x0] =	vst.idx.msk $0xffff, v0  }
0x78: {  	v2 =	vld [tilespmem:s17+$0x3F0];
	_ =	sdelay $0x4  }
0x79: {  	v3 =	vshll.u32 v2, $0x3  }
0x7a: {  	v2 =	vand.u32 $0x7F, v2;
	v3 =	vand.u32 $0xFFFFFC00, v3  }
0x7b: {  	v2 =	vor.u32 v3, v2  }
0x7c: {  	v2 =	vor.u32 $0x280, v2;
	_ =	sdelay $0x4  }
0x7d: {  	[tilespmem:v2+s10+$0x0] =	vst.idx.msk $0xffff, v0  }
0x7e: {  	v2 =	vld [tilespmem:s17+$0x400];
	_ =	sdelay $0x4  }
0x7f: {  	v3 =	vshll.u32 v2, $0x3  }
0x80: {  	v2 =	vand.u32 $0x7F, v2;
	v3 =	vand.u32 $0xFFFFFC00, v3  }
0x81: {  	v2 =	vor.u32 v3, v2  }
0x82: {  	v2 =	vor.u32 $0x280, v2;
	_ =	sdelay $0x4  }
0x83: {  	[tilespmem:v2+s10+$0x0] =	vst.idx.msk $0xffff, v0  }
0x84: {  	v2 =	vld [tilespmem:s17+$0x410];
	_ =	sdelay $0x4  }
0x85: {  	v3 =	vshll.u32 v2, $0x3  }
0x86: {  	v2 =	vand.u32 $0x7F, v2;
	v3 =	vand.u32 $0xFFFFFC00, v3  }
0x87: {  	v2 =	vor.u32 v3, v2  }
0x88: {  	v2 =	vor.u32 $0x280, v2;
	_ =	sdelay $0x4  }
0x89: {  	[tilespmem:v2+s10+$0x0] =	vst.idx.msk $0xffff, v0  }
0x8a: {  	v2 =	vld [tilespmem:s17+$0x420];
	_ =	sdelay $0x4  }
0x8b: {  	v3 =	vshll.u32 v2, $0x3  }
0x8c: {  	v2 =	vand.u32 $0x7F, v2;
	v3 =	vand.u32 $0xFFFFFC00, v3  }
0x8d: {  	v2 =	vor.u32 v3, v2  }
0x8e: {  	v2 =	vor.u32 $0x300, v2;
	_ =	sdelay $0x4  }
0x8f: {  	[tilespmem:v2+s10+$0x0] =	vst.idx.msk $0xffff, v0  }
0x90: {  	v2 =	vld [tilespmem:s17+$0x430];
	_ =	sdelay $0x4  }
0x91: {  	v3 =	vshll.u32 v2, $0x3  }
0x92: {  	v2 =	vand.u32 $0x7F, v2;
	v3 =	vand.u32 $0xFFFFFC00, v3  }
0x93: {  	v2 =	vor.u32 v3, v2  }
0x94: {  	v2 =	vor.u32 $0x300, v2;
	_ =	sdelay $0x4  }
0x95: {  	[tilespmem:v2+s10+$0x0] =	vst.idx.msk $0xffff, v0  }
0x96: {  	v2 =	vld [tilespmem:s17+$0x440];
	_ =	sdelay $0x4  }
0x97: {  	v3 =	vshll.u32 v2, $0x3  }
0x98: {  	v2 =	vand.u32 $0x7F, v2;
	v3 =	vand.u32 $0xFFFFFC00, v3  }
0x99: {  	v2 =	vor.u32 v3, v2  }
0x9a: {  	v2 =	vor.u32 $0x300, v2;
	_ =	sdelay $0x4  }
0x9b: {  	[tilespmem:v2+s10+$0x0] =	vst.idx.msk $0xffff, v0  }
0x9c: {  	v2 =	vld [tilespmem:s17+$0x450];
	_ =	sdelay $0x4  }
0x9d: {  	v3 =	vshll.u32 v2, $0x3  }
0x9e: {  	v2 =	vand.u32 $0x7F, v2;
	v3 =	vand.u32 $0xFFFFFC00, v3  }
0x9f: {  	v2 =	vor.u32 v3, v2  }
0xa0: {  	v2 =	vor.u32 $0x380, v2;
	_ =	sdelay $0x4  }
0xa1: {  	[tilespmem:v2+s10+$0x0] =	vst.idx.msk $0xffff, v0  }
0xa2: {  	v2 =	vld [tilespmem:s17+$0x460];
	_ =	sdelay $0x4  }
0xa3: {  	v3 =	vshll.u32 v2, $0x3  }
0xa4: {  	v2 =	vand.u32 $0x7F, v2;
	v3 =	vand.u32 $0xFFFFFC00, v3  }
0xa5: {  	v2 =	vor.u32 v3, v2  }
0xa6: {  	v2 =	vor.u32 $0x380, v2;
	_ =	sdelay $0x4  }
0xa7: {  	[tilespmem:v2+s10+$0x0] =	vst.idx.msk $0xffff, v0  }
0xa8: {  	v2 =	vld [tilespmem:s17+$0x470];
	_ =	sdelay $0x4  }
0xa9: {  	v3 =	vshll.u32 v2, $0x3  }
0xaa: {  	v2 =	vand.u32 $0x7F, v2;
	v3 =	vand.u32 $0xFFFFFC00, v3  }
0xab: {  	v2 =	vor.u32 v3, v2  }
0xac: {  	v2 =	vor.u32 $0x380, v2;
	_ =	sdelay $0x4  }
0xad: {  	[tilespmem:v2+s10+$0x0] =	vst.idx.msk $0xffff, v0  }
0xae: {  	v2 =	vld [tilespmem:s17+$0x480];
	_ =	sdelay $0x4  }
0xaf: {  	v3 =	vshll.u32 v2, $0x3  }
0xb0: {  	v2 =	vand.u32 $0x7F, v2;
	v3 =	vand.u32 $0xFFFFFC00, v3  }
0xb1: {  	v2 =	vor.u32 v2, v3  }
0xb2: {  	v2 =	vadd.s32 $0x4000, v2;
	_ =	sdelay $0x4  }
0xb3: {  	[tilespmem:v2+s10+$0x0] =	vst.idx.msk $0xffff, v0  }
0xb4: {  	v2 =	vld [tilespmem:s17+$0x490];
	_ =	sdelay $0x4  }
0xb5: {  	v3 =	vshll.u32 v2, $0x3  }
0xb6: {  	v2 =	vand.u32 $0x7F, v2;
	v3 =	vand.u32 $0xFFFFFC00, v3  }
0xb7: {  	v2 =	vor.u32 v2, v3  }
0xb8: {  	v2 =	vadd.s32 $0x4000, v2;
	_ =	sdelay $0x4  }
0xb9: {  	[tilespmem:v2+s10+$0x0] =	vst.idx.msk $0xffff, v0  }
0xba: {  	v2 =	vld [tilespmem:s17+$0x4A0];
	_ =	sdelay $0x4  }
0xbb: {  	v3 =	vshll.u32 v2, $0x3  }
0xbc: {  	v2 =	vand.u32 $0x7F, v2;
	v3 =	vand.u32 $0xFFFFFC00, v3  }
0xbd: {  	v2 =	vor.u32 v2, v3  }
0xbe: {  	v2 =	vadd.s32 $0x4000, v2;
	_ =	sdelay $0x4  }
0xbf: {  	[tilespmem:v2+s10+$0x0] =	vst.idx.msk $0xffff, v0  }
0xc0: {  	v2 =	vld [tilespmem:s17+$0x4B0];
	_ =	sdelay $0x4  }
0xc1: {  	v3 =	vshll.u32 v2, $0x3  }
0xc2: {  	v2 =	vand.u32 $0x7F, v2;
	v3 =	vand.u32 $0xFFFFFC00, v3  }
0xc3: {  	v2 =	vor.u32 v2, v3  }
0xc4: {  	v2 =	vadd.s32 $0x4080, v2;
	_ =	sdelay $0x4  }
0xc5: {  	[tilespmem:v2+s10+$0x0] =	vst.idx.msk $0xffff, v0  }
0xc6: {  	v2 =	vld [tilespmem:s17+$0x4C0];
	_ =	sdelay $0x4  }
0xc7: {  	v3 =	vshll.u32 v2, $0x3  }
0xc8: {  	v2 =	vand.u32 $0x7F, v2;
	v3 =	vand.u32 $0xFFFFFC00, v3  }
0xc9: {  	v2 =	vor.u32 v2, v3  }
0xca: {  	v2 =	vadd.s32 $0x4080, v2;
	_ =	sdelay $0x4  }
0xcb: {  	[tilespmem:v2+s10+$0x0] =	vst.idx.msk $0xffff, v0  }
0xcc: {  	v2 =	vld [tilespmem:s17+$0x4D0];
	_ =	sdelay $0x4  }
0xcd: {  	v3 =	vshll.u32 v2, $0x3  }
0xce: {  	v2 =	vand.u32 $0x7F, v2;
	v3 =	vand.u32 $0xFFFFFC00, v3  }
0xcf: {  	v2 =	vor.u32 v2, v3  }
0xd0: {  	v2 =	vadd.s32 $0x4080, v2;
	_ =	sdelay $0x4  }
0xd1: {  	[tilespmem:v2+s10+$0x0] =	vst.idx.msk $0xffff, v0  }
0xd2: {  	v2 =	vld [tilespmem:s17+$0x4E0];
	_ =	sdelay $0x4  }
0xd3: {  	v3 =	vshll.u32 v2, $0x3  }
0xd4: {  	v2 =	vand.u32 $0x7F, v2;
	v3 =	vand.u32 $0xFFFFFC00, v3  }
0xd5: {  	v2 =	vor.u32 v2, v3  }
0xd6: {  	v2 =	vadd.s32 $0x4100, v2;
	_ =	sdelay $0x4  }
0xd7: {  	[tilespmem:v2+s10+$0x0] =	vst.idx.msk $0xffff, v0  }
0xd8: {  	v2 =	vld [tilespmem:s17+$0x4F0];
	_ =	sdelay $0x4  }
0xd9: {  	v3 =	vshll.u32 v2, $0x3  }
0xda: {  	v2 =	vand.u32 $0x7F, v2;
	v3 =	vand.u32 $0xFFFFFC00, v3  }
0xdb: {  	v2 =	vor.u32 v2, v3  }
0xdc: {  	v2 =	vadd.s32 $0x4100, v2;
	_ =	sdelay $0x4  }
0xdd: {  	[tilespmem:v2+s10+$0x0] =	vst.idx.msk $0xffff, v0  }
0xde: {  	v2 =	vld [tilespmem:s17+$0x500];
	_ =	sdelay $0x4  }
0xdf: {  	v3 =	vshll.u32 v2, $0x3  }
0xe0: {  	v2 =	vand.u32 $0x7F, v2;
	v3 =	vand.u32 $0xFFFFFC00, v3  }
0xe1: {  	v2 =	vor.u32 v2, v3  }
0xe2: {  	v2 =	vadd.s32 $0x4100, v2;
	_ =	sdelay $0x4  }
0xe3: {  	[tilespmem:v2+s10+$0x0] =	vst.idx.msk $0xffff, v0  }
0xe4: {  	v2 =	vld [tilespmem:s17+$0x510];
	_ =	sdelay $0x4  }
0xe5: {  	v3 =	vshll.u32 v2, $0x3  }
0xe6: {  	v2 =	vand.u32 $0x7F, v2;
	v3 =	vand.u32 $0xFFFFFC00, v3  }
0xe7: {  	v2 =	vor.u32 v2, v3  }
0xe8: {  	v2 =	vadd.s32 $0x4180, v2;
	_ =	sdelay $0x4  }
0xe9: {  	[tilespmem:v2+s10+$0x0] =	vst.idx.msk $0xffff, v0  }
0xea: {  	v2 =	vld [tilespmem:s17+$0x520];
	_ =	sdelay $0x4  }
0xeb: {  	v3 =	vshll.u32 v2, $0x3  }
0xec: {  	v2 =	vand.u32 $0x7F, v2;
	v3 =	vand.u32 $0xFFFFFC00, v3  }
0xed: {  	v2 =	vor.u32 v2, v3  }
0xee: {  	v2 =	vadd.s32 $0x4180, v2;
	_ =	sdelay $0x4  }
0xef: {  	[tilespmem:v2+s10+$0x0] =	vst.idx.msk $0xffff, v0  }
0xf0: {  	v2 =	vld [tilespmem:s17+$0x530];
	_ =	sdelay $0x4  }
0xf1: {  	v3 =	vshll.u32 v2, $0x3  }
0xf2: {  	v2 =	vand.u32 $0x7F, v2;
	v3 =	vand.u32 $0xFFFFFC00, v3  }
0xf3: {  	v2 =	vor.u32 v2, v3  }
0xf4: {  	v2 =	vadd.s32 $0x4180, v2;
	_ =	sdelay $0x4  }
0xf5: {  	[tilespmem:v2+s10+$0x0] =	vst.idx.msk $0xffff, v0  }
0xf6: {  	v2 =	vld [tilespmem:s17+$0x540];
	_ =	sdelay $0x4  }
0xf7: {  	v3 =	vshll.u32 v2, $0x3  }
0xf8: {  	v2 =	vand.u32 $0x7F, v2;
	v3 =	vand.u32 $0xFFFFFC00, v3  }
0xf9: {  	v2 =	vor.u32 v2, v3  }
0xfa: {  	v2 =	vadd.s32 $0x4200, v2;
	_ =	sdelay $0x4  }
0xfb: {  	[tilespmem:v2+s10+$0x0] =	vst.idx.msk $0xffff, v0  }
0xfc: {  	v2 =	vld [tilespmem:s17+$0x550];
	_ =	sdelay $0x4  }
0xfd: {  	v3 =	vshll.u32 v2, $0x3  }
0xfe: {  	v2 =	vand.u32 $0x7F, v2;
	v3 =	vand.u32 $0xFFFFFC00, v3  }
0xff: {  	v2 =	vor.u32 v2, v3  }
0x100: {  	v2 =	vadd.s32 $0x4200, v2;
	_ =	sdelay $0x4  }
0x101: {  	[tilespmem:v2+s10+$0x0] =	vst.idx.msk $0xffff, v0  }
0x102: {  	v2 =	vld [tilespmem:s17+$0x560];
	_ =	sdelay $0x4  }
0x103: {  	v3 =	vshll.u32 v2, $0x3  }
0x104: {  	v2 =	vand.u32 $0x7F, v2;
	v3 =	vand.u32 $0xFFFFFC00, v3  }
0x105: {  	v2 =	vor.u32 v2, v3  }
0x106: {  	v2 =	vadd.s32 $0x4200, v2;
	_ =	sdelay $0x4  }
0x107: {  	[tilespmem:v2+s10+$0x0] =	vst.idx.msk $0xffff, v0  }
0x108: {  	v2 =	vld [tilespmem:s17+$0x570];
	_ =	sdelay $0x4  }
0x109: {  	v3 =	vshll.u32 v2, $0x3  }
0x10a: {  	v2 =	vand.u32 $0x7F, v2;
	v3 =	vand.u32 $0xFFFFFC00, v3  }
0x10b: {  	v2 =	vor.u32 v2, v3  }
0x10c: {  	v2 =	vadd.s32 $0x4280, v2;
	_ =	sdelay $0x4  }
0x10d: {  	[tilespmem:v2+s10+$0x0] =	vst.idx.msk $0xffff, v0  }
0x10e: {  	v2 =	vld [tilespmem:s17+$0x580];
	_ =	sdelay $0x4  }
0x10f: {  	v3 =	vshll.u32 v2, $0x3  }
0x110: {  	v2 =	vand.u32 $0x7F, v2;
	v3 =	vand.u32 $0xFFFFFC00, v3  }
0x111: {  	v2 =	vor.u32 v2, v3  }
0x112: {  	v2 =	vadd.s32 $0x4280, v2;
	_ =	sdelay $0x4  }
0x113: {  	[tilespmem:v2+s10+$0x0] =	vst.idx.msk $0xffff, v0  }
0x114: {  	v2 =	vld [tilespmem:s17+$0x590];
	_ =	sdelay $0x4  }
0x115: {  	v3 =	vshll.u32 v2, $0x3  }
0x116: {  	v2 =	vand.u32 $0x7F, v2;
	v3 =	vand.u32 $0xFFFFFC00, v3  }
0x117: {  	v2 =	vor.u32 v2, v3  }
0x118: {  	v2 =	vadd.s32 $0x4280, v2;
	_ =	sdelay $0x4  }
0x119: {  	[tilespmem:v2+s10+$0x0] =	vst.idx.msk $0xffff, v0  }
0x11a: {  	v2 =	vld [tilespmem:s17+$0x5A0];
	_ =	sdelay $0x4  }
0x11b: {  	v3 =	vshll.u32 v2, $0x3  }
0x11c: {  	v2 =	vand.u32 $0x7F, v2;
	v3 =	vand.u32 $0xFFFFFC00, v3  }
0x11d: {  	v2 =	vor.u32 v2, v3  }
0x11e: {  	v2 =	vadd.s32 $0x4300, v2;
	_ =	sdelay $0x4  }
0x11f: {  	[tilespmem:v2+s10+$0x0] =	vst.idx.msk $0xffff, v0  }
0x120: {  	v2 =	vld [tilespmem:s17+$0x5B0];
	_ =	sdelay $0x4  }
0x121: {  	v3 =	vshll.u32 v2, $0x3  }
0x122: {  	v2 =	vand.u32 $0x7F, v2;
	v3 =	vand.u32 $0xFFFFFC00, v3  }
0x123: {  	v2 =	vor.u32 v2, v3  }
0x124: {  	v2 =	vadd.s32 $0x4300, v2;
	_ =	sdelay $0x4  }
0x125: {  	[tilespmem:v2+s10+$0x0] =	vst.idx.msk $0xffff, v0  }
0x126: {  	v2 =	vld [tilespmem:s17+$0x5C0];
	_ =	sdelay $0x4  }
0x127: {  	v3 =	vshll.u32 v2, $0x3  }
0x128: {  	v2 =	vand.u32 $0x7F, v2;
	v3 =	vand.u32 $0xFFFFFC00, v3  }
0x129: {  	v2 =	vor.u32 v2, v3  }
0x12a: {  	v2 =	vadd.s32 $0x4300, v2;
	_ =	sdelay $0x4  }
0x12b: {  	[tilespmem:v2+s10+$0x0] =	vst.idx.msk $0xffff, v0  }
0x12c: {  	v2 =	vld [tilespmem:s17+$0x5D0];
	_ =	sdelay $0x4  }
0x12d: {  	v3 =	vshll.u32 v2, $0x3  }
0x12e: {  	v2 =	vand.u32 $0x7F, v2;
	v3 =	vand.u32 $0xFFFFFC00, v3  }
0x12f: {  	v2 =	vor.u32 v2, v3  }
0x130: {  	v2 =	vadd.s32 $0x4380, v2;
	_ =	sdelay $0x4  }
0x131: {  	[tilespmem:v2+s10+$0x0] =	vst.idx.msk $0xffff, v0  }
0x132: {  	v2 =	vld [tilespmem:s17+$0x5E0];
	_ =	sdelay $0x4  }
0x133: {  	v3 =	vshll.u32 v2, $0x3  }
0x134: {  	v2 =	vand.u32 $0x7F, v2;
	v3 =	vand.u32 $0xFFFFFC00, v3  }
0x135: {  	v2 =	vor.u32 v2, v3  }
0x136: {  	v2 =	vadd.s32 $0x4380, v2;
	_ =	sdelay $0x4  }
0x137: {  	[tilespmem:v2+s10+$0x0] =	vst.idx.msk $0xffff, v0  }
0x138: {  	v2 =	vld [tilespmem:s17+$0x5F0];
	_ =	sdelay $0x4  }
0x139: {  	v3 =	vshll.u32 v2, $0x3  }
0x13a: {  	v2 =	vand.u32 $0x7F, v2;
	v3 =	vand.u32 $0xFFFFFC00, v3  }
0x13b: {  	v2 =	vor.u32 v2, v3  }
0x13c: {  	v2 =	vadd.s32 $0x4380, v2  }
0x13d: {  	s16 =	sadd.s32 $0x1800, s16  }
0x13e: {  	p0 =	sne.s32 s16, $0x12000  }
.Ltmp3:
0x13f: {  	_ = 	snop;
	(pc) =	sbr.rel @!p0 .LBB2_8-.Ltmp3, $4  }
0x140: {  	_ = 	snop  }
0x141: {  	[tilespmem:v2+s10+$0x0] =	vst.idx.msk $0xffff, v0  }
0x142: {  	[hbm4b:s14+s2] =	stream.linear.scatter [tilespmem:s10], [sflag:$0x2], $0x8000, $0x38;
	[tilespmem:$0x14800] =	vst v63  }
0x143: {  	s15 =	sadd.s32 $0x2000, s15;
	s14 =	sadd.s32 $0x2000, s14  }
.LBB2_2:
0x144: {  	p0 =	seq.s32 s16, $0x0  }
.Ltmp4:
0x145: {  	_ = 	snop;
	(pc) =	sbr.rel @p0 .LBB2_3-.Ltmp4, $1  }
0x146: {  	_ =	sdelay $0x3  }
0x147: {  	_ =	swait.ge [sflag:s11], $0x8000  }
0x148: {  	[sflag:s11] =	ssyncset.done $0x0  }
0x149: {  	s17 =	sshra.s32 s16, $0x2;
	[sflag:s11] =	ssyncadd.s32 $0xFFFF8000  }
0x14a: {  	v2 =	vld [tilespmem:s17+$0xFFFFFA00];
	_ =	sdelay $0x4  }
0x14b: {  	v3 =	vshll.u32 v2, $0x3  }
0x14c: {  	v2 =	vand.u32 $0x7F, v2;
	v3 =	vand.u32 $0xFFFFFC00, v3  }
0x14d: {  	v2 =	vor.u32 v2, v3;
	_ =	sdelay $0x4  }
0x14e: {  	[tilespmem:v2+s9+$0x0] =	vst.idx.msk $0xffff, v1  }
0x14f: {  	v2 =	vld [tilespmem:s17+$0xFFFFFA10];
	_ =	sdelay $0x4  }
0x150: {  	v3 =	vshll.u32 v2, $0x3  }
0x151: {  	v2 =	vand.u32 $0x7F, v2;
	v3 =	vand.u32 $0xFFFFFC00, v3  }
0x152: {  	v2 =	vor.u32 v2, v3;
	_ =	sdelay $0x4  }
0x153: {  	[tilespmem:v2+s9+$0x0] =	vst.idx.msk $0xffff, v1  }
0x154: {  	v2 =	vld [tilespmem:s17+$0xFFFFFA20];
	_ =	sdelay $0x4  }
0x155: {  	v3 =	vshll.u32 v2, $0x3  }
0x156: {  	v2 =	vand.u32 $0x7F, v2;
	v3 =	vand.u32 $0xFFFFFC00, v3  }
0x157: {  	v2 =	vor.u32 v2, v3;
	_ =	sdelay $0x4  }
0x158: {  	[tilespmem:v2+s9+$0x0] =	vst.idx.msk $0xffff, v1  }
0x159: {  	v2 =	vld [tilespmem:s17+$0xFFFFFA30];
	_ =	sdelay $0x4  }
0x15a: {  	v3 =	vshll.u32 v2, $0x3  }
0x15b: {  	v2 =	vand.u32 $0x7F, v2;
	v3 =	vand.u32 $0xFFFFFC00, v3  }
0x15c: {  	v2 =	vor.u32 v3, v2  }
0x15d: {  	v2 =	vor.u32 $0x80, v2;
	_ =	sdelay $0x4  }
0x15e: {  	[tilespmem:v2+s9+$0x0] =	vst.idx.msk $0xffff, v1  }
0x15f: {  	v2 =	vld [tilespmem:s17+$0xFFFFFA40];
	_ =	sdelay $0x4  }
0x160: {  	v3 =	vshll.u32 v2, $0x3  }
0x161: {  	v2 =	vand.u32 $0x7F, v2;
	v3 =	vand.u32 $0xFFFFFC00, v3  }
0x162: {  	v2 =	vor.u32 v3, v2  }
0x163: {  	v2 =	vor.u32 $0x80, v2;
	_ =	sdelay $0x4  }
0x164: {  	[tilespmem:v2+s9+$0x0] =	vst.idx.msk $0xffff, v1  }
0x165: {  	v2 =	vld [tilespmem:s17+$0xFFFFFA50];
	_ =	sdelay $0x4  }
0x166: {  	v3 =	vshll.u32 v2, $0x3  }
0x167: {  	v2 =	vand.u32 $0x7F, v2;
	v3 =	vand.u32 $0xFFFFFC00, v3  }
0x168: {  	v2 =	vor.u32 v3, v2  }
0x169: {  	v2 =	vor.u32 $0x80, v2;
	_ =	sdelay $0x4  }
0x16a: {  	[tilespmem:v2+s9+$0x0] =	vst.idx.msk $0xffff, v1  }
0x16b: {  	v2 =	vld [tilespmem:s17+$0xFFFFFA60];
	_ =	sdelay $0x4  }
0x16c: {  	v3 =	vshll.u32 v2, $0x3  }
0x16d: {  	v2 =	vand.u32 $0x7F, v2;
	v3 =	vand.u32 $0xFFFFFC00, v3  }
0x16e: {  	v2 =	vor.u32 v3, v2  }
0x16f: {  	v2 =	vor.u32 $0x100, v2;
	_ =	sdelay $0x4  }
0x170: {  	[tilespmem:v2+s9+$0x0] =	vst.idx.msk $0xffff, v1  }
0x171: {  	v2 =	vld [tilespmem:s17+$0xFFFFFA70];
	_ =	sdelay $0x4  }
0x172: {  	v3 =	vshll.u32 v2, $0x3  }
0x173: {  	v2 =	vand.u32 $0x7F, v2;
	v3 =	vand.u32 $0xFFFFFC00, v3  }
0x174: {  	v2 =	vor.u32 v3, v2  }
0x175: {  	v2 =	vor.u32 $0x100, v2;
	_ =	sdelay $0x4  }
0x176: {  	[tilespmem:v2+s9+$0x0] =	vst.idx.msk $0xffff, v1  }
0x177: {  	v2 =	vld [tilespmem:s17+$0xFFFFFA80];
	_ =	sdelay $0x4  }
0x178: {  	v3 =	vshll.u32 v2, $0x3  }
0x179: {  	v2 =	vand.u32 $0x7F, v2;
	v3 =	vand.u32 $0xFFFFFC00, v3  }
0x17a: {  	v2 =	vor.u32 v3, v2  }
0x17b: {  	v2 =	vor.u32 $0x100, v2;
	_ =	sdelay $0x4  }
0x17c: {  	[tilespmem:v2+s9+$0x0] =	vst.idx.msk $0xffff, v1  }
0x17d: {  	v2 =	vld [tilespmem:s17+$0xFFFFFA90];
	_ =	sdelay $0x4  }
0x17e: {  	v3 =	vshll.u32 v2, $0x3  }
0x17f: {  	v2 =	vand.u32 $0x7F, v2;
	v3 =	vand.u32 $0xFFFFFC00, v3  }
0x180: {  	v2 =	vor.u32 v3, v2  }
0x181: {  	v2 =	vor.u32 $0x180, v2;
	_ =	sdelay $0x4  }
0x182: {  	[tilespmem:v2+s9+$0x0] =	vst.idx.msk $0xffff, v1  }
0x183: {  	v2 =	vld [tilespmem:s17+$0xFFFFFAA0];
	_ =	sdelay $0x4  }
0x184: {  	v3 =	vshll.u32 v2, $0x3  }
0x185: {  	v2 =	vand.u32 $0x7F, v2;
	v3 =	vand.u32 $0xFFFFFC00, v3  }
0x186: {  	v2 =	vor.u32 v3, v2  }
0x187: {  	v2 =	vor.u32 $0x180, v2;
	_ =	sdelay $0x4  }
0x188: {  	[tilespmem:v2+s9+$0x0] =	vst.idx.msk $0xffff, v1  }
0x189: {  	v2 =	vld [tilespmem:s17+$0xFFFFFAB0];
	_ =	sdelay $0x4  }
0x18a: {  	v3 =	vshll.u32 v2, $0x3  }
0x18b: {  	v2 =	vand.u32 $0x7F, v2;
	v3 =	vand.u32 $0xFFFFFC00, v3  }
0x18c: {  	v2 =	vor.u32 v3, v2  }
0x18d: {  	v2 =	vor.u32 $0x180, v2;
	_ =	sdelay $0x4  }
0x18e: {  	[tilespmem:v2+s9+$0x0] =	vst.idx.msk $0xffff, v1  }
0x18f: {  	v2 =	vld [tilespmem:s17+$0xFFFFFAC0];
	_ =	sdelay $0x4  }
0x190: {  	v3 =	vshll.u32 v2, $0x3  }
0x191: {  	v2 =	vand.u32 $0x7F, v2;
	v3 =	vand.u32 $0xFFFFFC00, v3  }
0x192: {  	v2 =	vor.u32 v3, v2  }
0x193: {  	v2 =	vor.u32 $0x200, v2;
	_ =	sdelay $0x4  }
0x194: {  	[tilespmem:v2+s9+$0x0] =	vst.idx.msk $0xffff, v1  }
0x195: {  	v2 =	vld [tilespmem:s17+$0xFFFFFAD0];
	_ =	sdelay $0x4  }
0x196: {  	v3 =	vshll.u32 v2, $0x3  }
0x197: {  	v2 =	vand.u32 $0x7F, v2;
	v3 =	vand.u32 $0xFFFFFC00, v3  }
0x198: {  	v2 =	vor.u32 v3, v2  }
0x199: {  	v2 =	vor.u32 $0x200, v2;
	_ =	sdelay $0x4  }
0x19a: {  	[tilespmem:v2+s9+$0x0] =	vst.idx.msk $0xffff, v1  }
0x19b: {  	v2 =	vld [tilespmem:s17+$0xFFFFFAE0];
	_ =	sdelay $0x4  }
0x19c: {  	v3 =	vshll.u32 v2, $0x3  }
0x19d: {  	v2 =	vand.u32 $0x7F, v2;
	v3 =	vand.u32 $0xFFFFFC00, v3  }
0x19e: {  	v2 =	vor.u32 v3, v2  }
0x19f: {  	v2 =	vor.u32 $0x200, v2;
	_ =	sdelay $0x4  }
0x1a0: {  	[tilespmem:v2+s9+$0x0] =	vst.idx.msk $0xffff, v1  }
0x1a1: {  	v2 =	vld [tilespmem:s17+$0xFFFFFAF0];
	_ =	sdelay $0x4  }
0x1a2: {  	v3 =	vshll.u32 v2, $0x3  }
0x1a3: {  	v2 =	vand.u32 $0x7F, v2;
	v3 =	vand.u32 $0xFFFFFC00, v3  }
0x1a4: {  	v2 =	vor.u32 v3, v2  }
0x1a5: {  	v2 =	vor.u32 $0x280, v2;
	_ =	sdelay $0x4  }
0x1a6: {  	[tilespmem:v2+s9+$0x0] =	vst.idx.msk $0xffff, v1  }
0x1a7: {  	v2 =	vld [tilespmem:s17+$0xFFFFFB00];
	_ =	sdelay $0x4  }
0x1a8: {  	v3 =	vshll.u32 v2, $0x3  }
0x1a9: {  	v2 =	vand.u32 $0x7F, v2;
	v3 =	vand.u32 $0xFFFFFC00, v3  }
0x1aa: {  	v2 =	vor.u32 v3, v2  }
0x1ab: {  	v2 =	vor.u32 $0x280, v2;
	_ =	sdelay $0x4  }
0x1ac: {  	[tilespmem:v2+s9+$0x0] =	vst.idx.msk $0xffff, v1  }
0x1ad: {  	v2 =	vld [tilespmem:s17+$0xFFFFFB10];
	_ =	sdelay $0x4  }
0x1ae: {  	v3 =	vshll.u32 v2, $0x3  }
0x1af: {  	v2 =	vand.u32 $0x7F, v2;
	v3 =	vand.u32 $0xFFFFFC00, v3  }
0x1b0: {  	v2 =	vor.u32 v3, v2  }
0x1b1: {  	v2 =	vor.u32 $0x280, v2;
	_ =	sdelay $0x4  }
0x1b2: {  	[tilespmem:v2+s9+$0x0] =	vst.idx.msk $0xffff, v1  }
0x1b3: {  	v2 =	vld [tilespmem:s17+$0xFFFFFB20];
	_ =	sdelay $0x4  }
0x1b4: {  	v3 =	vshll.u32 v2, $0x3  }
0x1b5: {  	v2 =	vand.u32 $0x7F, v2;
	v3 =	vand.u32 $0xFFFFFC00, v3  }
0x1b6: {  	v2 =	vor.u32 v3, v2  }
0x1b7: {  	v2 =	vor.u32 $0x300, v2;
	_ =	sdelay $0x4  }
0x1b8: {  	[tilespmem:v2+s9+$0x0] =	vst.idx.msk $0xffff, v1  }
0x1b9: {  	v2 =	vld [tilespmem:s17+$0xFFFFFB30];
	_ =	sdelay $0x4  }
0x1ba: {  	v3 =	vshll.u32 v2, $0x3  }
0x1bb: {  	v2 =	vand.u32 $0x7F, v2;
	v3 =	vand.u32 $0xFFFFFC00, v3  }
0x1bc: {  	v2 =	vor.u32 v3, v2  }
0x1bd: {  	v2 =	vor.u32 $0x300, v2;
	_ =	sdelay $0x4  }
0x1be: {  	[tilespmem:v2+s9+$0x0] =	vst.idx.msk $0xffff, v1  }
0x1bf: {  	v2 =	vld [tilespmem:s17+$0xFFFFFB40];
	_ =	sdelay $0x4  }
0x1c0: {  	v3 =	vshll.u32 v2, $0x3  }
0x1c1: {  	v2 =	vand.u32 $0x7F, v2;
	v3 =	vand.u32 $0xFFFFFC00, v3  }
0x1c2: {  	v2 =	vor.u32 v3, v2  }
0x1c3: {  	v2 =	vor.u32 $0x300, v2;
	_ =	sdelay $0x4  }
0x1c4: {  	[tilespmem:v2+s9+$0x0] =	vst.idx.msk $0xffff, v1  }
0x1c5: {  	v2 =	vld [tilespmem:s17+$0xFFFFFB50];
	_ =	sdelay $0x4  }
0x1c6: {  	v3 =	vshll.u32 v2, $0x3  }
0x1c7: {  	v2 =	vand.u32 $0x7F, v2;
	v3 =	vand.u32 $0xFFFFFC00, v3  }
0x1c8: {  	v2 =	vor.u32 v3, v2  }
0x1c9: {  	v2 =	vor.u32 $0x380, v2;
	_ =	sdelay $0x4  }
0x1ca: {  	[tilespmem:v2+s9+$0x0] =	vst.idx.msk $0xffff, v1  }
0x1cb: {  	v2 =	vld [tilespmem:s17+$0xFFFFFB60];
	_ =	sdelay $0x4  }
0x1cc: {  	v3 =	vshll.u32 v2, $0x3  }
0x1cd: {  	v2 =	vand.u32 $0x7F, v2;
	v3 =	vand.u32 $0xFFFFFC00, v3  }
0x1ce: {  	v2 =	vor.u32 v3, v2  }
0x1cf: {  	v2 =	vor.u32 $0x380, v2;
	_ =	sdelay $0x4  }
0x1d0: {  	[tilespmem:v2+s9+$0x0] =	vst.idx.msk $0xffff, v1  }
0x1d1: {  	v2 =	vld [tilespmem:s17+$0xFFFFFB70];
	_ =	sdelay $0x4  }
0x1d2: {  	v3 =	vshll.u32 v2, $0x3  }
0x1d3: {  	v2 =	vand.u32 $0x7F, v2;
	v3 =	vand.u32 $0xFFFFFC00, v3  }
0x1d4: {  	v2 =	vor.u32 v3, v2  }
0x1d5: {  	v2 =	vor.u32 $0x380, v2;
	_ =	sdelay $0x4  }
0x1d6: {  	[tilespmem:v2+s9+$0x0] =	vst.idx.msk $0xffff, v1  }
0x1d7: {  	v2 =	vld [tilespmem:s17+$0xFFFFFB80];
	_ =	sdelay $0x4  }
0x1d8: {  	v3 =	vshll.u32 v2, $0x3  }
0x1d9: {  	v2 =	vand.u32 $0x7F, v2;
	v3 =	vand.u32 $0xFFFFFC00, v3  }
0x1da: {  	v2 =	vor.u32 v2, v3  }
0x1db: {  	v2 =	vadd.s32 $0x4000, v2;
	_ =	sdelay $0x4  }
0x1dc: {  	[tilespmem:v2+s9+$0x0] =	vst.idx.msk $0xffff, v1  }
0x1dd: {  	v2 =	vld [tilespmem:s17+$0xFFFFFB90];
	_ =	sdelay $0x4  }
0x1de: {  	v3 =	vshll.u32 v2, $0x3  }
0x1df: {  	v2 =	vand.u32 $0x7F, v2;
	v3 =	vand.u32 $0xFFFFFC00, v3  }
0x1e0: {  	v2 =	vor.u32 v2, v3  }
0x1e1: {  	v2 =	vadd.s32 $0x4000, v2;
	_ =	sdelay $0x4  }
0x1e2: {  	[tilespmem:v2+s9+$0x0] =	vst.idx.msk $0xffff, v1  }
0x1e3: {  	v2 =	vld [tilespmem:s17+$0xFFFFFBA0];
	_ =	sdelay $0x4  }
0x1e4: {  	v3 =	vshll.u32 v2, $0x3  }
0x1e5: {  	v2 =	vand.u32 $0x7F, v2;
	v3 =	vand.u32 $0xFFFFFC00, v3  }
0x1e6: {  	v2 =	vor.u32 v2, v3  }
0x1e7: {  	v2 =	vadd.s32 $0x4000, v2;
	_ =	sdelay $0x4  }
0x1e8: {  	[tilespmem:v2+s9+$0x0] =	vst.idx.msk $0xffff, v1  }
0x1e9: {  	v2 =	vld [tilespmem:s17+$0xFFFFFBB0];
	_ =	sdelay $0x4  }
0x1ea: {  	v3 =	vshll.u32 v2, $0x3  }
0x1eb: {  	v2 =	vand.u32 $0x7F, v2;
	v3 =	vand.u32 $0xFFFFFC00, v3  }
0x1ec: {  	v2 =	vor.u32 v2, v3  }
0x1ed: {  	v2 =	vadd.s32 $0x4080, v2;
	_ =	sdelay $0x4  }
0x1ee: {  	[tilespmem:v2+s9+$0x0] =	vst.idx.msk $0xffff, v1  }
0x1ef: {  	v2 =	vld [tilespmem:s17+$0xFFFFFBC0];
	_ =	sdelay $0x4  }
0x1f0: {  	v3 =	vshll.u32 v2, $0x3  }
0x1f1: {  	v2 =	vand.u32 $0x7F, v2;
	v3 =	vand.u32 $0xFFFFFC00, v3  }
0x1f2: {  	v2 =	vor.u32 v2, v3  }
0x1f3: {  	v2 =	vadd.s32 $0x4080, v2;
	_ =	sdelay $0x4  }
0x1f4: {  	[tilespmem:v2+s9+$0x0] =	vst.idx.msk $0xffff, v1  }
0x1f5: {  	v2 =	vld [tilespmem:s17+$0xFFFFFBD0];
	_ =	sdelay $0x4  }
0x1f6: {  	v3 =	vshll.u32 v2, $0x3  }
0x1f7: {  	v2 =	vand.u32 $0x7F, v2;
	v3 =	vand.u32 $0xFFFFFC00, v3  }
0x1f8: {  	v2 =	vor.u32 v2, v3  }
0x1f9: {  	v2 =	vadd.s32 $0x4080, v2;
	_ =	sdelay $0x4  }
0x1fa: {  	[tilespmem:v2+s9+$0x0] =	vst.idx.msk $0xffff, v1  }
0x1fb: {  	v2 =	vld [tilespmem:s17+$0xFFFFFBE0];
	_ =	sdelay $0x4  }
0x1fc: {  	v3 =	vshll.u32 v2, $0x3  }
0x1fd: {  	v2 =	vand.u32 $0x7F, v2;
	v3 =	vand.u32 $0xFFFFFC00, v3  }
0x1fe: {  	v2 =	vor.u32 v2, v3  }
0x1ff: {  	v2 =	vadd.s32 $0x4100, v2;
	_ =	sdelay $0x4  }
0x200: {  	[tilespmem:v2+s9+$0x0] =	vst.idx.msk $0xffff, v1  }
0x201: {  	v2 =	vld [tilespmem:s17+$0xFFFFFBF0];
	_ =	sdelay $0x4  }
0x202: {  	v3 =	vshll.u32 v2, $0x3  }
0x203: {  	v2 =	vand.u32 $0x7F, v2;
	v3 =	vand.u32 $0xFFFFFC00, v3  }
0x204: {  	v2 =	vor.u32 v2, v3  }
0x205: {  	v2 =	vadd.s32 $0x4100, v2;
	_ =	sdelay $0x4  }
0x206: {  	[tilespmem:v2+s9+$0x0] =	vst.idx.msk $0xffff, v1  }
0x207: {  	v2 =	vld [tilespmem:s17+$0xFFFFFC00];
	_ =	sdelay $0x4  }
0x208: {  	v3 =	vshll.u32 v2, $0x3  }
0x209: {  	v2 =	vand.u32 $0x7F, v2;
	v3 =	vand.u32 $0xFFFFFC00, v3  }
0x20a: {  	v2 =	vor.u32 v2, v3  }
0x20b: {  	v2 =	vadd.s32 $0x4100, v2;
	_ =	sdelay $0x4  }
0x20c: {  	[tilespmem:v2+s9+$0x0] =	vst.idx.msk $0xffff, v1  }
0x20d: {  	v2 =	vld [tilespmem:s17+$0xFFFFFC10];
	_ =	sdelay $0x4  }
0x20e: {  	v3 =	vshll.u32 v2, $0x3  }
0x20f: {  	v2 =	vand.u32 $0x7F, v2;
	v3 =	vand.u32 $0xFFFFFC00, v3  }
0x210: {  	v2 =	vor.u32 v2, v3  }
0x211: {  	v2 =	vadd.s32 $0x4180, v2;
	_ =	sdelay $0x4  }
0x212: {  	[tilespmem:v2+s9+$0x0] =	vst.idx.msk $0xffff, v1  }
0x213: {  	v2 =	vld [tilespmem:s17+$0xFFFFFC20];
	_ =	sdelay $0x4  }
0x214: {  	v3 =	vshll.u32 v2, $0x3  }
0x215: {  	v2 =	vand.u32 $0x7F, v2;
	v3 =	vand.u32 $0xFFFFFC00, v3  }
0x216: {  	v2 =	vor.u32 v2, v3  }
0x217: {  	v2 =	vadd.s32 $0x4180, v2;
	_ =	sdelay $0x4  }
0x218: {  	[tilespmem:v2+s9+$0x0] =	vst.idx.msk $0xffff, v1  }
0x219: {  	v2 =	vld [tilespmem:s17+$0xFFFFFC30];
	_ =	sdelay $0x4  }
0x21a: {  	v3 =	vshll.u32 v2, $0x3  }
0x21b: {  	v2 =	vand.u32 $0x7F, v2;
	v3 =	vand.u32 $0xFFFFFC00, v3  }
0x21c: {  	v2 =	vor.u32 v2, v3  }
0x21d: {  	v2 =	vadd.s32 $0x4180, v2;
	_ =	sdelay $0x4  }
0x21e: {  	[tilespmem:v2+s9+$0x0] =	vst.idx.msk $0xffff, v1  }
0x21f: {  	v2 =	vld [tilespmem:s17+$0xFFFFFC40];
	_ =	sdelay $0x4  }
0x220: {  	v3 =	vshll.u32 v2, $0x3  }
0x221: {  	v2 =	vand.u32 $0x7F, v2;
	v3 =	vand.u32 $0xFFFFFC00, v3  }
0x222: {  	v2 =	vor.u32 v2, v3  }
0x223: {  	v2 =	vadd.s32 $0x4200, v2;
	_ =	sdelay $0x4  }
0x224: {  	[tilespmem:v2+s9+$0x0] =	vst.idx.msk $0xffff, v1  }
0x225: {  	v2 =	vld [tilespmem:s17+$0xFFFFFC50];
	_ =	sdelay $0x4  }
0x226: {  	v3 =	vshll.u32 v2, $0x3  }
0x227: {  	v2 =	vand.u32 $0x7F, v2;
	v3 =	vand.u32 $0xFFFFFC00, v3  }
0x228: {  	v2 =	vor.u32 v2, v3  }
0x229: {  	v2 =	vadd.s32 $0x4200, v2;
	_ =	sdelay $0x4  }
0x22a: {  	[tilespmem:v2+s9+$0x0] =	vst.idx.msk $0xffff, v1  }
0x22b: {  	v2 =	vld [tilespmem:s17+$0xFFFFFC60];
	_ =	sdelay $0x4  }
0x22c: {  	v3 =	vshll.u32 v2, $0x3  }
0x22d: {  	v2 =	vand.u32 $0x7F, v2;
	v3 =	vand.u32 $0xFFFFFC00, v3  }
0x22e: {  	v2 =	vor.u32 v2, v3  }
0x22f: {  	v2 =	vadd.s32 $0x4200, v2;
	_ =	sdelay $0x4  }
0x230: {  	[tilespmem:v2+s9+$0x0] =	vst.idx.msk $0xffff, v1  }
0x231: {  	v2 =	vld [tilespmem:s17+$0xFFFFFC70];
	_ =	sdelay $0x4  }
0x232: {  	v3 =	vshll.u32 v2, $0x3  }
0x233: {  	v2 =	vand.u32 $0x7F, v2;
	v3 =	vand.u32 $0xFFFFFC00, v3  }
0x234: {  	v2 =	vor.u32 v2, v3  }
0x235: {  	v2 =	vadd.s32 $0x4280, v2;
	_ =	sdelay $0x4  }
0x236: {  	[tilespmem:v2+s9+$0x0] =	vst.idx.msk $0xffff, v1  }
0x237: {  	v2 =	vld [tilespmem:s17+$0xFFFFFC80];
	_ =	sdelay $0x4  }
0x238: {  	v3 =	vshll.u32 v2, $0x3  }
0x239: {  	v2 =	vand.u32 $0x7F, v2;
	v3 =	vand.u32 $0xFFFFFC00, v3  }
0x23a: {  	v2 =	vor.u32 v2, v3  }
0x23b: {  	v2 =	vadd.s32 $0x4280, v2;
	_ =	sdelay $0x4  }
0x23c: {  	[tilespmem:v2+s9+$0x0] =	vst.idx.msk $0xffff, v1  }
0x23d: {  	v2 =	vld [tilespmem:s17+$0xFFFFFC90];
	_ =	sdelay $0x4  }
0x23e: {  	v3 =	vshll.u32 v2, $0x3  }
0x23f: {  	v2 =	vand.u32 $0x7F, v2;
	v3 =	vand.u32 $0xFFFFFC00, v3  }
0x240: {  	v2 =	vor.u32 v2, v3  }
0x241: {  	v2 =	vadd.s32 $0x4280, v2;
	_ =	sdelay $0x4  }
0x242: {  	[tilespmem:v2+s9+$0x0] =	vst.idx.msk $0xffff, v1  }
0x243: {  	v2 =	vld [tilespmem:s17+$0xFFFFFCA0];
	_ =	sdelay $0x4  }
0x244: {  	v3 =	vshll.u32 v2, $0x3  }
0x245: {  	v2 =	vand.u32 $0x7F, v2;
	v3 =	vand.u32 $0xFFFFFC00, v3  }
0x246: {  	v2 =	vor.u32 v2, v3  }
0x247: {  	v2 =	vadd.s32 $0x4300, v2;
	_ =	sdelay $0x4  }
0x248: {  	[tilespmem:v2+s9+$0x0] =	vst.idx.msk $0xffff, v1  }
0x249: {  	v2 =	vld [tilespmem:s17+$0xFFFFFCB0];
	_ =	sdelay $0x4  }
0x24a: {  	v3 =	vshll.u32 v2, $0x3  }
0x24b: {  	v2 =	vand.u32 $0x7F, v2;
	v3 =	vand.u32 $0xFFFFFC00, v3  }
0x24c: {  	v2 =	vor.u32 v2, v3  }
0x24d: {  	v2 =	vadd.s32 $0x4300, v2;
	_ =	sdelay $0x4  }
0x24e: {  	[tilespmem:v2+s9+$0x0] =	vst.idx.msk $0xffff, v1  }
0x24f: {  	v2 =	vld [tilespmem:s17+$0xFFFFFCC0];
	_ =	sdelay $0x4  }
0x250: {  	v3 =	vshll.u32 v2, $0x3  }
0x251: {  	v2 =	vand.u32 $0x7F, v2;
	v3 =	vand.u32 $0xFFFFFC00, v3  }
0x252: {  	v2 =	vor.u32 v2, v3  }
0x253: {  	v2 =	vadd.s32 $0x4300, v2;
	_ =	sdelay $0x4  }
0x254: {  	[tilespmem:v2+s9+$0x0] =	vst.idx.msk $0xffff, v1  }
0x255: {  	v2 =	vld [tilespmem:s17+$0xFFFFFCD0];
	_ =	sdelay $0x4  }
0x256: {  	v3 =	vshll.u32 v2, $0x3  }
0x257: {  	v2 =	vand.u32 $0x7F, v2;
	v3 =	vand.u32 $0xFFFFFC00, v3  }
0x258: {  	v2 =	vor.u32 v2, v3  }
0x259: {  	v2 =	vadd.s32 $0x4380, v2;
	_ =	sdelay $0x4  }
0x25a: {  	[tilespmem:v2+s9+$0x0] =	vst.idx.msk $0xffff, v1  }
0x25b: {  	v2 =	vld [tilespmem:s17+$0xFFFFFCE0];
	_ =	sdelay $0x4  }
0x25c: {  	v3 =	vshll.u32 v2, $0x3  }
0x25d: {  	v2 =	vand.u32 $0x7F, v2;
	v3 =	vand.u32 $0xFFFFFC00, v3  }
0x25e: {  	v2 =	vor.u32 v2, v3  }
0x25f: {  	v2 =	vadd.s32 $0x4380, v2;
	_ =	sdelay $0x4  }
0x260: {  	[tilespmem:v2+s9+$0x0] =	vst.idx.msk $0xffff, v1  }
0x261: {  	v2 =	vld [tilespmem:s17+$0xFFFFFCF0];
	_ =	sdelay $0x4  }
0x262: {  	v3 =	vshll.u32 v2, $0x3  }
0x263: {  	v2 =	vand.u32 $0x7F, v2;
	v3 =	vand.u32 $0xFFFFFC00, v3  }
0x264: {  	v2 =	vor.u32 v2, v3  }
0x265: {  	v2 =	vadd.s32 $0x4380, v2  }
.Ltmp5:
0x266: {  	_ = 	snop;
	(pc) =	sbr.rel .LBB2_5-.Ltmp5, $2  }
0x267: {  	_ =	sdelay $0x2  }
0x268: {  	s17 =	smov.u32 s16;
	[tilespmem:v2+s9+$0x0] =	vst.idx.msk $0xffff, v1  }
.LBB2_3:
0x269: {  	s17 =	simm.s32 $0x0  }
.LBB2_5:
0x26a: {  	s17 =	sshra.s32 s17, $0x2  }
0x26b: {  	v2 =	vld [tilespmem:s17+$0x0];
	_ =	sdelay $0x4  }
0x26c: {  	v3 =	vshll.u32 v2, $0x3  }
0x26d: {  	v2 =	vand.u32 $0x7F, v2;
	v3 =	vand.u32 $0xFFFFFC00, v3  }
0x26e: {  	v2 =	vor.u32 v2, v3;
	_ =	sdelay $0x4  }
0x26f: {  	[tilespmem:v2+s9+$0x0] =	vst.idx.msk $0xffff, v0  }
0x270: {  	v2 =	vld [tilespmem:s17+$0x10];
	_ =	sdelay $0x4  }
0x271: {  	v3 =	vshll.u32 v2, $0x3  }
0x272: {  	v2 =	vand.u32 $0x7F, v2;
	v3 =	vand.u32 $0xFFFFFC00, v3  }
0x273: {  	v2 =	vor.u32 v2, v3;
	_ =	sdelay $0x4  }
0x274: {  	[tilespmem:v2+s9+$0x0] =	vst.idx.msk $0xffff, v0  }
0x275: {  	v2 =	vld [tilespmem:s17+$0x20];
	_ =	sdelay $0x4  }
0x276: {  	v3 =	vshll.u32 v2, $0x3  }
0x277: {  	v2 =	vand.u32 $0x7F, v2;
	v3 =	vand.u32 $0xFFFFFC00, v3  }
0x278: {  	v2 =	vor.u32 v2, v3;
	_ =	sdelay $0x4  }
0x279: {  	[tilespmem:v2+s9+$0x0] =	vst.idx.msk $0xffff, v0  }
0x27a: {  	v2 =	vld [tilespmem:s17+$0x30];
	_ =	sdelay $0x4  }
0x27b: {  	v3 =	vshll.u32 v2, $0x3  }
0x27c: {  	v2 =	vand.u32 $0x7F, v2;
	v3 =	vand.u32 $0xFFFFFC00, v3  }
0x27d: {  	v2 =	vor.u32 v3, v2  }
0x27e: {  	v2 =	vor.u32 $0x80, v2;
	_ =	sdelay $0x4  }
0x27f: {  	[tilespmem:v2+s9+$0x0] =	vst.idx.msk $0xffff, v0  }
0x280: {  	v2 =	vld [tilespmem:s17+$0x40];
	_ =	sdelay $0x4  }
0x281: {  	v3 =	vshll.u32 v2, $0x3  }
0x282: {  	v2 =	vand.u32 $0x7F, v2;
	v3 =	vand.u32 $0xFFFFFC00, v3  }
0x283: {  	v2 =	vor.u32 v3, v2  }
0x284: {  	v2 =	vor.u32 $0x80, v2;
	_ =	sdelay $0x4  }
0x285: {  	[tilespmem:v2+s9+$0x0] =	vst.idx.msk $0xffff, v0  }
0x286: {  	v2 =	vld [tilespmem:s17+$0x50];
	_ =	sdelay $0x4  }
0x287: {  	v3 =	vshll.u32 v2, $0x3  }
0x288: {  	v2 =	vand.u32 $0x7F, v2;
	v3 =	vand.u32 $0xFFFFFC00, v3  }
0x289: {  	v2 =	vor.u32 v3, v2  }
0x28a: {  	v2 =	vor.u32 $0x80, v2;
	_ =	sdelay $0x4  }
0x28b: {  	[tilespmem:v2+s9+$0x0] =	vst.idx.msk $0xffff, v0  }
0x28c: {  	v2 =	vld [tilespmem:s17+$0x60];
	_ =	sdelay $0x4  }
0x28d: {  	v3 =	vshll.u32 v2, $0x3  }
0x28e: {  	v2 =	vand.u32 $0x7F, v2;
	v3 =	vand.u32 $0xFFFFFC00, v3  }
0x28f: {  	v2 =	vor.u32 v3, v2  }
0x290: {  	v2 =	vor.u32 $0x100, v2;
	_ =	sdelay $0x4  }
0x291: {  	[tilespmem:v2+s9+$0x0] =	vst.idx.msk $0xffff, v0  }
0x292: {  	v2 =	vld [tilespmem:s17+$0x70];
	_ =	sdelay $0x4  }
0x293: {  	v3 =	vshll.u32 v2, $0x3  }
0x294: {  	v2 =	vand.u32 $0x7F, v2;
	v3 =	vand.u32 $0xFFFFFC00, v3  }
0x295: {  	v2 =	vor.u32 v3, v2  }
0x296: {  	v2 =	vor.u32 $0x100, v2;
	_ =	sdelay $0x4  }
0x297: {  	[tilespmem:v2+s9+$0x0] =	vst.idx.msk $0xffff, v0  }
0x298: {  	v2 =	vld [tilespmem:s17+$0x80];
	_ =	sdelay $0x4  }
0x299: {  	v3 =	vshll.u32 v2, $0x3  }
0x29a: {  	v2 =	vand.u32 $0x7F, v2;
	v3 =	vand.u32 $0xFFFFFC00, v3  }
0x29b: {  	v2 =	vor.u32 v3, v2  }
0x29c: {  	v2 =	vor.u32 $0x100, v2;
	_ =	sdelay $0x4  }
0x29d: {  	[tilespmem:v2+s9+$0x0] =	vst.idx.msk $0xffff, v0  }
0x29e: {  	v2 =	vld [tilespmem:s17+$0x90];
	_ =	sdelay $0x4  }
0x29f: {  	v3 =	vshll.u32 v2, $0x3  }
0x2a0: {  	v2 =	vand.u32 $0x7F, v2;
	v3 =	vand.u32 $0xFFFFFC00, v3  }
0x2a1: {  	v2 =	vor.u32 v3, v2  }
0x2a2: {  	v2 =	vor.u32 $0x180, v2;
	_ =	sdelay $0x4  }
0x2a3: {  	[tilespmem:v2+s9+$0x0] =	vst.idx.msk $0xffff, v0  }
0x2a4: {  	v2 =	vld [tilespmem:s17+$0xA0];
	_ =	sdelay $0x4  }
0x2a5: {  	v3 =	vshll.u32 v2, $0x3  }
0x2a6: {  	v2 =	vand.u32 $0x7F, v2;
	v3 =	vand.u32 $0xFFFFFC00, v3  }
0x2a7: {  	v2 =	vor.u32 v3, v2  }
0x2a8: {  	v2 =	vor.u32 $0x180, v2;
	_ =	sdelay $0x4  }
0x2a9: {  	[tilespmem:v2+s9+$0x0] =	vst.idx.msk $0xffff, v0  }
0x2aa: {  	v2 =	vld [tilespmem:s17+$0xB0];
	_ =	sdelay $0x4  }
0x2ab: {  	v3 =	vshll.u32 v2, $0x3  }
0x2ac: {  	v2 =	vand.u32 $0x7F, v2;
	v3 =	vand.u32 $0xFFFFFC00, v3  }
0x2ad: {  	v2 =	vor.u32 v3, v2  }
0x2ae: {  	v2 =	vor.u32 $0x180, v2;
	_ =	sdelay $0x4  }
0x2af: {  	[tilespmem:v2+s9+$0x0] =	vst.idx.msk $0xffff, v0  }
0x2b0: {  	v2 =	vld [tilespmem:s17+$0xC0];
	_ =	sdelay $0x4  }
0x2b1: {  	v3 =	vshll.u32 v2, $0x3  }
0x2b2: {  	v2 =	vand.u32 $0x7F, v2;
	v3 =	vand.u32 $0xFFFFFC00, v3  }
0x2b3: {  	v2 =	vor.u32 v3, v2  }
0x2b4: {  	v2 =	vor.u32 $0x200, v2;
	_ =	sdelay $0x4  }
0x2b5: {  	[tilespmem:v2+s9+$0x0] =	vst.idx.msk $0xffff, v0  }
0x2b6: {  	v2 =	vld [tilespmem:s17+$0xD0];
	_ =	sdelay $0x4  }
0x2b7: {  	v3 =	vshll.u32 v2, $0x3  }
0x2b8: {  	v2 =	vand.u32 $0x7F, v2;
	v3 =	vand.u32 $0xFFFFFC00, v3  }
0x2b9: {  	v2 =	vor.u32 v3, v2  }
0x2ba: {  	v2 =	vor.u32 $0x200, v2;
	_ =	sdelay $0x4  }
0x2bb: {  	[tilespmem:v2+s9+$0x0] =	vst.idx.msk $0xffff, v0  }
0x2bc: {  	v2 =	vld [tilespmem:s17+$0xE0];
	_ =	sdelay $0x4  }
0x2bd: {  	v3 =	vshll.u32 v2, $0x3  }
0x2be: {  	v2 =	vand.u32 $0x7F, v2;
	v3 =	vand.u32 $0xFFFFFC00, v3  }
0x2bf: {  	v2 =	vor.u32 v3, v2  }
0x2c0: {  	v2 =	vor.u32 $0x200, v2;
	_ =	sdelay $0x4  }
0x2c1: {  	[tilespmem:v2+s9+$0x0] =	vst.idx.msk $0xffff, v0  }
0x2c2: {  	v2 =	vld [tilespmem:s17+$0xF0];
	_ =	sdelay $0x4  }
0x2c3: {  	v3 =	vshll.u32 v2, $0x3  }
0x2c4: {  	v2 =	vand.u32 $0x7F, v2;
	v3 =	vand.u32 $0xFFFFFC00, v3  }
0x2c5: {  	v2 =	vor.u32 v3, v2  }
0x2c6: {  	v2 =	vor.u32 $0x280, v2;
	_ =	sdelay $0x4  }
0x2c7: {  	[tilespmem:v2+s9+$0x0] =	vst.idx.msk $0xffff, v0  }
0x2c8: {  	v2 =	vld [tilespmem:s17+$0x100];
	_ =	sdelay $0x4  }
0x2c9: {  	v3 =	vshll.u32 v2, $0x3  }
0x2ca: {  	v2 =	vand.u32 $0x7F, v2;
	v3 =	vand.u32 $0xFFFFFC00, v3  }
0x2cb: {  	v2 =	vor.u32 v3, v2  }
0x2cc: {  	v2 =	vor.u32 $0x280, v2;
	_ =	sdelay $0x4  }
0x2cd: {  	[tilespmem:v2+s9+$0x0] =	vst.idx.msk $0xffff, v0  }
0x2ce: {  	v2 =	vld [tilespmem:s17+$0x110];
	_ =	sdelay $0x4  }
0x2cf: {  	v3 =	vshll.u32 v2, $0x3  }
0x2d0: {  	v2 =	vand.u32 $0x7F, v2;
	v3 =	vand.u32 $0xFFFFFC00, v3  }
0x2d1: {  	v2 =	vor.u32 v3, v2  }
0x2d2: {  	v2 =	vor.u32 $0x280, v2;
	_ =	sdelay $0x4  }
0x2d3: {  	[tilespmem:v2+s9+$0x0] =	vst.idx.msk $0xffff, v0  }
0x2d4: {  	v2 =	vld [tilespmem:s17+$0x120];
	_ =	sdelay $0x4  }
0x2d5: {  	v3 =	vshll.u32 v2, $0x3  }
0x2d6: {  	v2 =	vand.u32 $0x7F, v2;
	v3 =	vand.u32 $0xFFFFFC00, v3  }
0x2d7: {  	v2 =	vor.u32 v3, v2  }
0x2d8: {  	v2 =	vor.u32 $0x300, v2;
	_ =	sdelay $0x4  }
0x2d9: {  	[tilespmem:v2+s9+$0x0] =	vst.idx.msk $0xffff, v0  }
0x2da: {  	v2 =	vld [tilespmem:s17+$0x130];
	_ =	sdelay $0x4  }
0x2db: {  	v3 =	vshll.u32 v2, $0x3  }
0x2dc: {  	v2 =	vand.u32 $0x7F, v2;
	v3 =	vand.u32 $0xFFFFFC00, v3  }
0x2dd: {  	v2 =	vor.u32 v3, v2  }
0x2de: {  	v2 =	vor.u32 $0x300, v2;
	_ =	sdelay $0x4  }
0x2df: {  	[tilespmem:v2+s9+$0x0] =	vst.idx.msk $0xffff, v0  }
0x2e0: {  	v2 =	vld [tilespmem:s17+$0x140];
	_ =	sdelay $0x4  }
0x2e1: {  	v3 =	vshll.u32 v2, $0x3  }
0x2e2: {  	v2 =	vand.u32 $0x7F, v2;
	v3 =	vand.u32 $0xFFFFFC00, v3  }
0x2e3: {  	v2 =	vor.u32 v3, v2  }
0x2e4: {  	v2 =	vor.u32 $0x300, v2;
	_ =	sdelay $0x4  }
0x2e5: {  	[tilespmem:v2+s9+$0x0] =	vst.idx.msk $0xffff, v0  }
0x2e6: {  	v2 =	vld [tilespmem:s17+$0x150];
	_ =	sdelay $0x4  }
0x2e7: {  	v3 =	vshll.u32 v2, $0x3  }
0x2e8: {  	v2 =	vand.u32 $0x7F, v2;
	v3 =	vand.u32 $0xFFFFFC00, v3  }
0x2e9: {  	v2 =	vor.u32 v3, v2  }
0x2ea: {  	v2 =	vor.u32 $0x380, v2;
	_ =	sdelay $0x4  }
0x2eb: {  	[tilespmem:v2+s9+$0x0] =	vst.idx.msk $0xffff, v0  }
0x2ec: {  	v2 =	vld [tilespmem:s17+$0x160];
	_ =	sdelay $0x4  }
0x2ed: {  	v3 =	vshll.u32 v2, $0x3  }
0x2ee: {  	v2 =	vand.u32 $0x7F, v2;
	v3 =	vand.u32 $0xFFFFFC00, v3  }
0x2ef: {  	v2 =	vor.u32 v3, v2  }
0x2f0: {  	v2 =	vor.u32 $0x380, v2;
	_ =	sdelay $0x4  }
0x2f1: {  	[tilespmem:v2+s9+$0x0] =	vst.idx.msk $0xffff, v0  }
0x2f2: {  	v2 =	vld [tilespmem:s17+$0x170];
	_ =	sdelay $0x4  }
0x2f3: {  	v3 =	vshll.u32 v2, $0x3  }
0x2f4: {  	v2 =	vand.u32 $0x7F, v2;
	v3 =	vand.u32 $0xFFFFFC00, v3  }
0x2f5: {  	v2 =	vor.u32 v3, v2  }
0x2f6: {  	v2 =	vor.u32 $0x380, v2;
	_ =	sdelay $0x4  }
0x2f7: {  	[tilespmem:v2+s9+$0x0] =	vst.idx.msk $0xffff, v0  }
0x2f8: {  	v2 =	vld [tilespmem:s17+$0x180];
	_ =	sdelay $0x4  }
0x2f9: {  	v3 =	vshll.u32 v2, $0x3  }
0x2fa: {  	v2 =	vand.u32 $0x7F, v2;
	v3 =	vand.u32 $0xFFFFFC00, v3  }
0x2fb: {  	v2 =	vor.u32 v2, v3  }
0x2fc: {  	v2 =	vadd.s32 $0x4000, v2;
	_ =	sdelay $0x4  }
0x2fd: {  	[tilespmem:v2+s9+$0x0] =	vst.idx.msk $0xffff, v0  }
0x2fe: {  	v2 =	vld [tilespmem:s17+$0x190];
	_ =	sdelay $0x4  }
0x2ff: {  	v3 =	vshll.u32 v2, $0x3  }
0x300: {  	v2 =	vand.u32 $0x7F, v2;
	v3 =	vand.u32 $0xFFFFFC00, v3  }
0x301: {  	v2 =	vor.u32 v2, v3  }
0x302: {  	v2 =	vadd.s32 $0x4000, v2;
	_ =	sdelay $0x4  }
0x303: {  	[tilespmem:v2+s9+$0x0] =	vst.idx.msk $0xffff, v0  }
0x304: {  	v2 =	vld [tilespmem:s17+$0x1A0];
	_ =	sdelay $0x4  }
0x305: {  	v3 =	vshll.u32 v2, $0x3  }
0x306: {  	v2 =	vand.u32 $0x7F, v2;
	v3 =	vand.u32 $0xFFFFFC00, v3  }
0x307: {  	v2 =	vor.u32 v2, v3  }
0x308: {  	v2 =	vadd.s32 $0x4000, v2;
	_ =	sdelay $0x4  }
0x309: {  	[tilespmem:v2+s9+$0x0] =	vst.idx.msk $0xffff, v0  }
0x30a: {  	v2 =	vld [tilespmem:s17+$0x1B0];
	_ =	sdelay $0x4  }
0x30b: {  	v3 =	vshll.u32 v2, $0x3  }
0x30c: {  	v2 =	vand.u32 $0x7F, v2;
	v3 =	vand.u32 $0xFFFFFC00, v3  }
0x30d: {  	v2 =	vor.u32 v2, v3  }
0x30e: {  	v2 =	vadd.s32 $0x4080, v2;
	_ =	sdelay $0x4  }
0x30f: {  	[tilespmem:v2+s9+$0x0] =	vst.idx.msk $0xffff, v0  }
0x310: {  	v2 =	vld [tilespmem:s17+$0x1C0];
	_ =	sdelay $0x4  }
0x311: {  	v3 =	vshll.u32 v2, $0x3  }
0x312: {  	v2 =	vand.u32 $0x7F, v2;
	v3 =	vand.u32 $0xFFFFFC00, v3  }
0x313: {  	v2 =	vor.u32 v2, v3  }
0x314: {  	v2 =	vadd.s32 $0x4080, v2;
	_ =	sdelay $0x4  }
0x315: {  	[tilespmem:v2+s9+$0x0] =	vst.idx.msk $0xffff, v0  }
0x316: {  	v2 =	vld [tilespmem:s17+$0x1D0];
	_ =	sdelay $0x4  }
0x317: {  	v3 =	vshll.u32 v2, $0x3  }
0x318: {  	v2 =	vand.u32 $0x7F, v2;
	v3 =	vand.u32 $0xFFFFFC00, v3  }
0x319: {  	v2 =	vor.u32 v2, v3  }
0x31a: {  	v2 =	vadd.s32 $0x4080, v2;
	_ =	sdelay $0x4  }
0x31b: {  	[tilespmem:v2+s9+$0x0] =	vst.idx.msk $0xffff, v0  }
0x31c: {  	v2 =	vld [tilespmem:s17+$0x1E0];
	_ =	sdelay $0x4  }
0x31d: {  	v3 =	vshll.u32 v2, $0x3  }
0x31e: {  	v2 =	vand.u32 $0x7F, v2;
	v3 =	vand.u32 $0xFFFFFC00, v3  }
0x31f: {  	v2 =	vor.u32 v2, v3  }
0x320: {  	v2 =	vadd.s32 $0x4100, v2;
	_ =	sdelay $0x4  }
0x321: {  	[tilespmem:v2+s9+$0x0] =	vst.idx.msk $0xffff, v0  }
0x322: {  	v2 =	vld [tilespmem:s17+$0x1F0];
	_ =	sdelay $0x4  }
0x323: {  	v3 =	vshll.u32 v2, $0x3  }
0x324: {  	v2 =	vand.u32 $0x7F, v2;
	v3 =	vand.u32 $0xFFFFFC00, v3  }
0x325: {  	v2 =	vor.u32 v2, v3  }
0x326: {  	v2 =	vadd.s32 $0x4100, v2;
	_ =	sdelay $0x4  }
0x327: {  	[tilespmem:v2+s9+$0x0] =	vst.idx.msk $0xffff, v0  }
0x328: {  	v2 =	vld [tilespmem:s17+$0x200];
	_ =	sdelay $0x4  }
0x329: {  	v3 =	vshll.u32 v2, $0x3  }
0x32a: {  	v2 =	vand.u32 $0x7F, v2;
	v3 =	vand.u32 $0xFFFFFC00, v3  }
0x32b: {  	v2 =	vor.u32 v2, v3  }
0x32c: {  	v2 =	vadd.s32 $0x4100, v2;
	_ =	sdelay $0x4  }
0x32d: {  	[tilespmem:v2+s9+$0x0] =	vst.idx.msk $0xffff, v0  }
0x32e: {  	v2 =	vld [tilespmem:s17+$0x210];
	_ =	sdelay $0x4  }
0x32f: {  	v3 =	vshll.u32 v2, $0x3  }
0x330: {  	v2 =	vand.u32 $0x7F, v2;
	v3 =	vand.u32 $0xFFFFFC00, v3  }
0x331: {  	v2 =	vor.u32 v2, v3  }
0x332: {  	v2 =	vadd.s32 $0x4180, v2;
	_ =	sdelay $0x4  }
0x333: {  	[tilespmem:v2+s9+$0x0] =	vst.idx.msk $0xffff, v0  }
0x334: {  	v2 =	vld [tilespmem:s17+$0x220];
	_ =	sdelay $0x4  }
0x335: {  	v3 =	vshll.u32 v2, $0x3  }
0x336: {  	v2 =	vand.u32 $0x7F, v2;
	v3 =	vand.u32 $0xFFFFFC00, v3  }
0x337: {  	v2 =	vor.u32 v2, v3  }
0x338: {  	v2 =	vadd.s32 $0x4180, v2;
	_ =	sdelay $0x4  }
0x339: {  	[tilespmem:v2+s9+$0x0] =	vst.idx.msk $0xffff, v0  }
0x33a: {  	v2 =	vld [tilespmem:s17+$0x230];
	_ =	sdelay $0x4  }
0x33b: {  	v3 =	vshll.u32 v2, $0x3  }
0x33c: {  	v2 =	vand.u32 $0x7F, v2;
	v3 =	vand.u32 $0xFFFFFC00, v3  }
0x33d: {  	v2 =	vor.u32 v2, v3  }
0x33e: {  	v2 =	vadd.s32 $0x4180, v2;
	_ =	sdelay $0x4  }
0x33f: {  	[tilespmem:v2+s9+$0x0] =	vst.idx.msk $0xffff, v0  }
0x340: {  	v2 =	vld [tilespmem:s17+$0x240];
	_ =	sdelay $0x4  }
0x341: {  	v3 =	vshll.u32 v2, $0x3  }
0x342: {  	v2 =	vand.u32 $0x7F, v2;
	v3 =	vand.u32 $0xFFFFFC00, v3  }
0x343: {  	v2 =	vor.u32 v2, v3  }
0x344: {  	v2 =	vadd.s32 $0x4200, v2;
	_ =	sdelay $0x4  }
0x345: {  	[tilespmem:v2+s9+$0x0] =	vst.idx.msk $0xffff, v0  }
0x346: {  	v2 =	vld [tilespmem:s17+$0x250];
	_ =	sdelay $0x4  }
0x347: {  	v3 =	vshll.u32 v2, $0x3  }
0x348: {  	v2 =	vand.u32 $0x7F, v2;
	v3 =	vand.u32 $0xFFFFFC00, v3  }
0x349: {  	v2 =	vor.u32 v2, v3  }
0x34a: {  	v2 =	vadd.s32 $0x4200, v2;
	_ =	sdelay $0x4  }
0x34b: {  	[tilespmem:v2+s9+$0x0] =	vst.idx.msk $0xffff, v0  }
0x34c: {  	v2 =	vld [tilespmem:s17+$0x260];
	_ =	sdelay $0x4  }
0x34d: {  	v3 =	vshll.u32 v2, $0x3  }
0x34e: {  	v2 =	vand.u32 $0x7F, v2;
	v3 =	vand.u32 $0xFFFFFC00, v3  }
0x34f: {  	v2 =	vor.u32 v2, v3  }
0x350: {  	v2 =	vadd.s32 $0x4200, v2;
	_ =	sdelay $0x4  }
0x351: {  	[tilespmem:v2+s9+$0x0] =	vst.idx.msk $0xffff, v0  }
0x352: {  	v2 =	vld [tilespmem:s17+$0x270];
	_ =	sdelay $0x4  }
0x353: {  	v3 =	vshll.u32 v2, $0x3  }
0x354: {  	v2 =	vand.u32 $0x7F, v2;
	v3 =	vand.u32 $0xFFFFFC00, v3  }
0x355: {  	v2 =	vor.u32 v2, v3  }
0x356: {  	v2 =	vadd.s32 $0x4280, v2;
	_ =	sdelay $0x4  }
0x357: {  	[tilespmem:v2+s9+$0x0] =	vst.idx.msk $0xffff, v0  }
0x358: {  	v2 =	vld [tilespmem:s17+$0x280];
	_ =	sdelay $0x4  }
0x359: {  	v3 =	vshll.u32 v2, $0x3  }
0x35a: {  	v2 =	vand.u32 $0x7F, v2;
	v3 =	vand.u32 $0xFFFFFC00, v3  }
0x35b: {  	v2 =	vor.u32 v2, v3  }
0x35c: {  	v2 =	vadd.s32 $0x4280, v2;
	_ =	sdelay $0x4  }
0x35d: {  	[tilespmem:v2+s9+$0x0] =	vst.idx.msk $0xffff, v0  }
0x35e: {  	v2 =	vld [tilespmem:s17+$0x290];
	_ =	sdelay $0x4  }
0x35f: {  	v3 =	vshll.u32 v2, $0x3  }
0x360: {  	v2 =	vand.u32 $0x7F, v2;
	v3 =	vand.u32 $0xFFFFFC00, v3  }
0x361: {  	v2 =	vor.u32 v2, v3  }
0x362: {  	v2 =	vadd.s32 $0x4280, v2;
	_ =	sdelay $0x4  }
0x363: {  	[tilespmem:v2+s9+$0x0] =	vst.idx.msk $0xffff, v0  }
0x364: {  	v2 =	vld [tilespmem:s17+$0x2A0];
	_ =	sdelay $0x4  }
0x365: {  	v3 =	vshll.u32 v2, $0x3  }
0x366: {  	v2 =	vand.u32 $0x7F, v2;
	v3 =	vand.u32 $0xFFFFFC00, v3  }
0x367: {  	v2 =	vor.u32 v2, v3  }
0x368: {  	v2 =	vadd.s32 $0x4300, v2;
	_ =	sdelay $0x4  }
0x369: {  	[tilespmem:v2+s9+$0x0] =	vst.idx.msk $0xffff, v0  }
0x36a: {  	v2 =	vld [tilespmem:s17+$0x2B0];
	_ =	sdelay $0x4  }
0x36b: {  	v3 =	vshll.u32 v2, $0x3  }
0x36c: {  	v2 =	vand.u32 $0x7F, v2;
	v3 =	vand.u32 $0xFFFFFC00, v3  }
0x36d: {  	v2 =	vor.u32 v2, v3  }
0x36e: {  	v2 =	vadd.s32 $0x4300, v2;
	_ =	sdelay $0x4  }
0x36f: {  	[tilespmem:v2+s9+$0x0] =	vst.idx.msk $0xffff, v0  }
0x370: {  	v2 =	vld [tilespmem:s17+$0x2C0];
	_ =	sdelay $0x4  }
0x371: {  	v3 =	vshll.u32 v2, $0x3  }
0x372: {  	v2 =	vand.u32 $0x7F, v2;
	v3 =	vand.u32 $0xFFFFFC00, v3  }
0x373: {  	v2 =	vor.u32 v2, v3  }
0x374: {  	v2 =	vadd.s32 $0x4300, v2;
	_ =	sdelay $0x4  }
0x375: {  	[tilespmem:v2+s9+$0x0] =	vst.idx.msk $0xffff, v0  }
0x376: {  	v2 =	vld [tilespmem:s17+$0x2D0];
	_ =	sdelay $0x4  }
0x377: {  	v3 =	vshll.u32 v2, $0x3  }
0x378: {  	v2 =	vand.u32 $0x7F, v2;
	v3 =	vand.u32 $0xFFFFFC00, v3  }
0x379: {  	v2 =	vor.u32 v2, v3  }
0x37a: {  	v2 =	vadd.s32 $0x4380, v2;
	_ =	sdelay $0x4  }
0x37b: {  	[tilespmem:v2+s9+$0x0] =	vst.idx.msk $0xffff, v0  }
0x37c: {  	v2 =	vld [tilespmem:s17+$0x2E0];
	_ =	sdelay $0x4  }
0x37d: {  	v3 =	vshll.u32 v2, $0x3  }
0x37e: {  	v2 =	vand.u32 $0x7F, v2;
	v3 =	vand.u32 $0xFFFFFC00, v3  }
0x37f: {  	v2 =	vor.u32 v2, v3  }
0x380: {  	v2 =	vadd.s32 $0x4380, v2;
	_ =	sdelay $0x4  }
0x381: {  	[tilespmem:v2+s9+$0x0] =	vst.idx.msk $0xffff, v0  }
0x382: {  	v2 =	vld [tilespmem:s17+$0x2F0];
	_ =	sdelay $0x4  }
0x383: {  	v3 =	vshll.u32 v2, $0x3  }
0x384: {  	v2 =	vand.u32 $0x7F, v2;
	v3 =	vand.u32 $0xFFFFFC00, v3  }
0x385: {  	v2 =	vor.u32 v2, v3  }
0x386: {  	v2 =	vadd.s32 $0x4380, v2;
	_ =	sdelay $0x1  }
.Ltmp6:
0x387: {  	_ = 	snop;
	(pc) =	sbr.rel @p0 .LBB2_7-.Ltmp6, $3  }
0x388: {  	_ =	sdelay $0x1  }
0x389: {  	[tilespmem:v2+s9+$0x0] =	vst.idx.msk $0xffff, v0  }
0x38a: {  	[hbm4b:s15+s2] =	stream.linear.scatter [tilespmem:s9], [sflag:$0x1], $0x8000, $0x38;
	[tilespmem:$0x14800] =	vst v63  }
0x38b: {  	_ =	swait.ge [sflag:s12], $0x8000  }
0x38c: {  	[sflag:s12] =	ssyncset.done $0x0  }
0x38d: {  	[sflag:s12] =	ssyncadd.s32 $0xFFFF8000  }
0x38e: {  	v2 =	vld [tilespmem:s17+$0xFFFFFD00];
	_ =	sdelay $0x4  }
0x38f: {  	v3 =	vshll.u32 v2, $0x3  }
0x390: {  	v2 =	vand.u32 $0x7F, v2;
	v3 =	vand.u32 $0xFFFFFC00, v3  }
0x391: {  	v2 =	vor.u32 v2, v3;
	_ =	sdelay $0x4  }
0x392: {  	[tilespmem:v2+s10+$0x0] =	vst.idx.msk $0xffff, v1  }
0x393: {  	v2 =	vld [tilespmem:s17+$0xFFFFFD10];
	_ =	sdelay $0x4  }
0x394: {  	v3 =	vshll.u32 v2, $0x3  }
0x395: {  	v2 =	vand.u32 $0x7F, v2;
	v3 =	vand.u32 $0xFFFFFC00, v3  }
0x396: {  	v2 =	vor.u32 v2, v3;
	_ =	sdelay $0x4  }
0x397: {  	[tilespmem:v2+s10+$0x0] =	vst.idx.msk $0xffff, v1  }
0x398: {  	v2 =	vld [tilespmem:s17+$0xFFFFFD20];
	_ =	sdelay $0x4  }
0x399: {  	v3 =	vshll.u32 v2, $0x3  }
0x39a: {  	v2 =	vand.u32 $0x7F, v2;
	v3 =	vand.u32 $0xFFFFFC00, v3  }
0x39b: {  	v2 =	vor.u32 v2, v3;
	_ =	sdelay $0x4  }
0x39c: {  	[tilespmem:v2+s10+$0x0] =	vst.idx.msk $0xffff, v1  }
0x39d: {  	v2 =	vld [tilespmem:s17+$0xFFFFFD30];
	_ =	sdelay $0x4  }
0x39e: {  	v3 =	vshll.u32 v2, $0x3  }
0x39f: {  	v2 =	vand.u32 $0x7F, v2;
	v3 =	vand.u32 $0xFFFFFC00, v3  }
0x3a0: {  	v2 =	vor.u32 v3, v2  }
0x3a1: {  	v2 =	vor.u32 $0x80, v2;
	_ =	sdelay $0x4  }
0x3a2: {  	[tilespmem:v2+s10+$0x0] =	vst.idx.msk $0xffff, v1  }
0x3a3: {  	v2 =	vld [tilespmem:s17+$0xFFFFFD40];
	_ =	sdelay $0x4  }
0x3a4: {  	v3 =	vshll.u32 v2, $0x3  }
0x3a5: {  	v2 =	vand.u32 $0x7F, v2;
	v3 =	vand.u32 $0xFFFFFC00, v3  }
0x3a6: {  	v2 =	vor.u32 v3, v2  }
0x3a7: {  	v2 =	vor.u32 $0x80, v2;
	_ =	sdelay $0x4  }
0x3a8: {  	[tilespmem:v2+s10+$0x0] =	vst.idx.msk $0xffff, v1  }
0x3a9: {  	v2 =	vld [tilespmem:s17+$0xFFFFFD50];
	_ =	sdelay $0x4  }
0x3aa: {  	v3 =	vshll.u32 v2, $0x3  }
0x3ab: {  	v2 =	vand.u32 $0x7F, v2;
	v3 =	vand.u32 $0xFFFFFC00, v3  }
0x3ac: {  	v2 =	vor.u32 v3, v2  }
0x3ad: {  	v2 =	vor.u32 $0x80, v2;
	_ =	sdelay $0x4  }
0x3ae: {  	[tilespmem:v2+s10+$0x0] =	vst.idx.msk $0xffff, v1  }
0x3af: {  	v2 =	vld [tilespmem:s17+$0xFFFFFD60];
	_ =	sdelay $0x4  }
0x3b0: {  	v3 =	vshll.u32 v2, $0x3  }
0x3b1: {  	v2 =	vand.u32 $0x7F, v2;
	v3 =	vand.u32 $0xFFFFFC00, v3  }
0x3b2: {  	v2 =	vor.u32 v3, v2  }
0x3b3: {  	v2 =	vor.u32 $0x100, v2;
	_ =	sdelay $0x4  }
0x3b4: {  	[tilespmem:v2+s10+$0x0] =	vst.idx.msk $0xffff, v1  }
0x3b5: {  	v2 =	vld [tilespmem:s17+$0xFFFFFD70];
	_ =	sdelay $0x4  }
0x3b6: {  	v3 =	vshll.u32 v2, $0x3  }
0x3b7: {  	v2 =	vand.u32 $0x7F, v2;
	v3 =	vand.u32 $0xFFFFFC00, v3  }
0x3b8: {  	v2 =	vor.u32 v3, v2  }
0x3b9: {  	v2 =	vor.u32 $0x100, v2;
	_ =	sdelay $0x4  }
0x3ba: {  	[tilespmem:v2+s10+$0x0] =	vst.idx.msk $0xffff, v1  }
0x3bb: {  	v2 =	vld [tilespmem:s17+$0xFFFFFD80];
	_ =	sdelay $0x4  }
0x3bc: {  	v3 =	vshll.u32 v2, $0x3  }
0x3bd: {  	v2 =	vand.u32 $0x7F, v2;
	v3 =	vand.u32 $0xFFFFFC00, v3  }
0x3be: {  	v2 =	vor.u32 v3, v2  }
0x3bf: {  	v2 =	vor.u32 $0x100, v2;
	_ =	sdelay $0x4  }
0x3c0: {  	[tilespmem:v2+s10+$0x0] =	vst.idx.msk $0xffff, v1  }
0x3c1: {  	v2 =	vld [tilespmem:s17+$0xFFFFFD90];
	_ =	sdelay $0x4  }
0x3c2: {  	v3 =	vshll.u32 v2, $0x3  }
0x3c3: {  	v2 =	vand.u32 $0x7F, v2;
	v3 =	vand.u32 $0xFFFFFC00, v3  }
0x3c4: {  	v2 =	vor.u32 v3, v2  }
0x3c5: {  	v2 =	vor.u32 $0x180, v2;
	_ =	sdelay $0x4  }
0x3c6: {  	[tilespmem:v2+s10+$0x0] =	vst.idx.msk $0xffff, v1  }
0x3c7: {  	v2 =	vld [tilespmem:s17+$0xFFFFFDA0];
	_ =	sdelay $0x4  }
0x3c8: {  	v3 =	vshll.u32 v2, $0x3  }
0x3c9: {  	v2 =	vand.u32 $0x7F, v2;
	v3 =	vand.u32 $0xFFFFFC00, v3  }
0x3ca: {  	v2 =	vor.u32 v3, v2  }
0x3cb: {  	v2 =	vor.u32 $0x180, v2;
	_ =	sdelay $0x4  }
0x3cc: {  	[tilespmem:v2+s10+$0x0] =	vst.idx.msk $0xffff, v1  }
0x3cd: {  	v2 =	vld [tilespmem:s17+$0xFFFFFDB0];
	_ =	sdelay $0x4  }
0x3ce: {  	v3 =	vshll.u32 v2, $0x3  }
0x3cf: {  	v2 =	vand.u32 $0x7F, v2;
	v3 =	vand.u32 $0xFFFFFC00, v3  }
0x3d0: {  	v2 =	vor.u32 v3, v2  }
0x3d1: {  	v2 =	vor.u32 $0x180, v2;
	_ =	sdelay $0x4  }
0x3d2: {  	[tilespmem:v2+s10+$0x0] =	vst.idx.msk $0xffff, v1  }
0x3d3: {  	v2 =	vld [tilespmem:s17+$0xFFFFFDC0];
	_ =	sdelay $0x4  }
0x3d4: {  	v3 =	vshll.u32 v2, $0x3  }
0x3d5: {  	v2 =	vand.u32 $0x7F, v2;
	v3 =	vand.u32 $0xFFFFFC00, v3  }
0x3d6: {  	v2 =	vor.u32 v3, v2  }
0x3d7: {  	v2 =	vor.u32 $0x200, v2;
	_ =	sdelay $0x4  }
0x3d8: {  	[tilespmem:v2+s10+$0x0] =	vst.idx.msk $0xffff, v1  }
0x3d9: {  	v2 =	vld [tilespmem:s17+$0xFFFFFDD0];
	_ =	sdelay $0x4  }
0x3da: {  	v3 =	vshll.u32 v2, $0x3  }
0x3db: {  	v2 =	vand.u32 $0x7F, v2;
	v3 =	vand.u32 $0xFFFFFC00, v3  }
0x3dc: {  	v2 =	vor.u32 v3, v2  }
0x3dd: {  	v2 =	vor.u32 $0x200, v2;
	_ =	sdelay $0x4  }
0x3de: {  	[tilespmem:v2+s10+$0x0] =	vst.idx.msk $0xffff, v1  }
0x3df: {  	v2 =	vld [tilespmem:s17+$0xFFFFFDE0];
	_ =	sdelay $0x4  }
0x3e0: {  	v3 =	vshll.u32 v2, $0x3  }
0x3e1: {  	v2 =	vand.u32 $0x7F, v2;
	v3 =	vand.u32 $0xFFFFFC00, v3  }
0x3e2: {  	v2 =	vor.u32 v3, v2  }
0x3e3: {  	v2 =	vor.u32 $0x200, v2;
	_ =	sdelay $0x4  }
0x3e4: {  	[tilespmem:v2+s10+$0x0] =	vst.idx.msk $0xffff, v1  }
0x3e5: {  	v2 =	vld [tilespmem:s17+$0xFFFFFDF0];
	_ =	sdelay $0x4  }
0x3e6: {  	v3 =	vshll.u32 v2, $0x3  }
0x3e7: {  	v2 =	vand.u32 $0x7F, v2;
	v3 =	vand.u32 $0xFFFFFC00, v3  }
0x3e8: {  	v2 =	vor.u32 v3, v2  }
0x3e9: {  	v2 =	vor.u32 $0x280, v2;
	_ =	sdelay $0x4  }
0x3ea: {  	[tilespmem:v2+s10+$0x0] =	vst.idx.msk $0xffff, v1  }
0x3eb: {  	v2 =	vld [tilespmem:s17+$0xFFFFFE00];
	_ =	sdelay $0x4  }
0x3ec: {  	v3 =	vshll.u32 v2, $0x3  }
0x3ed: {  	v2 =	vand.u32 $0x7F, v2;
	v3 =	vand.u32 $0xFFFFFC00, v3  }
0x3ee: {  	v2 =	vor.u32 v3, v2  }
0x3ef: {  	v2 =	vor.u32 $0x280, v2;
	_ =	sdelay $0x4  }
0x3f0: {  	[tilespmem:v2+s10+$0x0] =	vst.idx.msk $0xffff, v1  }
0x3f1: {  	v2 =	vld [tilespmem:s17+$0xFFFFFE10];
	_ =	sdelay $0x4  }
0x3f2: {  	v3 =	vshll.u32 v2, $0x3  }
0x3f3: {  	v2 =	vand.u32 $0x7F, v2;
	v3 =	vand.u32 $0xFFFFFC00, v3  }
0x3f4: {  	v2 =	vor.u32 v3, v2  }
0x3f5: {  	v2 =	vor.u32 $0x280, v2;
	_ =	sdelay $0x4  }
0x3f6: {  	[tilespmem:v2+s10+$0x0] =	vst.idx.msk $0xffff, v1  }
0x3f7: {  	v2 =	vld [tilespmem:s17+$0xFFFFFE20];
	_ =	sdelay $0x4  }
0x3f8: {  	v3 =	vshll.u32 v2, $0x3  }
0x3f9: {  	v2 =	vand.u32 $0x7F, v2;
	v3 =	vand.u32 $0xFFFFFC00, v3  }
0x3fa: {  	v2 =	vor.u32 v3, v2  }
0x3fb: {  	v2 =	vor.u32 $0x300, v2;
	_ =	sdelay $0x4  }
0x3fc: {  	[tilespmem:v2+s10+$0x0] =	vst.idx.msk $0xffff, v1  }
0x3fd: {  	v2 =	vld [tilespmem:s17+$0xFFFFFE30];
	_ =	sdelay $0x4  }
0x3fe: {  	v3 =	vshll.u32 v2, $0x3  }
0x3ff: {  	v2 =	vand.u32 $0x7F, v2;
	v3 =	vand.u32 $0xFFFFFC00, v3  }
0x400: {  	v2 =	vor.u32 v3, v2  }
0x401: {  	v2 =	vor.u32 $0x300, v2;
	_ =	sdelay $0x4  }
0x402: {  	[tilespmem:v2+s10+$0x0] =	vst.idx.msk $0xffff, v1  }
0x403: {  	v2 =	vld [tilespmem:s17+$0xFFFFFE40];
	_ =	sdelay $0x4  }
0x404: {  	v3 =	vshll.u32 v2, $0x3  }
0x405: {  	v2 =	vand.u32 $0x7F, v2;
	v3 =	vand.u32 $0xFFFFFC00, v3  }
0x406: {  	v2 =	vor.u32 v3, v2  }
0x407: {  	v2 =	vor.u32 $0x300, v2;
	_ =	sdelay $0x4  }
0x408: {  	[tilespmem:v2+s10+$0x0] =	vst.idx.msk $0xffff, v1  }
0x409: {  	v2 =	vld [tilespmem:s17+$0xFFFFFE50];
	_ =	sdelay $0x4  }
0x40a: {  	v3 =	vshll.u32 v2, $0x3  }
0x40b: {  	v2 =	vand.u32 $0x7F, v2;
	v3 =	vand.u32 $0xFFFFFC00, v3  }
0x40c: {  	v2 =	vor.u32 v3, v2  }
0x40d: {  	v2 =	vor.u32 $0x380, v2;
	_ =	sdelay $0x4  }
0x40e: {  	[tilespmem:v2+s10+$0x0] =	vst.idx.msk $0xffff, v1  }
0x40f: {  	v2 =	vld [tilespmem:s17+$0xFFFFFE60];
	_ =	sdelay $0x4  }
0x410: {  	v3 =	vshll.u32 v2, $0x3  }
0x411: {  	v2 =	vand.u32 $0x7F, v2;
	v3 =	vand.u32 $0xFFFFFC00, v3  }
0x412: {  	v2 =	vor.u32 v3, v2  }
0x413: {  	v2 =	vor.u32 $0x380, v2;
	_ =	sdelay $0x4  }
0x414: {  	[tilespmem:v2+s10+$0x0] =	vst.idx.msk $0xffff, v1  }
0x415: {  	v2 =	vld [tilespmem:s17+$0xFFFFFE70];
	_ =	sdelay $0x4  }
0x416: {  	v3 =	vshll.u32 v2, $0x3  }
0x417: {  	v2 =	vand.u32 $0x7F, v2;
	v3 =	vand.u32 $0xFFFFFC00, v3  }
0x418: {  	v2 =	vor.u32 v3, v2  }
0x419: {  	v2 =	vor.u32 $0x380, v2;
	_ =	sdelay $0x4  }
0x41a: {  	[tilespmem:v2+s10+$0x0] =	vst.idx.msk $0xffff, v1  }
0x41b: {  	v2 =	vld [tilespmem:s17+$0xFFFFFE80];
	_ =	sdelay $0x4  }
0x41c: {  	v3 =	vshll.u32 v2, $0x3  }
0x41d: {  	v2 =	vand.u32 $0x7F, v2;
	v3 =	vand.u32 $0xFFFFFC00, v3  }
0x41e: {  	v2 =	vor.u32 v2, v3  }
0x41f: {  	v2 =	vadd.s32 $0x4000, v2;
	_ =	sdelay $0x4  }
0x420: {  	[tilespmem:v2+s10+$0x0] =	vst.idx.msk $0xffff, v1  }
0x421: {  	v2 =	vld [tilespmem:s17+$0xFFFFFE90];
	_ =	sdelay $0x4  }
0x422: {  	v3 =	vshll.u32 v2, $0x3  }
0x423: {  	v2 =	vand.u32 $0x7F, v2;
	v3 =	vand.u32 $0xFFFFFC00, v3  }
0x424: {  	v2 =	vor.u32 v2, v3  }
0x425: {  	v2 =	vadd.s32 $0x4000, v2;
	_ =	sdelay $0x4  }
0x426: {  	[tilespmem:v2+s10+$0x0] =	vst.idx.msk $0xffff, v1  }
0x427: {  	v2 =	vld [tilespmem:s17+$0xFFFFFEA0];
	_ =	sdelay $0x4  }
0x428: {  	v3 =	vshll.u32 v2, $0x3  }
0x429: {  	v2 =	vand.u32 $0x7F, v2;
	v3 =	vand.u32 $0xFFFFFC00, v3  }
0x42a: {  	v2 =	vor.u32 v2, v3  }
0x42b: {  	v2 =	vadd.s32 $0x4000, v2;
	_ =	sdelay $0x4  }
0x42c: {  	[tilespmem:v2+s10+$0x0] =	vst.idx.msk $0xffff, v1  }
0x42d: {  	v2 =	vld [tilespmem:s17+$0xFFFFFEB0];
	_ =	sdelay $0x4  }
0x42e: {  	v3 =	vshll.u32 v2, $0x3  }
0x42f: {  	v2 =	vand.u32 $0x7F, v2;
	v3 =	vand.u32 $0xFFFFFC00, v3  }
0x430: {  	v2 =	vor.u32 v2, v3  }
0x431: {  	v2 =	vadd.s32 $0x4080, v2;
	_ =	sdelay $0x4  }
0x432: {  	[tilespmem:v2+s10+$0x0] =	vst.idx.msk $0xffff, v1  }
0x433: {  	v2 =	vld [tilespmem:s17+$0xFFFFFEC0];
	_ =	sdelay $0x4  }
0x434: {  	v3 =	vshll.u32 v2, $0x3  }
0x435: {  	v2 =	vand.u32 $0x7F, v2;
	v3 =	vand.u32 $0xFFFFFC00, v3  }
0x436: {  	v2 =	vor.u32 v2, v3  }
0x437: {  	v2 =	vadd.s32 $0x4080, v2;
	_ =	sdelay $0x4  }
0x438: {  	[tilespmem:v2+s10+$0x0] =	vst.idx.msk $0xffff, v1  }
0x439: {  	v2 =	vld [tilespmem:s17+$0xFFFFFED0];
	_ =	sdelay $0x4  }
0x43a: {  	v3 =	vshll.u32 v2, $0x3  }
0x43b: {  	v2 =	vand.u32 $0x7F, v2;
	v3 =	vand.u32 $0xFFFFFC00, v3  }
0x43c: {  	v2 =	vor.u32 v2, v3  }
0x43d: {  	v2 =	vadd.s32 $0x4080, v2;
	_ =	sdelay $0x4  }
0x43e: {  	[tilespmem:v2+s10+$0x0] =	vst.idx.msk $0xffff, v1  }
0x43f: {  	v2 =	vld [tilespmem:s17+$0xFFFFFEE0];
	_ =	sdelay $0x4  }
0x440: {  	v3 =	vshll.u32 v2, $0x3  }
0x441: {  	v2 =	vand.u32 $0x7F, v2;
	v3 =	vand.u32 $0xFFFFFC00, v3  }
0x442: {  	v2 =	vor.u32 v2, v3  }
0x443: {  	v2 =	vadd.s32 $0x4100, v2;
	_ =	sdelay $0x4  }
0x444: {  	[tilespmem:v2+s10+$0x0] =	vst.idx.msk $0xffff, v1  }
0x445: {  	v2 =	vld [tilespmem:s17+$0xFFFFFEF0];
	_ =	sdelay $0x4  }
0x446: {  	v3 =	vshll.u32 v2, $0x3  }
0x447: {  	v2 =	vand.u32 $0x7F, v2;
	v3 =	vand.u32 $0xFFFFFC00, v3  }
0x448: {  	v2 =	vor.u32 v2, v3  }
0x449: {  	v2 =	vadd.s32 $0x4100, v2;
	_ =	sdelay $0x4  }
0x44a: {  	[tilespmem:v2+s10+$0x0] =	vst.idx.msk $0xffff, v1  }
0x44b: {  	v2 =	vld [tilespmem:s17+$0xFFFFFF00];
	_ =	sdelay $0x4  }
0x44c: {  	v3 =	vshll.u32 v2, $0x3  }
0x44d: {  	v2 =	vand.u32 $0x7F, v2;
	v3 =	vand.u32 $0xFFFFFC00, v3  }
0x44e: {  	v2 =	vor.u32 v2, v3  }
0x44f: {  	v2 =	vadd.s32 $0x4100, v2;
	_ =	sdelay $0x4  }
0x450: {  	[tilespmem:v2+s10+$0x0] =	vst.idx.msk $0xffff, v1  }
0x451: {  	v2 =	vld [tilespmem:s17+$0xFFFFFF10];
	_ =	sdelay $0x4  }
0x452: {  	v3 =	vshll.u32 v2, $0x3  }
0x453: {  	v2 =	vand.u32 $0x7F, v2;
	v3 =	vand.u32 $0xFFFFFC00, v3  }
0x454: {  	v2 =	vor.u32 v2, v3  }
0x455: {  	v2 =	vadd.s32 $0x4180, v2;
	_ =	sdelay $0x4  }
0x456: {  	[tilespmem:v2+s10+$0x0] =	vst.idx.msk $0xffff, v1  }
0x457: {  	v2 =	vld [tilespmem:s17+$0xFFFFFF20];
	_ =	sdelay $0x4  }
0x458: {  	v3 =	vshll.u32 v2, $0x3  }
0x459: {  	v2 =	vand.u32 $0x7F, v2;
	v3 =	vand.u32 $0xFFFFFC00, v3  }
0x45a: {  	v2 =	vor.u32 v2, v3  }
0x45b: {  	v2 =	vadd.s32 $0x4180, v2;
	_ =	sdelay $0x4  }
0x45c: {  	[tilespmem:v2+s10+$0x0] =	vst.idx.msk $0xffff, v1  }
0x45d: {  	v2 =	vld [tilespmem:s17+$0xFFFFFF30];
	_ =	sdelay $0x4  }
0x45e: {  	v3 =	vshll.u32 v2, $0x3  }
0x45f: {  	v2 =	vand.u32 $0x7F, v2;
	v3 =	vand.u32 $0xFFFFFC00, v3  }
0x460: {  	v2 =	vor.u32 v2, v3  }
0x461: {  	v2 =	vadd.s32 $0x4180, v2;
	_ =	sdelay $0x4  }
0x462: {  	[tilespmem:v2+s10+$0x0] =	vst.idx.msk $0xffff, v1  }
0x463: {  	v2 =	vld [tilespmem:s17+$0xFFFFFF40];
	_ =	sdelay $0x4  }
0x464: {  	v3 =	vshll.u32 v2, $0x3  }
0x465: {  	v2 =	vand.u32 $0x7F, v2;
	v3 =	vand.u32 $0xFFFFFC00, v3  }
0x466: {  	v2 =	vor.u32 v2, v3  }
0x467: {  	v2 =	vadd.s32 $0x4200, v2;
	_ =	sdelay $0x4  }
0x468: {  	[tilespmem:v2+s10+$0x0] =	vst.idx.msk $0xffff, v1  }
0x469: {  	v2 =	vld [tilespmem:s17+$0xFFFFFF50];
	_ =	sdelay $0x4  }
0x46a: {  	v3 =	vshll.u32 v2, $0x3  }
0x46b: {  	v2 =	vand.u32 $0x7F, v2;
	v3 =	vand.u32 $0xFFFFFC00, v3  }
0x46c: {  	v2 =	vor.u32 v2, v3  }
0x46d: {  	v2 =	vadd.s32 $0x4200, v2;
	_ =	sdelay $0x4  }
0x46e: {  	[tilespmem:v2+s10+$0x0] =	vst.idx.msk $0xffff, v1  }
0x46f: {  	v2 =	vld [tilespmem:s17+$0xFFFFFF60];
	_ =	sdelay $0x4  }
0x470: {  	v3 =	vshll.u32 v2, $0x3  }
0x471: {  	v2 =	vand.u32 $0x7F, v2;
	v3 =	vand.u32 $0xFFFFFC00, v3  }
0x472: {  	v2 =	vor.u32 v2, v3  }
0x473: {  	v2 =	vadd.s32 $0x4200, v2;
	_ =	sdelay $0x4  }
0x474: {  	[tilespmem:v2+s10+$0x0] =	vst.idx.msk $0xffff, v1  }
0x475: {  	v2 =	vld [tilespmem:s17+$0xFFFFFF70];
	_ =	sdelay $0x4  }
0x476: {  	v3 =	vshll.u32 v2, $0x3  }
0x477: {  	v2 =	vand.u32 $0x7F, v2;
	v3 =	vand.u32 $0xFFFFFC00, v3  }
0x478: {  	v2 =	vor.u32 v2, v3  }
0x479: {  	v2 =	vadd.s32 $0x4280, v2;
	_ =	sdelay $0x4  }
0x47a: {  	[tilespmem:v2+s10+$0x0] =	vst.idx.msk $0xffff, v1  }
0x47b: {  	v2 =	vld [tilespmem:s17+$0xFFFFFF80];
	_ =	sdelay $0x4  }
0x47c: {  	v3 =	vshll.u32 v2, $0x3  }
0x47d: {  	v2 =	vand.u32 $0x7F, v2;
	v3 =	vand.u32 $0xFFFFFC00, v3  }
0x47e: {  	v2 =	vor.u32 v2, v3  }
0x47f: {  	v2 =	vadd.s32 $0x4280, v2;
	_ =	sdelay $0x4  }
0x480: {  	[tilespmem:v2+s10+$0x0] =	vst.idx.msk $0xffff, v1  }
0x481: {  	v2 =	vld [tilespmem:s17+$0xFFFFFF90];
	_ =	sdelay $0x4  }
0x482: {  	v3 =	vshll.u32 v2, $0x3  }
0x483: {  	v2 =	vand.u32 $0x7F, v2;
	v3 =	vand.u32 $0xFFFFFC00, v3  }
0x484: {  	v2 =	vor.u32 v2, v3  }
0x485: {  	v2 =	vadd.s32 $0x4280, v2;
	_ =	sdelay $0x4  }
0x486: {  	[tilespmem:v2+s10+$0x0] =	vst.idx.msk $0xffff, v1  }
0x487: {  	v2 =	vld [tilespmem:s17+$0xFFFFFFA0];
	_ =	sdelay $0x4  }
0x488: {  	v3 =	vshll.u32 v2, $0x3  }
0x489: {  	v2 =	vand.u32 $0x7F, v2;
	v3 =	vand.u32 $0xFFFFFC00, v3  }
0x48a: {  	v2 =	vor.u32 v2, v3  }
0x48b: {  	v2 =	vadd.s32 $0x4300, v2;
	_ =	sdelay $0x4  }
0x48c: {  	[tilespmem:v2+s10+$0x0] =	vst.idx.msk $0xffff, v1  }
0x48d: {  	v2 =	vld [tilespmem:s17+$0xFFFFFFB0];
	_ =	sdelay $0x4  }
0x48e: {  	v3 =	vshll.u32 v2, $0x3  }
0x48f: {  	v2 =	vand.u32 $0x7F, v2;
	v3 =	vand.u32 $0xFFFFFC00, v3  }
0x490: {  	v2 =	vor.u32 v2, v3  }
0x491: {  	v2 =	vadd.s32 $0x4300, v2;
	_ =	sdelay $0x4  }
0x492: {  	[tilespmem:v2+s10+$0x0] =	vst.idx.msk $0xffff, v1  }
0x493: {  	v2 =	vld [tilespmem:s17+$0xFFFFFFC0];
	_ =	sdelay $0x4  }
0x494: {  	v3 =	vshll.u32 v2, $0x3  }
0x495: {  	v2 =	vand.u32 $0x7F, v2;
	v3 =	vand.u32 $0xFFFFFC00, v3  }
0x496: {  	v2 =	vor.u32 v2, v3  }
0x497: {  	v2 =	vadd.s32 $0x4300, v2;
	_ =	sdelay $0x4  }
0x498: {  	[tilespmem:v2+s10+$0x0] =	vst.idx.msk $0xffff, v1  }
0x499: {  	v2 =	vld [tilespmem:s17+$0xFFFFFFD0];
	_ =	sdelay $0x4  }
0x49a: {  	v3 =	vshll.u32 v2, $0x3  }
0x49b: {  	v2 =	vand.u32 $0x7F, v2;
	v3 =	vand.u32 $0xFFFFFC00, v3  }
0x49c: {  	v2 =	vor.u32 v2, v3  }
0x49d: {  	v2 =	vadd.s32 $0x4380, v2;
	_ =	sdelay $0x4  }
0x49e: {  	[tilespmem:v2+s10+$0x0] =	vst.idx.msk $0xffff, v1  }
0x49f: {  	v2 =	vld [tilespmem:s17+$0xFFFFFFE0];
	_ =	sdelay $0x4  }
0x4a0: {  	v3 =	vshll.u32 v2, $0x3  }
0x4a1: {  	v2 =	vand.u32 $0x7F, v2;
	v3 =	vand.u32 $0xFFFFFC00, v3  }
0x4a2: {  	v2 =	vor.u32 v2, v3  }
0x4a3: {  	v2 =	vadd.s32 $0x4380, v2;
	_ =	sdelay $0x4  }
0x4a4: {  	[tilespmem:v2+s10+$0x0] =	vst.idx.msk $0xffff, v1  }
0x4a5: {  	v2 =	vld [tilespmem:s17+$0xFFFFFFF0];
	_ =	sdelay $0x4  }
0x4a6: {  	v3 =	vshll.u32 v2, $0x3  }
0x4a7: {  	v2 =	vand.u32 $0x7F, v2;
	v3 =	vand.u32 $0xFFFFFC00, v3  }
0x4a8: {  	v2 =	vor.u32 v2, v3  }
0x4a9: {  	v2 =	vadd.s32 $0x4380, v2  }
.Ltmp7:
0x4aa: {  	_ = 	snop;
	(pc) =	sbr.rel .LBB2_7-.Ltmp7, $2  }
0x4ab: {  	_ =	sdelay $0x2  }
0x4ac: {  	[tilespmem:v2+s10+$0x0] =	vst.idx.msk $0xffff, v1  }
.LBB2_9:
0x4ad: {  	_ =	sfence.sel $0x180000  }
0x4ae: {  	[bflag:$0x0] =	sbarrier.arrive $0xFFFF  }
0x4af: {  	p0 =	sne.s32 s0, $0x0;
	_ =	strace $0x9000004A  }
0x4b0: {  	s0 =	sadd.s32 @!p0 $0x100000, s1;
	[bflag:$0x2] =	sbarrier.arrive $0xFFFF  }
0x4b1: {  	[sflag:s0] =	ssyncadd.tile.s32 @!p0 $0x1;
	_ =	shalt  }
.Lfunc_end2:
_tile_overlayer_lowered:
.L_overlay_start_2:
0x4b2: {  	(tag) =	ssettag $0x2  }
0x4b3: {  	s0 =	rddreg [dreg:$0x0];
	s2 =	stileid.u32  }
0x4b4: {  	s1 =	rddreg [dreg:$0x1];
	p0 =	sne.s32 s2, $0x0  }
0x4b5: {  	s3 =	rddreg [dreg:$0x2];
	[bflag:$0x3] =	sbarrier.arrive $0xFFFF;
	s2 =	simm.s32 @!p0 $0x1C03  }
0x4b6: {  	[timem:s3], [sflag:s2] =	dma.local @!p0 [hbm:s0], s1  }
0x4b7: {  	s0 =	simm.s32 @!p0 $0x3  }
0x4b8: {  	_ =	swait.ge @!p0 [sflag:s0], s1  }
0x4b9: {  	s1 =	ssub.s32 @!p0 $0x0, s1;
	[sflag:s0] =	ssyncset.done @!p0 $0x0  }
0x4ba: {  	[sflag:s0] =	ssyncadd.s32 @!p0 s1  }
0x4bb: {  	[bflag:$0x3] =	sbarrier.arrive $0xFFFF  }
0x4bc: {  	_ =	shalt  }

</sc_bundles>
